<compile_context>
chip_gen: v7x
topology: tpu7x:2x2x1
jax: 0.10.2.dev20260603
libtpu: 0.0.44.dev20260713+nightly
codegen_flags: <defaults>
</compile_context>

<pallas_src>
import functools

import jax
import jax.numpy as jnp
import numpy as np
from jax import lax
from jax.experimental import pallas as pl
from jax.experimental.pallas import tpu as pltpu
from jax.experimental.pallas import tpu_sc as plsc

NUM_FIELDS = 26
EMBED_DIM = 64
FIELD_SIZE = 100000
NUM_PAIRS = NUM_FIELDS * (NUM_FIELDS - 1) // 2

_NC, _NS = 2, 16
_NW = _NC * _NS
_MAXP = 11
_RING = 6


def _tile_start(w: int) -> int:
    return 10 * w + min(w, 5)


def _tile_cnt(w: int) -> int:
    return 11 if w < 5 else 10


def _build_out_perm() -> np.ndarray:
    perm = np.zeros(NUM_PAIRS, np.int32)
    for w in range(_NW):
        s, c = _tile_start(w), _tile_cnt(w)
        perm[s:s + c] = 16 * w + np.arange(c)
    return perm


_OUT_PERM = _build_out_perm()


@functools.partial(
    pl.kernel,
    out_type=jax.ShapeDtypeStruct((16 * _NW, EMBED_DIM), jnp.float32),
    mesh=plsc.VectorSubcoreMesh(core_axis_name="c", subcore_axis_name="s"),
    compiler_params=pltpu.CompilerParams(needs_layout_passes=False,
                                         skip_device_barrier=True),
    scratch_types=[
        pltpu.VMEM((NUM_FIELDS, 128), jnp.int32),
        pltpu.VMEM((2, 16), jnp.int32),
        pltpu.VMEM((_RING, EMBED_DIM, 128), jnp.float32),
        pltpu.VMEM((16, EMBED_DIM), jnp.float32),
        pltpu.SemaphoreType.DMA((_RING,)),
    ],
)
def _ffm_sc(xt_hbm, tabt_hbm, out_hbm, xt_v, idx_v, blk_v, prod_v, sems):
    wid = lax.axis_index("s") * _NC + lax.axis_index("c")
    cnt = jnp.where(wid < 5, 11, 10)
    pltpu.sync_copy(xt_hbm.at[:, pl.ds(0, 128)], xt_v)
    lanes = lax.iota(jnp.int32, 16)
    p_vec = jnp.minimum(10 * wid + jnp.minimum(wid, 5) + lanes, NUM_PAIRS - 1)
    i_vec = jnp.zeros((16,), jnp.int32)
    for k in range(1, NUM_FIELDS - 1):
        cum_k = k * (2 * NUM_FIELDS - 1 - k) // 2
        i_vec = i_vec + jnp.where(p_vec >= cum_k, 1, 0)
    cum_i = (i_vec * (2 * NUM_FIELDS - 1 - i_vec)) // 2
    j_vec = p_vec - cum_i + i_vec + 1
    idx_v[0, :] = plsc.load_gather(xt_v, [i_vec, j_vec]) + i_vec * FIELD_SIZE
    idx_v[1, :] = plsc.load_gather(xt_v, [j_vec, i_vec]) + j_vec * FIELD_SIZE

    def row_scalar(term, p):
        v = idx_v[term, :]
        return lax.reduce_sum(jnp.where(lanes == p, v, 0), axes=(0,))

    def fire(k):
        p, term = k // 2, k % 2
        r = row_scalar(term, p)
        rb = pl.multiple_of((r // 128) * 128, 128)
        slot = k % _RING
        pltpu.async_copy(tabt_hbm.at[:, pl.ds(rb, 128)], blk_v.at[slot],
                         sems.at[slot])

    def wait(k):
        slot = k % _RING
        pltpu.make_async_copy(tabt_hbm.at[:, pl.ds(0, 128)],
                              blk_v.at[slot], sems.at[slot]).wait()

    for k in range(_RING):
        p = k // 2

        @pl.when(p < cnt)
        def _():
            fire(k)

    for p in range(_MAXP):

        @pl.when(p < cnt)
        def _():
            rcA = jnp.full((16,), 0, jnp.int32) + row_scalar(0, p) % 128
            rcB = jnp.full((16,), 0, jnp.int32) + row_scalar(1, p) % 128
            wait(2 * p)
            wait(2 * p + 1)
            sA, sB = (2 * p) % _RING, (2 * p + 1) % _RING
            for c in range(EMBED_DIM // 16):
                rows16 = lanes + c * 16
                a = plsc.load_gather(blk_v.at[sA], [rows16, rcA])
                b = plsc.load_gather(blk_v.at[sB], [rows16, rcB])
                prod_v[p, pl.ds(c * 16, 16)] = a * b
            for k in (2 * p + _RING, 2 * p + 1 + _RING):

                @pl.when(k // 2 < cnt)
                def _():
                    fire(k)

    obase = pl.multiple_of(wid * 16, 16)
    pltpu.sync_copy(prod_v, out_hbm.at[pl.ds(obase, 16)])


def kernel(x, table):
    res = _ffm_sc(x.astype(jnp.int32).T, table.T)
    return res[jnp.asarray(_OUT_PERM)].T

# --- scband reference (transcript-rebuilt; emitter-appended) ---
"""Pipeline reference for scband-field-aware-factorization-machine-59837484367927 (READ-ONLY COPY).

The authoritative reference and input builder live on the scoring server;
editing this copy changes nothing except your own understanding.
"""

import jax, jax.numpy as jnp
import numpy as np

FIELD_DIMS = [100000] * 26
EMBED_DIM = 64
BATCH = 4096
NUM_FIELDS = len(FIELD_DIMS)
TOTAL_ROWS = sum(FIELD_DIMS)


def setup_inputs(seed: int = 0) -> dict:
    key = jax.random.key(seed)
    k1, k2 = jax.random.split(key)
    x = jax.random.randint(k1, (BATCH, NUM_FIELDS), 0, 100000, dtype=jnp.int64 if jax.config.jax_enable_x64 else jnp.int32)
    # xavier uniform init for embedding table [sum(field_dims), embed_dim]
    bound = float(np.sqrt(6.0 / (TOTAL_ROWS + EMBED_DIM)))
    table = jax.random.uniform(k2, (TOTAL_ROWS, EMBED_DIM), minval=-bound, maxval=bound, dtype=jnp.float32)
    return {"x": x, "table": table}


def reference(x, table):
    # FeaturesEmbedding: add per-field offsets, then lookup
    offsets = jnp.asarray(np.array((0, *np.cumsum(FIELD_DIMS)[:-1])), dtype=x.dtype)
    idx = x + offsets[None, :]
    xs = jnp.take(table, idx, axis=0)  # [batch, num_fields, embed_dim]
    # FFM pairwise interactions (faithful to original indexing xs[j, i] * xs[i, j])
    ix = []
    for i in range(NUM_FIELDS - 1):
        for j in range(i + 1, NUM_FIELDS):
            ix.append(xs[j, i] * xs[i, j])  # each [embed_dim]
    out = jnp.stack(ix, axis=1)  # [embed_dim, num_pairs] = [64, 325]
    return out

if __name__ == "__main__":
    import jax
    _d = setup_inputs()
    print(jax.jit(kernel)(*tuple(_d.values())))

</pallas_src>

<mosaic_0001>
#map = affine_map<(d0, d1) -> (0, 0)>
module attributes {stable_mosaic.version = 14 : i64} {
  func.func @_ffm_sc(%arg0: i32, %arg1: i32, %arg2: memref<26x4096xi32, #tpu.memory_space<hbm>>, %arg3: memref<64x2600000xf32, #tpu.memory_space<hbm>>, %arg4: memref<512x64xf32, #tpu.memory_space<hbm>>, %arg5: memref<26x128xi32, #tpu.memory_space<vmem>>, %arg6: memref<2x16xi32, #tpu.memory_space<vmem>>, %arg7: memref<6x64x128xf32, #tpu.memory_space<vmem>>, %arg8: memref<16x64xf32, #tpu.memory_space<vmem>>, %arg9: memref<6x!tpu.dma_semaphore, #tpu.memory_space<semaphore_mem>>) attributes {dimension_semantics = [#tpu.dimension_semantics<core_parallel>, #tpu.dimension_semantics<subcore_parallel>], iteration_bounds = array<i64: 2, 16>, scalar_prefetch = 0 : i64, scratch_operands = 5 : i64, tpu.core_type = #tpu.core_type<sc_vector_subcore>, window_params = [{transform_indices = #map}, {transform_indices = #map}, {transform_indices = #map}]} {
    %mul3A = arith.constant 2 : i32
    %mul3A_0 = arith.muli %arg1, %mul3A : i32
    %add3A = arith.addi %mul3A_0, %arg0 : i32
    %lt3A = arith.constant 5 : i32
    %lt3A_1 = arith.cmpi slt, %add3A, %lt3A : i32
    %jit3A = arith.constant 11 : i32
    %jit3A_2 = arith.constant 10 : i32
    %select_n3A = arith.select %lt3A_1, %jit3A, %jit3A_2 : i32
    "tpu.region"() ({
      %run_scoped3A = tpu.sem_alloc : memref<!tpu.dma_semaphore, #tpu.memory_space<semaphore_mem>>
      %dma_start3A = arith.constant 0 : i32
      %dma_start3A_362 = arith.constant 0 : i32
      %dma_start3A_363 = tpu.memref_slice %arg2[%dma_start3A, %dma_start3A_362] : memref<26x4096xi32, #tpu.memory_space<hbm>> -> memref<26x128xi32, #tpu.memory_space<hbm>>
      %dma_start3A_364 = arith.constant 0 : i32
      %dma_start3A_365 = arith.constant 0 : i32
      %dma_start3A_366 = tpu.memref_slice %arg2[%dma_start3A_364, %dma_start3A_365] : memref<26x4096xi32, #tpu.memory_space<hbm>> -> memref<26x128xi32, #tpu.memory_space<hbm>>
      tpu.enqueue_dma source(%dma_start3A_366 : memref<26x128xi32, #tpu.memory_space<hbm>>) target(%arg5 : memref<26x128xi32, #tpu.memory_space<vmem>>) target_semaphore(%run_scoped3A : memref<!tpu.dma_semaphore, #tpu.memory_space<semaphore_mem>>)
      %dma_wait3A = arith.constant 0 : i32
      %dma_wait3A_367 = arith.constant 0 : i32
      %dma_wait3A_368 = tpu.memref_slice %arg2[%dma_wait3A, %dma_wait3A_367] : memref<26x4096xi32, #tpu.memory_space<hbm>> -> memref<26x128xi32, #tpu.memory_space<hbm>>
      %dma_wait3A_369 = arith.constant 0 : i32
      %dma_wait3A_370 = arith.constant 0 : i32
      %dma_wait3A_371 = tpu.memref_slice %arg2[%dma_wait3A_369, %dma_wait3A_370] : memref<26x4096xi32, #tpu.memory_space<hbm>> -> memref<26x128xi32, #tpu.memory_space<hbm>>
      tpu.wait_dma2 semaphore(%run_scoped3A : memref<!tpu.dma_semaphore, #tpu.memory_space<semaphore_mem>>) src(%dma_wait3A_371 : memref<26x128xi32, #tpu.memory_space<hbm>>) dst(%arg5 : memref<26x128xi32, #tpu.memory_space<vmem>>)
      tpu.yield
    }) : () -> ()
    %iota3A = tpu.iota {dimensions = array<i32: 0>} : vector<16xi32>
    %mul3A_3 = arith.constant 10 : i32
    %mul3A_4 = arith.muli %mul3A_3, %add3A : i32
    %min3A = arith.constant 5 : i32
    %min3A_5 = arith.minsi %add3A, %min3A : i32
    %add3A_6 = arith.addi %mul3A_4, %min3A_5 : i32
    %add3A_7 = vector.broadcast %add3A_6 : i32 to vector<16xi32>
    %add3A_8 = arith.addi %add3A_7, %iota3A : vector<16xi32>
    %min3A_9 = arith.constant 324 : i32
    %min3A_10 = vector.broadcast %min3A_9 : i32 to vector<16xi32>
    %min3A_11 = arith.minsi %add3A_8, %min3A_10 : vector<16xi32>
    %broadcast_in_dim3A = arith.constant 0 : i32
    %broadcast_in_dim3A_12 = vector.broadcast %broadcast_in_dim3A : i32 to vector<16xi32>
    %ge3A = arith.constant 25 : i32
    %ge3A_13 = vector.broadcast %ge3A : i32 to vector<16xi32>
    %ge3A_14 = arith.cmpi sge, %min3A_11, %ge3A_13 : vector<16xi32>
    %jit3A_15 = arith.constant 1 : i32
    %jit3A_16 = arith.constant 0 : i32
    %broadcast_in_dim3A_17 = vector.broadcast %jit3A_15 : i32 to vector<16xi32>
    %broadcast_in_dim3A_18 = vector.broadcast %jit3A_16 : i32 to vector<16xi32>
    %select_n3A_19 = arith.select %ge3A_14, %broadcast_in_dim3A_17, %broadcast_in_dim3A_18 : vector<16xi1>, vector<16xi32>
    %add3A_20 = arith.addi %broadcast_in_dim3A_12, %select_n3A_19 : vector<16xi32>
    %ge3A_21 = arith.constant 49 : i32
    %ge3A_22 = vector.broadcast %ge3A_21 : i32 to vector<16xi32>
    %ge3A_23 = arith.cmpi sge, %min3A_11, %ge3A_22 : vector<16xi32>
    %jit3A_24 = arith.constant 1 : i32
    %jit3A_25 = arith.constant 0 : i32
    %broadcast_in_dim3A_26 = vector.broadcast %jit3A_24 : i32 to vector<16xi32>
    %broadcast_in_dim3A_27 = vector.broadcast %jit3A_25 : i32 to vector<16xi32>
    %select_n3A_28 = arith.select %ge3A_23, %broadcast_in_dim3A_26, %broadcast_in_dim3A_27 : vector<16xi1>, vector<16xi32>
    %add3A_29 = arith.addi %add3A_20, %select_n3A_28 : vector<16xi32>
    %ge3A_30 = arith.constant 72 : i32
    %ge3A_31 = vector.broadcast %ge3A_30 : i32 to vector<16xi32>
    %ge3A_32 = arith.cmpi sge, %min3A_11, %ge3A_31 : vector<16xi32>
    %jit3A_33 = arith.constant 1 : i32
    %jit3A_34 = arith.constant 0 : i32
    %broadcast_in_dim3A_35 = vector.broadcast %jit3A_33 : i32 to vector<16xi32>
    %broadcast_in_dim3A_36 = vector.broadcast %jit3A_34 : i32 to vector<16xi32>
    %select_n3A_37 = arith.select %ge3A_32, %broadcast_in_dim3A_35, %broadcast_in_dim3A_36 : vector<16xi1>, vector<16xi32>
    %add3A_38 = arith.addi %add3A_29, %select_n3A_37 : vector<16xi32>
    %ge3A_39 = arith.constant 94 : i32
    %ge3A_40 = vector.broadcast %ge3A_39 : i32 to vector<16xi32>
    %ge3A_41 = arith.cmpi sge, %min3A_11, %ge3A_40 : vector<16xi32>
    %jit3A_42 = arith.constant 1 : i32
    %jit3A_43 = arith.constant 0 : i32
    %broadcast_in_dim3A_44 = vector.broadcast %jit3A_42 : i32 to vector<16xi32>
    %broadcast_in_dim3A_45 = vector.broadcast %jit3A_43 : i32 to vector<16xi32>
    %select_n3A_46 = arith.select %ge3A_41, %broadcast_in_dim3A_44, %broadcast_in_dim3A_45 : vector<16xi1>, vector<16xi32>
    %add3A_47 = arith.addi %add3A_38, %select_n3A_46 : vector<16xi32>
    %ge3A_48 = arith.constant 115 : i32
    %ge3A_49 = vector.broadcast %ge3A_48 : i32 to vector<16xi32>
    %ge3A_50 = arith.cmpi sge, %min3A_11, %ge3A_49 : vector<16xi32>
    %jit3A_51 = arith.constant 1 : i32
    %jit3A_52 = arith.constant 0 : i32
    %broadcast_in_dim3A_53 = vector.broadcast %jit3A_51 : i32 to vector<16xi32>
    %broadcast_in_dim3A_54 = vector.broadcast %jit3A_52 : i32 to vector<16xi32>
    %select_n3A_55 = arith.select %ge3A_50, %broadcast_in_dim3A_53, %broadcast_in_dim3A_54 : vector<16xi1>, vector<16xi32>
    %add3A_56 = arith.addi %add3A_47, %select_n3A_55 : vector<16xi32>
    %ge3A_57 = arith.constant 135 : i32
    %ge3A_58 = vector.broadcast %ge3A_57 : i32 to vector<16xi32>
    %ge3A_59 = arith.cmpi sge, %min3A_11, %ge3A_58 : vector<16xi32>
    %jit3A_60 = arith.constant 1 : i32
    %jit3A_61 = arith.constant 0 : i32
    %broadcast_in_dim3A_62 = vector.broadcast %jit3A_60 : i32 to vector<16xi32>
    %broadcast_in_dim3A_63 = vector.broadcast %jit3A_61 : i32 to vector<16xi32>
    %select_n3A_64 = arith.select %ge3A_59, %broadcast_in_dim3A_62, %broadcast_in_dim3A_63 : vector<16xi1>, vector<16xi32>
    %add3A_65 = arith.addi %add3A_56, %select_n3A_64 : vector<16xi32>
    %ge3A_66 = arith.constant 154 : i32
    %ge3A_67 = vector.broadcast %ge3A_66 : i32 to vector<16xi32>
    %ge3A_68 = arith.cmpi sge, %min3A_11, %ge3A_67 : vector<16xi32>
    %jit3A_69 = arith.constant 1 : i32
    %jit3A_70 = arith.constant 0 : i32
    %broadcast_in_dim3A_71 = vector.broadcast %jit3A_69 : i32 to vector<16xi32>
    %broadcast_in_dim3A_72 = vector.broadcast %jit3A_70 : i32 to vector<16xi32>
    %select_n3A_73 = arith.select %ge3A_68, %broadcast_in_dim3A_71, %broadcast_in_dim3A_72 : vector<16xi1>, vector<16xi32>
    %add3A_74 = arith.addi %add3A_65, %select_n3A_73 : vector<16xi32>
    %ge3A_75 = arith.constant 172 : i32
    %ge3A_76 = vector.broadcast %ge3A_75 : i32 to vector<16xi32>
    %ge3A_77 = arith.cmpi sge, %min3A_11, %ge3A_76 : vector<16xi32>
    %jit3A_78 = arith.constant 1 : i32
    %jit3A_79 = arith.constant 0 : i32
    %broadcast_in_dim3A_80 = vector.broadcast %jit3A_78 : i32 to vector<16xi32>
    %broadcast_in_dim3A_81 = vector.broadcast %jit3A_79 : i32 to vector<16xi32>
    %select_n3A_82 = arith.select %ge3A_77, %broadcast_in_dim3A_80, %broadcast_in_dim3A_81 : vector<16xi1>, vector<16xi32>
    %add3A_83 = arith.addi %add3A_74, %select_n3A_82 : vector<16xi32>
    %ge3A_84 = arith.constant 189 : i32
    %ge3A_85 = vector.broadcast %ge3A_84 : i32 to vector<16xi32>
    %ge3A_86 = arith.cmpi sge, %min3A_11, %ge3A_85 : vector<16xi32>
    %jit3A_87 = arith.constant 1 : i32
    %jit3A_88 = arith.constant 0 : i32
    %broadcast_in_dim3A_89 = vector.broadcast %jit3A_87 : i32 to vector<16xi32>
    %broadcast_in_dim3A_90 = vector.broadcast %jit3A_88 : i32 to vector<16xi32>
    %select_n3A_91 = arith.select %ge3A_86, %broadcast_in_dim3A_89, %broadcast_in_dim3A_90 : vector<16xi1>, vector<16xi32>
    %add3A_92 = arith.addi %add3A_83, %select_n3A_91 : vector<16xi32>
    %ge3A_93 = arith.constant 205 : i32
    %ge3A_94 = vector.broadcast %ge3A_93 : i32 to vector<16xi32>
    %ge3A_95 = arith.cmpi sge, %min3A_11, %ge3A_94 : vector<16xi32>
    %jit3A_96 = arith.constant 1 : i32
    %jit3A_97 = arith.constant 0 : i32
    %broadcast_in_dim3A_98 = vector.broadcast %jit3A_96 : i32 to vector<16xi32>
    %broadcast_in_dim3A_99 = vector.broadcast %jit3A_97 : i32 to vector<16xi32>
    %select_n3A_100 = arith.select %ge3A_95, %broadcast_in_dim3A_98, %broadcast_in_dim3A_99 : vector<16xi1>, vector<16xi32>
    %add3A_101 = arith.addi %add3A_92, %select_n3A_100 : vector<16xi32>
    %ge3A_102 = arith.constant 220 : i32
    %ge3A_103 = vector.broadcast %ge3A_102 : i32 to vector<16xi32>
    %ge3A_104 = arith.cmpi sge, %min3A_11, %ge3A_103 : vector<16xi32>
    %jit3A_105 = arith.constant 1 : i32
    %jit3A_106 = arith.constant 0 : i32
    %broadcast_in_dim3A_107 = vector.broadcast %jit3A_105 : i32 to vector<16xi32>
    %broadcast_in_dim3A_108 = vector.broadcast %jit3A_106 : i32 to vector<16xi32>
    %select_n3A_109 = arith.select %ge3A_104, %broadcast_in_dim3A_107, %broadcast_in_dim3A_108 : vector<16xi1>, vector<16xi32>
    %add3A_110 = arith.addi %add3A_101, %select_n3A_109 : vector<16xi32>
    %ge3A_111 = arith.constant 234 : i32
    %ge3A_112 = vector.broadcast %ge3A_111 : i32 to vector<16xi32>
    %ge3A_113 = arith.cmpi sge, %min3A_11, %ge3A_112 : vector<16xi32>
    %jit3A_114 = arith.constant 1 : i32
    %jit3A_115 = arith.constant 0 : i32
    %broadcast_in_dim3A_116 = vector.broadcast %jit3A_114 : i32 to vector<16xi32>
    %broadcast_in_dim3A_117 = vector.broadcast %jit3A_115 : i32 to vector<16xi32>
    %select_n3A_118 = arith.select %ge3A_113, %broadcast_in_dim3A_116, %broadcast_in_dim3A_117 : vector<16xi1>, vector<16xi32>
    %add3A_119 = arith.addi %add3A_110, %select_n3A_118 : vector<16xi32>
    %ge3A_120 = arith.constant 247 : i32
    %ge3A_121 = vector.broadcast %ge3A_120 : i32 to vector<16xi32>
    %ge3A_122 = arith.cmpi sge, %min3A_11, %ge3A_121 : vector<16xi32>
    %jit3A_123 = arith.constant 1 : i32
    %jit3A_124 = arith.constant 0 : i32
    %broadcast_in_dim3A_125 = vector.broadcast %jit3A_123 : i32 to vector<16xi32>
    %broadcast_in_dim3A_126 = vector.broadcast %jit3A_124 : i32 to vector<16xi32>
    %select_n3A_127 = arith.select %ge3A_122, %broadcast_in_dim3A_125, %broadcast_in_dim3A_126 : vector<16xi1>, vector<16xi32>
    %add3A_128 = arith.addi %add3A_119, %select_n3A_127 : vector<16xi32>
    %ge3A_129 = arith.constant 259 : i32
    %ge3A_130 = vector.broadcast %ge3A_129 : i32 to vector<16xi32>
    %ge3A_131 = arith.cmpi sge, %min3A_11, %ge3A_130 : vector<16xi32>
    %jit3A_132 = arith.constant 1 : i32
    %jit3A_133 = arith.constant 0 : i32
    %broadcast_in_dim3A_134 = vector.broadcast %jit3A_132 : i32 to vector<16xi32>
    %broadcast_in_dim3A_135 = vector.broadcast %jit3A_133 : i32 to vector<16xi32>
    %select_n3A_136 = arith.select %ge3A_131, %broadcast_in_dim3A_134, %broadcast_in_dim3A_135 : vector<16xi1>, vector<16xi32>
    %add3A_137 = arith.addi %add3A_128, %select_n3A_136 : vector<16xi32>
    %ge3A_138 = arith.constant 270 : i32
    %ge3A_139 = vector.broadcast %ge3A_138 : i32 to vector<16xi32>
    %ge3A_140 = arith.cmpi sge, %min3A_11, %ge3A_139 : vector<16xi32>
    %jit3A_141 = arith.constant 1 : i32
    %jit3A_142 = arith.constant 0 : i32
    %broadcast_in_dim3A_143 = vector.broadcast %jit3A_141 : i32 to vector<16xi32>
    %broadcast_in_dim3A_144 = vector.broadcast %jit3A_142 : i32 to vector<16xi32>
    %select_n3A_145 = arith.select %ge3A_140, %broadcast_in_dim3A_143, %broadcast_in_dim3A_144 : vector<16xi1>, vector<16xi32>
    %add3A_146 = arith.addi %add3A_137, %select_n3A_145 : vector<16xi32>
    %ge3A_147 = arith.constant 280 : i32
    %ge3A_148 = vector.broadcast %ge3A_147 : i32 to vector<16xi32>
    %ge3A_149 = arith.cmpi sge, %min3A_11, %ge3A_148 : vector<16xi32>
    %jit3A_150 = arith.constant 1 : i32
    %jit3A_151 = arith.constant 0 : i32
    %broadcast_in_dim3A_152 = vector.broadcast %jit3A_150 : i32 to vector<16xi32>
    %broadcast_in_dim3A_153 = vector.broadcast %jit3A_151 : i32 to vector<16xi32>
    %select_n3A_154 = arith.select %ge3A_149, %broadcast_in_dim3A_152, %broadcast_in_dim3A_153 : vector<16xi1>, vector<16xi32>
    %add3A_155 = arith.addi %add3A_146, %select_n3A_154 : vector<16xi32>
    %ge3A_156 = arith.constant 289 : i32
    %ge3A_157 = vector.broadcast %ge3A_156 : i32 to vector<16xi32>
    %ge3A_158 = arith.cmpi sge, %min3A_11, %ge3A_157 : vector<16xi32>
    %jit3A_159 = arith.constant 1 : i32
    %jit3A_160 = arith.constant 0 : i32
    %broadcast_in_dim3A_161 = vector.broadcast %jit3A_159 : i32 to vector<16xi32>
    %broadcast_in_dim3A_162 = vector.broadcast %jit3A_160 : i32 to vector<16xi32>
    %select_n3A_163 = arith.select %ge3A_158, %broadcast_in_dim3A_161, %broadcast_in_dim3A_162 : vector<16xi1>, vector<16xi32>
    %add3A_164 = arith.addi %add3A_155, %select_n3A_163 : vector<16xi32>
    %ge3A_165 = arith.constant 297 : i32
    %ge3A_166 = vector.broadcast %ge3A_165 : i32 to vector<16xi32>
    %ge3A_167 = arith.cmpi sge, %min3A_11, %ge3A_166 : vector<16xi32>
    %jit3A_168 = arith.constant 1 : i32
    %jit3A_169 = arith.constant 0 : i32
    %broadcast_in_dim3A_170 = vector.broadcast %jit3A_168 : i32 to vector<16xi32>
    %broadcast_in_dim3A_171 = vector.broadcast %jit3A_169 : i32 to vector<16xi32>
    %select_n3A_172 = arith.select %ge3A_167, %broadcast_in_dim3A_170, %broadcast_in_dim3A_171 : vector<16xi1>, vector<16xi32>
    %add3A_173 = arith.addi %add3A_164, %select_n3A_172 : vector<16xi32>
    %ge3A_174 = arith.constant 304 : i32
    %ge3A_175 = vector.broadcast %ge3A_174 : i32 to vector<16xi32>
    %ge3A_176 = arith.cmpi sge, %min3A_11, %ge3A_175 : vector<16xi32>
    %jit3A_177 = arith.constant 1 : i32
    %jit3A_178 = arith.constant 0 : i32
    %broadcast_in_dim3A_179 = vector.broadcast %jit3A_177 : i32 to vector<16xi32>
    %broadcast_in_dim3A_180 = vector.broadcast %jit3A_178 : i32 to vector<16xi32>
    %select_n3A_181 = arith.select %ge3A_176, %broadcast_in_dim3A_179, %broadcast_in_dim3A_180 : vector<16xi1>, vector<16xi32>
    %add3A_182 = arith.addi %add3A_173, %select_n3A_181 : vector<16xi32>
    %ge3A_183 = arith.constant 310 : i32
    %ge3A_184 = vector.broadcast %ge3A_183 : i32 to vector<16xi32>
    %ge3A_185 = arith.cmpi sge, %min3A_11, %ge3A_184 : vector<16xi32>
    %jit3A_186 = arith.constant 1 : i32
    %jit3A_187 = arith.constant 0 : i32
    %broadcast_in_dim3A_188 = vector.broadcast %jit3A_186 : i32 to vector<16xi32>
    %broadcast_in_dim3A_189 = vector.broadcast %jit3A_187 : i32 to vector<16xi32>
    %select_n3A_190 = arith.select %ge3A_185, %broadcast_in_dim3A_188, %broadcast_in_dim3A_189 : vector<16xi1>, vector<16xi32>
    %add3A_191 = arith.addi %add3A_182, %select_n3A_190 : vector<16xi32>
    %ge3A_192 = arith.constant 315 : i32
    %ge3A_193 = vector.broadcast %ge3A_192 : i32 to vector<16xi32>
    %ge3A_194 = arith.cmpi sge, %min3A_11, %ge3A_193 : vector<16xi32>
    %jit3A_195 = arith.constant 1 : i32
    %jit3A_196 = arith.constant 0 : i32
    %broadcast_in_dim3A_197 = vector.broadcast %jit3A_195 : i32 to vector<16xi32>
    %broadcast_in_dim3A_198 = vector.broadcast %jit3A_196 : i32 to vector<16xi32>
    %select_n3A_199 = arith.select %ge3A_194, %broadcast_in_dim3A_197, %broadcast_in_dim3A_198 : vector<16xi1>, vector<16xi32>
    %add3A_200 = arith.addi %add3A_191, %select_n3A_199 : vector<16xi32>
    %ge3A_201 = arith.constant 319 : i32
    %ge3A_202 = vector.broadcast %ge3A_201 : i32 to vector<16xi32>
    %ge3A_203 = arith.cmpi sge, %min3A_11, %ge3A_202 : vector<16xi32>
    %jit3A_204 = arith.constant 1 : i32
    %jit3A_205 = arith.constant 0 : i32
    %broadcast_in_dim3A_206 = vector.broadcast %jit3A_204 : i32 to vector<16xi32>
    %broadcast_in_dim3A_207 = vector.broadcast %jit3A_205 : i32 to vector<16xi32>
    %select_n3A_208 = arith.select %ge3A_203, %broadcast_in_dim3A_206, %broadcast_in_dim3A_207 : vector<16xi1>, vector<16xi32>
    %add3A_209 = arith.addi %add3A_200, %select_n3A_208 : vector<16xi32>
    %ge3A_210 = arith.constant 322 : i32
    %ge3A_211 = vector.broadcast %ge3A_210 : i32 to vector<16xi32>
    %ge3A_212 = arith.cmpi sge, %min3A_11, %ge3A_211 : vector<16xi32>
    %jit3A_213 = arith.constant 1 : i32
    %jit3A_214 = arith.constant 0 : i32
    %broadcast_in_dim3A_215 = vector.broadcast %jit3A_213 : i32 to vector<16xi32>
    %broadcast_in_dim3A_216 = vector.broadcast %jit3A_214 : i32 to vector<16xi32>
    %select_n3A_217 = arith.select %ge3A_212, %broadcast_in_dim3A_215, %broadcast_in_dim3A_216 : vector<16xi1>, vector<16xi32>
    %add3A_218 = arith.addi %add3A_209, %select_n3A_217 : vector<16xi32>
    %ge3A_219 = arith.constant 324 : i32
    %ge3A_220 = vector.broadcast %ge3A_219 : i32 to vector<16xi32>
    %ge3A_221 = arith.cmpi sge, %min3A_11, %ge3A_220 : vector<16xi32>
    %jit3A_222 = arith.constant 1 : i32
    %jit3A_223 = arith.constant 0 : i32
    %broadcast_in_dim3A_224 = vector.broadcast %jit3A_222 : i32 to vector<16xi32>
    %broadcast_in_dim3A_225 = vector.broadcast %jit3A_223 : i32 to vector<16xi32>
    %select_n3A_226 = arith.select %ge3A_221, %broadcast_in_dim3A_224, %broadcast_in_dim3A_225 : vector<16xi1>, vector<16xi32>
    %add3A_227 = arith.addi %add3A_218, %select_n3A_226 : vector<16xi32>
    %sub3A = arith.constant 51 : i32
    %sub3A_228 = vector.broadcast %sub3A : i32 to vector<16xi32>
    %sub3A_229 = arith.subi %sub3A_228, %add3A_227 : vector<16xi32>
    %mul3A_230 = arith.muli %add3A_227, %sub3A_229 : vector<16xi32>
    %jit3A_231 = arith.constant 2 : i32
    %div3A = vector.broadcast %jit3A_231 : i32 to vector<16xi32>
    %div3A_232 = arith.divsi %mul3A_230, %div3A : vector<16xi32>
    %sign3A = arith.constant 0 : i32
    %sign3A_233 = vector.broadcast %sign3A : i32 to vector<16xi32>
    %sign3A_234 = arith.cmpi sgt, %mul3A_230, %sign3A_233 : vector<16xi32>
    %sign3A_235 = arith.extui %sign3A_234 : vector<16xi1> to vector<16xi32>
    %sign3A_236 = arith.constant 0 : i32
    %sign3A_237 = vector.broadcast %sign3A_236 : i32 to vector<16xi32>
    %sign3A_238 = arith.cmpi slt, %mul3A_230, %sign3A_237 : vector<16xi32>
    %sign3A_239 = arith.extui %sign3A_238 : vector<16xi1> to vector<16xi32>
    %sign3A_240 = arith.subi %sign3A_235, %sign3A_239 : vector<16xi32>
    %sign3A_241 = arith.constant 0 : i32
    %sign3A_242 = arith.cmpi sgt, %jit3A_231, %sign3A_241 : i32
    %sign3A_243 = arith.extui %sign3A_242 : i1 to i32
    %sign3A_244 = arith.constant 0 : i32
    %sign3A_245 = arith.cmpi slt, %jit3A_231, %sign3A_244 : i32
    %sign3A_246 = arith.extui %sign3A_245 : i1 to i32
    %sign3A_247 = arith.subi %sign3A_243, %sign3A_246 : i32
    %ne3A = vector.broadcast %sign3A_247 : i32 to vector<16xi32>
    %ne3A_248 = arith.cmpi ne, %sign3A_240, %ne3A : vector<16xi32>
    %rem3A = vector.broadcast %jit3A_231 : i32 to vector<16xi32>
    %rem3A_249 = arith.remsi %mul3A_230, %rem3A : vector<16xi32>
    %ne3A_250 = arith.constant 0 : i32
    %ne3A_251 = vector.broadcast %ne3A_250 : i32 to vector<16xi32>
    %ne3A_252 = arith.cmpi ne, %rem3A_249, %ne3A_251 : vector<16xi32>
    %and3A = arith.andi %ne3A_248, %ne3A_252 : vector<16xi1>
    %sub3A_253 = arith.constant 1 : i32
    %sub3A_254 = vector.broadcast %sub3A_253 : i32 to vector<16xi32>
    %sub3A_255 = arith.subi %div3A_232, %sub3A_254 : vector<16xi32>
    %select_n3A_256 = arith.select %and3A, %sub3A_255, %div3A_232 : vector<16xi1>, vector<16xi32>
    %sub3A_257 = arith.subi %min3A_11, %select_n3A_256 : vector<16xi32>
    %add3A_258 = arith.addi %sub3A_257, %add3A_227 : vector<16xi32>
    %add3A_259 = arith.constant 1 : i32
    %add3A_260 = vector.broadcast %add3A_259 : i32 to vector<16xi32>
    %add3A_261 = arith.addi %add3A_258, %add3A_260 : vector<16xi32>
    %gather3A = tpu.vector_load_idx %arg5[%add3A_227, %add3A_261] : memref<26x128xi32, #tpu.memory_space<vmem>>[vector<16xi32>, vector<16xi32>], vector<16xi32>,
    %mul3A_262 = arith.constant 100000 : i32
    %mul3A_263 = vector.broadcast %mul3A_262 : i32 to vector<16xi32>
    %mul3A_264 = arith.muli %add3A_227, %mul3A_263 : vector<16xi32>
    %add3A_265 = arith.addi %gather3A, %mul3A_264 : vector<16xi32>
    %swap3A = arith.constant 0 : i32
    %swap3A_266 = arith.index_cast %swap3A : i32 to index
    %swap3A_267 = arith.constant 0 : index
    %swap3A_268 = tpu.vector_load %arg6[%swap3A_266, %swap3A_267] {strides = array<i32>} : memref<2x16xi32, #tpu.memory_space<vmem>>, vector<16xi32>,
    tpu.vector_store %arg6[%swap3A_266, %swap3A_267], %add3A_265 {strides = array<i32>} : memref<2x16xi32, #tpu.memory_space<vmem>>, vector<16xi32>,
    %gather3A_269 = tpu.vector_load_idx %arg5[%add3A_261, %add3A_227] : memref<26x128xi32, #tpu.memory_space<vmem>>[vector<16xi32>, vector<16xi32>], vector<16xi32>,
    %mul3A_270 = arith.constant 100000 : i32
    %mul3A_271 = vector.broadcast %mul3A_270 : i32 to vector<16xi32>
    %mul3A_272 = arith.muli %add3A_261, %mul3A_271 : vector<16xi32>
    %add3A_273 = arith.addi %gather3A_269, %mul3A_272 : vector<16xi32>
    %swap3A_274 = arith.constant 1 : i32
    %swap3A_275 = arith.index_cast %swap3A_274 : i32 to index
    %swap3A_276 = arith.constant 0 : index
    %swap3A_277 = tpu.vector_load %arg6[%swap3A_275, %swap3A_276] {strides = array<i32>} : memref<2x16xi32, #tpu.memory_space<vmem>>, vector<16xi32>,
    tpu.vector_store %arg6[%swap3A_275, %swap3A_276], %add3A_273 {strides = array<i32>} : memref<2x16xi32, #tpu.memory_space<vmem>>, vector<16xi32>,
    %gt3A = arith.constant 0 : i32
    %gt3A_278 = arith.cmpi sgt, %select_n3A, %gt3A : i32
    %convert_element_type3A = arith.extui %gt3A_278 : i1 to i32
    %cond3A = arith.constant 0 : i32
    %cond3A_279 = arith.cmpi ne, %convert_element_type3A, %cond3A : i32
    scf.if %cond3A_279 {
      %get3A = arith.constant 0 : i32
      %get3A_362 = arith.index_cast %get3A : i32 to index
      %get3A_363 = arith.constant 0 : index
      %get3A_364 = tpu.vector_load %arg6[%get3A_362, %get3A_363] {strides = array<i32>} : memref<2x16xi32, #tpu.memory_space<vmem>>, vector<16xi32>,
      %eq3A = arith.constant 0 : i32
      %eq3A_365 = vector.broadcast %eq3A : i32 to vector<16xi32>
      %eq3A_366 = arith.cmpi eq, %iota3A, %eq3A_365 : vector<16xi32>
      %jit3A_367 = arith.constant 0 : i32
      %broadcast_in_dim3A_368 = vector.broadcast %jit3A_367 : i32 to vector<16xi32>
      %select_n3A_369 = arith.select %eq3A_366, %get3A_364, %broadcast_in_dim3A_368 : vector<16xi1>, vector<16xi32>
      %reduce_sum3A = arith.constant true
      %reduce_sum3A_370 = vector.broadcast %reduce_sum3A : i1 to vector<16xi1>
      %reduce_sum3A_371 = tpu.scan <sum>, %select_n3A_369 masked %reduce_sum3A_370 : vector<16xi32>, vector<16xi1> -> vector<16xi32>
      %reduce_sum3A_372 = vector.extract %reduce_sum3A_371[15] : i32 from vector<16xi32>
      %jit3A_373 = arith.constant 128 : i32
      %div3A_374 = arith.divsi %reduce_sum3A_372, %jit3A_373 : i32
      %sign3A_375 = arith.constant 0 : i32
      %sign3A_376 = arith.cmpi sgt, %reduce_sum3A_372, %sign3A_375 : i32
      %sign3A_377 = arith.extui %sign3A_376 : i1 to i32
      %sign3A_378 = arith.constant 0 : i32
      %sign3A_379 = arith.cmpi slt, %reduce_sum3A_372, %sign3A_378 : i32
      %sign3A_380 = arith.extui %sign3A_379 : i1 to i32
      %sign3A_381 = arith.subi %sign3A_377, %sign3A_380 : i32
      %sign3A_382 = arith.constant 0 : i32
      %sign3A_383 = arith.cmpi sgt, %jit3A_373, %sign3A_382 : i32
      %sign3A_384 = arith.extui %sign3A_383 : i1 to i32
      %sign3A_385 = arith.constant 0 : i32
      %sign3A_386 = arith.cmpi slt, %jit3A_373, %sign3A_385 : i32
      %sign3A_387 = arith.extui %sign3A_386 : i1 to i32
      %sign3A_388 = arith.subi %sign3A_384, %sign3A_387 : i32
      %ne3A_389 = arith.cmpi ne, %sign3A_381, %sign3A_388 : i32
      %rem3A_390 = arith.remsi %reduce_sum3A_372, %jit3A_373 : i32
      %ne3A_391 = arith.constant 0 : i32
      %ne3A_392 = arith.cmpi ne, %rem3A_390, %ne3A_391 : i32
      %and3A_393 = arith.andi %ne3A_389, %ne3A_392 : i1
      %sub3A_394 = arith.constant 1 : i32
      %sub3A_395 = arith.subi %div3A_374, %sub3A_394 : i32
      %select_n3A_396 = arith.select %and3A_393, %sub3A_395, %div3A_374 : i32
      %mul3A_397 = arith.constant 128 : i32
      %mul3A_398 = arith.muli %select_n3A_396, %mul3A_397 : i32
      %multiple_of3A_399 = tpu.assume_multiple %mul3A_398, 128 : i32
      %dma_start3A = arith.constant 0 : i32
      %dma_start3A_400 = arith.constant 0 : i32
      %dma_start3A_401 = arith.constant 0 : i32
      %dma_start3A_402 = arith.constant 0 : i32
      %dma_start3A_403 = tpu.memref_slice %arg7[%dma_start3A, %dma_start3A_401, %dma_start3A_402] : memref<6x64x128xf32, #tpu.memory_space<vmem>> -> memref<1x64x128xf32, #tpu.memory_space<vmem>>
      %dma_start3A_404 = tpu.memref_squeeze %dma_start3A_403 : memref<1x64x128xf32, #tpu.memory_space<vmem>> -> memref<64x128xf32, #tpu.memory_space<vmem>>
      %dma_start3A_405 = arith.constant 0 : i32
      %dma_start3A_406 = tpu.memref_slice %arg3[%dma_start3A_405, %multiple_of3A_399] : memref<64x2600000xf32, #tpu.memory_space<hbm>> -> memref<64x128xf32, #tpu.memory_space<hbm>>
      %dma_start3A_407 = tpu.memref_slice %arg9[%dma_start3A_400] : memref<6x!tpu.dma_semaphore, #tpu.memory_space<semaphore_mem>> -> memref<1x!tpu.dma_semaphore, #tpu.memory_space<semaphore_mem>>
      %dma_start3A_408 = tpu.memref_squeeze %dma_start3A_407 : memref<1x!tpu.dma_semaphore, #tpu.memory_space<semaphore_mem>> -> memref<!tpu.dma_semaphore, #tpu.memory_space<semaphore_mem>>
      %dma_start3A_409 = arith.constant 0 : i32
      %dma_start3A_410 = arith.constant 0 : i32
      %dma_start3A_411 = tpu.memref_slice %arg7[%dma_start3A, %dma_start3A_409, %dma_start3A_410] : memref<6x64x128xf32, #tpu.memory_space<vmem>> -> memref<1x64x128xf32, #tpu.memory_space<vmem>>
      %dma_start3A_412 = tpu.memref_squeeze %dma_start3A_411 : memref<1x64x128xf32, #tpu.memory_space<vmem>> -> memref<64x128xf32, #tpu.memory_space<vmem>>
      %dma_start3A_413 = arith.constant 0 : i32
      %dma_start3A_414 = tpu.memref_slice %arg3[%dma_start3A_413, %multiple_of3A_399] : memref<64x2600000xf32, #tpu.memory_space<hbm>> -> memref<64x128xf32, #tpu.memory_space<hbm>>
      tpu.enqueue_dma source(%dma_start3A_414 : memref<64x128xf32, #tpu.memory_space<hbm>>) target(%dma_start3A_412 : memref<64x128xf32, #tpu.memory_space<vmem>>) target_semaphore(%dma_start3A_408 : memref<!tpu.dma_semaphore, #tpu.memory_space<semaphore_mem>>)
    } else {
    }
    %gt3A_280 = arith.constant 0 : i32
    %gt3A_281 = arith.cmpi sgt, %select_n3A, %gt3A_280 : i32
    %convert_element_type3A_282 = arith.extui %gt3A_281 : i1 to i32
    %cond3A_283 = arith.constant 0 : i32
    %cond3A_284 = arith.cmpi ne, %convert_element_type3A_282, %cond3A_283 : i32
    scf.if %cond3A_284 {
      %get3A = arith.constant 1 : i32
      %get3A_362 = arith.index_cast %get3A : i32 to index
      %get3A_363 = arith.constant 0 : index
      %get3A_364 = tpu.vector_load %arg6[%get3A_362, %get3A_363] {strides = array<i32>} : memref<2x16xi32, #tpu.memory_space<vmem>>, vector<16xi32>,
      %eq3A = arith.constant 0 : i32
      %eq3A_365 = vector.broadcast %eq3A : i32 to vector<16xi32>
      %eq3A_366 = arith.cmpi eq, %iota3A, %eq3A_365 : vector<16xi32>
      %jit3A_367 = arith.constant 0 : i32
      %broadcast_in_dim3A_368 = vector.broadcast %jit3A_367 : i32 to vector<16xi32>
      %select_n3A_369 = arith.select %eq3A_366, %get3A_364, %broadcast_in_dim3A_368 : vector<16xi1>, vector<16xi32>
      %reduce_sum3A = arith.constant true
      %reduce_sum3A_370 = vector.broadcast %reduce_sum3A : i1 to vector<16xi1>
      %reduce_sum3A_371 = tpu.scan <sum>, %select_n3A_369 masked %reduce_sum3A_370 : vector<16xi32>, vector<16xi1> -> vector<16xi32>
      %reduce_sum3A_372 = vector.extract %reduce_sum3A_371[15] : i32 from vector<16xi32>
      %jit3A_373 = arith.constant 128 : i32
      %div3A_374 = arith.divsi %reduce_sum3A_372, %jit3A_373 : i32
      %sign3A_375 = arith.constant 0 : i32
      %sign3A_376 = arith.cmpi sgt, %reduce_sum3A_372, %sign3A_375 : i32
      %sign3A_377 = arith.extui %sign3A_376 : i1 to i32
      %sign3A_378 = arith.constant 0 : i32
      %sign3A_379 = arith.cmpi slt, %reduce_sum3A_372, %sign3A_378 : i32
      %sign3A_380 = arith.extui %sign3A_379 : i1 to i32
      %sign3A_381 = arith.subi %sign3A_377, %sign3A_380 : i32
      %sign3A_382 = arith.constant 0 : i32
      %sign3A_383 = arith.cmpi sgt, %jit3A_373, %sign3A_382 : i32
      %sign3A_384 = arith.extui %sign3A_383 : i1 to i32
      %sign3A_385 = arith.constant 0 : i32
      %sign3A_386 = arith.cmpi slt, %jit3A_373, %sign3A_385 : i32
      %sign3A_387 = arith.extui %sign3A_386 : i1 to i32
      %sign3A_388 = arith.subi %sign3A_384, %sign3A_387 : i32
      %ne3A_389 = arith.cmpi ne, %sign3A_381, %sign3A_388 : i32
      %rem3A_390 = arith.remsi %reduce_sum3A_372, %jit3A_373 : i32
      %ne3A_391 = arith.constant 0 : i32
      %ne3A_392 = arith.cmpi ne, %rem3A_390, %ne3A_391 : i32
      %and3A_393 = arith.andi %ne3A_389, %ne3A_392 : i1
      %sub3A_394 = arith.constant 1 : i32
      %sub3A_395 = arith.subi %div3A_374, %sub3A_394 : i32
      %select_n3A_396 = arith.select %and3A_393, %sub3A_395, %div3A_374 : i32
      %mul3A_397 = arith.constant 128 : i32
      %mul3A_398 = arith.muli %select_n3A_396, %mul3A_397 : i32
      %multiple_of3A_399 = tpu.assume_multiple %mul3A_398, 128 : i32
      %dma_start3A = arith.constant 1 : i32
      %dma_start3A_400 = arith.constant 1 : i32
      %dma_start3A_401 = arith.constant 0 : i32
      %dma_start3A_402 = arith.constant 0 : i32
      %dma_start3A_403 = tpu.memref_slice %arg7[%dma_start3A, %dma_start3A_401, %dma_start3A_402] : memref<6x64x128xf32, #tpu.memory_space<vmem>> -> memref<1x64x128xf32, #tpu.memory_space<vmem>>
      %dma_start3A_404 = tpu.memref_squeeze %dma_start3A_403 : memref<1x64x128xf32, #tpu.memory_space<vmem>> -> memref<64x128xf32, #tpu.memory_space<vmem>>
      %dma_start3A_405 = arith.constant 0 : i32
      %dma_start3A_406 = tpu.memref_slice %arg3[%dma_start3A_405, %multiple_of3A_399] : memref<64x2600000xf32, #tpu.memory_space<hbm>> -> memref<64x128xf32, #tpu.memory_space<hbm>>
      %dma_start3A_407 = tpu.memref_slice %arg9[%dma_start3A_400] : memref<6x!tpu.dma_semaphore, #tpu.memory_space<semaphore_mem>> -> memref<1x!tpu.dma_semaphore, #tpu.memory_space<semaphore_mem>>
      %dma_start3A_408 = tpu.memref_squeeze %dma_start3A_407 : memref<1x!tpu.dma_semaphore, #tpu.memory_space<semaphore_mem>> -> memref<!tpu.dma_semaphore, #tpu.memory_space<semaphore_mem>>
      %dma_start3A_409 = arith.constant 0 : i32
      %dma_start3A_410 = arith.constant 0 : i32
      %dma_start3A_411 = tpu.memref_slice %arg7[%dma_start3A, %dma_start3A_409, %dma_start3A_410] : memref<6x64x128xf32, #tpu.memory_space<vmem>> -> memref<1x64x128xf32, #tpu.memory_space<vmem>>
      %dma_start3A_412 = tpu.memref_squeeze %dma_start3A_411 : memref<1x64x128xf32, #tpu.memory_space<vmem>> -> memref<64x128xf32, #tpu.memory_space<vmem>>
      %dma_start3A_413 = arith.constant 0 : i32
      %dma_start3A_414 = tpu.memref_slice %arg3[%dma_start3A_413, %multiple_of3A_399] : memref<64x2600000xf32, #tpu.memory_space<hbm>> -> memref<64x128xf32, #tpu.memory_space<hbm>>
      tpu.enqueue_dma source(%dma_start3A_414 : memref<64x128xf32, #tpu.memory_space<hbm>>) target(%dma_start3A_412 : memref<64x128xf32, #tpu.memory_space<vmem>>) target_semaphore(%dma_start3A_408 : memref<!tpu.dma_semaphore, #tpu.memory_space<semaphore_mem>>)
    } else {
    }
    %gt3A_285 = arith.constant 1 : i32
    %gt3A_286 = arith.cmpi sgt, %select_n3A, %gt3A_285 : i32
    %convert_element_type3A_287 = arith.extui %gt3A_286 : i1 to i32
    %cond3A_288 = arith.constant 0 : i32
    %cond3A_289 = arith.cmpi ne, %convert_element_type3A_287, %cond3A_288 : i32
    scf.if %cond3A_289 {
      %get3A = arith.constant 0 : i32
      %get3A_362 = arith.index_cast %get3A : i32 to index
      %get3A_363 = arith.constant 0 : index
      %get3A_364 = tpu.vector_load %arg6[%get3A_362, %get3A_363] {strides = array<i32>} : memref<2x16xi32, #tpu.memory_space<vmem>>, vector<16xi32>,
      %eq3A = arith.constant 1 : i32
      %eq3A_365 = vector.broadcast %eq3A : i32 to vector<16xi32>
      %eq3A_366 = arith.cmpi eq, %iota3A, %eq3A_365 : vector<16xi32>
      %jit3A_367 = arith.constant 0 : i32
      %broadcast_in_dim3A_368 = vector.broadcast %jit3A_367 : i32 to vector<16xi32>
      %select_n3A_369 = arith.select %eq3A_366, %get3A_364, %broadcast_in_dim3A_368 : vector<16xi1>, vector<16xi32>
      %reduce_sum3A = arith.constant true
      %reduce_sum3A_370 = vector.broadcast %reduce_sum3A : i1 to vector<16xi1>
      %reduce_sum3A_371 = tpu.scan <sum>, %select_n3A_369 masked %reduce_sum3A_370 : vector<16xi32>, vector<16xi1> -> vector<16xi32>
      %reduce_sum3A_372 = vector.extract %reduce_sum3A_371[15] : i32 from vector<16xi32>
      %jit3A_373 = arith.constant 128 : i32
      %div3A_374 = arith.divsi %reduce_sum3A_372, %jit3A_373 : i32
      %sign3A_375 = arith.constant 0 : i32
      %sign3A_376 = arith.cmpi sgt, %reduce_sum3A_372, %sign3A_375 : i32
      %sign3A_377 = arith.extui %sign3A_376 : i1 to i32
      %sign3A_378 = arith.constant 0 : i32
      %sign3A_379 = arith.cmpi slt, %reduce_sum3A_372, %sign3A_378 : i32
      %sign3A_380 = arith.extui %sign3A_379 : i1 to i32
      %sign3A_381 = arith.subi %sign3A_377, %sign3A_380 : i32
      %sign3A_382 = arith.constant 0 : i32
      %sign3A_383 = arith.cmpi sgt, %jit3A_373, %sign3A_382 : i32
      %sign3A_384 = arith.extui %sign3A_383 : i1 to i32
      %sign3A_385 = arith.constant 0 : i32
      %sign3A_386 = arith.cmpi slt, %jit3A_373, %sign3A_385 : i32
      %sign3A_387 = arith.extui %sign3A_386 : i1 to i32
      %sign3A_388 = arith.subi %sign3A_384, %sign3A_387 : i32
      %ne3A_389 = arith.cmpi ne, %sign3A_381, %sign3A_388 : i32
      %rem3A_390 = arith.remsi %reduce_sum3A_372, %jit3A_373 : i32
      %ne3A_391 = arith.constant 0 : i32
      %ne3A_392 = arith.cmpi ne, %rem3A_390, %ne3A_391 : i32
      %and3A_393 = arith.andi %ne3A_389, %ne3A_392 : i1
      %sub3A_394 = arith.constant 1 : i32
      %sub3A_395 = arith.subi %div3A_374, %sub3A_394 : i32
      %select_n3A_396 = arith.select %and3A_393, %sub3A_395, %div3A_374 : i32
      %mul3A_397 = arith.constant 128 : i32
      %mul3A_398 = arith.muli %select_n3A_396, %mul3A_397 : i32
      %multiple_of3A_399 = tpu.assume_multiple %mul3A_398, 128 : i32
      %dma_start3A = arith.constant 2 : i32
      %dma_start3A_400 = arith.constant 2 : i32
      %dma_start3A_401 = arith.constant 0 : i32
      %dma_start3A_402 = arith.constant 0 : i32
      %dma_start3A_403 = tpu.memref_slice %arg7[%dma_start3A, %dma_start3A_401, %dma_start3A_402] : memref<6x64x128xf32, #tpu.memory_space<vmem>> -> memref<1x64x128xf32, #tpu.memory_space<vmem>>
      %dma_start3A_404 = tpu.memref_squeeze %dma_start3A_403 : memref<1x64x128xf32, #tpu.memory_space<vmem>> -> memref<64x128xf32, #tpu.memory_space<vmem>>
      %dma_start3A_405 = arith.constant 0 : i32
      %dma_start3A_406 = tpu.memref_slice %arg3[%dma_start3A_405, %multiple_of3A_399] : memref<64x2600000xf32, #tpu.memory_space<hbm>> -> memref<64x128xf32, #tpu.memory_space<hbm>>
      %dma_start3A_407 = tpu.memref_slice %arg9[%dma_start3A_400] : memref<6x!tpu.dma_semaphore, #tpu.memory_space<semaphore_mem>> -> memref<1x!tpu.dma_semaphore, #tpu.memory_space<semaphore_mem>>
      %dma_start3A_408 = tpu.memref_squeeze %dma_start3A_407 : memref<1x!tpu.dma_semaphore, #tpu.memory_space<semaphore_mem>> -> memref<!tpu.dma_semaphore, #tpu.memory_space<semaphore_mem>>
      %dma_start3A_409 = arith.constant 0 : i32
      %dma_start3A_410 = arith.constant 0 : i32
      %dma_start3A_411 = tpu.memref_slice %arg7[%dma_start3A, %dma_start3A_409, %dma_start3A_410] : memref<6x64x128xf32, #tpu.memory_space<vmem>> -> memref<1x64x128xf32, #tpu.memory_space<vmem>>
      %dma_start3A_412 = tpu.memref_squeeze %dma_start3A_411 : memref<1x64x128xf32, #tpu.memory_space<vmem>> -> memref<64x128xf32, #tpu.memory_space<vmem>>
      %dma_start3A_413 = arith.constant 0 : i32
      %dma_start3A_414 = tpu.memref_slice %arg3[%dma_start3A_413, %multiple_of3A_399] : memref<64x2600000xf32, #tpu.memory_space<hbm>> -> memref<64x128xf32, #tpu.memory_space<hbm>>
      tpu.enqueue_dma source(%dma_start3A_414 : memref<64x128xf32, #tpu.memory_space<hbm>>) target(%dma_start3A_412 : memref<64x128xf32, #tpu.memory_space<vmem>>) target_semaphore(%dma_start3A_408 : memref<!tpu.dma_semaphore, #tpu.memory_space<semaphore_mem>>)
    } else {
    }
    %gt3A_290 = arith.constant 1 : i32
    %gt3A_291 = arith.cmpi sgt, %select_n3A, %gt3A_290 : i32
    %convert_element_type3A_292 = arith.extui %gt3A_291 : i1 to i32
    %cond3A_293 = arith.constant 0 : i32
    %cond3A_294 = arith.cmpi ne, %convert_element_type3A_292, %cond3A_293 : i32
    scf.if %cond3A_294 {
      %get3A = arith.constant 1 : i32
      %get3A_362 = arith.index_cast %get3A : i32 to index
      %get3A_363 = arith.constant 0 : index
      %get3A_364 = tpu.vector_load %arg6[%get3A_362, %get3A_363] {strides = array<i32>} : memref<2x16xi32, #tpu.memory_space<vmem>>, vector<16xi32>,
      %eq3A = arith.constant 1 : i32
      %eq3A_365 = vector.broadcast %eq3A : i32 to vector<16xi32>
      %eq3A_366 = arith.cmpi eq, %iota3A, %eq3A_365 : vector<16xi32>
      %jit3A_367 = arith.constant 0 : i32
      %broadcast_in_dim3A_368 = vector.broadcast %jit3A_367 : i32 to vector<16xi32>
      %select_n3A_369 = arith.select %eq3A_366, %get3A_364, %broadcast_in_dim3A_368 : vector<16xi1>, vector<16xi32>
      %reduce_sum3A = arith.constant true
      %reduce_sum3A_370 = vector.broadcast %reduce_sum3A : i1 to vector<16xi1>
      %reduce_sum3A_371 = tpu.scan <sum>, %select_n3A_369 masked %reduce_sum3A_370 : vector<16xi32>, vector<16xi1> -> vector<16xi32>
      %reduce_sum3A_372 = vector.extract %reduce_sum3A_371[15] : i32 from vector<16xi32>
      %jit3A_373 = arith.constant 128 : i32
      %div3A_374 = arith.divsi %reduce_sum3A_372, %jit3A_373 : i32
      %sign3A_375 = arith.constant 0 : i32
      %sign3A_376 = arith.cmpi sgt, %reduce_sum3A_372, %sign3A_375 : i32
      %sign3A_377 = arith.extui %sign3A_376 : i1 to i32
      %sign3A_378 = arith.constant 0 : i32
      %sign3A_379 = arith.cmpi slt, %reduce_sum3A_372, %sign3A_378 : i32
      %sign3A_380 = arith.extui %sign3A_379 : i1 to i32
      %sign3A_381 = arith.subi %sign3A_377, %sign3A_380 : i32
      %sign3A_382 = arith.constant 0 : i32
      %sign3A_383 = arith.cmpi sgt, %jit3A_373, %sign3A_382 : i32
      %sign3A_384 = arith.extui %sign3A_383 : i1 to i32
      %sign3A_385 = arith.constant 0 : i32
      %sign3A_386 = arith.cmpi slt, %jit3A_373, %sign3A_385 : i32
      %sign3A_387 = arith.extui %sign3A_386 : i1 to i32
      %sign3A_388 = arith.subi %sign3A_384, %sign3A_387 : i32
      %ne3A_389 = arith.cmpi ne, %sign3A_381, %sign3A_388 : i32
      %rem3A_390 = arith.remsi %reduce_sum3A_372, %jit3A_373 : i32
      %ne3A_391 = arith.constant 0 : i32
      %ne3A_392 = arith.cmpi ne, %rem3A_390, %ne3A_391 : i32
      %and3A_393 = arith.andi %ne3A_389, %ne3A_392 : i1
      %sub3A_394 = arith.constant 1 : i32
      %sub3A_395 = arith.subi %div3A_374, %sub3A_394 : i32
      %select_n3A_396 = arith.select %and3A_393, %sub3A_395, %div3A_374 : i32
      %mul3A_397 = arith.constant 128 : i32
      %mul3A_398 = arith.muli %select_n3A_396, %mul3A_397 : i32
      %multiple_of3A_399 = tpu.assume_multiple %mul3A_398, 128 : i32
      %dma_start3A = arith.constant 3 : i32
      %dma_start3A_400 = arith.constant 3 : i32
      %dma_start3A_401 = arith.constant 0 : i32
      %dma_start3A_402 = arith.constant 0 : i32
      %dma_start3A_403 = tpu.memref_slice %arg7[%dma_start3A, %dma_start3A_401, %dma_start3A_402] : memref<6x64x128xf32, #tpu.memory_space<vmem>> -> memref<1x64x128xf32, #tpu.memory_space<vmem>>
      %dma_start3A_404 = tpu.memref_squeeze %dma_start3A_403 : memref<1x64x128xf32, #tpu.memory_space<vmem>> -> memref<64x128xf32, #tpu.memory_space<vmem>>
      %dma_start3A_405 = arith.constant 0 : i32
      %dma_start3A_406 = tpu.memref_slice %arg3[%dma_start3A_405, %multiple_of3A_399] : memref<64x2600000xf32, #tpu.memory_space<hbm>> -> memref<64x128xf32, #tpu.memory_space<hbm>>
      %dma_start3A_407 = tpu.memref_slice %arg9[%dma_start3A_400] : memref<6x!tpu.dma_semaphore, #tpu.memory_space<semaphore_mem>> -> memref<1x!tpu.dma_semaphore, #tpu.memory_space<semaphore_mem>>
      %dma_start3A_408 = tpu.memref_squeeze %dma_start3A_407 : memref<1x!tpu.dma_semaphore, #tpu.memory_space<semaphore_mem>> -> memref<!tpu.dma_semaphore, #tpu.memory_space<semaphore_mem>>
      %dma_start3A_409 = arith.constant 0 : i32
      %dma_start3A_410 = arith.constant 0 : i32
      %dma_start3A_411 = tpu.memref_slice %arg7[%dma_start3A, %dma_start3A_409, %dma_start3A_410] : memref<6x64x128xf32, #tpu.memory_space<vmem>> -> memref<1x64x128xf32, #tpu.memory_space<vmem>>
      %dma_start3A_412 = tpu.memref_squeeze %dma_start3A_411 : memref<1x64x128xf32, #tpu.memory_space<vmem>> -> memref<64x128xf32, #tpu.memory_space<vmem>>
      %dma_start3A_413 = arith.constant 0 : i32
      %dma_start3A_414 = tpu.memref_slice %arg3[%dma_start3A_413, %multiple_of3A_399] : memref<64x2600000xf32, #tpu.memory_space<hbm>> -> memref<64x128xf32, #tpu.memory_space<hbm>>
      tpu.enqueue_dma source(%dma_start3A_414 : memref<64x128xf32, #tpu.memory_space<hbm>>) target(%dma_start3A_412 : memref<64x128xf32, #tpu.memory_space<vmem>>) target_semaphore(%dma_start3A_408 : memref<!tpu.dma_semaphore, #tpu.memory_space<semaphore_mem>>)
    } else {
    }
    %gt3A_295 = arith.constant 2 : i32
    %gt3A_296 = arith.cmpi sgt, %select_n3A, %gt3A_295 : i32
    %convert_element_type3A_297 = arith.extui %gt3A_296 : i1 to i32
    %cond3A_298 = arith.constant 0 : i32
    %cond3A_299 = arith.cmpi ne, %convert_element_type3A_297, %cond3A_298 : i32
    scf.if %cond3A_299 {
      %get3A = arith.constant 0 : i32
      %get3A_362 = arith.index_cast %get3A : i32 to index
      %get3A_363 = arith.constant 0 : index
      %get3A_364 = tpu.vector_load %arg6[%get3A_362, %get3A_363] {strides = array<i32>} : memref<2x16xi32, #tpu.memory_space<vmem>>, vector<16xi32>,
      %eq3A = arith.constant 2 : i32
      %eq3A_365 = vector.broadcast %eq3A : i32 to vector<16xi32>
      %eq3A_366 = arith.cmpi eq, %iota3A, %eq3A_365 : vector<16xi32>
      %jit3A_367 = arith.constant 0 : i32
      %broadcast_in_dim3A_368 = vector.broadcast %jit3A_367 : i32 to vector<16xi32>
      %select_n3A_369 = arith.select %eq3A_366, %get3A_364, %broadcast_in_dim3A_368 : vector<16xi1>, vector<16xi32>
      %reduce_sum3A = arith.constant true
      %reduce_sum3A_370 = vector.broadcast %reduce_sum3A : i1 to vector<16xi1>
      %reduce_sum3A_371 = tpu.scan <sum>, %select_n3A_369 masked %reduce_sum3A_370 : vector<16xi32>, vector<16xi1> -> vector<16xi32>
      %reduce_sum3A_372 = vector.extract %reduce_sum3A_371[15] : i32 from vector<16xi32>
      %jit3A_373 = arith.constant 128 : i32
      %div3A_374 = arith.divsi %reduce_sum3A_372, %jit3A_373 : i32
      %sign3A_375 = arith.constant 0 : i32
      %sign3A_376 = arith.cmpi sgt, %reduce_sum3A_372, %sign3A_375 : i32
      %sign3A_377 = arith.extui %sign3A_376 : i1 to i32
      %sign3A_378 = arith.constant 0 : i32
      %sign3A_379 = arith.cmpi slt, %reduce_sum3A_372, %sign3A_378 : i32
      %sign3A_380 = arith.extui %sign3A_379 : i1 to i32
      %sign3A_381 = arith.subi %sign3A_377, %sign3A_380 : i32
      %sign3A_382 = arith.constant 0 : i32
      %sign3A_383 = arith.cmpi sgt, %jit3A_373, %sign3A_382 : i32
      %sign3A_384 = arith.extui %sign3A_383 : i1 to i32
      %sign3A_385 = arith.constant 0 : i32
      %sign3A_386 = arith.cmpi slt, %jit3A_373, %sign3A_385 : i32
      %sign3A_387 = arith.extui %sign3A_386 : i1 to i32
      %sign3A_388 = arith.subi %sign3A_384, %sign3A_387 : i32
      %ne3A_389 = arith.cmpi ne, %sign3A_381, %sign3A_388 : i32
      %rem3A_390 = arith.remsi %reduce_sum3A_372, %jit3A_373 : i32
      %ne3A_391 = arith.constant 0 : i32
      %ne3A_392 = arith.cmpi ne, %rem3A_390, %ne3A_391 : i32
      %and3A_393 = arith.andi %ne3A_389, %ne3A_392 : i1
      %sub3A_394 = arith.constant 1 : i32
      %sub3A_395 = arith.subi %div3A_374, %sub3A_394 : i32
      %select_n3A_396 = arith.select %and3A_393, %sub3A_395, %div3A_374 : i32
      %mul3A_397 = arith.constant 128 : i32
      %mul3A_398 = arith.muli %select_n3A_396, %mul3A_397 : i32
      %multiple_of3A_399 = tpu.assume_multiple %mul3A_398, 128 : i32
      %dma_start3A = arith.constant 4 : i32
      %dma_start3A_400 = arith.constant 4 : i32
      %dma_start3A_401 = arith.constant 0 : i32
      %dma_start3A_402 = arith.constant 0 : i32
      %dma_start3A_403 = tpu.memref_slice %arg7[%dma_start3A, %dma_start3A_401, %dma_start3A_402] : memref<6x64x128xf32, #tpu.memory_space<vmem>> -> memref<1x64x128xf32, #tpu.memory_space<vmem>>
      %dma_start3A_404 = tpu.memref_squeeze %dma_start3A_403 : memref<1x64x128xf32, #tpu.memory_space<vmem>> -> memref<64x128xf32, #tpu.memory_space<vmem>>
      %dma_start3A_405 = arith.constant 0 : i32
      %dma_start3A_406 = tpu.memref_slice %arg3[%dma_start3A_405, %multiple_of3A_399] : memref<64x2600000xf32, #tpu.memory_space<hbm>> -> memref<64x128xf32, #tpu.memory_space<hbm>>
      %dma_start3A_407 = tpu.memref_slice %arg9[%dma_start3A_400] : memref<6x!tpu.dma_semaphore, #tpu.memory_space<semaphore_mem>> -> memref<1x!tpu.dma_semaphore, #tpu.memory_space<semaphore_mem>>
      %dma_start3A_408 = tpu.memref_squeeze %dma_start3A_407 : memref<1x!tpu.dma_semaphore, #tpu.memory_space<semaphore_mem>> -> memref<!tpu.dma_semaphore, #tpu.memory_space<semaphore_mem>>
      %dma_start3A_409 = arith.constant 0 : i32
      %dma_start3A_410 = arith.constant 0 : i32
      %dma_start3A_411 = tpu.memref_slice %arg7[%dma_start3A, %dma_start3A_409, %dma_start3A_410] : memref<6x64x128xf32, #tpu.memory_space<vmem>> -> memref<1x64x128xf32, #tpu.memory_space<vmem>>
      %dma_start3A_412 = tpu.memref_squeeze %dma_start3A_411 : memref<1x64x128xf32, #tpu.memory_space<vmem>> -> memref<64x128xf32, #tpu.memory_space<vmem>>
      %dma_start3A_413 = arith.constant 0 : i32
      %dma_start3A_414 = tpu.memref_slice %arg3[%dma_start3A_413, %multiple_of3A_399] : memref<64x2600000xf32, #tpu.memory_space<hbm>> -> memref<64x128xf32, #tpu.memory_space<hbm>>
      tpu.enqueue_dma source(%dma_start3A_414 : memref<64x128xf32, #tpu.memory_space<hbm>>) target(%dma_start3A_412 : memref<64x128xf32, #tpu.memory_space<vmem>>) target_semaphore(%dma_start3A_408 : memref<!tpu.dma_semaphore, #tpu.memory_space<semaphore_mem>>)
    } else {
    }
    %gt3A_300 = arith.constant 2 : i32
    %gt3A_301 = arith.cmpi sgt, %select_n3A, %gt3A_300 : i32
    %convert_element_type3A_302 = arith.extui %gt3A_301 : i1 to i32
    %cond3A_303 = arith.constant 0 : i32
    %cond3A_304 = arith.cmpi ne, %convert_element_type3A_302, %cond3A_303 : i32
    scf.if %cond3A_304 {
      %get3A = arith.constant 1 : i32
      %get3A_362 = arith.index_cast %get3A : i32 to index
      %get3A_363 = arith.constant 0 : index
      %get3A_364 = tpu.vector_load %arg6[%get3A_362, %get3A_363] {strides = array<i32>} : memref<2x16xi32, #tpu.memory_space<vmem>>, vector<16xi32>,
      %eq3A = arith.constant 2 : i32
      %eq3A_365 = vector.broadcast %eq3A : i32 to vector<16xi32>
      %eq3A_366 = arith.cmpi eq, %iota3A, %eq3A_365 : vector<16xi32>
      %jit3A_367 = arith.constant 0 : i32
      %broadcast_in_dim3A_368 = vector.broadcast %jit3A_367 : i32 to vector<16xi32>
      %select_n3A_369 = arith.select %eq3A_366, %get3A_364, %broadcast_in_dim3A_368 : vector<16xi1>, vector<16xi32>
      %reduce_sum3A = arith.constant true
      %reduce_sum3A_370 = vector.broadcast %reduce_sum3A : i1 to vector<16xi1>
      %reduce_sum3A_371 = tpu.scan <sum>, %select_n3A_369 masked %reduce_sum3A_370 : vector<16xi32>, vector<16xi1> -> vector<16xi32>
      %reduce_sum3A_372 = vector.extract %reduce_sum3A_371[15] : i32 from vector<16xi32>
      %jit3A_373 = arith.constant 128 : i32
      %div3A_374 = arith.divsi %reduce_sum3A_372, %jit3A_373 : i32
      %sign3A_375 = arith.constant 0 : i32
      %sign3A_376 = arith.cmpi sgt, %reduce_sum3A_372, %sign3A_375 : i32
      %sign3A_377 = arith.extui %sign3A_376 : i1 to i32
      %sign3A_378 = arith.constant 0 : i32
      %sign3A_379 = arith.cmpi slt, %reduce_sum3A_372, %sign3A_378 : i32
      %sign3A_380 = arith.extui %sign3A_379 : i1 to i32
      %sign3A_381 = arith.subi %sign3A_377, %sign3A_380 : i32
      %sign3A_382 = arith.constant 0 : i32
      %sign3A_383 = arith.cmpi sgt, %jit3A_373, %sign3A_382 : i32
      %sign3A_384 = arith.extui %sign3A_383 : i1 to i32
      %sign3A_385 = arith.constant 0 : i32
      %sign3A_386 = arith.cmpi slt, %jit3A_373, %sign3A_385 : i32
      %sign3A_387 = arith.extui %sign3A_386 : i1 to i32
      %sign3A_388 = arith.subi %sign3A_384, %sign3A_387 : i32
      %ne3A_389 = arith.cmpi ne, %sign3A_381, %sign3A_388 : i32
      %rem3A_390 = arith.remsi %reduce_sum3A_372, %jit3A_373 : i32
      %ne3A_391 = arith.constant 0 : i32
      %ne3A_392 = arith.cmpi ne, %rem3A_390, %ne3A_391 : i32
      %and3A_393 = arith.andi %ne3A_389, %ne3A_392 : i1
      %sub3A_394 = arith.constant 1 : i32
      %sub3A_395 = arith.subi %div3A_374, %sub3A_394 : i32
      %select_n3A_396 = arith.select %and3A_393, %sub3A_395, %div3A_374 : i32
      %mul3A_397 = arith.constant 128 : i32
      %mul3A_398 = arith.muli %select_n3A_396, %mul3A_397 : i32
      %multiple_of3A_399 = tpu.assume_multiple %mul3A_398, 128 : i32
      %dma_start3A = arith.constant 5 : i32
      %dma_start3A_400 = arith.constant 5 : i32
      %dma_start3A_401 = arith.constant 0 : i32
      %dma_start3A_402 = arith.constant 0 : i32
      %dma_start3A_403 = tpu.memref_slice %arg7[%dma_start3A, %dma_start3A_401, %dma_start3A_402] : memref<6x64x128xf32, #tpu.memory_space<vmem>> -> memref<1x64x128xf32, #tpu.memory_space<vmem>>
      %dma_start3A_404 = tpu.memref_squeeze %dma_start3A_403 : memref<1x64x128xf32, #tpu.memory_space<vmem>> -> memref<64x128xf32, #tpu.memory_space<vmem>>
      %dma_start3A_405 = arith.constant 0 : i32
      %dma_start3A_406 = tpu.memref_slice %arg3[%dma_start3A_405, %multiple_of3A_399] : memref<64x2600000xf32, #tpu.memory_space<hbm>> -> memref<64x128xf32, #tpu.memory_space<hbm>>
      %dma_start3A_407 = tpu.memref_slice %arg9[%dma_start3A_400] : memref<6x!tpu.dma_semaphore, #tpu.memory_space<semaphore_mem>> -> memref<1x!tpu.dma_semaphore, #tpu.memory_space<semaphore_mem>>
      %dma_start3A_408 = tpu.memref_squeeze %dma_start3A_407 : memref<1x!tpu.dma_semaphore, #tpu.memory_space<semaphore_mem>> -> memref<!tpu.dma_semaphore, #tpu.memory_space<semaphore_mem>>
      %dma_start3A_409 = arith.constant 0 : i32
      %dma_start3A_410 = arith.constant 0 : i32
      %dma_start3A_411 = tpu.memref_slice %arg7[%dma_start3A, %dma_start3A_409, %dma_start3A_410] : memref<6x64x128xf32, #tpu.memory_space<vmem>> -> memref<1x64x128xf32, #tpu.memory_space<vmem>>
      %dma_start3A_412 = tpu.memref_squeeze %dma_start3A_411 : memref<1x64x128xf32, #tpu.memory_space<vmem>> -> memref<64x128xf32, #tpu.memory_space<vmem>>
      %dma_start3A_413 = arith.constant 0 : i32
      %dma_start3A_414 = tpu.memref_slice %arg3[%dma_start3A_413, %multiple_of3A_399] : memref<64x2600000xf32, #tpu.memory_space<hbm>> -> memref<64x128xf32, #tpu.memory_space<hbm>>
      tpu.enqueue_dma source(%dma_start3A_414 : memref<64x128xf32, #tpu.memory_space<hbm>>) target(%dma_start3A_412 : memref<64x128xf32, #tpu.memory_space<vmem>>) target_semaphore(%dma_start3A_408 : memref<!tpu.dma_semaphore, #tpu.memory_space<semaphore_mem>>)
    } else {
    }
    %gt3A_305 = arith.constant 0 : i32
    %gt3A_306 = arith.cmpi sgt, %select_n3A, %gt3A_305 : i32
    %convert_element_type3A_307 = arith.extui %gt3A_306 : i1 to i32
    %cond3A_308 = arith.constant 0 : i32
    %cond3A_309 = arith.cmpi ne, %convert_element_type3A_307, %cond3A_308 : i32
    scf.if %cond3A_309 {
      %broadcast_in_dim3A_362 = arith.constant 0 : i32
      %broadcast_in_dim3A_363 = vector.broadcast %broadcast_in_dim3A_362 : i32 to vector<16xi32>
      %get3A = arith.constant 0 : i32
      %get3A_364 = arith.index_cast %get3A : i32 to index
      %get3A_365 = arith.constant 0 : index
      %get3A_366 = tpu.vector_load %arg6[%get3A_364, %get3A_365] {strides = array<i32>} : memref<2x16xi32, #tpu.memory_space<vmem>>, vector<16xi32>,
      %eq3A = arith.constant 0 : i32
      %eq3A_367 = vector.broadcast %eq3A : i32 to vector<16xi32>
      %eq3A_368 = arith.cmpi eq, %iota3A, %eq3A_367 : vector<16xi32>
      %jit3A_369 = arith.constant 0 : i32
      %broadcast_in_dim3A_370 = vector.broadcast %jit3A_369 : i32 to vector<16xi32>
      %select_n3A_371 = arith.select %eq3A_368, %get3A_366, %broadcast_in_dim3A_370 : vector<16xi1>, vector<16xi32>
      %reduce_sum3A = arith.constant true
      %reduce_sum3A_372 = vector.broadcast %reduce_sum3A : i1 to vector<16xi1>
      %reduce_sum3A_373 = tpu.scan <sum>, %select_n3A_371 masked %reduce_sum3A_372 : vector<16xi32>, vector<16xi1> -> vector<16xi32>
      %reduce_sum3A_374 = vector.extract %reduce_sum3A_373[15] : i32 from vector<16xi32>
      %jit3A_375 = arith.constant 128 : i32
      %eq3A_376 = arith.constant 0 : i32
      %eq3A_377 = arith.cmpi eq, %jit3A_375, %eq3A_376 : i32
      %jit3A_378 = arith.constant 1 : i32
      %select_n3A_379 = arith.select %eq3A_377, %jit3A_378, %jit3A_375 : i32
      %rem3A_380 = arith.remsi %reduce_sum3A_374, %select_n3A_379 : i32
      %ne3A_381 = arith.constant 0 : i32
      %ne3A_382 = arith.cmpi ne, %rem3A_380, %ne3A_381 : i32
      %lt3A_383 = arith.constant 0 : i32
      %lt3A_384 = arith.cmpi slt, %rem3A_380, %lt3A_383 : i32
      %lt3A_385 = arith.constant 0 : i32
      %lt3A_386 = arith.cmpi slt, %select_n3A_379, %lt3A_385 : i32
      %ne3A_387 = arith.xori %lt3A_384, %lt3A_386 : i1
      %and3A_388 = arith.andi %ne3A_387, %ne3A_382 : i1
      %add3A_389 = arith.addi %rem3A_380, %select_n3A_379 : i32
      %select_n3A_390 = arith.select %and3A_388, %add3A_389, %rem3A_380 : i32
      %add3A_391 = vector.broadcast %select_n3A_390 : i32 to vector<16xi32>
      %add3A_392 = arith.addi %broadcast_in_dim3A_363, %add3A_391 : vector<16xi32>
      %broadcast_in_dim3A_393 = arith.constant 0 : i32
      %broadcast_in_dim3A_394 = vector.broadcast %broadcast_in_dim3A_393 : i32 to vector<16xi32>
      %get3A_395 = arith.constant 1 : i32
      %get3A_396 = arith.index_cast %get3A_395 : i32 to index
      %get3A_397 = arith.constant 0 : index
      %get3A_398 = tpu.vector_load %arg6[%get3A_396, %get3A_397] {strides = array<i32>} : memref<2x16xi32, #tpu.memory_space<vmem>>, vector<16xi32>,
      %eq3A_399 = arith.constant 0 : i32
      %eq3A_400 = vector.broadcast %eq3A_399 : i32 to vector<16xi32>
      %eq3A_401 = arith.cmpi eq, %iota3A, %eq3A_400 : vector<16xi32>
      %jit3A_402 = arith.constant 0 : i32
      %broadcast_in_dim3A_403 = vector.broadcast %jit3A_402 : i32 to vector<16xi32>
      %select_n3A_404 = arith.select %eq3A_401, %get3A_398, %broadcast_in_dim3A_403 : vector<16xi1>, vector<16xi32>
      %reduce_sum3A_405 = arith.constant true
      %reduce_sum3A_406 = vector.broadcast %reduce_sum3A_405 : i1 to vector<16xi1>
      %reduce_sum3A_407 = tpu.scan <sum>, %select_n3A_404 masked %reduce_sum3A_406 : vector<16xi32>, vector<16xi1> -> vector<16xi32>
      %reduce_sum3A_408 = vector.extract %reduce_sum3A_407[15] : i32 from vector<16xi32>
      %jit3A_409 = arith.constant 128 : i32
      %eq3A_410 = arith.constant 0 : i32
      %eq3A_411 = arith.cmpi eq, %jit3A_409, %eq3A_410 : i32
      %jit3A_412 = arith.constant 1 : i32
      %select_n3A_413 = arith.select %eq3A_411, %jit3A_412, %jit3A_409 : i32
      %rem3A_414 = arith.remsi %reduce_sum3A_408, %select_n3A_413 : i32
      %ne3A_415 = arith.constant 0 : i32
      %ne3A_416 = arith.cmpi ne, %rem3A_414, %ne3A_415 : i32
      %lt3A_417 = arith.constant 0 : i32
      %lt3A_418 = arith.cmpi slt, %rem3A_414, %lt3A_417 : i32
      %lt3A_419 = arith.constant 0 : i32
      %lt3A_420 = arith.cmpi slt, %select_n3A_413, %lt3A_419 : i32
      %ne3A_421 = arith.xori %lt3A_418, %lt3A_420 : i1
      %and3A_422 = arith.andi %ne3A_421, %ne3A_416 : i1
      %add3A_423 = arith.addi %rem3A_414, %select_n3A_413 : i32
      %select_n3A_424 = arith.select %and3A_422, %add3A_423, %rem3A_414 : i32
      %add3A_425 = vector.broadcast %select_n3A_424 : i32 to vector<16xi32>
      %add3A_426 = arith.addi %broadcast_in_dim3A_394, %add3A_425 : vector<16xi32>
      %dma_wait3A = arith.constant 0 : i32
      %dma_wait3A_427 = arith.constant 0 : i32
      %dma_wait3A_428 = arith.constant 0 : i32
      %dma_wait3A_429 = arith.constant 0 : i32
      %dma_wait3A_430 = tpu.memref_slice %arg7[%dma_wait3A, %dma_wait3A_428, %dma_wait3A_429] : memref<6x64x128xf32, #tpu.memory_space<vmem>> -> memref<1x64x128xf32, #tpu.memory_space<vmem>>
      %dma_wait3A_431 = tpu.memref_squeeze %dma_wait3A_430 : memref<1x64x128xf32, #tpu.memory_space<vmem>> -> memref<64x128xf32, #tpu.memory_space<vmem>>
      %dma_wait3A_432 = arith.constant 0 : i32
      %dma_wait3A_433 = arith.constant 0 : i32
      %dma_wait3A_434 = tpu.memref_slice %arg3[%dma_wait3A_432, %dma_wait3A_433] : memref<64x2600000xf32, #tpu.memory_space<hbm>> -> memref<64x128xf32, #tpu.memory_space<hbm>>
      %dma_wait3A_435 = tpu.memref_slice %arg9[%dma_wait3A_427] : memref<6x!tpu.dma_semaphore, #tpu.memory_space<semaphore_mem>> -> memref<1x!tpu.dma_semaphore, #tpu.memory_space<semaphore_mem>>
      %dma_wait3A_436 = tpu.memref_squeeze %dma_wait3A_435 : memref<1x!tpu.dma_semaphore, #tpu.memory_space<semaphore_mem>> -> memref<!tpu.dma_semaphore, #tpu.memory_space<semaphore_mem>>
      %dma_wait3A_437 = arith.constant 0 : i32
      %dma_wait3A_438 = arith.constant 0 : i32
      %dma_wait3A_439 = tpu.memref_slice %arg7[%dma_wait3A, %dma_wait3A_437, %dma_wait3A_438] : memref<6x64x128xf32, #tpu.memory_space<vmem>> -> memref<1x64x128xf32, #tpu.memory_space<vmem>>
      %dma_wait3A_440 = tpu.memref_squeeze %dma_wait3A_439 : memref<1x64x128xf32, #tpu.memory_space<vmem>> -> memref<64x128xf32, #tpu.memory_space<vmem>>
      %dma_wait3A_441 = arith.constant 0 : i32
      %dma_wait3A_442 = arith.constant 0 : i32
      %dma_wait3A_443 = tpu.memref_slice %arg3[%dma_wait3A_441, %dma_wait3A_442] : memref<64x2600000xf32, #tpu.memory_space<hbm>> -> memref<64x128xf32, #tpu.memory_space<hbm>>
      tpu.wait_dma2 semaphore(%dma_wait3A_436 : memref<!tpu.dma_semaphore, #tpu.memory_space<semaphore_mem>>) src(%dma_wait3A_443 : memref<64x128xf32, #tpu.memory_space<hbm>>) dst(%dma_wait3A_440 : memref<64x128xf32, #tpu.memory_space<vmem>>)
      %dma_wait3A_444 = arith.constant 1 : i32
      %dma_wait3A_445 = arith.constant 1 : i32
      %dma_wait3A_446 = arith.constant 0 : i32
      %dma_wait3A_447 = arith.constant 0 : i32
      %dma_wait3A_448 = tpu.memref_slice %arg7[%dma_wait3A_444, %dma_wait3A_446, %dma_wait3A_447] : memref<6x64x128xf32, #tpu.memory_space<vmem>> -> memref<1x64x128xf32, #tpu.memory_space<vmem>>
      %dma_wait3A_449 = tpu.memref_squeeze %dma_wait3A_448 : memref<1x64x128xf32, #tpu.memory_space<vmem>> -> memref<64x128xf32, #tpu.memory_space<vmem>>
      %dma_wait3A_450 = arith.constant 0 : i32
      %dma_wait3A_451 = arith.constant 0 : i32
      %dma_wait3A_452 = tpu.memref_slice %arg3[%dma_wait3A_450, %dma_wait3A_451] : memref<64x2600000xf32, #tpu.memory_space<hbm>> -> memref<64x128xf32, #tpu.memory_space<hbm>>
      %dma_wait3A_453 = tpu.memref_slice %arg9[%dma_wait3A_445] : memref<6x!tpu.dma_semaphore, #tpu.memory_space<semaphore_mem>> -> memref<1x!tpu.dma_semaphore, #tpu.memory_space<semaphore_mem>>
      %dma_wait3A_454 = tpu.memref_squeeze %dma_wait3A_453 : memref<1x!tpu.dma_semaphore, #tpu.memory_space<semaphore_mem>> -> memref<!tpu.dma_semaphore, #tpu.memory_space<semaphore_mem>>
      %dma_wait3A_455 = arith.constant 0 : i32
      %dma_wait3A_456 = arith.constant 0 : i32
      %dma_wait3A_457 = tpu.memref_slice %arg7[%dma_wait3A_444, %dma_wait3A_455, %dma_wait3A_456] : memref<6x64x128xf32, #tpu.memory_space<vmem>> -> memref<1x64x128xf32, #tpu.memory_space<vmem>>
      %dma_wait3A_458 = tpu.memref_squeeze %dma_wait3A_457 : memref<1x64x128xf32, #tpu.memory_space<vmem>> -> memref<64x128xf32, #tpu.memory_space<vmem>>
      %dma_wait3A_459 = arith.constant 0 : i32
      %dma_wait3A_460 = arith.constant 0 : i32
      %dma_wait3A_461 = tpu.memref_slice %arg3[%dma_wait3A_459, %dma_wait3A_460] : memref<64x2600000xf32, #tpu.memory_space<hbm>> -> memref<64x128xf32, #tpu.memory_space<hbm>>
      tpu.wait_dma2 semaphore(%dma_wait3A_454 : memref<!tpu.dma_semaphore, #tpu.memory_space<semaphore_mem>>) src(%dma_wait3A_461 : memref<64x128xf32, #tpu.memory_space<hbm>>) dst(%dma_wait3A_458 : memref<64x128xf32, #tpu.memory_space<vmem>>)
      %add3A_462 = arith.constant 0 : i32
      %add3A_463 = vector.broadcast %add3A_462 : i32 to vector<16xi32>
      %add3A_464 = arith.addi %iota3A, %add3A_463 : vector<16xi32>
      %gather3A_465 = arith.constant 0 : i32
      %gather3A_466 = arith.constant 0 : i32
      %gather3A_467 = arith.constant 0 : i32
      %gather3A_468 = tpu.memref_slice %arg7[%gather3A_465, %gather3A_466, %gather3A_467] : memref<6x64x128xf32, #tpu.memory_space<vmem>> -> memref<1x64x128xf32, #tpu.memory_space<vmem>>
      %gather3A_469 = tpu.memref_squeeze %gather3A_468 : memref<1x64x128xf32, #tpu.memory_space<vmem>> -> memref<64x128xf32, #tpu.memory_space<vmem>>
      %gather3A_470 = tpu.vector_load_idx %gather3A_469[%add3A_464, %add3A_392] : memref<64x128xf32, #tpu.memory_space<vmem>>[vector<16xi32>, vector<16xi32>], vector<16xf32>,
      %gather3A_471 = arith.constant 1 : i32
      %gather3A_472 = arith.constant 0 : i32
      %gather3A_473 = arith.constant 0 : i32
      %gather3A_474 = tpu.memref_slice %arg7[%gather3A_471, %gather3A_472, %gather3A_473] : memref<6x64x128xf32, #tpu.memory_space<vmem>> -> memref<1x64x128xf32, #tpu.memory_space<vmem>>
      %gather3A_475 = tpu.memref_squeeze %gather3A_474 : memref<1x64x128xf32, #tpu.memory_space<vmem>> -> memref<64x128xf32, #tpu.memory_space<vmem>>
      %gather3A_476 = tpu.vector_load_idx %gather3A_475[%add3A_464, %add3A_426] : memref<64x128xf32, #tpu.memory_space<vmem>>[vector<16xi32>, vector<16xi32>], vector<16xf32>,
      %mul3A_477 = arith.mulf %gather3A_470, %gather3A_476 : vector<16xf32>
      %swap3A_478 = arith.constant 0 : i32
      %swap3A_479 = arith.index_cast %swap3A_478 : i32 to index
      %swap3A_480 = arith.constant 0 : index
      %swap3A_481 = tpu.vector_load %arg8[%swap3A_479, %swap3A_480] {strides = array<i32>} : memref<16x64xf32, #tpu.memory_space<vmem>>, vector<16xf32>,
      tpu.vector_store %arg8[%swap3A_479, %swap3A_480], %mul3A_477 {strides = array<i32>} : memref<16x64xf32, #tpu.memory_space<vmem>>, vector<16xf32>,
      %add3A_482 = arith.constant 16 : i32
      %add3A_483 = vector.broadcast %add3A_482 : i32 to vector<16xi32>
      %add3A_484 = arith.addi %iota3A, %add3A_483 : vector<16xi32>
      %gather3A_485 = arith.constant 0 : i32
      %gather3A_486 = arith.constant 0 : i32
      %gather3A_487 = arith.constant 0 : i32
      %gather3A_488 = tpu.memref_slice %arg7[%gather3A_485, %gather3A_486, %gather3A_487] : memref<6x64x128xf32, #tpu.memory_space<vmem>> -> memref<1x64x128xf32, #tpu.memory_space<vmem>>
      %gather3A_489 = tpu.memref_squeeze %gather3A_488 : memref<1x64x128xf32, #tpu.memory_space<vmem>> -> memref<64x128xf32, #tpu.memory_space<vmem>>
      %gather3A_490 = tpu.vector_load_idx %gather3A_489[%add3A_484, %add3A_392] : memref<64x128xf32, #tpu.memory_space<vmem>>[vector<16xi32>, vector<16xi32>], vector<16xf32>,
      %gather3A_491 = arith.constant 1 : i32
      %gather3A_492 = arith.constant 0 : i32
      %gather3A_493 = arith.constant 0 : i32
      %gather3A_494 = tpu.memref_slice %arg7[%gather3A_491, %gather3A_492, %gather3A_493] : memref<6x64x128xf32, #tpu.memory_space<vmem>> -> memref<1x64x128xf32, #tpu.memory_space<vmem>>
      %gather3A_495 = tpu.memref_squeeze %gather3A_494 : memref<1x64x128xf32, #tpu.memory_space<vmem>> -> memref<64x128xf32, #tpu.memory_space<vmem>>
      %gather3A_496 = tpu.vector_load_idx %gather3A_495[%add3A_484, %add3A_426] : memref<64x128xf32, #tpu.memory_space<vmem>>[vector<16xi32>, vector<16xi32>], vector<16xf32>,
      %mul3A_497 = arith.mulf %gather3A_490, %gather3A_496 : vector<16xf32>
      %swap3A_498 = arith.constant 0 : i32
      %swap3A_499 = arith.index_cast %swap3A_498 : i32 to index
      %swap3A_500 = arith.constant 16 : index
      %swap3A_501 = tpu.vector_load %arg8[%swap3A_499, %swap3A_500] {strides = array<i32>} : memref<16x64xf32, #tpu.memory_space<vmem>>, vector<16xf32>,
      tpu.vector_store %arg8[%swap3A_499, %swap3A_500], %mul3A_497 {strides = array<i32>} : memref<16x64xf32, #tpu.memory_space<vmem>>, vector<16xf32>,
      %add3A_502 = arith.constant 32 : i32
      %add3A_503 = vector.broadcast %add3A_502 : i32 to vector<16xi32>
      %add3A_504 = arith.addi %iota3A, %add3A_503 : vector<16xi32>
      %gather3A_505 = arith.constant 0 : i32
      %gather3A_506 = arith.constant 0 : i32
      %gather3A_507 = arith.constant 0 : i32
      %gather3A_508 = tpu.memref_slice %arg7[%gather3A_505, %gather3A_506, %gather3A_507] : memref<6x64x128xf32, #tpu.memory_space<vmem>> -> memref<1x64x128xf32, #tpu.memory_space<vmem>>
      %gather3A_509 = tpu.memref_squeeze %gather3A_508 : memref<1x64x128xf32, #tpu.memory_space<vmem>> -> memref<64x128xf32, #tpu.memory_space<vmem>>
      %gather3A_510 = tpu.vector_load_idx %gather3A_509[%add3A_504, %add3A_392] : memref<64x128xf32, #tpu.memory_space<vmem>>[vector<16xi32>, vector<16xi32>], vector<16xf32>,
      %gather3A_511 = arith.constant 1 : i32
      %gather3A_512 = arith.constant 0 : i32
      %gather3A_513 = arith.constant 0 : i32
      %gather3A_514 = tpu.memref_slice %arg7[%gather3A_511, %gather3A_512, %gather3A_513] : memref<6x64x128xf32, #tpu.memory_space<vmem>> -> memref<1x64x128xf32, #tpu.memory_space<vmem>>
      %gather3A_515 = tpu.memref_squeeze %gather3A_514 : memref<1x64x128xf32, #tpu.memory_space<vmem>> -> memref<64x128xf32, #tpu.memory_space<vmem>>
      %gather3A_516 = tpu.vector_load_idx %gather3A_515[%add3A_504, %add3A_426] : memref<64x128xf32, #tpu.memory_space<vmem>>[vector<16xi32>, vector<16xi32>], vector<16xf32>,
      %mul3A_517 = arith.mulf %gather3A_510, %gather3A_516 : vector<16xf32>
      %swap3A_518 = arith.constant 0 : i32
      %swap3A_519 = arith.index_cast %swap3A_518 : i32 to index
      %swap3A_520 = arith.constant 32 : index
      %swap3A_521 = tpu.vector_load %arg8[%swap3A_519, %swap3A_520] {strides = array<i32>} : memref<16x64xf32, #tpu.memory_space<vmem>>, vector<16xf32>,
      tpu.vector_store %arg8[%swap3A_519, %swap3A_520], %mul3A_517 {strides = array<i32>} : memref<16x64xf32, #tpu.memory_space<vmem>>, vector<16xf32>,
      %add3A_522 = arith.constant 48 : i32
      %add3A_523 = vector.broadcast %add3A_522 : i32 to vector<16xi32>
      %add3A_524 = arith.addi %iota3A, %add3A_523 : vector<16xi32>
      %gather3A_525 = arith.constant 0 : i32
      %gather3A_526 = arith.constant 0 : i32
      %gather3A_527 = arith.constant 0 : i32
      %gather3A_528 = tpu.memref_slice %arg7[%gather3A_525, %gather3A_526, %gather3A_527] : memref<6x64x128xf32, #tpu.memory_space<vmem>> -> memref<1x64x128xf32, #tpu.memory_space<vmem>>
      %gather3A_529 = tpu.memref_squeeze %gather3A_528 : memref<1x64x128xf32, #tpu.memory_space<vmem>> -> memref<64x128xf32, #tpu.memory_space<vmem>>
      %gather3A_530 = tpu.vector_load_idx %gather3A_529[%add3A_524, %add3A_392] : memref<64x128xf32, #tpu.memory_space<vmem>>[vector<16xi32>, vector<16xi32>], vector<16xf32>,
      %gather3A_531 = arith.constant 1 : i32
      %gather3A_532 = arith.constant 0 : i32
      %gather3A_533 = arith.constant 0 : i32
      %gather3A_534 = tpu.memref_slice %arg7[%gather3A_531, %gather3A_532, %gather3A_533] : memref<6x64x128xf32, #tpu.memory_space<vmem>> -> memref<1x64x128xf32, #tpu.memory_space<vmem>>
      %gather3A_535 = tpu.memref_squeeze %gather3A_534 : memref<1x64x128xf32, #tpu.memory_space<vmem>> -> memref<64x128xf32, #tpu.memory_space<vmem>>
      %gather3A_536 = tpu.vector_load_idx %gather3A_535[%add3A_524, %add3A_426] : memref<64x128xf32, #tpu.memory_space<vmem>>[vector<16xi32>, vector<16xi32>], vector<16xf32>,
      %mul3A_537 = arith.mulf %gather3A_530, %gather3A_536 : vector<16xf32>
      %swap3A_538 = arith.constant 0 : i32
      %swap3A_539 = arith.index_cast %swap3A_538 : i32 to index
      %swap3A_540 = arith.constant 48 : index
      %swap3A_541 = tpu.vector_load %arg8[%swap3A_539, %swap3A_540] {strides = array<i32>} : memref<16x64xf32, #tpu.memory_space<vmem>>, vector<16xf32>,
      tpu.vector_store %arg8[%swap3A_539, %swap3A_540], %mul3A_537 {strides = array<i32>} : memref<16x64xf32, #tpu.memory_space<vmem>>, vector<16xf32>,
      %gt3A_542 = arith.constant 3 : i32
      %gt3A_543 = arith.cmpi sgt, %select_n3A, %gt3A_542 : i32
      %convert_element_type3A_544 = arith.extui %gt3A_543 : i1 to i32
      %cond3A_545 = arith.constant 0 : i32
      %cond3A_546 = arith.cmpi ne, %convert_element_type3A_544, %cond3A_545 : i32
      scf.if %cond3A_546 {
        %get3A_552 = arith.constant 0 : i32
        %get3A_553 = arith.index_cast %get3A_552 : i32 to index
        %get3A_554 = arith.constant 0 : index
        %get3A_555 = tpu.vector_load %arg6[%get3A_553, %get3A_554] {strides = array<i32>} : memref<2x16xi32, #tpu.memory_space<vmem>>, vector<16xi32>,
        %eq3A_556 = arith.constant 3 : i32
        %eq3A_557 = vector.broadcast %eq3A_556 : i32 to vector<16xi32>
        %eq3A_558 = arith.cmpi eq, %iota3A, %eq3A_557 : vector<16xi32>
        %jit3A_559 = arith.constant 0 : i32
        %broadcast_in_dim3A_560 = vector.broadcast %jit3A_559 : i32 to vector<16xi32>
        %select_n3A_561 = arith.select %eq3A_558, %get3A_555, %broadcast_in_dim3A_560 : vector<16xi1>, vector<16xi32>
        %reduce_sum3A_562 = arith.constant true
        %reduce_sum3A_563 = vector.broadcast %reduce_sum3A_562 : i1 to vector<16xi1>
        %reduce_sum3A_564 = tpu.scan <sum>, %select_n3A_561 masked %reduce_sum3A_563 : vector<16xi32>, vector<16xi1> -> vector<16xi32>
        %reduce_sum3A_565 = vector.extract %reduce_sum3A_564[15] : i32 from vector<16xi32>
        %jit3A_566 = arith.constant 128 : i32
        %div3A_567 = arith.divsi %reduce_sum3A_565, %jit3A_566 : i32
        %sign3A_568 = arith.constant 0 : i32
        %sign3A_569 = arith.cmpi sgt, %reduce_sum3A_565, %sign3A_568 : i32
        %sign3A_570 = arith.extui %sign3A_569 : i1 to i32
        %sign3A_571 = arith.constant 0 : i32
        %sign3A_572 = arith.cmpi slt, %reduce_sum3A_565, %sign3A_571 : i32
        %sign3A_573 = arith.extui %sign3A_572 : i1 to i32
        %sign3A_574 = arith.subi %sign3A_570, %sign3A_573 : i32
        %sign3A_575 = arith.constant 0 : i32
        %sign3A_576 = arith.cmpi sgt, %jit3A_566, %sign3A_575 : i32
        %sign3A_577 = arith.extui %sign3A_576 : i1 to i32
        %sign3A_578 = arith.constant 0 : i32
        %sign3A_579 = arith.cmpi slt, %jit3A_566, %sign3A_578 : i32
        %sign3A_580 = arith.extui %sign3A_579 : i1 to i32
        %sign3A_581 = arith.subi %sign3A_577, %sign3A_580 : i32
        %ne3A_582 = arith.cmpi ne, %sign3A_574, %sign3A_581 : i32
        %rem3A_583 = arith.remsi %reduce_sum3A_565, %jit3A_566 : i32
        %ne3A_584 = arith.constant 0 : i32
        %ne3A_585 = arith.cmpi ne, %rem3A_583, %ne3A_584 : i32
        %and3A_586 = arith.andi %ne3A_582, %ne3A_585 : i1
        %sub3A_587 = arith.constant 1 : i32
        %sub3A_588 = arith.subi %div3A_567, %sub3A_587 : i32
        %select_n3A_589 = arith.select %and3A_586, %sub3A_588, %div3A_567 : i32
        %mul3A_590 = arith.constant 128 : i32
        %mul3A_591 = arith.muli %select_n3A_589, %mul3A_590 : i32
        %multiple_of3A_592 = tpu.assume_multiple %mul3A_591, 128 : i32
        %dma_start3A = arith.constant 0 : i32
        %dma_start3A_593 = arith.constant 0 : i32
        %dma_start3A_594 = arith.constant 0 : i32
        %dma_start3A_595 = arith.constant 0 : i32
        %dma_start3A_596 = tpu.memref_slice %arg7[%dma_start3A, %dma_start3A_594, %dma_start3A_595] : memref<6x64x128xf32, #tpu.memory_space<vmem>> -> memref<1x64x128xf32, #tpu.memory_space<vmem>>
        %dma_start3A_597 = tpu.memref_squeeze %dma_start3A_596 : memref<1x64x128xf32, #tpu.memory_space<vmem>> -> memref<64x128xf32, #tpu.memory_space<vmem>>
        %dma_start3A_598 = arith.constant 0 : i32
        %dma_start3A_599 = tpu.memref_slice %arg3[%dma_start3A_598, %multiple_of3A_592] : memref<64x2600000xf32, #tpu.memory_space<hbm>> -> memref<64x128xf32, #tpu.memory_space<hbm>>
        %dma_start3A_600 = tpu.memref_slice %arg9[%dma_start3A_593] : memref<6x!tpu.dma_semaphore, #tpu.memory_space<semaphore_mem>> -> memref<1x!tpu.dma_semaphore, #tpu.memory_space<semaphore_mem>>
        %dma_start3A_601 = tpu.memref_squeeze %dma_start3A_600 : memref<1x!tpu.dma_semaphore, #tpu.memory_space<semaphore_mem>> -> memref<!tpu.dma_semaphore, #tpu.memory_space<semaphore_mem>>
        %dma_start3A_602 = arith.constant 0 : i32
        %dma_start3A_603 = arith.constant 0 : i32
        %dma_start3A_604 = tpu.memref_slice %arg7[%dma_start3A, %dma_start3A_602, %dma_start3A_603] : memref<6x64x128xf32, #tpu.memory_space<vmem>> -> memref<1x64x128xf32, #tpu.memory_space<vmem>>
        %dma_start3A_605 = tpu.memref_squeeze %dma_start3A_604 : memref<1x64x128xf32, #tpu.memory_space<vmem>> -> memref<64x128xf32, #tpu.memory_space<vmem>>
        %dma_start3A_606 = arith.constant 0 : i32
        %dma_start3A_607 = tpu.memref_slice %arg3[%dma_start3A_606, %multiple_of3A_592] : memref<64x2600000xf32, #tpu.memory_space<hbm>> -> memref<64x128xf32, #tpu.memory_space<hbm>>
        tpu.enqueue_dma source(%dma_start3A_607 : memref<64x128xf32, #tpu.memory_space<hbm>>) target(%dma_start3A_605 : memref<64x128xf32, #tpu.memory_space<vmem>>) target_semaphore(%dma_start3A_601 : memref<!tpu.dma_semaphore, #tpu.memory_space<semaphore_mem>>)
      } else {
      }
      %gt3A_547 = arith.constant 3 : i32
      %gt3A_548 = arith.cmpi sgt, %select_n3A, %gt3A_547 : i32
      %convert_element_type3A_549 = arith.extui %gt3A_548 : i1 to i32
      %cond3A_550 = arith.constant 0 : i32
      %cond3A_551 = arith.cmpi ne, %convert_element_type3A_549, %cond3A_550 : i32
      scf.if %cond3A_551 {
        %get3A_552 = arith.constant 1 : i32
        %get3A_553 = arith.index_cast %get3A_552 : i32 to index
        %get3A_554 = arith.constant 0 : index
        %get3A_555 = tpu.vector_load %arg6[%get3A_553, %get3A_554] {strides = array<i32>} : memref<2x16xi32, #tpu.memory_space<vmem>>, vector<16xi32>,
        %eq3A_556 = arith.constant 3 : i32
        %eq3A_557 = vector.broadcast %eq3A_556 : i32 to vector<16xi32>
        %eq3A_558 = arith.cmpi eq, %iota3A, %eq3A_557 : vector<16xi32>
        %jit3A_559 = arith.constant 0 : i32
        %broadcast_in_dim3A_560 = vector.broadcast %jit3A_559 : i32 to vector<16xi32>
        %select_n3A_561 = arith.select %eq3A_558, %get3A_555, %broadcast_in_dim3A_560 : vector<16xi1>, vector<16xi32>
        %reduce_sum3A_562 = arith.constant true
        %reduce_sum3A_563 = vector.broadcast %reduce_sum3A_562 : i1 to vector<16xi1>
        %reduce_sum3A_564 = tpu.scan <sum>, %select_n3A_561 masked %reduce_sum3A_563 : vector<16xi32>, vector<16xi1> -> vector<16xi32>
        %reduce_sum3A_565 = vector.extract %reduce_sum3A_564[15] : i32 from vector<16xi32>
        %jit3A_566 = arith.constant 128 : i32
        %div3A_567 = arith.divsi %reduce_sum3A_565, %jit3A_566 : i32
        %sign3A_568 = arith.constant 0 : i32
        %sign3A_569 = arith.cmpi sgt, %reduce_sum3A_565, %sign3A_568 : i32
        %sign3A_570 = arith.extui %sign3A_569 : i1 to i32
        %sign3A_571 = arith.constant 0 : i32
        %sign3A_572 = arith.cmpi slt, %reduce_sum3A_565, %sign3A_571 : i32
        %sign3A_573 = arith.extui %sign3A_572 : i1 to i32
        %sign3A_574 = arith.subi %sign3A_570, %sign3A_573 : i32
        %sign3A_575 = arith.constant 0 : i32
        %sign3A_576 = arith.cmpi sgt, %jit3A_566, %sign3A_575 : i32
        %sign3A_577 = arith.extui %sign3A_576 : i1 to i32
        %sign3A_578 = arith.constant 0 : i32
        %sign3A_579 = arith.cmpi slt, %jit3A_566, %sign3A_578 : i32
        %sign3A_580 = arith.extui %sign3A_579 : i1 to i32
        %sign3A_581 = arith.subi %sign3A_577, %sign3A_580 : i32
        %ne3A_582 = arith.cmpi ne, %sign3A_574, %sign3A_581 : i32
        %rem3A_583 = arith.remsi %reduce_sum3A_565, %jit3A_566 : i32
        %ne3A_584 = arith.constant 0 : i32
        %ne3A_585 = arith.cmpi ne, %rem3A_583, %ne3A_584 : i32
        %and3A_586 = arith.andi %ne3A_582, %ne3A_585 : i1
        %sub3A_587 = arith.constant 1 : i32
        %sub3A_588 = arith.subi %div3A_567, %sub3A_587 : i32
        %select_n3A_589 = arith.select %and3A_586, %sub3A_588, %div3A_567 : i32
        %mul3A_590 = arith.constant 128 : i32
        %mul3A_591 = arith.muli %select_n3A_589, %mul3A_590 : i32
        %multiple_of3A_592 = tpu.assume_multiple %mul3A_591, 128 : i32
        %dma_start3A = arith.constant 1 : i32
        %dma_start3A_593 = arith.constant 1 : i32
        %dma_start3A_594 = arith.constant 0 : i32
        %dma_start3A_595 = arith.constant 0 : i32
        %dma_start3A_596 = tpu.memref_slice %arg7[%dma_start3A, %dma_start3A_594, %dma_start3A_595] : memref<6x64x128xf32, #tpu.memory_space<vmem>> -> memref<1x64x128xf32, #tpu.memory_space<vmem>>
        %dma_start3A_597 = tpu.memref_squeeze %dma_start3A_596 : memref<1x64x128xf32, #tpu.memory_space<vmem>> -> memref<64x128xf32, #tpu.memory_space<vmem>>
        %dma_start3A_598 = arith.constant 0 : i32
        %dma_start3A_599 = tpu.memref_slice %arg3[%dma_start3A_598, %multiple_of3A_592] : memref<64x2600000xf32, #tpu.memory_space<hbm>> -> memref<64x128xf32, #tpu.memory_space<hbm>>
        %dma_start3A_600 = tpu.memref_slice %arg9[%dma_start3A_593] : memref<6x!tpu.dma_semaphore, #tpu.memory_space<semaphore_mem>> -> memref<1x!tpu.dma_semaphore, #tpu.memory_space<semaphore_mem>>
        %dma_start3A_601 = tpu.memref_squeeze %dma_start3A_600 : memref<1x!tpu.dma_semaphore, #tpu.memory_space<semaphore_mem>> -> memref<!tpu.dma_semaphore, #tpu.memory_space<semaphore_mem>>
        %dma_start3A_602 = arith.constant 0 : i32
        %dma_start3A_603 = arith.constant 0 : i32
        %dma_start3A_604 = tpu.memref_slice %arg7[%dma_start3A, %dma_start3A_602, %dma_start3A_603] : memref<6x64x128xf32, #tpu.memory_space<vmem>> -> memref<1x64x128xf32, #tpu.memory_space<vmem>>
        %dma_start3A_605 = tpu.memref_squeeze %dma_start3A_604 : memref<1x64x128xf32, #tpu.memory_space<vmem>> -> memref<64x128xf32, #tpu.memory_space<vmem>>
        %dma_start3A_606 = arith.constant 0 : i32
        %dma_start3A_607 = tpu.memref_slice %arg3[%dma_start3A_606, %multiple_of3A_592] : memref<64x2600000xf32, #tpu.memory_space<hbm>> -> memref<64x128xf32, #tpu.memory_space<hbm>>
        tpu.enqueue_dma source(%dma_start3A_607 : memref<64x128xf32, #tpu.memory_space<hbm>>) target(%dma_start3A_605 : memref<64x128xf32, #tpu.memory_space<vmem>>) target_semaphore(%dma_start3A_601 : memref<!tpu.dma_semaphore, #tpu.memory_space<semaphore_mem>>)
      } else {
      }
    } else {
    }
    %gt3A_310 = arith.constant 1 : i32
    %gt3A_311 = arith.cmpi sgt, %select_n3A, %gt3A_310 : i32
    %convert_element_type3A_312 = arith.extui %gt3A_311 : i1 to i32
    %cond3A_313 = arith.constant 0 : i32
    %cond3A_314 = arith.cmpi ne, %convert_element_type3A_312, %cond3A_313 : i32
    scf.if %cond3A_314 {
      %broadcast_in_dim3A_362 = arith.constant 0 : i32
      %broadcast_in_dim3A_363 = vector.broadcast %broadcast_in_dim3A_362 : i32 to vector<16xi32>
      %get3A = arith.constant 0 : i32
      %get3A_364 = arith.index_cast %get3A : i32 to index
      %get3A_365 = arith.constant 0 : index
      %get3A_366 = tpu.vector_load %arg6[%get3A_364, %get3A_365] {strides = array<i32>} : memref<2x16xi32, #tpu.memory_space<vmem>>, vector<16xi32>,
      %eq3A = arith.constant 1 : i32
      %eq3A_367 = vector.broadcast %eq3A : i32 to vector<16xi32>
      %eq3A_368 = arith.cmpi eq, %iota3A, %eq3A_367 : vector<16xi32>
      %jit3A_369 = arith.constant 0 : i32
      %broadcast_in_dim3A_370 = vector.broadcast %jit3A_369 : i32 to vector<16xi32>
      %select_n3A_371 = arith.select %eq3A_368, %get3A_366, %broadcast_in_dim3A_370 : vector<16xi1>, vector<16xi32>
      %reduce_sum3A = arith.constant true
      %reduce_sum3A_372 = vector.broadcast %reduce_sum3A : i1 to vector<16xi1>
      %reduce_sum3A_373 = tpu.scan <sum>, %select_n3A_371 masked %reduce_sum3A_372 : vector<16xi32>, vector<16xi1> -> vector<16xi32>
      %reduce_sum3A_374 = vector.extract %reduce_sum3A_373[15] : i32 from vector<16xi32>
      %jit3A_375 = arith.constant 128 : i32
      %eq3A_376 = arith.constant 0 : i32
      %eq3A_377 = arith.cmpi eq, %jit3A_375, %eq3A_376 : i32
      %jit3A_378 = arith.constant 1 : i32
      %select_n3A_379 = arith.select %eq3A_377, %jit3A_378, %jit3A_375 : i32
      %rem3A_380 = arith.remsi %reduce_sum3A_374, %select_n3A_379 : i32
      %ne3A_381 = arith.constant 0 : i32
      %ne3A_382 = arith.cmpi ne, %rem3A_380, %ne3A_381 : i32
      %lt3A_383 = arith.constant 0 : i32
      %lt3A_384 = arith.cmpi slt, %rem3A_380, %lt3A_383 : i32
      %lt3A_385 = arith.constant 0 : i32
      %lt3A_386 = arith.cmpi slt, %select_n3A_379, %lt3A_385 : i32
      %ne3A_387 = arith.xori %lt3A_384, %lt3A_386 : i1
      %and3A_388 = arith.andi %ne3A_387, %ne3A_382 : i1
      %add3A_389 = arith.addi %rem3A_380, %select_n3A_379 : i32
      %select_n3A_390 = arith.select %and3A_388, %add3A_389, %rem3A_380 : i32
      %add3A_391 = vector.broadcast %select_n3A_390 : i32 to vector<16xi32>
      %add3A_392 = arith.addi %broadcast_in_dim3A_363, %add3A_391 : vector<16xi32>
      %broadcast_in_dim3A_393 = arith.constant 0 : i32
      %broadcast_in_dim3A_394 = vector.broadcast %broadcast_in_dim3A_393 : i32 to vector<16xi32>
      %get3A_395 = arith.constant 1 : i32
      %get3A_396 = arith.index_cast %get3A_395 : i32 to index
      %get3A_397 = arith.constant 0 : index
      %get3A_398 = tpu.vector_load %arg6[%get3A_396, %get3A_397] {strides = array<i32>} : memref<2x16xi32, #tpu.memory_space<vmem>>, vector<16xi32>,
      %eq3A_399 = arith.constant 1 : i32
      %eq3A_400 = vector.broadcast %eq3A_399 : i32 to vector<16xi32>
      %eq3A_401 = arith.cmpi eq, %iota3A, %eq3A_400 : vector<16xi32>
      %jit3A_402 = arith.constant 0 : i32
      %broadcast_in_dim3A_403 = vector.broadcast %jit3A_402 : i32 to vector<16xi32>
      %select_n3A_404 = arith.select %eq3A_401, %get3A_398, %broadcast_in_dim3A_403 : vector<16xi1>, vector<16xi32>
      %reduce_sum3A_405 = arith.constant true
      %reduce_sum3A_406 = vector.broadcast %reduce_sum3A_405 : i1 to vector<16xi1>
      %reduce_sum3A_407 = tpu.scan <sum>, %select_n3A_404 masked %reduce_sum3A_406 : vector<16xi32>, vector<16xi1> -> vector<16xi32>
      %reduce_sum3A_408 = vector.extract %reduce_sum3A_407[15] : i32 from vector<16xi32>
      %jit3A_409 = arith.constant 128 : i32
      %eq3A_410 = arith.constant 0 : i32
      %eq3A_411 = arith.cmpi eq, %jit3A_409, %eq3A_410 : i32
      %jit3A_412 = arith.constant 1 : i32
      %select_n3A_413 = arith.select %eq3A_411, %jit3A_412, %jit3A_409 : i32
      %rem3A_414 = arith.remsi %reduce_sum3A_408, %select_n3A_413 : i32
      %ne3A_415 = arith.constant 0 : i32
      %ne3A_416 = arith.cmpi ne, %rem3A_414, %ne3A_415 : i32
      %lt3A_417 = arith.constant 0 : i32
      %lt3A_418 = arith.cmpi slt, %rem3A_414, %lt3A_417 : i32
      %lt3A_419 = arith.constant 0 : i32
      %lt3A_420 = arith.cmpi slt, %select_n3A_413, %lt3A_419 : i32
      %ne3A_421 = arith.xori %lt3A_418, %lt3A_420 : i1
      %and3A_422 = arith.andi %ne3A_421, %ne3A_416 : i1
      %add3A_423 = arith.addi %rem3A_414, %select_n3A_413 : i32
      %select_n3A_424 = arith.select %and3A_422, %add3A_423, %rem3A_414 : i32
      %add3A_425 = vector.broadcast %select_n3A_424 : i32 to vector<16xi32>
      %add3A_426 = arith.addi %broadcast_in_dim3A_394, %add3A_425 : vector<16xi32>
      %dma_wait3A = arith.constant 2 : i32
      %dma_wait3A_427 = arith.constant 2 : i32
      %dma_wait3A_428 = arith.constant 0 : i32
      %dma_wait3A_429 = arith.constant 0 : i32
      %dma_wait3A_430 = tpu.memref_slice %arg7[%dma_wait3A, %dma_wait3A_428, %dma_wait3A_429] : memref<6x64x128xf32, #tpu.memory_space<vmem>> -> memref<1x64x128xf32, #tpu.memory_space<vmem>>
      %dma_wait3A_431 = tpu.memref_squeeze %dma_wait3A_430 : memref<1x64x128xf32, #tpu.memory_space<vmem>> -> memref<64x128xf32, #tpu.memory_space<vmem>>
      %dma_wait3A_432 = arith.constant 0 : i32
      %dma_wait3A_433 = arith.constant 0 : i32
      %dma_wait3A_434 = tpu.memref_slice %arg3[%dma_wait3A_432, %dma_wait3A_433] : memref<64x2600000xf32, #tpu.memory_space<hbm>> -> memref<64x128xf32, #tpu.memory_space<hbm>>
      %dma_wait3A_435 = tpu.memref_slice %arg9[%dma_wait3A_427] : memref<6x!tpu.dma_semaphore, #tpu.memory_space<semaphore_mem>> -> memref<1x!tpu.dma_semaphore, #tpu.memory_space<semaphore_mem>>
      %dma_wait3A_436 = tpu.memref_squeeze %dma_wait3A_435 : memref<1x!tpu.dma_semaphore, #tpu.memory_space<semaphore_mem>> -> memref<!tpu.dma_semaphore, #tpu.memory_space<semaphore_mem>>
      %dma_wait3A_437 = arith.constant 0 : i32
      %dma_wait3A_438 = arith.constant 0 : i32
      %dma_wait3A_439 = tpu.memref_slice %arg7[%dma_wait3A, %dma_wait3A_437, %dma_wait3A_438] : memref<6x64x128xf32, #tpu.memory_space<vmem>> -> memref<1x64x128xf32, #tpu.memory_space<vmem>>
      %dma_wait3A_440 = tpu.memref_squeeze %dma_wait3A_439 : memref<1x64x128xf32, #tpu.memory_space<vmem>> -> memref<64x128xf32, #tpu.memory_space<vmem>>
      %dma_wait3A_441 = arith.constant 0 : i32
      %dma_wait3A_442 = arith.constant 0 : i32
      %dma_wait3A_443 = tpu.memref_slice %arg3[%dma_wait3A_441, %dma_wait3A_442] : memref<64x2600000xf32, #tpu.memory_space<hbm>> -> memref<64x128xf32, #tpu.memory_space<hbm>>
      tpu.wait_dma2 semaphore(%dma_wait3A_436 : memref<!tpu.dma_semaphore, #tpu.memory_space<semaphore_mem>>) src(%dma_wait3A_443 : memref<64x128xf32, #tpu.memory_space<hbm>>) dst(%dma_wait3A_440 : memref<64x128xf32, #tpu.memory_space<vmem>>)
      %dma_wait3A_444 = arith.constant 3 : i32
      %dma_wait3A_445 = arith.constant 3 : i32
      %dma_wait3A_446 = arith.constant 0 : i32
      %dma_wait3A_447 = arith.constant 0 : i32
      %dma_wait3A_448 = tpu.memref_slice %arg7[%dma_wait3A_444, %dma_wait3A_446, %dma_wait3A_447] : memref<6x64x128xf32, #tpu.memory_space<vmem>> -> memref<1x64x128xf32, #tpu.memory_space<vmem>>
      %dma_wait3A_449 = tpu.memref_squeeze %dma_wait3A_448 : memref<1x64x128xf32, #tpu.memory_space<vmem>> -> memref<64x128xf32, #tpu.memory_space<vmem>>
      %dma_wait3A_450 = arith.constant 0 : i32
      %dma_wait3A_451 = arith.constant 0 : i32
      %dma_wait3A_452 = tpu.memref_slice %arg3[%dma_wait3A_450, %dma_wait3A_451] : memref<64x2600000xf32, #tpu.memory_space<hbm>> -> memref<64x128xf32, #tpu.memory_space<hbm>>
      %dma_wait3A_453 = tpu.memref_slice %arg9[%dma_wait3A_445] : memref<6x!tpu.dma_semaphore, #tpu.memory_space<semaphore_mem>> -> memref<1x!tpu.dma_semaphore, #tpu.memory_space<semaphore_mem>>
      %dma_wait3A_454 = tpu.memref_squeeze %dma_wait3A_453 : memref<1x!tpu.dma_semaphore, #tpu.memory_space<semaphore_mem>> -> memref<!tpu.dma_semaphore, #tpu.memory_space<semaphore_mem>>
      %dma_wait3A_455 = arith.constant 0 : i32
      %dma_wait3A_456 = arith.constant 0 : i32
      %dma_wait3A_457 = tpu.memref_slice %arg7[%dma_wait3A_444, %dma_wait3A_455, %dma_wait3A_456] : memref<6x64x128xf32, #tpu.memory_space<vmem>> -> memref<1x64x128xf32, #tpu.memory_space<vmem>>
      %dma_wait3A_458 = tpu.memref_squeeze %dma_wait3A_457 : memref<1x64x128xf32, #tpu.memory_space<vmem>> -> memref<64x128xf32, #tpu.memory_space<vmem>>
      %dma_wait3A_459 = arith.constant 0 : i32
      %dma_wait3A_460 = arith.constant 0 : i32
      %dma_wait3A_461 = tpu.memref_slice %arg3[%dma_wait3A_459, %dma_wait3A_460] : memref<64x2600000xf32, #tpu.memory_space<hbm>> -> memref<64x128xf32, #tpu.memory_space<hbm>>
      tpu.wait_dma2 semaphore(%dma_wait3A_454 : memref<!tpu.dma_semaphore, #tpu.memory_space<semaphore_mem>>) src(%dma_wait3A_461 : memref<64x128xf32, #tpu.memory_space<hbm>>) dst(%dma_wait3A_458 : memref<64x128xf32, #tpu.memory_space<vmem>>)
      %add3A_462 = arith.constant 0 : i32
      %add3A_463 = vector.broadcast %add3A_462 : i32 to vector<16xi32>
      %add3A_464 = arith.addi %iota3A, %add3A_463 : vector<16xi32>
      %gather3A_465 = arith.constant 2 : i32
      %gather3A_466 = arith.constant 0 : i32
      %gather3A_467 = arith.constant 0 : i32
      %gather3A_468 = tpu.memref_slice %arg7[%gather3A_465, %gather3A_466, %gather3A_467] : memref<6x64x128xf32, #tpu.memory_space<vmem>> -> memref<1x64x128xf32, #tpu.memory_space<vmem>>
      %gather3A_469 = tpu.memref_squeeze %gather3A_468 : memref<1x64x128xf32, #tpu.memory_space<vmem>> -> memref<64x128xf32, #tpu.memory_space<vmem>>
      %gather3A_470 = tpu.vector_load_idx %gather3A_469[%add3A_464, %add3A_392] : memref<64x128xf32, #tpu.memory_space<vmem>>[vector<16xi32>, vector<16xi32>], vector<16xf32>,
      %gather3A_471 = arith.constant 3 : i32
      %gather3A_472 = arith.constant 0 : i32
      %gather3A_473 = arith.constant 0 : i32
      %gather3A_474 = tpu.memref_slice %arg7[%gather3A_471, %gather3A_472, %gather3A_473] : memref<6x64x128xf32, #tpu.memory_space<vmem>> -> memref<1x64x128xf32, #tpu.memory_space<vmem>>
      %gather3A_475 = tpu.memref_squeeze %gather3A_474 : memref<1x64x128xf32, #tpu.memory_space<vmem>> -> memref<64x128xf32, #tpu.memory_space<vmem>>
      %gather3A_476 = tpu.vector_load_idx %gather3A_475[%add3A_464, %add3A_426] : memref<64x128xf32, #tpu.memory_space<vmem>>[vector<16xi32>, vector<16xi32>], vector<16xf32>,
      %mul3A_477 = arith.mulf %gather3A_470, %gather3A_476 : vector<16xf32>
      %swap3A_478 = arith.constant 1 : i32
      %swap3A_479 = arith.index_cast %swap3A_478 : i32 to index
      %swap3A_480 = arith.constant 0 : index
      %swap3A_481 = tpu.vector_load %arg8[%swap3A_479, %swap3A_480] {strides = array<i32>} : memref<16x64xf32, #tpu.memory_space<vmem>>, vector<16xf32>,
      tpu.vector_store %arg8[%swap3A_479, %swap3A_480], %mul3A_477 {strides = array<i32>} : memref<16x64xf32, #tpu.memory_space<vmem>>, vector<16xf32>,
      %add3A_482 = arith.constant 16 : i32
      %add3A_483 = vector.broadcast %add3A_482 : i32 to vector<16xi32>
      %add3A_484 = arith.addi %iota3A, %add3A_483 : vector<16xi32>
      %gather3A_485 = arith.constant 2 : i32
      %gather3A_486 = arith.constant 0 : i32
      %gather3A_487 = arith.constant 0 : i32
      %gather3A_488 = tpu.memref_slice %arg7[%gather3A_485, %gather3A_486, %gather3A_487] : memref<6x64x128xf32, #tpu.memory_space<vmem>> -> memref<1x64x128xf32, #tpu.memory_space<vmem>>
      %gather3A_489 = tpu.memref_squeeze %gather3A_488 : memref<1x64x128xf32, #tpu.memory_space<vmem>> -> memref<64x128xf32, #tpu.memory_space<vmem>>
      %gather3A_490 = tpu.vector_load_idx %gather3A_489[%add3A_484, %add3A_392] : memref<64x128xf32, #tpu.memory_space<vmem>>[vector<16xi32>, vector<16xi32>], vector<16xf32>,
      %gather3A_491 = arith.constant 3 : i32
      %gather3A_492 = arith.constant 0 : i32
      %gather3A_493 = arith.constant 0 : i32
      %gather3A_494 = tpu.memref_slice %arg7[%gather3A_491, %gather3A_492, %gather3A_493] : memref<6x64x128xf32, #tpu.memory_space<vmem>> -> memref<1x64x128xf32, #tpu.memory_space<vmem>>
      %gather3A_495 = tpu.memref_squeeze %gather3A_494 : memref<1x64x128xf32, #tpu.memory_space<vmem>> -> memref<64x128xf32, #tpu.memory_space<vmem>>
      %gather3A_496 = tpu.vector_load_idx %gather3A_495[%add3A_484, %add3A_426] : memref<64x128xf32, #tpu.memory_space<vmem>>[vector<16xi32>, vector<16xi32>], vector<16xf32>,
      %mul3A_497 = arith.mulf %gather3A_490, %gather3A_496 : vector<16xf32>
      %swap3A_498 = arith.constant 1 : i32
      %swap3A_499 = arith.index_cast %swap3A_498 : i32 to index
      %swap3A_500 = arith.constant 16 : index
      %swap3A_501 = tpu.vector_load %arg8[%swap3A_499, %swap3A_500] {strides = array<i32>} : memref<16x64xf32, #tpu.memory_space<vmem>>, vector<16xf32>,
      tpu.vector_store %arg8[%swap3A_499, %swap3A_500], %mul3A_497 {strides = array<i32>} : memref<16x64xf32, #tpu.memory_space<vmem>>, vector<16xf32>,
      %add3A_502 = arith.constant 32 : i32
      %add3A_503 = vector.broadcast %add3A_502 : i32 to vector<16xi32>
      %add3A_504 = arith.addi %iota3A, %add3A_503 : vector<16xi32>
      %gather3A_505 = arith.constant 2 : i32
      %gather3A_506 = arith.constant 0 : i32
      %gather3A_507 = arith.constant 0 : i32
      %gather3A_508 = tpu.memref_slice %arg7[%gather3A_505, %gather3A_506, %gather3A_507] : memref<6x64x128xf32, #tpu.memory_space<vmem>> -> memref<1x64x128xf32, #tpu.memory_space<vmem>>
      %gather3A_509 = tpu.memref_squeeze %gather3A_508 : memref<1x64x128xf32, #tpu.memory_space<vmem>> -> memref<64x128xf32, #tpu.memory_space<vmem>>
      %gather3A_510 = tpu.vector_load_idx %gather3A_509[%add3A_504, %add3A_392] : memref<64x128xf32, #tpu.memory_space<vmem>>[vector<16xi32>, vector<16xi32>], vector<16xf32>,
      %gather3A_511 = arith.constant 3 : i32
      %gather3A_512 = arith.constant 0 : i32
      %gather3A_513 = arith.constant 0 : i32
      %gather3A_514 = tpu.memref_slice %arg7[%gather3A_511, %gather3A_512, %gather3A_513] : memref<6x64x128xf32, #tpu.memory_space<vmem>> -> memref<1x64x128xf32, #tpu.memory_space<vmem>>
      %gather3A_515 = tpu.memref_squeeze %gather3A_514 : memref<1x64x128xf32, #tpu.memory_space<vmem>> -> memref<64x128xf32, #tpu.memory_space<vmem>>
      %gather3A_516 = tpu.vector_load_idx %gather3A_515[%add3A_504, %add3A_426] : memref<64x128xf32, #tpu.memory_space<vmem>>[vector<16xi32>, vector<16xi32>], vector<16xf32>,
      %mul3A_517 = arith.mulf %gather3A_510, %gather3A_516 : vector<16xf32>
      %swap3A_518 = arith.constant 1 : i32
      %swap3A_519 = arith.index_cast %swap3A_518 : i32 to index
      %swap3A_520 = arith.constant 32 : index
      %swap3A_521 = tpu.vector_load %arg8[%swap3A_519, %swap3A_520] {strides = array<i32>} : memref<16x64xf32, #tpu.memory_space<vmem>>, vector<16xf32>,
      tpu.vector_store %arg8[%swap3A_519, %swap3A_520], %mul3A_517 {strides = array<i32>} : memref<16x64xf32, #tpu.memory_space<vmem>>, vector<16xf32>,
      %add3A_522 = arith.constant 48 : i32
      %add3A_523 = vector.broadcast %add3A_522 : i32 to vector<16xi32>
      %add3A_524 = arith.addi %iota3A, %add3A_523 : vector<16xi32>
      %gather3A_525 = arith.constant 2 : i32
      %gather3A_526 = arith.constant 0 : i32
      %gather3A_527 = arith.constant 0 : i32
      %gather3A_528 = tpu.memref_slice %arg7[%gather3A_525, %gather3A_526, %gather3A_527] : memref<6x64x128xf32, #tpu.memory_space<vmem>> -> memref<1x64x128xf32, #tpu.memory_space<vmem>>
      %gather3A_529 = tpu.memref_squeeze %gather3A_528 : memref<1x64x128xf32, #tpu.memory_space<vmem>> -> memref<64x128xf32, #tpu.memory_space<vmem>>
      %gather3A_530 = tpu.vector_load_idx %gather3A_529[%add3A_524, %add3A_392] : memref<64x128xf32, #tpu.memory_space<vmem>>[vector<16xi32>, vector<16xi32>], vector<16xf32>,
      %gather3A_531 = arith.constant 3 : i32
      %gather3A_532 = arith.constant 0 : i32
      %gather3A_533 = arith.constant 0 : i32
      %gather3A_534 = tpu.memref_slice %arg7[%gather3A_531, %gather3A_532, %gather3A_533] : memref<6x64x128xf32, #tpu.memory_space<vmem>> -> memref<1x64x128xf32, #tpu.memory_space<vmem>>
      %gather3A_535 = tpu.memref_squeeze %gather3A_534 : memref<1x64x128xf32, #tpu.memory_space<vmem>> -> memref<64x128xf32, #tpu.memory_space<vmem>>
      %gather3A_536 = tpu.vector_load_idx %gather3A_535[%add3A_524, %add3A_426] : memref<64x128xf32, #tpu.memory_space<vmem>>[vector<16xi32>, vector<16xi32>], vector<16xf32>,
      %mul3A_537 = arith.mulf %gather3A_530, %gather3A_536 : vector<16xf32>
      %swap3A_538 = arith.constant 1 : i32
      %swap3A_539 = arith.index_cast %swap3A_538 : i32 to index
      %swap3A_540 = arith.constant 48 : index
      %swap3A_541 = tpu.vector_load %arg8[%swap3A_539, %swap3A_540] {strides = array<i32>} : memref<16x64xf32, #tpu.memory_space<vmem>>, vector<16xf32>,
      tpu.vector_store %arg8[%swap3A_539, %swap3A_540], %mul3A_537 {strides = array<i32>} : memref<16x64xf32, #tpu.memory_space<vmem>>, vector<16xf32>,
      %gt3A_542 = arith.constant 4 : i32
      %gt3A_543 = arith.cmpi sgt, %select_n3A, %gt3A_542 : i32
      %convert_element_type3A_544 = arith.extui %gt3A_543 : i1 to i32
      %cond3A_545 = arith.constant 0 : i32
      %cond3A_546 = arith.cmpi ne, %convert_element_type3A_544, %cond3A_545 : i32
      scf.if %cond3A_546 {
        %get3A_552 = arith.constant 0 : i32
        %get3A_553 = arith.index_cast %get3A_552 : i32 to index
        %get3A_554 = arith.constant 0 : index
        %get3A_555 = tpu.vector_load %arg6[%get3A_553, %get3A_554] {strides = array<i32>} : memref<2x16xi32, #tpu.memory_space<vmem>>, vector<16xi32>,
        %eq3A_556 = arith.constant 4 : i32
        %eq3A_557 = vector.broadcast %eq3A_556 : i32 to vector<16xi32>
        %eq3A_558 = arith.cmpi eq, %iota3A, %eq3A_557 : vector<16xi32>
        %jit3A_559 = arith.constant 0 : i32
        %broadcast_in_dim3A_560 = vector.broadcast %jit3A_559 : i32 to vector<16xi32>
        %select_n3A_561 = arith.select %eq3A_558, %get3A_555, %broadcast_in_dim3A_560 : vector<16xi1>, vector<16xi32>
        %reduce_sum3A_562 = arith.constant true
        %reduce_sum3A_563 = vector.broadcast %reduce_sum3A_562 : i1 to vector<16xi1>
        %reduce_sum3A_564 = tpu.scan <sum>, %select_n3A_561 masked %reduce_sum3A_563 : vector<16xi32>, vector<16xi1> -> vector<16xi32>
        %reduce_sum3A_565 = vector.extract %reduce_sum3A_564[15] : i32 from vector<16xi32>
        %jit3A_566 = arith.constant 128 : i32
        %div3A_567 = arith.divsi %reduce_sum3A_565, %jit3A_566 : i32
        %sign3A_568 = arith.constant 0 : i32
        %sign3A_569 = arith.cmpi sgt, %reduce_sum3A_565, %sign3A_568 : i32
        %sign3A_570 = arith.extui %sign3A_569 : i1 to i32
        %sign3A_571 = arith.constant 0 : i32
        %sign3A_572 = arith.cmpi slt, %reduce_sum3A_565, %sign3A_571 : i32
        %sign3A_573 = arith.extui %sign3A_572 : i1 to i32
        %sign3A_574 = arith.subi %sign3A_570, %sign3A_573 : i32
        %sign3A_575 = arith.constant 0 : i32
        %sign3A_576 = arith.cmpi sgt, %jit3A_566, %sign3A_575 : i32
        %sign3A_577 = arith.extui %sign3A_576 : i1 to i32
        %sign3A_578 = arith.constant 0 : i32
        %sign3A_579 = arith.cmpi slt, %jit3A_566, %sign3A_578 : i32
        %sign3A_580 = arith.extui %sign3A_579 : i1 to i32
        %sign3A_581 = arith.subi %sign3A_577, %sign3A_580 : i32
        %ne3A_582 = arith.cmpi ne, %sign3A_574, %sign3A_581 : i32
        %rem3A_583 = arith.remsi %reduce_sum3A_565, %jit3A_566 : i32
        %ne3A_584 = arith.constant 0 : i32
        %ne3A_585 = arith.cmpi ne, %rem3A_583, %ne3A_584 : i32
        %and3A_586 = arith.andi %ne3A_582, %ne3A_585 : i1
        %sub3A_587 = arith.constant 1 : i32
        %sub3A_588 = arith.subi %div3A_567, %sub3A_587 : i32
        %select_n3A_589 = arith.select %and3A_586, %sub3A_588, %div3A_567 : i32
        %mul3A_590 = arith.constant 128 : i32
        %mul3A_591 = arith.muli %select_n3A_589, %mul3A_590 : i32
        %multiple_of3A_592 = tpu.assume_multiple %mul3A_591, 128 : i32
        %dma_start3A = arith.constant 2 : i32
        %dma_start3A_593 = arith.constant 2 : i32
        %dma_start3A_594 = arith.constant 0 : i32
        %dma_start3A_595 = arith.constant 0 : i32
        %dma_start3A_596 = tpu.memref_slice %arg7[%dma_start3A, %dma_start3A_594, %dma_start3A_595] : memref<6x64x128xf32, #tpu.memory_space<vmem>> -> memref<1x64x128xf32, #tpu.memory_space<vmem>>
        %dma_start3A_597 = tpu.memref_squeeze %dma_start3A_596 : memref<1x64x128xf32, #tpu.memory_space<vmem>> -> memref<64x128xf32, #tpu.memory_space<vmem>>
        %dma_start3A_598 = arith.constant 0 : i32
        %dma_start3A_599 = tpu.memref_slice %arg3[%dma_start3A_598, %multiple_of3A_592] : memref<64x2600000xf32, #tpu.memory_space<hbm>> -> memref<64x128xf32, #tpu.memory_space<hbm>>
        %dma_start3A_600 = tpu.memref_slice %arg9[%dma_start3A_593] : memref<6x!tpu.dma_semaphore, #tpu.memory_space<semaphore_mem>> -> memref<1x!tpu.dma_semaphore, #tpu.memory_space<semaphore_mem>>
        %dma_start3A_601 = tpu.memref_squeeze %dma_start3A_600 : memref<1x!tpu.dma_semaphore, #tpu.memory_space<semaphore_mem>> -> memref<!tpu.dma_semaphore, #tpu.memory_space<semaphore_mem>>
        %dma_start3A_602 = arith.constant 0 : i32
        %dma_start3A_603 = arith.constant 0 : i32
        %dma_start3A_604 = tpu.memref_slice %arg7[%dma_start3A, %dma_start3A_602, %dma_start3A_603] : memref<6x64x128xf32, #tpu.memory_space<vmem>> -> memref<1x64x128xf32, #tpu.memory_space<vmem>>
        %dma_start3A_605 = tpu.memref_squeeze %dma_start3A_604 : memref<1x64x128xf32, #tpu.memory_space<vmem>> -> memref<64x128xf32, #tpu.memory_space<vmem>>
        %dma_start3A_606 = arith.constant 0 : i32
        %dma_start3A_607 = tpu.memref_slice %arg3[%dma_start3A_606, %multiple_of3A_592] : memref<64x2600000xf32, #tpu.memory_space<hbm>> -> memref<64x128xf32, #tpu.memory_space<hbm>>
        tpu.enqueue_dma source(%dma_start3A_607 : memref<64x128xf32, #tpu.memory_space<hbm>>) target(%dma_start3A_605 : memref<64x128xf32, #tpu.memory_space<vmem>>) target_semaphore(%dma_start3A_601 : memref<!tpu.dma_semaphore, #tpu.memory_space<semaphore_mem>>)
      } else {
      }
      %gt3A_547 = arith.constant 4 : i32
      %gt3A_548 = arith.cmpi sgt, %select_n3A, %gt3A_547 : i32
      %convert_element_type3A_549 = arith.extui %gt3A_548 : i1 to i32
      %cond3A_550 = arith.constant 0 : i32
      %cond3A_551 = arith.cmpi ne, %convert_element_type3A_549, %cond3A_550 : i32
      scf.if %cond3A_551 {
        %get3A_552 = arith.constant 1 : i32
        %get3A_553 = arith.index_cast %get3A_552 : i32 to index
        %get3A_554 = arith.constant 0 : index
        %get3A_555 = tpu.vector_load %arg6[%get3A_553, %get3A_554] {strides = array<i32>} : memref<2x16xi32, #tpu.memory_space<vmem>>, vector<16xi32>,
        %eq3A_556 = arith.constant 4 : i32
        %eq3A_557 = vector.broadcast %eq3A_556 : i32 to vector<16xi32>
        %eq3A_558 = arith.cmpi eq, %iota3A, %eq3A_557 : vector<16xi32>
        %jit3A_559 = arith.constant 0 : i32
        %broadcast_in_dim3A_560 = vector.broadcast %jit3A_559 : i32 to vector<16xi32>
        %select_n3A_561 = arith.select %eq3A_558, %get3A_555, %broadcast_in_dim3A_560 : vector<16xi1>, vector<16xi32>
        %reduce_sum3A_562 = arith.constant true
        %reduce_sum3A_563 = vector.broadcast %reduce_sum3A_562 : i1 to vector<16xi1>
        %reduce_sum3A_564 = tpu.scan <sum>, %select_n3A_561 masked %reduce_sum3A_563 : vector<16xi32>, vector<16xi1> -> vector<16xi32>
        %reduce_sum3A_565 = vector.extract %reduce_sum3A_564[15] : i32 from vector<16xi32>
        %jit3A_566 = arith.constant 128 : i32
        %div3A_567 = arith.divsi %reduce_sum3A_565, %jit3A_566 : i32
        %sign3A_568 = arith.constant 0 : i32
        %sign3A_569 = arith.cmpi sgt, %reduce_sum3A_565, %sign3A_568 : i32
        %sign3A_570 = arith.extui %sign3A_569 : i1 to i32
        %sign3A_571 = arith.constant 0 : i32
        %sign3A_572 = arith.cmpi slt, %reduce_sum3A_565, %sign3A_571 : i32
        %sign3A_573 = arith.extui %sign3A_572 : i1 to i32
        %sign3A_574 = arith.subi %sign3A_570, %sign3A_573 : i32
        %sign3A_575 = arith.constant 0 : i32
        %sign3A_576 = arith.cmpi sgt, %jit3A_566, %sign3A_575 : i32
        %sign3A_577 = arith.extui %sign3A_576 : i1 to i32
        %sign3A_578 = arith.constant 0 : i32
        %sign3A_579 = arith.cmpi slt, %jit3A_566, %sign3A_578 : i32
        %sign3A_580 = arith.extui %sign3A_579 : i1 to i32
        %sign3A_581 = arith.subi %sign3A_577, %sign3A_580 : i32
        %ne3A_582 = arith.cmpi ne, %sign3A_574, %sign3A_581 : i32
        %rem3A_583 = arith.remsi %reduce_sum3A_565, %jit3A_566 : i32
        %ne3A_584 = arith.constant 0 : i32
        %ne3A_585 = arith.cmpi ne, %rem3A_583, %ne3A_584 : i32
        %and3A_586 = arith.andi %ne3A_582, %ne3A_585 : i1
        %sub3A_587 = arith.constant 1 : i32
        %sub3A_588 = arith.subi %div3A_567, %sub3A_587 : i32
        %select_n3A_589 = arith.select %and3A_586, %sub3A_588, %div3A_567 : i32
        %mul3A_590 = arith.constant 128 : i32
        %mul3A_591 = arith.muli %select_n3A_589, %mul3A_590 : i32
        %multiple_of3A_592 = tpu.assume_multiple %mul3A_591, 128 : i32
        %dma_start3A = arith.constant 3 : i32
        %dma_start3A_593 = arith.constant 3 : i32
        %dma_start3A_594 = arith.constant 0 : i32
        %dma_start3A_595 = arith.constant 0 : i32
        %dma_start3A_596 = tpu.memref_slice %arg7[%dma_start3A, %dma_start3A_594, %dma_start3A_595] : memref<6x64x128xf32, #tpu.memory_space<vmem>> -> memref<1x64x128xf32, #tpu.memory_space<vmem>>
        %dma_start3A_597 = tpu.memref_squeeze %dma_start3A_596 : memref<1x64x128xf32, #tpu.memory_space<vmem>> -> memref<64x128xf32, #tpu.memory_space<vmem>>
        %dma_start3A_598 = arith.constant 0 : i32
        %dma_start3A_599 = tpu.memref_slice %arg3[%dma_start3A_598, %multiple_of3A_592] : memref<64x2600000xf32, #tpu.memory_space<hbm>> -> memref<64x128xf32, #tpu.memory_space<hbm>>
        %dma_start3A_600 = tpu.memref_slice %arg9[%dma_start3A_593] : memref<6x!tpu.dma_semaphore, #tpu.memory_space<semaphore_mem>> -> memref<1x!tpu.dma_semaphore, #tpu.memory_space<semaphore_mem>>
        %dma_start3A_601 = tpu.memref_squeeze %dma_start3A_600 : memref<1x!tpu.dma_semaphore, #tpu.memory_space<semaphore_mem>> -> memref<!tpu.dma_semaphore, #tpu.memory_space<semaphore_mem>>
        %dma_start3A_602 = arith.constant 0 : i32
        %dma_start3A_603 = arith.constant 0 : i32
        %dma_start3A_604 = tpu.memref_slice %arg7[%dma_start3A, %dma_start3A_602, %dma_start3A_603] : memref<6x64x128xf32, #tpu.memory_space<vmem>> -> memref<1x64x128xf32, #tpu.memory_space<vmem>>
        %dma_start3A_605 = tpu.memref_squeeze %dma_start3A_604 : memref<1x64x128xf32, #tpu.memory_space<vmem>> -> memref<64x128xf32, #tpu.memory_space<vmem>>
        %dma_start3A_606 = arith.constant 0 : i32
        %dma_start3A_607 = tpu.memref_slice %arg3[%dma_start3A_606, %multiple_of3A_592] : memref<64x2600000xf32, #tpu.memory_space<hbm>> -> memref<64x128xf32, #tpu.memory_space<hbm>>
        tpu.enqueue_dma source(%dma_start3A_607 : memref<64x128xf32, #tpu.memory_space<hbm>>) target(%dma_start3A_605 : memref<64x128xf32, #tpu.memory_space<vmem>>) target_semaphore(%dma_start3A_601 : memref<!tpu.dma_semaphore, #tpu.memory_space<semaphore_mem>>)
      } else {
      }
    } else {
    }
    %gt3A_315 = arith.constant 2 : i32
    %gt3A_316 = arith.cmpi sgt, %select_n3A, %gt3A_315 : i32
    %convert_element_type3A_317 = arith.extui %gt3A_316 : i1 to i32
    %cond3A_318 = arith.constant 0 : i32
    %cond3A_319 = arith.cmpi ne, %convert_element_type3A_317, %cond3A_318 : i32
    scf.if %cond3A_319 {
      %broadcast_in_dim3A_362 = arith.constant 0 : i32
      %broadcast_in_dim3A_363 = vector.broadcast %broadcast_in_dim3A_362 : i32 to vector<16xi32>
      %get3A = arith.constant 0 : i32
      %get3A_364 = arith.index_cast %get3A : i32 to index
      %get3A_365 = arith.constant 0 : index
      %get3A_366 = tpu.vector_load %arg6[%get3A_364, %get3A_365] {strides = array<i32>} : memref<2x16xi32, #tpu.memory_space<vmem>>, vector<16xi32>,
      %eq3A = arith.constant 2 : i32
      %eq3A_367 = vector.broadcast %eq3A : i32 to vector<16xi32>
      %eq3A_368 = arith.cmpi eq, %iota3A, %eq3A_367 : vector<16xi32>
      %jit3A_369 = arith.constant 0 : i32
      %broadcast_in_dim3A_370 = vector.broadcast %jit3A_369 : i32 to vector<16xi32>
      %select_n3A_371 = arith.select %eq3A_368, %get3A_366, %broadcast_in_dim3A_370 : vector<16xi1>, vector<16xi32>
      %reduce_sum3A = arith.constant true
      %reduce_sum3A_372 = vector.broadcast %reduce_sum3A : i1 to vector<16xi1>
      %reduce_sum3A_373 = tpu.scan <sum>, %select_n3A_371 masked %reduce_sum3A_372 : vector<16xi32>, vector<16xi1> -> vector<16xi32>
      %reduce_sum3A_374 = vector.extract %reduce_sum3A_373[15] : i32 from vector<16xi32>
      %jit3A_375 = arith.constant 128 : i32
      %eq3A_376 = arith.constant 0 : i32
      %eq3A_377 = arith.cmpi eq, %jit3A_375, %eq3A_376 : i32
      %jit3A_378 = arith.constant 1 : i32
      %select_n3A_379 = arith.select %eq3A_377, %jit3A_378, %jit3A_375 : i32
      %rem3A_380 = arith.remsi %reduce_sum3A_374, %select_n3A_379 : i32
      %ne3A_381 = arith.constant 0 : i32
      %ne3A_382 = arith.cmpi ne, %rem3A_380, %ne3A_381 : i32
      %lt3A_383 = arith.constant 0 : i32
      %lt3A_384 = arith.cmpi slt, %rem3A_380, %lt3A_383 : i32
      %lt3A_385 = arith.constant 0 : i32
      %lt3A_386 = arith.cmpi slt, %select_n3A_379, %lt3A_385 : i32
      %ne3A_387 = arith.xori %lt3A_384, %lt3A_386 : i1
      %and3A_388 = arith.andi %ne3A_387, %ne3A_382 : i1
      %add3A_389 = arith.addi %rem3A_380, %select_n3A_379 : i32
      %select_n3A_390 = arith.select %and3A_388, %add3A_389, %rem3A_380 : i32
      %add3A_391 = vector.broadcast %select_n3A_390 : i32 to vector<16xi32>
      %add3A_392 = arith.addi %broadcast_in_dim3A_363, %add3A_391 : vector<16xi32>
      %broadcast_in_dim3A_393 = arith.constant 0 : i32
      %broadcast_in_dim3A_394 = vector.broadcast %broadcast_in_dim3A_393 : i32 to vector<16xi32>
      %get3A_395 = arith.constant 1 : i32
      %get3A_396 = arith.index_cast %get3A_395 : i32 to index
      %get3A_397 = arith.constant 0 : index
      %get3A_398 = tpu.vector_load %arg6[%get3A_396, %get3A_397] {strides = array<i32>} : memref<2x16xi32, #tpu.memory_space<vmem>>, vector<16xi32>,
      %eq3A_399 = arith.constant 2 : i32
      %eq3A_400 = vector.broadcast %eq3A_399 : i32 to vector<16xi32>
      %eq3A_401 = arith.cmpi eq, %iota3A, %eq3A_400 : vector<16xi32>
      %jit3A_402 = arith.constant 0 : i32
      %broadcast_in_dim3A_403 = vector.broadcast %jit3A_402 : i32 to vector<16xi32>
      %select_n3A_404 = arith.select %eq3A_401, %get3A_398, %broadcast_in_dim3A_403 : vector<16xi1>, vector<16xi32>
      %reduce_sum3A_405 = arith.constant true
      %reduce_sum3A_406 = vector.broadcast %reduce_sum3A_405 : i1 to vector<16xi1>
      %reduce_sum3A_407 = tpu.scan <sum>, %select_n3A_404 masked %reduce_sum3A_406 : vector<16xi32>, vector<16xi1> -> vector<16xi32>
      %reduce_sum3A_408 = vector.extract %reduce_sum3A_407[15] : i32 from vector<16xi32>
      %jit3A_409 = arith.constant 128 : i32
      %eq3A_410 = arith.constant 0 : i32
      %eq3A_411 = arith.cmpi eq, %jit3A_409, %eq3A_410 : i32
      %jit3A_412 = arith.constant 1 : i32
      %select_n3A_413 = arith.select %eq3A_411, %jit3A_412, %jit3A_409 : i32
      %rem3A_414 = arith.remsi %reduce_sum3A_408, %select_n3A_413 : i32
      %ne3A_415 = arith.constant 0 : i32
      %ne3A_416 = arith.cmpi ne, %rem3A_414, %ne3A_415 : i32
      %lt3A_417 = arith.constant 0 : i32
      %lt3A_418 = arith.cmpi slt, %rem3A_414, %lt3A_417 : i32
      %lt3A_419 = arith.constant 0 : i32
      %lt3A_420 = arith.cmpi slt, %select_n3A_413, %lt3A_419 : i32
      %ne3A_421 = arith.xori %lt3A_418, %lt3A_420 : i1
      %and3A_422 = arith.andi %ne3A_421, %ne3A_416 : i1
      %add3A_423 = arith.addi %rem3A_414, %select_n3A_413 : i32
      %select_n3A_424 = arith.select %and3A_422, %add3A_423, %rem3A_414 : i32
      %add3A_425 = vector.broadcast %select_n3A_424 : i32 to vector<16xi32>
      %add3A_426 = arith.addi %broadcast_in_dim3A_394, %add3A_425 : vector<16xi32>
      %dma_wait3A = arith.constant 4 : i32
      %dma_wait3A_427 = arith.constant 4 : i32
      %dma_wait3A_428 = arith.constant 0 : i32
      %dma_wait3A_429 = arith.constant 0 : i32
      %dma_wait3A_430 = tpu.memref_slice %arg7[%dma_wait3A, %dma_wait3A_428, %dma_wait3A_429] : memref<6x64x128xf32, #tpu.memory_space<vmem>> -> memref<1x64x128xf32, #tpu.memory_space<vmem>>
      %dma_wait3A_431 = tpu.memref_squeeze %dma_wait3A_430 : memref<1x64x128xf32, #tpu.memory_space<vmem>> -> memref<64x128xf32, #tpu.memory_space<vmem>>
      %dma_wait3A_432 = arith.constant 0 : i32
      %dma_wait3A_433 = arith.constant 0 : i32
      %dma_wait3A_434 = tpu.memref_slice %arg3[%dma_wait3A_432, %dma_wait3A_433] : memref<64x2600000xf32, #tpu.memory_space<hbm>> -> memref<64x128xf32, #tpu.memory_space<hbm>>
      %dma_wait3A_435 = tpu.memref_slice %arg9[%dma_wait3A_427] : memref<6x!tpu.dma_semaphore, #tpu.memory_space<semaphore_mem>> -> memref<1x!tpu.dma_semaphore, #tpu.memory_space<semaphore_mem>>
      %dma_wait3A_436 = tpu.memref_squeeze %dma_wait3A_435 : memref<1x!tpu.dma_semaphore, #tpu.memory_space<semaphore_mem>> -> memref<!tpu.dma_semaphore, #tpu.memory_space<semaphore_mem>>
      %dma_wait3A_437 = arith.constant 0 : i32
      %dma_wait3A_438 = arith.constant 0 : i32
      %dma_wait3A_439 = tpu.memref_slice %arg7[%dma_wait3A, %dma_wait3A_437, %dma_wait3A_438] : memref<6x64x128xf32, #tpu.memory_space<vmem>> -> memref<1x64x128xf32, #tpu.memory_space<vmem>>
      %dma_wait3A_440 = tpu.memref_squeeze %dma_wait3A_439 : memref<1x64x128xf32, #tpu.memory_space<vmem>> -> memref<64x128xf32, #tpu.memory_space<vmem>>
      %dma_wait3A_441 = arith.constant 0 : i32
      %dma_wait3A_442 = arith.constant 0 : i32
      %dma_wait3A_443 = tpu.memref_slice %arg3[%dma_wait3A_441, %dma_wait3A_442] : memref<64x2600000xf32, #tpu.memory_space<hbm>> -> memref<64x128xf32, #tpu.memory_space<hbm>>
      tpu.wait_dma2 semaphore(%dma_wait3A_436 : memref<!tpu.dma_semaphore, #tpu.memory_space<semaphore_mem>>) src(%dma_wait3A_443 : memref<64x128xf32, #tpu.memory_space<hbm>>) dst(%dma_wait3A_440 : memref<64x128xf32, #tpu.memory_space<vmem>>)
      %dma_wait3A_444 = arith.constant 5 : i32
      %dma_wait3A_445 = arith.constant 5 : i32
      %dma_wait3A_446 = arith.constant 0 : i32
      %dma_wait3A_447 = arith.constant 0 : i32
      %dma_wait3A_448 = tpu.memref_slice %arg7[%dma_wait3A_444, %dma_wait3A_446, %dma_wait3A_447] : memref<6x64x128xf32, #tpu.memory_space<vmem>> -> memref<1x64x128xf32, #tpu.memory_space<vmem>>
      %dma_wait3A_449 = tpu.memref_squeeze %dma_wait3A_448 : memref<1x64x128xf32, #tpu.memory_space<vmem>> -> memref<64x128xf32, #tpu.memory_space<vmem>>
      %dma_wait3A_450 = arith.constant 0 : i32
      %dma_wait3A_451 = arith.constant 0 : i32
      %dma_wait3A_452 = tpu.memref_slice %arg3[%dma_wait3A_450, %dma_wait3A_451] : memref<64x2600000xf32, #tpu.memory_space<hbm>> -> memref<64x128xf32, #tpu.memory_space<hbm>>
      %dma_wait3A_453 = tpu.memref_slice %arg9[%dma_wait3A_445] : memref<6x!tpu.dma_semaphore, #tpu.memory_space<semaphore_mem>> -> memref<1x!tpu.dma_semaphore, #tpu.memory_space<semaphore_mem>>
      %dma_wait3A_454 = tpu.memref_squeeze %dma_wait3A_453 : memref<1x!tpu.dma_semaphore, #tpu.memory_space<semaphore_mem>> -> memref<!tpu.dma_semaphore, #tpu.memory_space<semaphore_mem>>
      %dma_wait3A_455 = arith.constant 0 : i32
      %dma_wait3A_456 = arith.constant 0 : i32
      %dma_wait3A_457 = tpu.memref_slice %arg7[%dma_wait3A_444, %dma_wait3A_455, %dma_wait3A_456] : memref<6x64x128xf32, #tpu.memory_space<vmem>> -> memref<1x64x128xf32, #tpu.memory_space<vmem>>
      %dma_wait3A_458 = tpu.memref_squeeze %dma_wait3A_457 : memref<1x64x128xf32, #tpu.memory_space<vmem>> -> memref<64x128xf32, #tpu.memory_space<vmem>>
      %dma_wait3A_459 = arith.constant 0 : i32
      %dma_wait3A_460 = arith.constant 0 : i32
      %dma_wait3A_461 = tpu.memref_slice %arg3[%dma_wait3A_459, %dma_wait3A_460] : memref<64x2600000xf32, #tpu.memory_space<hbm>> -> memref<64x128xf32, #tpu.memory_space<hbm>>
      tpu.wait_dma2 semaphore(%dma_wait3A_454 : memref<!tpu.dma_semaphore, #tpu.memory_space<semaphore_mem>>) src(%dma_wait3A_461 : memref<64x128xf32, #tpu.memory_space<hbm>>) dst(%dma_wait3A_458 : memref<64x128xf32, #tpu.memory_space<vmem>>)
      %add3A_462 = arith.constant 0 : i32
      %add3A_463 = vector.broadcast %add3A_462 : i32 to vector<16xi32>
      %add3A_464 = arith.addi %iota3A, %add3A_463 : vector<16xi32>
      %gather3A_465 = arith.constant 4 : i32
      %gather3A_466 = arith.constant 0 : i32
      %gather3A_467 = arith.constant 0 : i32
      %gather3A_468 = tpu.memref_slice %arg7[%gather3A_465, %gather3A_466, %gather3A_467] : memref<6x64x128xf32, #tpu.memory_space<vmem>> -> memref<1x64x128xf32, #tpu.memory_space<vmem>>
      %gather3A_469 = tpu.memref_squeeze %gather3A_468 : memref<1x64x128xf32, #tpu.memory_space<vmem>> -> memref<64x128xf32, #tpu.memory_space<vmem>>
      %gather3A_470 = tpu.vector_load_idx %gather3A_469[%add3A_464, %add3A_392] : memref<64x128xf32, #tpu.memory_space<vmem>>[vector<16xi32>, vector<16xi32>], vector<16xf32>,
      %gather3A_471 = arith.constant 5 : i32
      %gather3A_472 = arith.constant 0 : i32
      %gather3A_473 = arith.constant 0 : i32
      %gather3A_474 = tpu.memref_slice %arg7[%gather3A_471, %gather3A_472, %gather3A_473] : memref<6x64x128xf32, #tpu.memory_space<vmem>> -> memref<1x64x128xf32, #tpu.memory_space<vmem>>
      %gather3A_475 = tpu.memref_squeeze %gather3A_474 : memref<1x64x128xf32, #tpu.memory_space<vmem>> -> memref<64x128xf32, #tpu.memory_space<vmem>>
      %gather3A_476 = tpu.vector_load_idx %gather3A_475[%add3A_464, %add3A_426] : memref<64x128xf32, #tpu.memory_space<vmem>>[vector<16xi32>, vector<16xi32>], vector<16xf32>,
      %mul3A_477 = arith.mulf %gather3A_470, %gather3A_476 : vector<16xf32>
      %swap3A_478 = arith.constant 2 : i32
      %swap3A_479 = arith.index_cast %swap3A_478 : i32 to index
      %swap3A_480 = arith.constant 0 : index
      %swap3A_481 = tpu.vector_load %arg8[%swap3A_479, %swap3A_480] {strides = array<i32>} : memref<16x64xf32, #tpu.memory_space<vmem>>, vector<16xf32>,
      tpu.vector_store %arg8[%swap3A_479, %swap3A_480], %mul3A_477 {strides = array<i32>} : memref<16x64xf32, #tpu.memory_space<vmem>>, vector<16xf32>,
      %add3A_482 = arith.constant 16 : i32
      %add3A_483 = vector.broadcast %add3A_482 : i32 to vector<16xi32>
      %add3A_484 = arith.addi %iota3A, %add3A_483 : vector<16xi32>
      %gather3A_485 = arith.constant 4 : i32
      %gather3A_486 = arith.constant 0 : i32
      %gather3A_487 = arith.constant 0 : i32
      %gather3A_488 = tpu.memref_slice %arg7[%gather3A_485, %gather3A_486, %gather3A_487] : memref<6x64x128xf32, #tpu.memory_space<vmem>> -> memref<1x64x128xf32, #tpu.memory_space<vmem>>
      %gather3A_489 = tpu.memref_squeeze %gather3A_488 : memref<1x64x128xf32, #tpu.memory_space<vmem>> -> memref<64x128xf32, #tpu.memory_space<vmem>>
      %gather3A_490 = tpu.vector_load_idx %gather3A_489[%add3A_484, %add3A_392] : memref<64x128xf32, #tpu.memory_space<vmem>>[vector<16xi32>, vector<16xi32>], vector<16xf32>,
      %gather3A_491 = arith.constant 5 : i32
      %gather3A_492 = arith.constant 0 : i32
      %gather3A_493 = arith.constant 0 : i32
      %gather3A_494 = tpu.memref_slice %arg7[%gather3A_491, %gather3A_492, %gather3A_493] : memref<6x64x128xf32, #tpu.memory_space<vmem>> -> memref<1x64x128xf32, #tpu.memory_space<vmem>>
      %gather3A_495 = tpu.memref_squeeze %gather3A_494 : memref<1x64x128xf32, #tpu.memory_space<vmem>> -> memref<64x128xf32, #tpu.memory_space<vmem>>
      %gather3A_496 = tpu.vector_load_idx %gather3A_495[%add3A_484, %add3A_426] : memref<64x128xf32, #tpu.memory_space<vmem>>[vector<16xi32>, vector<16xi32>], vector<16xf32>,
      %mul3A_497 = arith.mulf %gather3A_490, %gather3A_496 : vector<16xf32>
      %swap3A_498 = arith.constant 2 : i32
      %swap3A_499 = arith.index_cast %swap3A_498 : i32 to index
      %swap3A_500 = arith.constant 16 : index
      %swap3A_501 = tpu.vector_load %arg8[%swap3A_499, %swap3A_500] {strides = array<i32>} : memref<16x64xf32, #tpu.memory_space<vmem>>, vector<16xf32>,
      tpu.vector_store %arg8[%swap3A_499, %swap3A_500], %mul3A_497 {strides = array<i32>} : memref<16x64xf32, #tpu.memory_space<vmem>>, vector<16xf32>,
      %add3A_502 = arith.constant 32 : i32
      %add3A_503 = vector.broadcast %add3A_502 : i32 to vector<16xi32>
      %add3A_504 = arith.addi %iota3A, %add3A_503 : vector<16xi32>
      %gather3A_505 = arith.constant 4 : i32
      %gather3A_506 = arith.constant 0 : i32
      %gather3A_507 = arith.constant 0 : i32
      %gather3A_508 = tpu.memref_slice %arg7[%gather3A_505, %gather3A_506, %gather3A_507] : memref<6x64x128xf32, #tpu.memory_space<vmem>> -> memref<1x64x128xf32, #tpu.memory_space<vmem>>
      %gather3A_509 = tpu.memref_squeeze %gather3A_508 : memref<1x64x128xf32, #tpu.memory_space<vmem>> -> memref<64x128xf32, #tpu.memory_space<vmem>>
      %gather3A_510 = tpu.vector_load_idx %gather3A_509[%add3A_504, %add3A_392] : memref<64x128xf32, #tpu.memory_space<vmem>>[vector<16xi32>, vector<16xi32>], vector<16xf32>,
      %gather3A_511 = arith.constant 5 : i32
      %gather3A_512 = arith.constant 0 : i32
      %gather3A_513 = arith.constant 0 : i32
      %gather3A_514 = tpu.memref_slice %arg7[%gather3A_511, %gather3A_512, %gather3A_513] : memref<6x64x128xf32, #tpu.memory_space<vmem>> -> memref<1x64x128xf32, #tpu.memory_space<vmem>>
      %gather3A_515 = tpu.memref_squeeze %gather3A_514 : memref<1x64x128xf32, #tpu.memory_space<vmem>> -> memref<64x128xf32, #tpu.memory_space<vmem>>
      %gather3A_516 = tpu.vector_load_idx %gather3A_515[%add3A_504, %add3A_426] : memref<64x128xf32, #tpu.memory_space<vmem>>[vector<16xi32>, vector<16xi32>], vector<16xf32>,
      %mul3A_517 = arith.mulf %gather3A_510, %gather3A_516 : vector<16xf32>
      %swap3A_518 = arith.constant 2 : i32
      %swap3A_519 = arith.index_cast %swap3A_518 : i32 to index
      %swap3A_520 = arith.constant 32 : index
      %swap3A_521 = tpu.vector_load %arg8[%swap3A_519, %swap3A_520] {strides = array<i32>} : memref<16x64xf32, #tpu.memory_space<vmem>>, vector<16xf32>,
      tpu.vector_store %arg8[%swap3A_519, %swap3A_520], %mul3A_517 {strides = array<i32>} : memref<16x64xf32, #tpu.memory_space<vmem>>, vector<16xf32>,
      %add3A_522 = arith.constant 48 : i32
      %add3A_523 = vector.broadcast %add3A_522 : i32 to vector<16xi32>
      %add3A_524 = arith.addi %iota3A, %add3A_523 : vector<16xi32>
      %gather3A_525 = arith.constant 4 : i32
      %gather3A_526 = arith.constant 0 : i32
      %gather3A_527 = arith.constant 0 : i32
      %gather3A_528 = tpu.memref_slice %arg7[%gather3A_525, %gather3A_526, %gather3A_527] : memref<6x64x128xf32, #tpu.memory_space<vmem>> -> memref<1x64x128xf32, #tpu.memory_space<vmem>>
      %gather3A_529 = tpu.memref_squeeze %gather3A_528 : memref<1x64x128xf32, #tpu.memory_space<vmem>> -> memref<64x128xf32, #tpu.memory_space<vmem>>
      %gather3A_530 = tpu.vector_load_idx %gather3A_529[%add3A_524, %add3A_392] : memref<64x128xf32, #tpu.memory_space<vmem>>[vector<16xi32>, vector<16xi32>], vector<16xf32>,
      %gather3A_531 = arith.constant 5 : i32
      %gather3A_532 = arith.constant 0 : i32
      %gather3A_533 = arith.constant 0 : i32
      %gather3A_534 = tpu.memref_slice %arg7[%gather3A_531, %gather3A_532, %gather3A_533] : memref<6x64x128xf32, #tpu.memory_space<vmem>> -> memref<1x64x128xf32, #tpu.memory_space<vmem>>
      %gather3A_535 = tpu.memref_squeeze %gather3A_534 : memref<1x64x128xf32, #tpu.memory_space<vmem>> -> memref<64x128xf32, #tpu.memory_space<vmem>>
      %gather3A_536 = tpu.vector_load_idx %gather3A_535[%add3A_524, %add3A_426] : memref<64x128xf32, #tpu.memory_space<vmem>>[vector<16xi32>, vector<16xi32>], vector<16xf32>,
      %mul3A_537 = arith.mulf %gather3A_530, %gather3A_536 : vector<16xf32>
      %swap3A_538 = arith.constant 2 : i32
      %swap3A_539 = arith.index_cast %swap3A_538 : i32 to index
      %swap3A_540 = arith.constant 48 : index
      %swap3A_541 = tpu.vector_load %arg8[%swap3A_539, %swap3A_540] {strides = array<i32>} : memref<16x64xf32, #tpu.memory_space<vmem>>, vector<16xf32>,
      tpu.vector_store %arg8[%swap3A_539, %swap3A_540], %mul3A_537 {strides = array<i32>} : memref<16x64xf32, #tpu.memory_space<vmem>>, vector<16xf32>,
      %gt3A_542 = arith.constant 5 : i32
      %gt3A_543 = arith.cmpi sgt, %select_n3A, %gt3A_542 : i32
      %convert_element_type3A_544 = arith.extui %gt3A_543 : i1 to i32
      %cond3A_545 = arith.constant 0 : i32
      %cond3A_546 = arith.cmpi ne, %convert_element_type3A_544, %cond3A_545 : i32
      scf.if %cond3A_546 {
        %get3A_552 = arith.constant 0 : i32
        %get3A_553 = arith.index_cast %get3A_552 : i32 to index
        %get3A_554 = arith.constant 0 : index
        %get3A_555 = tpu.vector_load %arg6[%get3A_553, %get3A_554] {strides = array<i32>} : memref<2x16xi32, #tpu.memory_space<vmem>>, vector<16xi32>,
        %eq3A_556 = arith.constant 5 : i32
        %eq3A_557 = vector.broadcast %eq3A_556 : i32 to vector<16xi32>
        %eq3A_558 = arith.cmpi eq, %iota3A, %eq3A_557 : vector<16xi32>
        %jit3A_559 = arith.constant 0 : i32
        %broadcast_in_dim3A_560 = vector.broadcast %jit3A_559 : i32 to vector<16xi32>
        %select_n3A_561 = arith.select %eq3A_558, %get3A_555, %broadcast_in_dim3A_560 : vector<16xi1>, vector<16xi32>
        %reduce_sum3A_562 = arith.constant true
        %reduce_sum3A_563 = vector.broadcast %reduce_sum3A_562 : i1 to vector<16xi1>
        %reduce_sum3A_564 = tpu.scan <sum>, %select_n3A_561 masked %reduce_sum3A_563 : vector<16xi32>, vector<16xi1> -> vector<16xi32>
        %reduce_sum3A_565 = vector.extract %reduce_sum3A_564[15] : i32 from vector<16xi32>
        %jit3A_566 = arith.constant 128 : i32
        %div3A_567 = arith.divsi %reduce_sum3A_565, %jit3A_566 : i32
        %sign3A_568 = arith.constant 0 : i32
        %sign3A_569 = arith.cmpi sgt, %reduce_sum3A_565, %sign3A_568 : i32
        %sign3A_570 = arith.extui %sign3A_569 : i1 to i32
        %sign3A_571 = arith.constant 0 : i32
        %sign3A_572 = arith.cmpi slt, %reduce_sum3A_565, %sign3A_571 : i32
        %sign3A_573 = arith.extui %sign3A_572 : i1 to i32
        %sign3A_574 = arith.subi %sign3A_570, %sign3A_573 : i32
        %sign3A_575 = arith.constant 0 : i32
        %sign3A_576 = arith.cmpi sgt, %jit3A_566, %sign3A_575 : i32
        %sign3A_577 = arith.extui %sign3A_576 : i1 to i32
        %sign3A_578 = arith.constant 0 : i32
        %sign3A_579 = arith.cmpi slt, %jit3A_566, %sign3A_578 : i32
        %sign3A_580 = arith.extui %sign3A_579 : i1 to i32
        %sign3A_581 = arith.subi %sign3A_577, %sign3A_580 : i32
        %ne3A_582 = arith.cmpi ne, %sign3A_574, %sign3A_581 : i32
        %rem3A_583 = arith.remsi %reduce_sum3A_565, %jit3A_566 : i32
        %ne3A_584 = arith.constant 0 : i32
        %ne3A_585 = arith.cmpi ne, %rem3A_583, %ne3A_584 : i32
        %and3A_586 = arith.andi %ne3A_582, %ne3A_585 : i1
        %sub3A_587 = arith.constant 1 : i32
        %sub3A_588 = arith.subi %div3A_567, %sub3A_587 : i32
        %select_n3A_589 = arith.select %and3A_586, %sub3A_588, %div3A_567 : i32
        %mul3A_590 = arith.constant 128 : i32
        %mul3A_591 = arith.muli %select_n3A_589, %mul3A_590 : i32
        %multiple_of3A_592 = tpu.assume_multiple %mul3A_591, 128 : i32
        %dma_start3A = arith.constant 4 : i32
        %dma_start3A_593 = arith.constant 4 : i32
        %dma_start3A_594 = arith.constant 0 : i32
        %dma_start3A_595 = arith.constant 0 : i32
        %dma_start3A_596 = tpu.memref_slice %arg7[%dma_start3A, %dma_start3A_594, %dma_start3A_595] : memref<6x64x128xf32, #tpu.memory_space<vmem>> -> memref<1x64x128xf32, #tpu.memory_space<vmem>>
        %dma_start3A_597 = tpu.memref_squeeze %dma_start3A_596 : memref<1x64x128xf32, #tpu.memory_space<vmem>> -> memref<64x128xf32, #tpu.memory_space<vmem>>
        %dma_start3A_598 = arith.constant 0 : i32
        %dma_start3A_599 = tpu.memref_slice %arg3[%dma_start3A_598, %multiple_of3A_592] : memref<64x2600000xf32, #tpu.memory_space<hbm>> -> memref<64x128xf32, #tpu.memory_space<hbm>>
        %dma_start3A_600 = tpu.memref_slice %arg9[%dma_start3A_593] : memref<6x!tpu.dma_semaphore, #tpu.memory_space<semaphore_mem>> -> memref<1x!tpu.dma_semaphore, #tpu.memory_space<semaphore_mem>>
        %dma_start3A_601 = tpu.memref_squeeze %dma_start3A_600 : memref<1x!tpu.dma_semaphore, #tpu.memory_space<semaphore_mem>> -> memref<!tpu.dma_semaphore, #tpu.memory_space<semaphore_mem>>
        %dma_start3A_602 = arith.constant 0 : i32
        %dma_start3A_603 = arith.constant 0 : i32
        %dma_start3A_604 = tpu.memref_slice %arg7[%dma_start3A, %dma_start3A_602, %dma_start3A_603] : memref<6x64x128xf32, #tpu.memory_space<vmem>> -> memref<1x64x128xf32, #tpu.memory_space<vmem>>
        %dma_start3A_605 = tpu.memref_squeeze %dma_start3A_604 : memref<1x64x128xf32, #tpu.memory_space<vmem>> -> memref<64x128xf32, #tpu.memory_space<vmem>>
        %dma_start3A_606 = arith.constant 0 : i32
        %dma_start3A_607 = tpu.memref_slice %arg3[%dma_start3A_606, %multiple_of3A_592] : memref<64x2600000xf32, #tpu.memory_space<hbm>> -> memref<64x128xf32, #tpu.memory_space<hbm>>
        tpu.enqueue_dma source(%dma_start3A_607 : memref<64x128xf32, #tpu.memory_space<hbm>>) target(%dma_start3A_605 : memref<64x128xf32, #tpu.memory_space<vmem>>) target_semaphore(%dma_start3A_601 : memref<!tpu.dma_semaphore, #tpu.memory_space<semaphore_mem>>)
      } else {
      }
      %gt3A_547 = arith.constant 5 : i32
      %gt3A_548 = arith.cmpi sgt, %select_n3A, %gt3A_547 : i32
      %convert_element_type3A_549 = arith.extui %gt3A_548 : i1 to i32
      %cond3A_550 = arith.constant 0 : i32
      %cond3A_551 = arith.cmpi ne, %convert_element_type3A_549, %cond3A_550 : i32
      scf.if %cond3A_551 {
        %get3A_552 = arith.constant 1 : i32
        %get3A_553 = arith.index_cast %get3A_552 : i32 to index
        %get3A_554 = arith.constant 0 : index
        %get3A_555 = tpu.vector_load %arg6[%get3A_553, %get3A_554] {strides = array<i32>} : memref<2x16xi32, #tpu.memory_space<vmem>>, vector<16xi32>,
        %eq3A_556 = arith.constant 5 : i32
        %eq3A_557 = vector.broadcast %eq3A_556 : i32 to vector<16xi32>
        %eq3A_558 = arith.cmpi eq, %iota3A, %eq3A_557 : vector<16xi32>
        %jit3A_559 = arith.constant 0 : i32
        %broadcast_in_dim3A_560 = vector.broadcast %jit3A_559 : i32 to vector<16xi32>
        %select_n3A_561 = arith.select %eq3A_558, %get3A_555, %broadcast_in_dim3A_560 : vector<16xi1>, vector<16xi32>
        %reduce_sum3A_562 = arith.constant true
        %reduce_sum3A_563 = vector.broadcast %reduce_sum3A_562 : i1 to vector<16xi1>
        %reduce_sum3A_564 = tpu.scan <sum>, %select_n3A_561 masked %reduce_sum3A_563 : vector<16xi32>, vector<16xi1> -> vector<16xi32>
        %reduce_sum3A_565 = vector.extract %reduce_sum3A_564[15] : i32 from vector<16xi32>
        %jit3A_566 = arith.constant 128 : i32
        %div3A_567 = arith.divsi %reduce_sum3A_565, %jit3A_566 : i32
        %sign3A_568 = arith.constant 0 : i32
        %sign3A_569 = arith.cmpi sgt, %reduce_sum3A_565, %sign3A_568 : i32
        %sign3A_570 = arith.extui %sign3A_569 : i1 to i32
        %sign3A_571 = arith.constant 0 : i32
        %sign3A_572 = arith.cmpi slt, %reduce_sum3A_565, %sign3A_571 : i32
        %sign3A_573 = arith.extui %sign3A_572 : i1 to i32
        %sign3A_574 = arith.subi %sign3A_570, %sign3A_573 : i32
        %sign3A_575 = arith.constant 0 : i32
        %sign3A_576 = arith.cmpi sgt, %jit3A_566, %sign3A_575 : i32
        %sign3A_577 = arith.extui %sign3A_576 : i1 to i32
        %sign3A_578 = arith.constant 0 : i32
        %sign3A_579 = arith.cmpi slt, %jit3A_566, %sign3A_578 : i32
        %sign3A_580 = arith.extui %sign3A_579 : i1 to i32
        %sign3A_581 = arith.subi %sign3A_577, %sign3A_580 : i32
        %ne3A_582 = arith.cmpi ne, %sign3A_574, %sign3A_581 : i32
        %rem3A_583 = arith.remsi %reduce_sum3A_565, %jit3A_566 : i32
        %ne3A_584 = arith.constant 0 : i32
        %ne3A_585 = arith.cmpi ne, %rem3A_583, %ne3A_584 : i32
        %and3A_586 = arith.andi %ne3A_582, %ne3A_585 : i1
        %sub3A_587 = arith.constant 1 : i32
        %sub3A_588 = arith.subi %div3A_567, %sub3A_587 : i32
        %select_n3A_589 = arith.select %and3A_586, %sub3A_588, %div3A_567 : i32
        %mul3A_590 = arith.constant 128 : i32
        %mul3A_591 = arith.muli %select_n3A_589, %mul3A_590 : i32
        %multiple_of3A_592 = tpu.assume_multiple %mul3A_591, 128 : i32
        %dma_start3A = arith.constant 5 : i32
        %dma_start3A_593 = arith.constant 5 : i32
        %dma_start3A_594 = arith.constant 0 : i32
        %dma_start3A_595 = arith.constant 0 : i32
        %dma_start3A_596 = tpu.memref_slice %arg7[%dma_start3A, %dma_start3A_594, %dma_start3A_595] : memref<6x64x128xf32, #tpu.memory_space<vmem>> -> memref<1x64x128xf32, #tpu.memory_space<vmem>>
        %dma_start3A_597 = tpu.memref_squeeze %dma_start3A_596 : memref<1x64x128xf32, #tpu.memory_space<vmem>> -> memref<64x128xf32, #tpu.memory_space<vmem>>
        %dma_start3A_598 = arith.constant 0 : i32
        %dma_start3A_599 = tpu.memref_slice %arg3[%dma_start3A_598, %multiple_of3A_592] : memref<64x2600000xf32, #tpu.memory_space<hbm>> -> memref<64x128xf32, #tpu.memory_space<hbm>>
        %dma_start3A_600 = tpu.memref_slice %arg9[%dma_start3A_593] : memref<6x!tpu.dma_semaphore, #tpu.memory_space<semaphore_mem>> -> memref<1x!tpu.dma_semaphore, #tpu.memory_space<semaphore_mem>>
        %dma_start3A_601 = tpu.memref_squeeze %dma_start3A_600 : memref<1x!tpu.dma_semaphore, #tpu.memory_space<semaphore_mem>> -> memref<!tpu.dma_semaphore, #tpu.memory_space<semaphore_mem>>
        %dma_start3A_602 = arith.constant 0 : i32
        %dma_start3A_603 = arith.constant 0 : i32
        %dma_start3A_604 = tpu.memref_slice %arg7[%dma_start3A, %dma_start3A_602, %dma_start3A_603] : memref<6x64x128xf32, #tpu.memory_space<vmem>> -> memref<1x64x128xf32, #tpu.memory_space<vmem>>
        %dma_start3A_605 = tpu.memref_squeeze %dma_start3A_604 : memref<1x64x128xf32, #tpu.memory_space<vmem>> -> memref<64x128xf32, #tpu.memory_space<vmem>>
        %dma_start3A_606 = arith.constant 0 : i32
        %dma_start3A_607 = tpu.memref_slice %arg3[%dma_start3A_606, %multiple_of3A_592] : memref<64x2600000xf32, #tpu.memory_space<hbm>> -> memref<64x128xf32, #tpu.memory_space<hbm>>
        tpu.enqueue_dma source(%dma_start3A_607 : memref<64x128xf32, #tpu.memory_space<hbm>>) target(%dma_start3A_605 : memref<64x128xf32, #tpu.memory_space<vmem>>) target_semaphore(%dma_start3A_601 : memref<!tpu.dma_semaphore, #tpu.memory_space<semaphore_mem>>)
      } else {
      }
    } else {
    }
    %gt3A_320 = arith.constant 3 : i32
    %gt3A_321 = arith.cmpi sgt, %select_n3A, %gt3A_320 : i32
    %convert_element_type3A_322 = arith.extui %gt3A_321 : i1 to i32
    %cond3A_323 = arith.constant 0 : i32
    %cond3A_324 = arith.cmpi ne, %convert_element_type3A_322, %cond3A_323 : i32
    scf.if %cond3A_324 {
      %broadcast_in_dim3A_362 = arith.constant 0 : i32
      %broadcast_in_dim3A_363 = vector.broadcast %broadcast_in_dim3A_362 : i32 to vector<16xi32>
      %get3A = arith.constant 0 : i32
      %get3A_364 = arith.index_cast %get3A : i32 to index
      %get3A_365 = arith.constant 0 : index
      %get3A_366 = tpu.vector_load %arg6[%get3A_364, %get3A_365] {strides = array<i32>} : memref<2x16xi32, #tpu.memory_space<vmem>>, vector<16xi32>,
      %eq3A = arith.constant 3 : i32
      %eq3A_367 = vector.broadcast %eq3A : i32 to vector<16xi32>
      %eq3A_368 = arith.cmpi eq, %iota3A, %eq3A_367 : vector<16xi32>
      %jit3A_369 = arith.constant 0 : i32
      %broadcast_in_dim3A_370 = vector.broadcast %jit3A_369 : i32 to vector<16xi32>
      %select_n3A_371 = arith.select %eq3A_368, %get3A_366, %broadcast_in_dim3A_370 : vector<16xi1>, vector<16xi32>
      %reduce_sum3A = arith.constant true
      %reduce_sum3A_372 = vector.broadcast %reduce_sum3A : i1 to vector<16xi1>
      %reduce_sum3A_373 = tpu.scan <sum>, %select_n3A_371 masked %reduce_sum3A_372 : vector<16xi32>, vector<16xi1> -> vector<16xi32>
      %reduce_sum3A_374 = vector.extract %reduce_sum3A_373[15] : i32 from vector<16xi32>
      %jit3A_375 = arith.constant 128 : i32
      %eq3A_376 = arith.constant 0 : i32
      %eq3A_377 = arith.cmpi eq, %jit3A_375, %eq3A_376 : i32
      %jit3A_378 = arith.constant 1 : i32
      %select_n3A_379 = arith.select %eq3A_377, %jit3A_378, %jit3A_375 : i32
      %rem3A_380 = arith.remsi %reduce_sum3A_374, %select_n3A_379 : i32
      %ne3A_381 = arith.constant 0 : i32
      %ne3A_382 = arith.cmpi ne, %rem3A_380, %ne3A_381 : i32
      %lt3A_383 = arith.constant 0 : i32
      %lt3A_384 = arith.cmpi slt, %rem3A_380, %lt3A_383 : i32
      %lt3A_385 = arith.constant 0 : i32
      %lt3A_386 = arith.cmpi slt, %select_n3A_379, %lt3A_385 : i32
      %ne3A_387 = arith.xori %lt3A_384, %lt3A_386 : i1
      %and3A_388 = arith.andi %ne3A_387, %ne3A_382 : i1
      %add3A_389 = arith.addi %rem3A_380, %select_n3A_379 : i32
      %select_n3A_390 = arith.select %and3A_388, %add3A_389, %rem3A_380 : i32
      %add3A_391 = vector.broadcast %select_n3A_390 : i32 to vector<16xi32>
      %add3A_392 = arith.addi %broadcast_in_dim3A_363, %add3A_391 : vector<16xi32>
      %broadcast_in_dim3A_393 = arith.constant 0 : i32
      %broadcast_in_dim3A_394 = vector.broadcast %broadcast_in_dim3A_393 : i32 to vector<16xi32>
      %get3A_395 = arith.constant 1 : i32
      %get3A_396 = arith.index_cast %get3A_395 : i32 to index
      %get3A_397 = arith.constant 0 : index
      %get3A_398 = tpu.vector_load %arg6[%get3A_396, %get3A_397] {strides = array<i32>} : memref<2x16xi32, #tpu.memory_space<vmem>>, vector<16xi32>,
      %eq3A_399 = arith.constant 3 : i32
      %eq3A_400 = vector.broadcast %eq3A_399 : i32 to vector<16xi32>
      %eq3A_401 = arith.cmpi eq, %iota3A, %eq3A_400 : vector<16xi32>
      %jit3A_402 = arith.constant 0 : i32
      %broadcast_in_dim3A_403 = vector.broadcast %jit3A_402 : i32 to vector<16xi32>
      %select_n3A_404 = arith.select %eq3A_401, %get3A_398, %broadcast_in_dim3A_403 : vector<16xi1>, vector<16xi32>
      %reduce_sum3A_405 = arith.constant true
      %reduce_sum3A_406 = vector.broadcast %reduce_sum3A_405 : i1 to vector<16xi1>
      %reduce_sum3A_407 = tpu.scan <sum>, %select_n3A_404 masked %reduce_sum3A_406 : vector<16xi32>, vector<16xi1> -> vector<16xi32>
      %reduce_sum3A_408 = vector.extract %reduce_sum3A_407[15] : i32 from vector<16xi32>
      %jit3A_409 = arith.constant 128 : i32
      %eq3A_410 = arith.constant 0 : i32
      %eq3A_411 = arith.cmpi eq, %jit3A_409, %eq3A_410 : i32
      %jit3A_412 = arith.constant 1 : i32
      %select_n3A_413 = arith.select %eq3A_411, %jit3A_412, %jit3A_409 : i32
      %rem3A_414 = arith.remsi %reduce_sum3A_408, %select_n3A_413 : i32
      %ne3A_415 = arith.constant 0 : i32
      %ne3A_416 = arith.cmpi ne, %rem3A_414, %ne3A_415 : i32
      %lt3A_417 = arith.constant 0 : i32
      %lt3A_418 = arith.cmpi slt, %rem3A_414, %lt3A_417 : i32
      %lt3A_419 = arith.constant 0 : i32
      %lt3A_420 = arith.cmpi slt, %select_n3A_413, %lt3A_419 : i32
      %ne3A_421 = arith.xori %lt3A_418, %lt3A_420 : i1
      %and3A_422 = arith.andi %ne3A_421, %ne3A_416 : i1
      %add3A_423 = arith.addi %rem3A_414, %select_n3A_413 : i32
      %select_n3A_424 = arith.select %and3A_422, %add3A_423, %rem3A_414 : i32
      %add3A_425 = vector.broadcast %select_n3A_424 : i32 to vector<16xi32>
      %add3A_426 = arith.addi %broadcast_in_dim3A_394, %add3A_425 : vector<16xi32>
      %dma_wait3A = arith.constant 0 : i32
      %dma_wait3A_427 = arith.constant 0 : i32
      %dma_wait3A_428 = arith.constant 0 : i32
      %dma_wait3A_429 = arith.constant 0 : i32
      %dma_wait3A_430 = tpu.memref_slice %arg7[%dma_wait3A, %dma_wait3A_428, %dma_wait3A_429] : memref<6x64x128xf32, #tpu.memory_space<vmem>> -> memref<1x64x128xf32, #tpu.memory_space<vmem>>
      %dma_wait3A_431 = tpu.memref_squeeze %dma_wait3A_430 : memref<1x64x128xf32, #tpu.memory_space<vmem>> -> memref<64x128xf32, #tpu.memory_space<vmem>>
      %dma_wait3A_432 = arith.constant 0 : i32
      %dma_wait3A_433 = arith.constant 0 : i32
      %dma_wait3A_434 = tpu.memref_slice %arg3[%dma_wait3A_432, %dma_wait3A_433] : memref<64x2600000xf32, #tpu.memory_space<hbm>> -> memref<64x128xf32, #tpu.memory_space<hbm>>
      %dma_wait3A_435 = tpu.memref_slice %arg9[%dma_wait3A_427] : memref<6x!tpu.dma_semaphore, #tpu.memory_space<semaphore_mem>> -> memref<1x!tpu.dma_semaphore, #tpu.memory_space<semaphore_mem>>
      %dma_wait3A_436 = tpu.memref_squeeze %dma_wait3A_435 : memref<1x!tpu.dma_semaphore, #tpu.memory_space<semaphore_mem>> -> memref<!tpu.dma_semaphore, #tpu.memory_space<semaphore_mem>>
      %dma_wait3A_437 = arith.constant 0 : i32
      %dma_wait3A_438 = arith.constant 0 : i32
      %dma_wait3A_439 = tpu.memref_slice %arg7[%dma_wait3A, %dma_wait3A_437, %dma_wait3A_438] : memref<6x64x128xf32, #tpu.memory_space<vmem>> -> memref<1x64x128xf32, #tpu.memory_space<vmem>>
      %dma_wait3A_440 = tpu.memref_squeeze %dma_wait3A_439 : memref<1x64x128xf32, #tpu.memory_space<vmem>> -> memref<64x128xf32, #tpu.memory_space<vmem>>
      %dma_wait3A_441 = arith.constant 0 : i32
      %dma_wait3A_442 = arith.constant 0 : i32
      %dma_wait3A_443 = tpu.memref_slice %arg3[%dma_wait3A_441, %dma_wait3A_442] : memref<64x2600000xf32, #tpu.memory_space<hbm>> -> memref<64x128xf32, #tpu.memory_space<hbm>>
      tpu.wait_dma2 semaphore(%dma_wait3A_436 : memref<!tpu.dma_semaphore, #tpu.memory_space<semaphore_mem>>) src(%dma_wait3A_443 : memref<64x128xf32, #tpu.memory_space<hbm>>) dst(%dma_wait3A_440 : memref<64x128xf32, #tpu.memory_space<vmem>>)
      %dma_wait3A_444 = arith.constant 1 : i32
      %dma_wait3A_445 = arith.constant 1 : i32
      %dma_wait3A_446 = arith.constant 0 : i32
      %dma_wait3A_447 = arith.constant 0 : i32
      %dma_wait3A_448 = tpu.memref_slice %arg7[%dma_wait3A_444, %dma_wait3A_446, %dma_wait3A_447] : memref<6x64x128xf32, #tpu.memory_space<vmem>> -> memref<1x64x128xf32, #tpu.memory_space<vmem>>
      %dma_wait3A_449 = tpu.memref_squeeze %dma_wait3A_448 : memref<1x64x128xf32, #tpu.memory_space<vmem>> -> memref<64x128xf32, #tpu.memory_space<vmem>>
      %dma_wait3A_450 = arith.constant 0 : i32
      %dma_wait3A_451 = arith.constant 0 : i32
      %dma_wait3A_452 = tpu.memref_slice %arg3[%dma_wait3A_450, %dma_wait3A_451] : memref<64x2600000xf32, #tpu.memory_space<hbm>> -> memref<64x128xf32, #tpu.memory_space<hbm>>
      %dma_wait3A_453 = tpu.memref_slice %arg9[%dma_wait3A_445] : memref<6x!tpu.dma_semaphore, #tpu.memory_space<semaphore_mem>> -> memref<1x!tpu.dma_semaphore, #tpu.memory_space<semaphore_mem>>
      %dma_wait3A_454 = tpu.memref_squeeze %dma_wait3A_453 : memref<1x!tpu.dma_semaphore, #tpu.memory_space<semaphore_mem>> -> memref<!tpu.dma_semaphore, #tpu.memory_space<semaphore_mem>>
      %dma_wait3A_455 = arith.constant 0 : i32
      %dma_wait3A_456 = arith.constant 0 : i32
      %dma_wait3A_457 = tpu.memref_slice %arg7[%dma_wait3A_444, %dma_wait3A_455, %dma_wait3A_456] : memref<6x64x128xf32, #tpu.memory_space<vmem>> -> memref<1x64x128xf32, #tpu.memory_space<vmem>>
      %dma_wait3A_458 = tpu.memref_squeeze %dma_wait3A_457 : memref<1x64x128xf32, #tpu.memory_space<vmem>> -> memref<64x128xf32, #tpu.memory_space<vmem>>
      %dma_wait3A_459 = arith.constant 0 : i32
      %dma_wait3A_460 = arith.constant 0 : i32
      %dma_wait3A_461 = tpu.memref_slice %arg3[%dma_wait3A_459, %dma_wait3A_460] : memref<64x2600000xf32, #tpu.memory_space<hbm>> -> memref<64x128xf32, #tpu.memory_space<hbm>>
      tpu.wait_dma2 semaphore(%dma_wait3A_454 : memref<!tpu.dma_semaphore, #tpu.memory_space<semaphore_mem>>) src(%dma_wait3A_461 : memref<64x128xf32, #tpu.memory_space<hbm>>) dst(%dma_wait3A_458 : memref<64x128xf32, #tpu.memory_space<vmem>>)
      %add3A_462 = arith.constant 0 : i32
      %add3A_463 = vector.broadcast %add3A_462 : i32 to vector<16xi32>
      %add3A_464 = arith.addi %iota3A, %add3A_463 : vector<16xi32>
      %gather3A_465 = arith.constant 0 : i32
      %gather3A_466 = arith.constant 0 : i32
      %gather3A_467 = arith.constant 0 : i32
      %gather3A_468 = tpu.memref_slice %arg7[%gather3A_465, %gather3A_466, %gather3A_467] : memref<6x64x128xf32, #tpu.memory_space<vmem>> -> memref<1x64x128xf32, #tpu.memory_space<vmem>>
      %gather3A_469 = tpu.memref_squeeze %gather3A_468 : memref<1x64x128xf32, #tpu.memory_space<vmem>> -> memref<64x128xf32, #tpu.memory_space<vmem>>
      %gather3A_470 = tpu.vector_load_idx %gather3A_469[%add3A_464, %add3A_392] : memref<64x128xf32, #tpu.memory_space<vmem>>[vector<16xi32>, vector<16xi32>], vector<16xf32>,
      %gather3A_471 = arith.constant 1 : i32
      %gather3A_472 = arith.constant 0 : i32
      %gather3A_473 = arith.constant 0 : i32
      %gather3A_474 = tpu.memref_slice %arg7[%gather3A_471, %gather3A_472, %gather3A_473] : memref<6x64x128xf32, #tpu.memory_space<vmem>> -> memref<1x64x128xf32, #tpu.memory_space<vmem>>
      %gather3A_475 = tpu.memref_squeeze %gather3A_474 : memref<1x64x128xf32, #tpu.memory_space<vmem>> -> memref<64x128xf32, #tpu.memory_space<vmem>>
      %gather3A_476 = tpu.vector_load_idx %gather3A_475[%add3A_464, %add3A_426] : memref<64x128xf32, #tpu.memory_space<vmem>>[vector<16xi32>, vector<16xi32>], vector<16xf32>,
      %mul3A_477 = arith.mulf %gather3A_470, %gather3A_476 : vector<16xf32>
      %swap3A_478 = arith.constant 3 : i32
      %swap3A_479 = arith.index_cast %swap3A_478 : i32 to index
      %swap3A_480 = arith.constant 0 : index
      %swap3A_481 = tpu.vector_load %arg8[%swap3A_479, %swap3A_480] {strides = array<i32>} : memref<16x64xf32, #tpu.memory_space<vmem>>, vector<16xf32>,
      tpu.vector_store %arg8[%swap3A_479, %swap3A_480], %mul3A_477 {strides = array<i32>} : memref<16x64xf32, #tpu.memory_space<vmem>>, vector<16xf32>,
      %add3A_482 = arith.constant 16 : i32
      %add3A_483 = vector.broadcast %add3A_482 : i32 to vector<16xi32>
      %add3A_484 = arith.addi %iota3A, %add3A_483 : vector<16xi32>
      %gather3A_485 = arith.constant 0 : i32
      %gather3A_486 = arith.constant 0 : i32
      %gather3A_487 = arith.constant 0 : i32
      %gather3A_488 = tpu.memref_slice %arg7[%gather3A_485, %gather3A_486, %gather3A_487] : memref<6x64x128xf32, #tpu.memory_space<vmem>> -> memref<1x64x128xf32, #tpu.memory_space<vmem>>
      %gather3A_489 = tpu.memref_squeeze %gather3A_488 : memref<1x64x128xf32, #tpu.memory_space<vmem>> -> memref<64x128xf32, #tpu.memory_space<vmem>>
      %gather3A_490 = tpu.vector_load_idx %gather3A_489[%add3A_484, %add3A_392] : memref<64x128xf32, #tpu.memory_space<vmem>>[vector<16xi32>, vector<16xi32>], vector<16xf32>,
      %gather3A_491 = arith.constant 1 : i32
      %gather3A_492 = arith.constant 0 : i32
      %gather3A_493 = arith.constant 0 : i32
      %gather3A_494 = tpu.memref_slice %arg7[%gather3A_491, %gather3A_492, %gather3A_493] : memref<6x64x128xf32, #tpu.memory_space<vmem>> -> memref<1x64x128xf32, #tpu.memory_space<vmem>>
      %gather3A_495 = tpu.memref_squeeze %gather3A_494 : memref<1x64x128xf32, #tpu.memory_space<vmem>> -> memref<64x128xf32, #tpu.memory_space<vmem>>
      %gather3A_496 = tpu.vector_load_idx %gather3A_495[%add3A_484, %add3A_426] : memref<64x128xf32, #tpu.memory_space<vmem>>[vector<16xi32>, vector<16xi32>], vector<16xf32>,
      %mul3A_497 = arith.mulf %gather3A_490, %gather3A_496 : vector<16xf32>
      %swap3A_498 = arith.constant 3 : i32
      %swap3A_499 = arith.index_cast %swap3A_498 : i32 to index
      %swap3A_500 = arith.constant 16 : index
      %swap3A_501 = tpu.vector_load %arg8[%swap3A_499, %swap3A_500] {strides = array<i32>} : memref<16x64xf32, #tpu.memory_space<vmem>>, vector<16xf32>,
      tpu.vector_store %arg8[%swap3A_499, %swap3A_500], %mul3A_497 {strides = array<i32>} : memref<16x64xf32, #tpu.memory_space<vmem>>, vector<16xf32>,
      %add3A_502 = arith.constant 32 : i32
      %add3A_503 = vector.broadcast %add3A_502 : i32 to vector<16xi32>
      %add3A_504 = arith.addi %iota3A, %add3A_503 : vector<16xi32>
      %gather3A_505 = arith.constant 0 : i32
      %gather3A_506 = arith.constant 0 : i32
      %gather3A_507 = arith.constant 0 : i32
      %gather3A_508 = tpu.memref_slice %arg7[%gather3A_505, %gather3A_506, %gather3A_507] : memref<6x64x128xf32, #tpu.memory_space<vmem>> -> memref<1x64x128xf32, #tpu.memory_space<vmem>>
      %gather3A_509 = tpu.memref_squeeze %gather3A_508 : memref<1x64x128xf32, #tpu.memory_space<vmem>> -> memref<64x128xf32, #tpu.memory_space<vmem>>
      %gather3A_510 = tpu.vector_load_idx %gather3A_509[%add3A_504, %add3A_392] : memref<64x128xf32, #tpu.memory_space<vmem>>[vector<16xi32>, vector<16xi32>], vector<16xf32>,
      %gather3A_511 = arith.constant 1 : i32
      %gather3A_512 = arith.constant 0 : i32
      %gather3A_513 = arith.constant 0 : i32
      %gather3A_514 = tpu.memref_slice %arg7[%gather3A_511, %gather3A_512, %gather3A_513] : memref<6x64x128xf32, #tpu.memory_space<vmem>> -> memref<1x64x128xf32, #tpu.memory_space<vmem>>
      %gather3A_515 = tpu.memref_squeeze %gather3A_514 : memref<1x64x128xf32, #tpu.memory_space<vmem>> -> memref<64x128xf32, #tpu.memory_space<vmem>>
      %gather3A_516 = tpu.vector_load_idx %gather3A_515[%add3A_504, %add3A_426] : memref<64x128xf32, #tpu.memory_space<vmem>>[vector<16xi32>, vector<16xi32>], vector<16xf32>,
      %mul3A_517 = arith.mulf %gather3A_510, %gather3A_516 : vector<16xf32>
      %swap3A_518 = arith.constant 3 : i32
      %swap3A_519 = arith.index_cast %swap3A_518 : i32 to index
      %swap3A_520 = arith.constant 32 : index
      %swap3A_521 = tpu.vector_load %arg8[%swap3A_519, %swap3A_520] {strides = array<i32>} : memref<16x64xf32, #tpu.memory_space<vmem>>, vector<16xf32>,
      tpu.vector_store %arg8[%swap3A_519, %swap3A_520], %mul3A_517 {strides = array<i32>} : memref<16x64xf32, #tpu.memory_space<vmem>>, vector<16xf32>,
      %add3A_522 = arith.constant 48 : i32
      %add3A_523 = vector.broadcast %add3A_522 : i32 to vector<16xi32>
      %add3A_524 = arith.addi %iota3A, %add3A_523 : vector<16xi32>
      %gather3A_525 = arith.constant 0 : i32
      %gather3A_526 = arith.constant 0 : i32
      %gather3A_527 = arith.constant 0 : i32
      %gather3A_528 = tpu.memref_slice %arg7[%gather3A_525, %gather3A_526, %gather3A_527] : memref<6x64x128xf32, #tpu.memory_space<vmem>> -> memref<1x64x128xf32, #tpu.memory_space<vmem>>
      %gather3A_529 = tpu.memref_squeeze %gather3A_528 : memref<1x64x128xf32, #tpu.memory_space<vmem>> -> memref<64x128xf32, #tpu.memory_space<vmem>>
      %gather3A_530 = tpu.vector_load_idx %gather3A_529[%add3A_524, %add3A_392] : memref<64x128xf32, #tpu.memory_space<vmem>>[vector<16xi32>, vector<16xi32>], vector<16xf32>,
      %gather3A_531 = arith.constant 1 : i32
      %gather3A_532 = arith.constant 0 : i32
      %gather3A_533 = arith.constant 0 : i32
      %gather3A_534 = tpu.memref_slice %arg7[%gather3A_531, %gather3A_532, %gather3A_533] : memref<6x64x128xf32, #tpu.memory_space<vmem>> -> memref<1x64x128xf32, #tpu.memory_space<vmem>>
      %gather3A_535 = tpu.memref_squeeze %gather3A_534 : memref<1x64x128xf32, #tpu.memory_space<vmem>> -> memref<64x128xf32, #tpu.memory_space<vmem>>
      %gather3A_536 = tpu.vector_load_idx %gather3A_535[%add3A_524, %add3A_426] : memref<64x128xf32, #tpu.memory_space<vmem>>[vector<16xi32>, vector<16xi32>], vector<16xf32>,
      %mul3A_537 = arith.mulf %gather3A_530, %gather3A_536 : vector<16xf32>
      %swap3A_538 = arith.constant 3 : i32
      %swap3A_539 = arith.index_cast %swap3A_538 : i32 to index
      %swap3A_540 = arith.constant 48 : index
      %swap3A_541 = tpu.vector_load %arg8[%swap3A_539, %swap3A_540] {strides = array<i32>} : memref<16x64xf32, #tpu.memory_space<vmem>>, vector<16xf32>,
      tpu.vector_store %arg8[%swap3A_539, %swap3A_540], %mul3A_537 {strides = array<i32>} : memref<16x64xf32, #tpu.memory_space<vmem>>, vector<16xf32>,
      %gt3A_542 = arith.constant 6 : i32
      %gt3A_543 = arith.cmpi sgt, %select_n3A, %gt3A_542 : i32
      %convert_element_type3A_544 = arith.extui %gt3A_543 : i1 to i32
      %cond3A_545 = arith.constant 0 : i32
      %cond3A_546 = arith.cmpi ne, %convert_element_type3A_544, %cond3A_545 : i32
      scf.if %cond3A_546 {
        %get3A_552 = arith.constant 0 : i32
        %get3A_553 = arith.index_cast %get3A_552 : i32 to index
        %get3A_554 = arith.constant 0 : index
        %get3A_555 = tpu.vector_load %arg6[%get3A_553, %get3A_554] {strides = array<i32>} : memref<2x16xi32, #tpu.memory_space<vmem>>, vector<16xi32>,
        %eq3A_556 = arith.constant 6 : i32
        %eq3A_557 = vector.broadcast %eq3A_556 : i32 to vector<16xi32>
        %eq3A_558 = arith.cmpi eq, %iota3A, %eq3A_557 : vector<16xi32>
        %jit3A_559 = arith.constant 0 : i32
        %broadcast_in_dim3A_560 = vector.broadcast %jit3A_559 : i32 to vector<16xi32>
        %select_n3A_561 = arith.select %eq3A_558, %get3A_555, %broadcast_in_dim3A_560 : vector<16xi1>, vector<16xi32>
        %reduce_sum3A_562 = arith.constant true
        %reduce_sum3A_563 = vector.broadcast %reduce_sum3A_562 : i1 to vector<16xi1>
        %reduce_sum3A_564 = tpu.scan <sum>, %select_n3A_561 masked %reduce_sum3A_563 : vector<16xi32>, vector<16xi1> -> vector<16xi32>
        %reduce_sum3A_565 = vector.extract %reduce_sum3A_564[15] : i32 from vector<16xi32>
        %jit3A_566 = arith.constant 128 : i32
        %div3A_567 = arith.divsi %reduce_sum3A_565, %jit3A_566 : i32
        %sign3A_568 = arith.constant 0 : i32
        %sign3A_569 = arith.cmpi sgt, %reduce_sum3A_565, %sign3A_568 : i32
        %sign3A_570 = arith.extui %sign3A_569 : i1 to i32
        %sign3A_571 = arith.constant 0 : i32
        %sign3A_572 = arith.cmpi slt, %reduce_sum3A_565, %sign3A_571 : i32
        %sign3A_573 = arith.extui %sign3A_572 : i1 to i32
        %sign3A_574 = arith.subi %sign3A_570, %sign3A_573 : i32
        %sign3A_575 = arith.constant 0 : i32
        %sign3A_576 = arith.cmpi sgt, %jit3A_566, %sign3A_575 : i32
        %sign3A_577 = arith.extui %sign3A_576 : i1 to i32
        %sign3A_578 = arith.constant 0 : i32
        %sign3A_579 = arith.cmpi slt, %jit3A_566, %sign3A_578 : i32
        %sign3A_580 = arith.extui %sign3A_579 : i1 to i32
        %sign3A_581 = arith.subi %sign3A_577, %sign3A_580 : i32
        %ne3A_582 = arith.cmpi ne, %sign3A_574, %sign3A_581 : i32
        %rem3A_583 = arith.remsi %reduce_sum3A_565, %jit3A_566 : i32
        %ne3A_584 = arith.constant 0 : i32
        %ne3A_585 = arith.cmpi ne, %rem3A_583, %ne3A_584 : i32
        %and3A_586 = arith.andi %ne3A_582, %ne3A_585 : i1
        %sub3A_587 = arith.constant 1 : i32
        %sub3A_588 = arith.subi %div3A_567, %sub3A_587 : i32
        %select_n3A_589 = arith.select %and3A_586, %sub3A_588, %div3A_567 : i32
        %mul3A_590 = arith.constant 128 : i32
        %mul3A_591 = arith.muli %select_n3A_589, %mul3A_590 : i32
        %multiple_of3A_592 = tpu.assume_multiple %mul3A_591, 128 : i32
        %dma_start3A = arith.constant 0 : i32
        %dma_start3A_593 = arith.constant 0 : i32
        %dma_start3A_594 = arith.constant 0 : i32
        %dma_start3A_595 = arith.constant 0 : i32
        %dma_start3A_596 = tpu.memref_slice %arg7[%dma_start3A, %dma_start3A_594, %dma_start3A_595] : memref<6x64x128xf32, #tpu.memory_space<vmem>> -> memref<1x64x128xf32, #tpu.memory_space<vmem>>
        %dma_start3A_597 = tpu.memref_squeeze %dma_start3A_596 : memref<1x64x128xf32, #tpu.memory_space<vmem>> -> memref<64x128xf32, #tpu.memory_space<vmem>>
        %dma_start3A_598 = arith.constant 0 : i32
        %dma_start3A_599 = tpu.memref_slice %arg3[%dma_start3A_598, %multiple_of3A_592] : memref<64x2600000xf32, #tpu.memory_space<hbm>> -> memref<64x128xf32, #tpu.memory_space<hbm>>
        %dma_start3A_600 = tpu.memref_slice %arg9[%dma_start3A_593] : memref<6x!tpu.dma_semaphore, #tpu.memory_space<semaphore_mem>> -> memref<1x!tpu.dma_semaphore, #tpu.memory_space<semaphore_mem>>
        %dma_start3A_601 = tpu.memref_squeeze %dma_start3A_600 : memref<1x!tpu.dma_semaphore, #tpu.memory_space<semaphore_mem>> -> memref<!tpu.dma_semaphore, #tpu.memory_space<semaphore_mem>>
        %dma_start3A_602 = arith.constant 0 : i32
        %dma_start3A_603 = arith.constant 0 : i32
        %dma_start3A_604 = tpu.memref_slice %arg7[%dma_start3A, %dma_start3A_602, %dma_start3A_603] : memref<6x64x128xf32, #tpu.memory_space<vmem>> -> memref<1x64x128xf32, #tpu.memory_space<vmem>>
        %dma_start3A_605 = tpu.memref_squeeze %dma_start3A_604 : memref<1x64x128xf32, #tpu.memory_space<vmem>> -> memref<64x128xf32, #tpu.memory_space<vmem>>
        %dma_start3A_606 = arith.constant 0 : i32
        %dma_start3A_607 = tpu.memref_slice %arg3[%dma_start3A_606, %multiple_of3A_592] : memref<64x2600000xf32, #tpu.memory_space<hbm>> -> memref<64x128xf32, #tpu.memory_space<hbm>>
        tpu.enqueue_dma source(%dma_start3A_607 : memref<64x128xf32, #tpu.memory_space<hbm>>) target(%dma_start3A_605 : memref<64x128xf32, #tpu.memory_space<vmem>>) target_semaphore(%dma_start3A_601 : memref<!tpu.dma_semaphore, #tpu.memory_space<semaphore_mem>>)
      } else {
      }
      %gt3A_547 = arith.constant 6 : i32
      %gt3A_548 = arith.cmpi sgt, %select_n3A, %gt3A_547 : i32
      %convert_element_type3A_549 = arith.extui %gt3A_548 : i1 to i32
      %cond3A_550 = arith.constant 0 : i32
      %cond3A_551 = arith.cmpi ne, %convert_element_type3A_549, %cond3A_550 : i32
      scf.if %cond3A_551 {
        %get3A_552 = arith.constant 1 : i32
        %get3A_553 = arith.index_cast %get3A_552 : i32 to index
        %get3A_554 = arith.constant 0 : index
        %get3A_555 = tpu.vector_load %arg6[%get3A_553, %get3A_554] {strides = array<i32>} : memref<2x16xi32, #tpu.memory_space<vmem>>, vector<16xi32>,
        %eq3A_556 = arith.constant 6 : i32
        %eq3A_557 = vector.broadcast %eq3A_556 : i32 to vector<16xi32>
        %eq3A_558 = arith.cmpi eq, %iota3A, %eq3A_557 : vector<16xi32>
        %jit3A_559 = arith.constant 0 : i32
        %broadcast_in_dim3A_560 = vector.broadcast %jit3A_559 : i32 to vector<16xi32>
        %select_n3A_561 = arith.select %eq3A_558, %get3A_555, %broadcast_in_dim3A_560 : vector<16xi1>, vector<16xi32>
        %reduce_sum3A_562 = arith.constant true
        %reduce_sum3A_563 = vector.broadcast %reduce_sum3A_562 : i1 to vector<16xi1>
        %reduce_sum3A_564 = tpu.scan <sum>, %select_n3A_561 masked %reduce_sum3A_563 : vector<16xi32>, vector<16xi1> -> vector<16xi32>
        %reduce_sum3A_565 = vector.extract %reduce_sum3A_564[15] : i32 from vector<16xi32>
        %jit3A_566 = arith.constant 128 : i32
        %div3A_567 = arith.divsi %reduce_sum3A_565, %jit3A_566 : i32
        %sign3A_568 = arith.constant 0 : i32
        %sign3A_569 = arith.cmpi sgt, %reduce_sum3A_565, %sign3A_568 : i32
        %sign3A_570 = arith.extui %sign3A_569 : i1 to i32
        %sign3A_571 = arith.constant 0 : i32
        %sign3A_572 = arith.cmpi slt, %reduce_sum3A_565, %sign3A_571 : i32
        %sign3A_573 = arith.extui %sign3A_572 : i1 to i32
        %sign3A_574 = arith.subi %sign3A_570, %sign3A_573 : i32
        %sign3A_575 = arith.constant 0 : i32
        %sign3A_576 = arith.cmpi sgt, %jit3A_566, %sign3A_575 : i32
        %sign3A_577 = arith.extui %sign3A_576 : i1 to i32
        %sign3A_578 = arith.constant 0 : i32
        %sign3A_579 = arith.cmpi slt, %jit3A_566, %sign3A_578 : i32
        %sign3A_580 = arith.extui %sign3A_579 : i1 to i32
        %sign3A_581 = arith.subi %sign3A_577, %sign3A_580 : i32
        %ne3A_582 = arith.cmpi ne, %sign3A_574, %sign3A_581 : i32
        %rem3A_583 = arith.remsi %reduce_sum3A_565, %jit3A_566 : i32
        %ne3A_584 = arith.constant 0 : i32
        %ne3A_585 = arith.cmpi ne, %rem3A_583, %ne3A_584 : i32
        %and3A_586 = arith.andi %ne3A_582, %ne3A_585 : i1
        %sub3A_587 = arith.constant 1 : i32
        %sub3A_588 = arith.subi %div3A_567, %sub3A_587 : i32
        %select_n3A_589 = arith.select %and3A_586, %sub3A_588, %div3A_567 : i32
        %mul3A_590 = arith.constant 128 : i32
        %mul3A_591 = arith.muli %select_n3A_589, %mul3A_590 : i32
        %multiple_of3A_592 = tpu.assume_multiple %mul3A_591, 128 : i32
        %dma_start3A = arith.constant 1 : i32
        %dma_start3A_593 = arith.constant 1 : i32
        %dma_start3A_594 = arith.constant 0 : i32
        %dma_start3A_595 = arith.constant 0 : i32
        %dma_start3A_596 = tpu.memref_slice %arg7[%dma_start3A, %dma_start3A_594, %dma_start3A_595] : memref<6x64x128xf32, #tpu.memory_space<vmem>> -> memref<1x64x128xf32, #tpu.memory_space<vmem>>
        %dma_start3A_597 = tpu.memref_squeeze %dma_start3A_596 : memref<1x64x128xf32, #tpu.memory_space<vmem>> -> memref<64x128xf32, #tpu.memory_space<vmem>>
        %dma_start3A_598 = arith.constant 0 : i32
        %dma_start3A_599 = tpu.memref_slice %arg3[%dma_start3A_598, %multiple_of3A_592] : memref<64x2600000xf32, #tpu.memory_space<hbm>> -> memref<64x128xf32, #tpu.memory_space<hbm>>
        %dma_start3A_600 = tpu.memref_slice %arg9[%dma_start3A_593] : memref<6x!tpu.dma_semaphore, #tpu.memory_space<semaphore_mem>> -> memref<1x!tpu.dma_semaphore, #tpu.memory_space<semaphore_mem>>
        %dma_start3A_601 = tpu.memref_squeeze %dma_start3A_600 : memref<1x!tpu.dma_semaphore, #tpu.memory_space<semaphore_mem>> -> memref<!tpu.dma_semaphore, #tpu.memory_space<semaphore_mem>>
        %dma_start3A_602 = arith.constant 0 : i32
        %dma_start3A_603 = arith.constant 0 : i32
        %dma_start3A_604 = tpu.memref_slice %arg7[%dma_start3A, %dma_start3A_602, %dma_start3A_603] : memref<6x64x128xf32, #tpu.memory_space<vmem>> -> memref<1x64x128xf32, #tpu.memory_space<vmem>>
        %dma_start3A_605 = tpu.memref_squeeze %dma_start3A_604 : memref<1x64x128xf32, #tpu.memory_space<vmem>> -> memref<64x128xf32, #tpu.memory_space<vmem>>
        %dma_start3A_606 = arith.constant 0 : i32
        %dma_start3A_607 = tpu.memref_slice %arg3[%dma_start3A_606, %multiple_of3A_592] : memref<64x2600000xf32, #tpu.memory_space<hbm>> -> memref<64x128xf32, #tpu.memory_space<hbm>>
        tpu.enqueue_dma source(%dma_start3A_607 : memref<64x128xf32, #tpu.memory_space<hbm>>) target(%dma_start3A_605 : memref<64x128xf32, #tpu.memory_space<vmem>>) target_semaphore(%dma_start3A_601 : memref<!tpu.dma_semaphore, #tpu.memory_space<semaphore_mem>>)
      } else {
      }
    } else {
    }
    %gt3A_325 = arith.constant 4 : i32
    %gt3A_326 = arith.cmpi sgt, %select_n3A, %gt3A_325 : i32
    %convert_element_type3A_327 = arith.extui %gt3A_326 : i1 to i32
    %cond3A_328 = arith.constant 0 : i32
    %cond3A_329 = arith.cmpi ne, %convert_element_type3A_327, %cond3A_328 : i32
    scf.if %cond3A_329 {
      %broadcast_in_dim3A_362 = arith.constant 0 : i32
      %broadcast_in_dim3A_363 = vector.broadcast %broadcast_in_dim3A_362 : i32 to vector<16xi32>
      %get3A = arith.constant 0 : i32
      %get3A_364 = arith.index_cast %get3A : i32 to index
      %get3A_365 = arith.constant 0 : index
      %get3A_366 = tpu.vector_load %arg6[%get3A_364, %get3A_365] {strides = array<i32>} : memref<2x16xi32, #tpu.memory_space<vmem>>, vector<16xi32>,
      %eq3A = arith.constant 4 : i32
      %eq3A_367 = vector.broadcast %eq3A : i32 to vector<16xi32>
      %eq3A_368 = arith.cmpi eq, %iota3A, %eq3A_367 : vector<16xi32>
      %jit3A_369 = arith.constant 0 : i32
      %broadcast_in_dim3A_370 = vector.broadcast %jit3A_369 : i32 to vector<16xi32>
      %select_n3A_371 = arith.select %eq3A_368, %get3A_366, %broadcast_in_dim3A_370 : vector<16xi1>, vector<16xi32>
      %reduce_sum3A = arith.constant true
      %reduce_sum3A_372 = vector.broadcast %reduce_sum3A : i1 to vector<16xi1>
      %reduce_sum3A_373 = tpu.scan <sum>, %select_n3A_371 masked %reduce_sum3A_372 : vector<16xi32>, vector<16xi1> -> vector<16xi32>
      %reduce_sum3A_374 = vector.extract %reduce_sum3A_373[15] : i32 from vector<16xi32>
      %jit3A_375 = arith.constant 128 : i32
      %eq3A_376 = arith.constant 0 : i32
      %eq3A_377 = arith.cmpi eq, %jit3A_375, %eq3A_376 : i32
      %jit3A_378 = arith.constant 1 : i32
      %select_n3A_379 = arith.select %eq3A_377, %jit3A_378, %jit3A_375 : i32
      %rem3A_380 = arith.remsi %reduce_sum3A_374, %select_n3A_379 : i32
      %ne3A_381 = arith.constant 0 : i32
      %ne3A_382 = arith.cmpi ne, %rem3A_380, %ne3A_381 : i32
      %lt3A_383 = arith.constant 0 : i32
      %lt3A_384 = arith.cmpi slt, %rem3A_380, %lt3A_383 : i32
      %lt3A_385 = arith.constant 0 : i32
      %lt3A_386 = arith.cmpi slt, %select_n3A_379, %lt3A_385 : i32
      %ne3A_387 = arith.xori %lt3A_384, %lt3A_386 : i1
      %and3A_388 = arith.andi %ne3A_387, %ne3A_382 : i1
      %add3A_389 = arith.addi %rem3A_380, %select_n3A_379 : i32
      %select_n3A_390 = arith.select %and3A_388, %add3A_389, %rem3A_380 : i32
      %add3A_391 = vector.broadcast %select_n3A_390 : i32 to vector<16xi32>
      %add3A_392 = arith.addi %broadcast_in_dim3A_363, %add3A_391 : vector<16xi32>
      %broadcast_in_dim3A_393 = arith.constant 0 : i32
      %broadcast_in_dim3A_394 = vector.broadcast %broadcast_in_dim3A_393 : i32 to vector<16xi32>
      %get3A_395 = arith.constant 1 : i32
      %get3A_396 = arith.index_cast %get3A_395 : i32 to index
      %get3A_397 = arith.constant 0 : index
      %get3A_398 = tpu.vector_load %arg6[%get3A_396, %get3A_397] {strides = array<i32>} : memref<2x16xi32, #tpu.memory_space<vmem>>, vector<16xi32>,
      %eq3A_399 = arith.constant 4 : i32
      %eq3A_400 = vector.broadcast %eq3A_399 : i32 to vector<16xi32>
      %eq3A_401 = arith.cmpi eq, %iota3A, %eq3A_400 : vector<16xi32>
      %jit3A_402 = arith.constant 0 : i32
      %broadcast_in_dim3A_403 = vector.broadcast %jit3A_402 : i32 to vector<16xi32>
      %select_n3A_404 = arith.select %eq3A_401, %get3A_398, %broadcast_in_dim3A_403 : vector<16xi1>, vector<16xi32>
      %reduce_sum3A_405 = arith.constant true
      %reduce_sum3A_406 = vector.broadcast %reduce_sum3A_405 : i1 to vector<16xi1>
      %reduce_sum3A_407 = tpu.scan <sum>, %select_n3A_404 masked %reduce_sum3A_406 : vector<16xi32>, vector<16xi1> -> vector<16xi32>
      %reduce_sum3A_408 = vector.extract %reduce_sum3A_407[15] : i32 from vector<16xi32>
      %jit3A_409 = arith.constant 128 : i32
      %eq3A_410 = arith.constant 0 : i32
      %eq3A_411 = arith.cmpi eq, %jit3A_409, %eq3A_410 : i32
      %jit3A_412 = arith.constant 1 : i32
      %select_n3A_413 = arith.select %eq3A_411, %jit3A_412, %jit3A_409 : i32
      %rem3A_414 = arith.remsi %reduce_sum3A_408, %select_n3A_413 : i32
      %ne3A_415 = arith.constant 0 : i32
      %ne3A_416 = arith.cmpi ne, %rem3A_414, %ne3A_415 : i32
      %lt3A_417 = arith.constant 0 : i32
      %lt3A_418 = arith.cmpi slt, %rem3A_414, %lt3A_417 : i32
      %lt3A_419 = arith.constant 0 : i32
      %lt3A_420 = arith.cmpi slt, %select_n3A_413, %lt3A_419 : i32
      %ne3A_421 = arith.xori %lt3A_418, %lt3A_420 : i1
      %and3A_422 = arith.andi %ne3A_421, %ne3A_416 : i1
      %add3A_423 = arith.addi %rem3A_414, %select_n3A_413 : i32
      %select_n3A_424 = arith.select %and3A_422, %add3A_423, %rem3A_414 : i32
      %add3A_425 = vector.broadcast %select_n3A_424 : i32 to vector<16xi32>
      %add3A_426 = arith.addi %broadcast_in_dim3A_394, %add3A_425 : vector<16xi32>
      %dma_wait3A = arith.constant 2 : i32
      %dma_wait3A_427 = arith.constant 2 : i32
      %dma_wait3A_428 = arith.constant 0 : i32
      %dma_wait3A_429 = arith.constant 0 : i32
      %dma_wait3A_430 = tpu.memref_slice %arg7[%dma_wait3A, %dma_wait3A_428, %dma_wait3A_429] : memref<6x64x128xf32, #tpu.memory_space<vmem>> -> memref<1x64x128xf32, #tpu.memory_space<vmem>>
      %dma_wait3A_431 = tpu.memref_squeeze %dma_wait3A_430 : memref<1x64x128xf32, #tpu.memory_space<vmem>> -> memref<64x128xf32, #tpu.memory_space<vmem>>
      %dma_wait3A_432 = arith.constant 0 : i32
      %dma_wait3A_433 = arith.constant 0 : i32
      %dma_wait3A_434 = tpu.memref_slice %arg3[%dma_wait3A_432, %dma_wait3A_433] : memref<64x2600000xf32, #tpu.memory_space<hbm>> -> memref<64x128xf32, #tpu.memory_space<hbm>>
      %dma_wait3A_435 = tpu.memref_slice %arg9[%dma_wait3A_427] : memref<6x!tpu.dma_semaphore, #tpu.memory_space<semaphore_mem>> -> memref<1x!tpu.dma_semaphore, #tpu.memory_space<semaphore_mem>>
      %dma_wait3A_436 = tpu.memref_squeeze %dma_wait3A_435 : memref<1x!tpu.dma_semaphore, #tpu.memory_space<semaphore_mem>> -> memref<!tpu.dma_semaphore, #tpu.memory_space<semaphore_mem>>
      %dma_wait3A_437 = arith.constant 0 : i32
      %dma_wait3A_438 = arith.constant 0 : i32
      %dma_wait3A_439 = tpu.memref_slice %arg7[%dma_wait3A, %dma_wait3A_437, %dma_wait3A_438] : memref<6x64x128xf32, #tpu.memory_space<vmem>> -> memref<1x64x128xf32, #tpu.memory_space<vmem>>
      %dma_wait3A_440 = tpu.memref_squeeze %dma_wait3A_439 : memref<1x64x128xf32, #tpu.memory_space<vmem>> -> memref<64x128xf32, #tpu.memory_space<vmem>>
      %dma_wait3A_441 = arith.constant 0 : i32
      %dma_wait3A_442 = arith.constant 0 : i32
      %dma_wait3A_443 = tpu.memref_slice %arg3[%dma_wait3A_441, %dma_wait3A_442] : memref<64x2600000xf32, #tpu.memory_space<hbm>> -> memref<64x128xf32, #tpu.memory_space<hbm>>
      tpu.wait_dma2 semaphore(%dma_wait3A_436 : memref<!tpu.dma_semaphore, #tpu.memory_space<semaphore_mem>>) src(%dma_wait3A_443 : memref<64x128xf32, #tpu.memory_space<hbm>>) dst(%dma_wait3A_440 : memref<64x128xf32, #tpu.memory_space<vmem>>)
      %dma_wait3A_444 = arith.constant 3 : i32
      %dma_wait3A_445 = arith.constant 3 : i32
      %dma_wait3A_446 = arith.constant 0 : i32
      %dma_wait3A_447 = arith.constant 0 : i32
      %dma_wait3A_448 = tpu.memref_slice %arg7[%dma_wait3A_444, %dma_wait3A_446, %dma_wait3A_447] : memref<6x64x128xf32, #tpu.memory_space<vmem>> -> memref<1x64x128xf32, #tpu.memory_space<vmem>>
      %dma_wait3A_449 = tpu.memref_squeeze %dma_wait3A_448 : memref<1x64x128xf32, #tpu.memory_space<vmem>> -> memref<64x128xf32, #tpu.memory_space<vmem>>
      %dma_wait3A_450 = arith.constant 0 : i32
      %dma_wait3A_451 = arith.constant 0 : i32
      %dma_wait3A_452 = tpu.memref_slice %arg3[%dma_wait3A_450, %dma_wait3A_451] : memref<64x2600000xf32, #tpu.memory_space<hbm>> -> memref<64x128xf32, #tpu.memory_space<hbm>>
      %dma_wait3A_453 = tpu.memref_slice %arg9[%dma_wait3A_445] : memref<6x!tpu.dma_semaphore, #tpu.memory_space<semaphore_mem>> -> memref<1x!tpu.dma_semaphore, #tpu.memory_space<semaphore_mem>>
      %dma_wait3A_454 = tpu.memref_squeeze %dma_wait3A_453 : memref<1x!tpu.dma_semaphore, #tpu.memory_space<semaphore_mem>> -> memref<!tpu.dma_semaphore, #tpu.memory_space<semaphore_mem>>
      %dma_wait3A_455 = arith.constant 0 : i32
      %dma_wait3A_456 = arith.constant 0 : i32
      %dma_wait3A_457 = tpu.memref_slice %arg7[%dma_wait3A_444, %dma_wait3A_455, %dma_wait3A_456] : memref<6x64x128xf32, #tpu.memory_space<vmem>> -> memref<1x64x128xf32, #tpu.memory_space<vmem>>
      %dma_wait3A_458 = tpu.memref_squeeze %dma_wait3A_457 : memref<1x64x128xf32, #tpu.memory_space<vmem>> -> memref<64x128xf32, #tpu.memory_space<vmem>>
      %dma_wait3A_459 = arith.constant 0 : i32
      %dma_wait3A_460 = arith.constant 0 : i32
      %dma_wait3A_461 = tpu.memref_slice %arg3[%dma_wait3A_459, %dma_wait3A_460] : memref<64x2600000xf32, #tpu.memory_space<hbm>> -> memref<64x128xf32, #tpu.memory_space<hbm>>
      tpu.wait_dma2 semaphore(%dma_wait3A_454 : memref<!tpu.dma_semaphore, #tpu.memory_space<semaphore_mem>>) src(%dma_wait3A_461 : memref<64x128xf32, #tpu.memory_space<hbm>>) dst(%dma_wait3A_458 : memref<64x128xf32, #tpu.memory_space<vmem>>)
      %add3A_462 = arith.constant 0 : i32
      %add3A_463 = vector.broadcast %add3A_462 : i32 to vector<16xi32>
      %add3A_464 = arith.addi %iota3A, %add3A_463 : vector<16xi32>
      %gather3A_465 = arith.constant 2 : i32
      %gather3A_466 = arith.constant 0 : i32
      %gather3A_467 = arith.constant 0 : i32
      %gather3A_468 = tpu.memref_slice %arg7[%gather3A_465, %gather3A_466, %gather3A_467] : memref<6x64x128xf32, #tpu.memory_space<vmem>> -> memref<1x64x128xf32, #tpu.memory_space<vmem>>
      %gather3A_469 = tpu.memref_squeeze %gather3A_468 : memref<1x64x128xf32, #tpu.memory_space<vmem>> -> memref<64x128xf32, #tpu.memory_space<vmem>>
      %gather3A_470 = tpu.vector_load_idx %gather3A_469[%add3A_464, %add3A_392] : memref<64x128xf32, #tpu.memory_space<vmem>>[vector<16xi32>, vector<16xi32>], vector<16xf32>,
      %gather3A_471 = arith.constant 3 : i32
      %gather3A_472 = arith.constant 0 : i32
      %gather3A_473 = arith.constant 0 : i32
      %gather3A_474 = tpu.memref_slice %arg7[%gather3A_471, %gather3A_472, %gather3A_473] : memref<6x64x128xf32, #tpu.memory_space<vmem>> -> memref<1x64x128xf32, #tpu.memory_space<vmem>>
      %gather3A_475 = tpu.memref_squeeze %gather3A_474 : memref<1x64x128xf32, #tpu.memory_space<vmem>> -> memref<64x128xf32, #tpu.memory_space<vmem>>
      %gather3A_476 = tpu.vector_load_idx %gather3A_475[%add3A_464, %add3A_426] : memref<64x128xf32, #tpu.memory_space<vmem>>[vector<16xi32>, vector<16xi32>], vector<16xf32>,
      %mul3A_477 = arith.mulf %gather3A_470, %gather3A_476 : vector<16xf32>
      %swap3A_478 = arith.constant 4 : i32
      %swap3A_479 = arith.index_cast %swap3A_478 : i32 to index
      %swap3A_480 = arith.constant 0 : index
      %swap3A_481 = tpu.vector_load %arg8[%swap3A_479, %swap3A_480] {strides = array<i32>} : memref<16x64xf32, #tpu.memory_space<vmem>>, vector<16xf32>,
      tpu.vector_store %arg8[%swap3A_479, %swap3A_480], %mul3A_477 {strides = array<i32>} : memref<16x64xf32, #tpu.memory_space<vmem>>, vector<16xf32>,
      %add3A_482 = arith.constant 16 : i32
      %add3A_483 = vector.broadcast %add3A_482 : i32 to vector<16xi32>
      %add3A_484 = arith.addi %iota3A, %add3A_483 : vector<16xi32>
      %gather3A_485 = arith.constant 2 : i32
      %gather3A_486 = arith.constant 0 : i32
      %gather3A_487 = arith.constant 0 : i32
      %gather3A_488 = tpu.memref_slice %arg7[%gather3A_485, %gather3A_486, %gather3A_487] : memref<6x64x128xf32, #tpu.memory_space<vmem>> -> memref<1x64x128xf32, #tpu.memory_space<vmem>>
      %gather3A_489 = tpu.memref_squeeze %gather3A_488 : memref<1x64x128xf32, #tpu.memory_space<vmem>> -> memref<64x128xf32, #tpu.memory_space<vmem>>
      %gather3A_490 = tpu.vector_load_idx %gather3A_489[%add3A_484, %add3A_392] : memref<64x128xf32, #tpu.memory_space<vmem>>[vector<16xi32>, vector<16xi32>], vector<16xf32>,
      %gather3A_491 = arith.constant 3 : i32
      %gather3A_492 = arith.constant 0 : i32
      %gather3A_493 = arith.constant 0 : i32
      %gather3A_494 = tpu.memref_slice %arg7[%gather3A_491, %gather3A_492, %gather3A_493] : memref<6x64x128xf32, #tpu.memory_space<vmem>> -> memref<1x64x128xf32, #tpu.memory_space<vmem>>
      %gather3A_495 = tpu.memref_squeeze %gather3A_494 : memref<1x64x128xf32, #tpu.memory_space<vmem>> -> memref<64x128xf32, #tpu.memory_space<vmem>>
      %gather3A_496 = tpu.vector_load_idx %gather3A_495[%add3A_484, %add3A_426] : memref<64x128xf32, #tpu.memory_space<vmem>>[vector<16xi32>, vector<16xi32>], vector<16xf32>,
      %mul3A_497 = arith.mulf %gather3A_490, %gather3A_496 : vector<16xf32>
      %swap3A_498 = arith.constant 4 : i32
      %swap3A_499 = arith.index_cast %swap3A_498 : i32 to index
      %swap3A_500 = arith.constant 16 : index
      %swap3A_501 = tpu.vector_load %arg8[%swap3A_499, %swap3A_500] {strides = array<i32>} : memref<16x64xf32, #tpu.memory_space<vmem>>, vector<16xf32>,
      tpu.vector_store %arg8[%swap3A_499, %swap3A_500], %mul3A_497 {strides = array<i32>} : memref<16x64xf32, #tpu.memory_space<vmem>>, vector<16xf32>,
      %add3A_502 = arith.constant 32 : i32
      %add3A_503 = vector.broadcast %add3A_502 : i32 to vector<16xi32>
      %add3A_504 = arith.addi %iota3A, %add3A_503 : vector<16xi32>
      %gather3A_505 = arith.constant 2 : i32
      %gather3A_506 = arith.constant 0 : i32
      %gather3A_507 = arith.constant 0 : i32
      %gather3A_508 = tpu.memref_slice %arg7[%gather3A_505, %gather3A_506, %gather3A_507] : memref<6x64x128xf32, #tpu.memory_space<vmem>> -> memref<1x64x128xf32, #tpu.memory_space<vmem>>
      %gather3A_509 = tpu.memref_squeeze %gather3A_508 : memref<1x64x128xf32, #tpu.memory_space<vmem>> -> memref<64x128xf32, #tpu.memory_space<vmem>>
      %gather3A_510 = tpu.vector_load_idx %gather3A_509[%add3A_504, %add3A_392] : memref<64x128xf32, #tpu.memory_space<vmem>>[vector<16xi32>, vector<16xi32>], vector<16xf32>,
      %gather3A_511 = arith.constant 3 : i32
      %gather3A_512 = arith.constant 0 : i32
      %gather3A_513 = arith.constant 0 : i32
      %gather3A_514 = tpu.memref_slice %arg7[%gather3A_511, %gather3A_512, %gather3A_513] : memref<6x64x128xf32, #tpu.memory_space<vmem>> -> memref<1x64x128xf32, #tpu.memory_space<vmem>>
      %gather3A_515 = tpu.memref_squeeze %gather3A_514 : memref<1x64x128xf32, #tpu.memory_space<vmem>> -> memref<64x128xf32, #tpu.memory_space<vmem>>
      %gather3A_516 = tpu.vector_load_idx %gather3A_515[%add3A_504, %add3A_426] : memref<64x128xf32, #tpu.memory_space<vmem>>[vector<16xi32>, vector<16xi32>], vector<16xf32>,
      %mul3A_517 = arith.mulf %gather3A_510, %gather3A_516 : vector<16xf32>
      %swap3A_518 = arith.constant 4 : i32
      %swap3A_519 = arith.index_cast %swap3A_518 : i32 to index
      %swap3A_520 = arith.constant 32 : index
      %swap3A_521 = tpu.vector_load %arg8[%swap3A_519, %swap3A_520] {strides = array<i32>} : memref<16x64xf32, #tpu.memory_space<vmem>>, vector<16xf32>,
      tpu.vector_store %arg8[%swap3A_519, %swap3A_520], %mul3A_517 {strides = array<i32>} : memref<16x64xf32, #tpu.memory_space<vmem>>, vector<16xf32>,
      %add3A_522 = arith.constant 48 : i32
      %add3A_523 = vector.broadcast %add3A_522 : i32 to vector<16xi32>
      %add3A_524 = arith.addi %iota3A, %add3A_523 : vector<16xi32>
      %gather3A_525 = arith.constant 2 : i32
      %gather3A_526 = arith.constant 0 : i32
      %gather3A_527 = arith.constant 0 : i32
      %gather3A_528 = tpu.memref_slice %arg7[%gather3A_525, %gather3A_526, %gather3A_527] : memref<6x64x128xf32, #tpu.memory_space<vmem>> -> memref<1x64x128xf32, #tpu.memory_space<vmem>>
      %gather3A_529 = tpu.memref_squeeze %gather3A_528 : memref<1x64x128xf32, #tpu.memory_space<vmem>> -> memref<64x128xf32, #tpu.memory_space<vmem>>
      %gather3A_530 = tpu.vector_load_idx %gather3A_529[%add3A_524, %add3A_392] : memref<64x128xf32, #tpu.memory_space<vmem>>[vector<16xi32>, vector<16xi32>], vector<16xf32>,
      %gather3A_531 = arith.constant 3 : i32
      %gather3A_532 = arith.constant 0 : i32
      %gather3A_533 = arith.constant 0 : i32
      %gather3A_534 = tpu.memref_slice %arg7[%gather3A_531, %gather3A_532, %gather3A_533] : memref<6x64x128xf32, #tpu.memory_space<vmem>> -> memref<1x64x128xf32, #tpu.memory_space<vmem>>
      %gather3A_535 = tpu.memref_squeeze %gather3A_534 : memref<1x64x128xf32, #tpu.memory_space<vmem>> -> memref<64x128xf32, #tpu.memory_space<vmem>>
      %gather3A_536 = tpu.vector_load_idx %gather3A_535[%add3A_524, %add3A_426] : memref<64x128xf32, #tpu.memory_space<vmem>>[vector<16xi32>, vector<16xi32>], vector<16xf32>,
      %mul3A_537 = arith.mulf %gather3A_530, %gather3A_536 : vector<16xf32>
      %swap3A_538 = arith.constant 4 : i32
      %swap3A_539 = arith.index_cast %swap3A_538 : i32 to index
      %swap3A_540 = arith.constant 48 : index
      %swap3A_541 = tpu.vector_load %arg8[%swap3A_539, %swap3A_540] {strides = array<i32>} : memref<16x64xf32, #tpu.memory_space<vmem>>, vector<16xf32>,
      tpu.vector_store %arg8[%swap3A_539, %swap3A_540], %mul3A_537 {strides = array<i32>} : memref<16x64xf32, #tpu.memory_space<vmem>>, vector<16xf32>,
      %gt3A_542 = arith.constant 7 : i32
      %gt3A_543 = arith.cmpi sgt, %select_n3A, %gt3A_542 : i32
      %convert_element_type3A_544 = arith.extui %gt3A_543 : i1 to i32
      %cond3A_545 = arith.constant 0 : i32
      %cond3A_546 = arith.cmpi ne, %convert_element_type3A_544, %cond3A_545 : i32
      scf.if %cond3A_546 {
        %get3A_552 = arith.constant 0 : i32
        %get3A_553 = arith.index_cast %get3A_552 : i32 to index
        %get3A_554 = arith.constant 0 : index
        %get3A_555 = tpu.vector_load %arg6[%get3A_553, %get3A_554] {strides = array<i32>} : memref<2x16xi32, #tpu.memory_space<vmem>>, vector<16xi32>,
        %eq3A_556 = arith.constant 7 : i32
        %eq3A_557 = vector.broadcast %eq3A_556 : i32 to vector<16xi32>
        %eq3A_558 = arith.cmpi eq, %iota3A, %eq3A_557 : vector<16xi32>
        %jit3A_559 = arith.constant 0 : i32
        %broadcast_in_dim3A_560 = vector.broadcast %jit3A_559 : i32 to vector<16xi32>
        %select_n3A_561 = arith.select %eq3A_558, %get3A_555, %broadcast_in_dim3A_560 : vector<16xi1>, vector<16xi32>
        %reduce_sum3A_562 = arith.constant true
        %reduce_sum3A_563 = vector.broadcast %reduce_sum3A_562 : i1 to vector<16xi1>
        %reduce_sum3A_564 = tpu.scan <sum>, %select_n3A_561 masked %reduce_sum3A_563 : vector<16xi32>, vector<16xi1> -> vector<16xi32>
        %reduce_sum3A_565 = vector.extract %reduce_sum3A_564[15] : i32 from vector<16xi32>
        %jit3A_566 = arith.constant 128 : i32
        %div3A_567 = arith.divsi %reduce_sum3A_565, %jit3A_566 : i32
        %sign3A_568 = arith.constant 0 : i32
        %sign3A_569 = arith.cmpi sgt, %reduce_sum3A_565, %sign3A_568 : i32
        %sign3A_570 = arith.extui %sign3A_569 : i1 to i32
        %sign3A_571 = arith.constant 0 : i32
        %sign3A_572 = arith.cmpi slt, %reduce_sum3A_565, %sign3A_571 : i32
        %sign3A_573 = arith.extui %sign3A_572 : i1 to i32
        %sign3A_574 = arith.subi %sign3A_570, %sign3A_573 : i32
        %sign3A_575 = arith.constant 0 : i32
        %sign3A_576 = arith.cmpi sgt, %jit3A_566, %sign3A_575 : i32
        %sign3A_577 = arith.extui %sign3A_576 : i1 to i32
        %sign3A_578 = arith.constant 0 : i32
        %sign3A_579 = arith.cmpi slt, %jit3A_566, %sign3A_578 : i32
        %sign3A_580 = arith.extui %sign3A_579 : i1 to i32
        %sign3A_581 = arith.subi %sign3A_577, %sign3A_580 : i32
        %ne3A_582 = arith.cmpi ne, %sign3A_574, %sign3A_581 : i32
        %rem3A_583 = arith.remsi %reduce_sum3A_565, %jit3A_566 : i32
        %ne3A_584 = arith.constant 0 : i32
        %ne3A_585 = arith.cmpi ne, %rem3A_583, %ne3A_584 : i32
        %and3A_586 = arith.andi %ne3A_582, %ne3A_585 : i1
        %sub3A_587 = arith.constant 1 : i32
        %sub3A_588 = arith.subi %div3A_567, %sub3A_587 : i32
        %select_n3A_589 = arith.select %and3A_586, %sub3A_588, %div3A_567 : i32
        %mul3A_590 = arith.constant 128 : i32
        %mul3A_591 = arith.muli %select_n3A_589, %mul3A_590 : i32
        %multiple_of3A_592 = tpu.assume_multiple %mul3A_591, 128 : i32
        %dma_start3A = arith.constant 2 : i32
        %dma_start3A_593 = arith.constant 2 : i32
        %dma_start3A_594 = arith.constant 0 : i32
        %dma_start3A_595 = arith.constant 0 : i32
        %dma_start3A_596 = tpu.memref_slice %arg7[%dma_start3A, %dma_start3A_594, %dma_start3A_595] : memref<6x64x128xf32, #tpu.memory_space<vmem>> -> memref<1x64x128xf32, #tpu.memory_space<vmem>>
        %dma_start3A_597 = tpu.memref_squeeze %dma_start3A_596 : memref<1x64x128xf32, #tpu.memory_space<vmem>> -> memref<64x128xf32, #tpu.memory_space<vmem>>
        %dma_start3A_598 = arith.constant 0 : i32
        %dma_start3A_599 = tpu.memref_slice %arg3[%dma_start3A_598, %multiple_of3A_592] : memref<64x2600000xf32, #tpu.memory_space<hbm>> -> memref<64x128xf32, #tpu.memory_space<hbm>>
        %dma_start3A_600 = tpu.memref_slice %arg9[%dma_start3A_593] : memref<6x!tpu.dma_semaphore, #tpu.memory_space<semaphore_mem>> -> memref<1x!tpu.dma_semaphore, #tpu.memory_space<semaphore_mem>>
        %dma_start3A_601 = tpu.memref_squeeze %dma_start3A_600 : memref<1x!tpu.dma_semaphore, #tpu.memory_space<semaphore_mem>> -> memref<!tpu.dma_semaphore, #tpu.memory_space<semaphore_mem>>
        %dma_start3A_602 = arith.constant 0 : i32
        %dma_start3A_603 = arith.constant 0 : i32
        %dma_start3A_604 = tpu.memref_slice %arg7[%dma_start3A, %dma_start3A_602, %dma_start3A_603] : memref<6x64x128xf32, #tpu.memory_space<vmem>> -> memref<1x64x128xf32, #tpu.memory_space<vmem>>
        %dma_start3A_605 = tpu.memref_squeeze %dma_start3A_604 : memref<1x64x128xf32, #tpu.memory_space<vmem>> -> memref<64x128xf32, #tpu.memory_space<vmem>>
        %dma_start3A_606 = arith.constant 0 : i32
        %dma_start3A_607 = tpu.memref_slice %arg3[%dma_start3A_606, %multiple_of3A_592] : memref<64x2600000xf32, #tpu.memory_space<hbm>> -> memref<64x128xf32, #tpu.memory_space<hbm>>
        tpu.enqueue_dma source(%dma_start3A_607 : memref<64x128xf32, #tpu.memory_space<hbm>>) target(%dma_start3A_605 : memref<64x128xf32, #tpu.memory_space<vmem>>) target_semaphore(%dma_start3A_601 : memref<!tpu.dma_semaphore, #tpu.memory_space<semaphore_mem>>)
      } else {
      }
      %gt3A_547 = arith.constant 7 : i32
      %gt3A_548 = arith.cmpi sgt, %select_n3A, %gt3A_547 : i32
      %convert_element_type3A_549 = arith.extui %gt3A_548 : i1 to i32
      %cond3A_550 = arith.constant 0 : i32
      %cond3A_551 = arith.cmpi ne, %convert_element_type3A_549, %cond3A_550 : i32
      scf.if %cond3A_551 {
        %get3A_552 = arith.constant 1 : i32
        %get3A_553 = arith.index_cast %get3A_552 : i32 to index
        %get3A_554 = arith.constant 0 : index
        %get3A_555 = tpu.vector_load %arg6[%get3A_553, %get3A_554] {strides = array<i32>} : memref<2x16xi32, #tpu.memory_space<vmem>>, vector<16xi32>,
        %eq3A_556 = arith.constant 7 : i32
        %eq3A_557 = vector.broadcast %eq3A_556 : i32 to vector<16xi32>
        %eq3A_558 = arith.cmpi eq, %iota3A, %eq3A_557 : vector<16xi32>
        %jit3A_559 = arith.constant 0 : i32
        %broadcast_in_dim3A_560 = vector.broadcast %jit3A_559 : i32 to vector<16xi32>
        %select_n3A_561 = arith.select %eq3A_558, %get3A_555, %broadcast_in_dim3A_560 : vector<16xi1>, vector<16xi32>
        %reduce_sum3A_562 = arith.constant true
        %reduce_sum3A_563 = vector.broadcast %reduce_sum3A_562 : i1 to vector<16xi1>
        %reduce_sum3A_564 = tpu.scan <sum>, %select_n3A_561 masked %reduce_sum3A_563 : vector<16xi32>, vector<16xi1> -> vector<16xi32>
        %reduce_sum3A_565 = vector.extract %reduce_sum3A_564[15] : i32 from vector<16xi32>
        %jit3A_566 = arith.constant 128 : i32
        %div3A_567 = arith.divsi %reduce_sum3A_565, %jit3A_566 : i32
        %sign3A_568 = arith.constant 0 : i32
        %sign3A_569 = arith.cmpi sgt, %reduce_sum3A_565, %sign3A_568 : i32
        %sign3A_570 = arith.extui %sign3A_569 : i1 to i32
        %sign3A_571 = arith.constant 0 : i32
        %sign3A_572 = arith.cmpi slt, %reduce_sum3A_565, %sign3A_571 : i32
        %sign3A_573 = arith.extui %sign3A_572 : i1 to i32
        %sign3A_574 = arith.subi %sign3A_570, %sign3A_573 : i32
        %sign3A_575 = arith.constant 0 : i32
        %sign3A_576 = arith.cmpi sgt, %jit3A_566, %sign3A_575 : i32
        %sign3A_577 = arith.extui %sign3A_576 : i1 to i32
        %sign3A_578 = arith.constant 0 : i32
        %sign3A_579 = arith.cmpi slt, %jit3A_566, %sign3A_578 : i32
        %sign3A_580 = arith.extui %sign3A_579 : i1 to i32
        %sign3A_581 = arith.subi %sign3A_577, %sign3A_580 : i32
        %ne3A_582 = arith.cmpi ne, %sign3A_574, %sign3A_581 : i32
        %rem3A_583 = arith.remsi %reduce_sum3A_565, %jit3A_566 : i32
        %ne3A_584 = arith.constant 0 : i32
        %ne3A_585 = arith.cmpi ne, %rem3A_583, %ne3A_584 : i32
        %and3A_586 = arith.andi %ne3A_582, %ne3A_585 : i1
        %sub3A_587 = arith.constant 1 : i32
        %sub3A_588 = arith.subi %div3A_567, %sub3A_587 : i32
        %select_n3A_589 = arith.select %and3A_586, %sub3A_588, %div3A_567 : i32
        %mul3A_590 = arith.constant 128 : i32
        %mul3A_591 = arith.muli %select_n3A_589, %mul3A_590 : i32
        %multiple_of3A_592 = tpu.assume_multiple %mul3A_591, 128 : i32
        %dma_start3A = arith.constant 3 : i32
        %dma_start3A_593 = arith.constant 3 : i32
        %dma_start3A_594 = arith.constant 0 : i32
        %dma_start3A_595 = arith.constant 0 : i32
        %dma_start3A_596 = tpu.memref_slice %arg7[%dma_start3A, %dma_start3A_594, %dma_start3A_595] : memref<6x64x128xf32, #tpu.memory_space<vmem>> -> memref<1x64x128xf32, #tpu.memory_space<vmem>>
        %dma_start3A_597 = tpu.memref_squeeze %dma_start3A_596 : memref<1x64x128xf32, #tpu.memory_space<vmem>> -> memref<64x128xf32, #tpu.memory_space<vmem>>
        %dma_start3A_598 = arith.constant 0 : i32
        %dma_start3A_599 = tpu.memref_slice %arg3[%dma_start3A_598, %multiple_of3A_592] : memref<64x2600000xf32, #tpu.memory_space<hbm>> -> memref<64x128xf32, #tpu.memory_space<hbm>>
        %dma_start3A_600 = tpu.memref_slice %arg9[%dma_start3A_593] : memref<6x!tpu.dma_semaphore, #tpu.memory_space<semaphore_mem>> -> memref<1x!tpu.dma_semaphore, #tpu.memory_space<semaphore_mem>>
        %dma_start3A_601 = tpu.memref_squeeze %dma_start3A_600 : memref<1x!tpu.dma_semaphore, #tpu.memory_space<semaphore_mem>> -> memref<!tpu.dma_semaphore, #tpu.memory_space<semaphore_mem>>
        %dma_start3A_602 = arith.constant 0 : i32
        %dma_start3A_603 = arith.constant 0 : i32
        %dma_start3A_604 = tpu.memref_slice %arg7[%dma_start3A, %dma_start3A_602, %dma_start3A_603] : memref<6x64x128xf32, #tpu.memory_space<vmem>> -> memref<1x64x128xf32, #tpu.memory_space<vmem>>
        %dma_start3A_605 = tpu.memref_squeeze %dma_start3A_604 : memref<1x64x128xf32, #tpu.memory_space<vmem>> -> memref<64x128xf32, #tpu.memory_space<vmem>>
        %dma_start3A_606 = arith.constant 0 : i32
        %dma_start3A_607 = tpu.memref_slice %arg3[%dma_start3A_606, %multiple_of3A_592] : memref<64x2600000xf32, #tpu.memory_space<hbm>> -> memref<64x128xf32, #tpu.memory_space<hbm>>
        tpu.enqueue_dma source(%dma_start3A_607 : memref<64x128xf32, #tpu.memory_space<hbm>>) target(%dma_start3A_605 : memref<64x128xf32, #tpu.memory_space<vmem>>) target_semaphore(%dma_start3A_601 : memref<!tpu.dma_semaphore, #tpu.memory_space<semaphore_mem>>)
      } else {
      }
    } else {
    }
    %gt3A_330 = arith.constant 5 : i32
    %gt3A_331 = arith.cmpi sgt, %select_n3A, %gt3A_330 : i32
    %convert_element_type3A_332 = arith.extui %gt3A_331 : i1 to i32
    %cond3A_333 = arith.constant 0 : i32
    %cond3A_334 = arith.cmpi ne, %convert_element_type3A_332, %cond3A_333 : i32
    scf.if %cond3A_334 {
      %broadcast_in_dim3A_362 = arith.constant 0 : i32
      %broadcast_in_dim3A_363 = vector.broadcast %broadcast_in_dim3A_362 : i32 to vector<16xi32>
      %get3A = arith.constant 0 : i32
      %get3A_364 = arith.index_cast %get3A : i32 to index
      %get3A_365 = arith.constant 0 : index
      %get3A_366 = tpu.vector_load %arg6[%get3A_364, %get3A_365] {strides = array<i32>} : memref<2x16xi32, #tpu.memory_space<vmem>>, vector<16xi32>,
      %eq3A = arith.constant 5 : i32
      %eq3A_367 = vector.broadcast %eq3A : i32 to vector<16xi32>
      %eq3A_368 = arith.cmpi eq, %iota3A, %eq3A_367 : vector<16xi32>
      %jit3A_369 = arith.constant 0 : i32
      %broadcast_in_dim3A_370 = vector.broadcast %jit3A_369 : i32 to vector<16xi32>
      %select_n3A_371 = arith.select %eq3A_368, %get3A_366, %broadcast_in_dim3A_370 : vector<16xi1>, vector<16xi32>
      %reduce_sum3A = arith.constant true
      %reduce_sum3A_372 = vector.broadcast %reduce_sum3A : i1 to vector<16xi1>
      %reduce_sum3A_373 = tpu.scan <sum>, %select_n3A_371 masked %reduce_sum3A_372 : vector<16xi32>, vector<16xi1> -> vector<16xi32>
      %reduce_sum3A_374 = vector.extract %reduce_sum3A_373[15] : i32 from vector<16xi32>
      %jit3A_375 = arith.constant 128 : i32
      %eq3A_376 = arith.constant 0 : i32
      %eq3A_377 = arith.cmpi eq, %jit3A_375, %eq3A_376 : i32
      %jit3A_378 = arith.constant 1 : i32
      %select_n3A_379 = arith.select %eq3A_377, %jit3A_378, %jit3A_375 : i32
      %rem3A_380 = arith.remsi %reduce_sum3A_374, %select_n3A_379 : i32
      %ne3A_381 = arith.constant 0 : i32
      %ne3A_382 = arith.cmpi ne, %rem3A_380, %ne3A_381 : i32
      %lt3A_383 = arith.constant 0 : i32
      %lt3A_384 = arith.cmpi slt, %rem3A_380, %lt3A_383 : i32
      %lt3A_385 = arith.constant 0 : i32
      %lt3A_386 = arith.cmpi slt, %select_n3A_379, %lt3A_385 : i32
      %ne3A_387 = arith.xori %lt3A_384, %lt3A_386 : i1
      %and3A_388 = arith.andi %ne3A_387, %ne3A_382 : i1
      %add3A_389 = arith.addi %rem3A_380, %select_n3A_379 : i32
      %select_n3A_390 = arith.select %and3A_388, %add3A_389, %rem3A_380 : i32
      %add3A_391 = vector.broadcast %select_n3A_390 : i32 to vector<16xi32>
      %add3A_392 = arith.addi %broadcast_in_dim3A_363, %add3A_391 : vector<16xi32>
      %broadcast_in_dim3A_393 = arith.constant 0 : i32
      %broadcast_in_dim3A_394 = vector.broadcast %broadcast_in_dim3A_393 : i32 to vector<16xi32>
      %get3A_395 = arith.constant 1 : i32
      %get3A_396 = arith.index_cast %get3A_395 : i32 to index
      %get3A_397 = arith.constant 0 : index
      %get3A_398 = tpu.vector_load %arg6[%get3A_396, %get3A_397] {strides = array<i32>} : memref<2x16xi32, #tpu.memory_space<vmem>>, vector<16xi32>,
      %eq3A_399 = arith.constant 5 : i32
      %eq3A_400 = vector.broadcast %eq3A_399 : i32 to vector<16xi32>
      %eq3A_401 = arith.cmpi eq, %iota3A, %eq3A_400 : vector<16xi32>
      %jit3A_402 = arith.constant 0 : i32
      %broadcast_in_dim3A_403 = vector.broadcast %jit3A_402 : i32 to vector<16xi32>
      %select_n3A_404 = arith.select %eq3A_401, %get3A_398, %broadcast_in_dim3A_403 : vector<16xi1>, vector<16xi32>
      %reduce_sum3A_405 = arith.constant true
      %reduce_sum3A_406 = vector.broadcast %reduce_sum3A_405 : i1 to vector<16xi1>
      %reduce_sum3A_407 = tpu.scan <sum>, %select_n3A_404 masked %reduce_sum3A_406 : vector<16xi32>, vector<16xi1> -> vector<16xi32>
      %reduce_sum3A_408 = vector.extract %reduce_sum3A_407[15] : i32 from vector<16xi32>
      %jit3A_409 = arith.constant 128 : i32
      %eq3A_410 = arith.constant 0 : i32
      %eq3A_411 = arith.cmpi eq, %jit3A_409, %eq3A_410 : i32
      %jit3A_412 = arith.constant 1 : i32
      %select_n3A_413 = arith.select %eq3A_411, %jit3A_412, %jit3A_409 : i32
      %rem3A_414 = arith.remsi %reduce_sum3A_408, %select_n3A_413 : i32
      %ne3A_415 = arith.constant 0 : i32
      %ne3A_416 = arith.cmpi ne, %rem3A_414, %ne3A_415 : i32
      %lt3A_417 = arith.constant 0 : i32
      %lt3A_418 = arith.cmpi slt, %rem3A_414, %lt3A_417 : i32
      %lt3A_419 = arith.constant 0 : i32
      %lt3A_420 = arith.cmpi slt, %select_n3A_413, %lt3A_419 : i32
      %ne3A_421 = arith.xori %lt3A_418, %lt3A_420 : i1
      %and3A_422 = arith.andi %ne3A_421, %ne3A_416 : i1
      %add3A_423 = arith.addi %rem3A_414, %select_n3A_413 : i32
      %select_n3A_424 = arith.select %and3A_422, %add3A_423, %rem3A_414 : i32
      %add3A_425 = vector.broadcast %select_n3A_424 : i32 to vector<16xi32>
      %add3A_426 = arith.addi %broadcast_in_dim3A_394, %add3A_425 : vector<16xi32>
      %dma_wait3A = arith.constant 4 : i32
      %dma_wait3A_427 = arith.constant 4 : i32
      %dma_wait3A_428 = arith.constant 0 : i32
      %dma_wait3A_429 = arith.constant 0 : i32
      %dma_wait3A_430 = tpu.memref_slice %arg7[%dma_wait3A, %dma_wait3A_428, %dma_wait3A_429] : memref<6x64x128xf32, #tpu.memory_space<vmem>> -> memref<1x64x128xf32, #tpu.memory_space<vmem>>
      %dma_wait3A_431 = tpu.memref_squeeze %dma_wait3A_430 : memref<1x64x128xf32, #tpu.memory_space<vmem>> -> memref<64x128xf32, #tpu.memory_space<vmem>>
      %dma_wait3A_432 = arith.constant 0 : i32
      %dma_wait3A_433 = arith.constant 0 : i32
      %dma_wait3A_434 = tpu.memref_slice %arg3[%dma_wait3A_432, %dma_wait3A_433] : memref<64x2600000xf32, #tpu.memory_space<hbm>> -> memref<64x128xf32, #tpu.memory_space<hbm>>
      %dma_wait3A_435 = tpu.memref_slice %arg9[%dma_wait3A_427] : memref<6x!tpu.dma_semaphore, #tpu.memory_space<semaphore_mem>> -> memref<1x!tpu.dma_semaphore, #tpu.memory_space<semaphore_mem>>
      %dma_wait3A_436 = tpu.memref_squeeze %dma_wait3A_435 : memref<1x!tpu.dma_semaphore, #tpu.memory_space<semaphore_mem>> -> memref<!tpu.dma_semaphore, #tpu.memory_space<semaphore_mem>>
      %dma_wait3A_437 = arith.constant 0 : i32
      %dma_wait3A_438 = arith.constant 0 : i32
      %dma_wait3A_439 = tpu.memref_slice %arg7[%dma_wait3A, %dma_wait3A_437, %dma_wait3A_438] : memref<6x64x128xf32, #tpu.memory_space<vmem>> -> memref<1x64x128xf32, #tpu.memory_space<vmem>>
      %dma_wait3A_440 = tpu.memref_squeeze %dma_wait3A_439 : memref<1x64x128xf32, #tpu.memory_space<vmem>> -> memref<64x128xf32, #tpu.memory_space<vmem>>
      %dma_wait3A_441 = arith.constant 0 : i32
      %dma_wait3A_442 = arith.constant 0 : i32
      %dma_wait3A_443 = tpu.memref_slice %arg3[%dma_wait3A_441, %dma_wait3A_442] : memref<64x2600000xf32, #tpu.memory_space<hbm>> -> memref<64x128xf32, #tpu.memory_space<hbm>>
      tpu.wait_dma2 semaphore(%dma_wait3A_436 : memref<!tpu.dma_semaphore, #tpu.memory_space<semaphore_mem>>) src(%dma_wait3A_443 : memref<64x128xf32, #tpu.memory_space<hbm>>) dst(%dma_wait3A_440 : memref<64x128xf32, #tpu.memory_space<vmem>>)
      %dma_wait3A_444 = arith.constant 5 : i32
      %dma_wait3A_445 = arith.constant 5 : i32
      %dma_wait3A_446 = arith.constant 0 : i32
      %dma_wait3A_447 = arith.constant 0 : i32
      %dma_wait3A_448 = tpu.memref_slice %arg7[%dma_wait3A_444, %dma_wait3A_446, %dma_wait3A_447] : memref<6x64x128xf32, #tpu.memory_space<vmem>> -> memref<1x64x128xf32, #tpu.memory_space<vmem>>
      %dma_wait3A_449 = tpu.memref_squeeze %dma_wait3A_448 : memref<1x64x128xf32, #tpu.memory_space<vmem>> -> memref<64x128xf32, #tpu.memory_space<vmem>>
      %dma_wait3A_450 = arith.constant 0 : i32
      %dma_wait3A_451 = arith.constant 0 : i32
      %dma_wait3A_452 = tpu.memref_slice %arg3[%dma_wait3A_450, %dma_wait3A_451] : memref<64x2600000xf32, #tpu.memory_space<hbm>> -> memref<64x128xf32, #tpu.memory_space<hbm>>
      %dma_wait3A_453 = tpu.memref_slice %arg9[%dma_wait3A_445] : memref<6x!tpu.dma_semaphore, #tpu.memory_space<semaphore_mem>> -> memref<1x!tpu.dma_semaphore, #tpu.memory_space<semaphore_mem>>
      %dma_wait3A_454 = tpu.memref_squeeze %dma_wait3A_453 : memref<1x!tpu.dma_semaphore, #tpu.memory_space<semaphore_mem>> -> memref<!tpu.dma_semaphore, #tpu.memory_space<semaphore_mem>>
      %dma_wait3A_455 = arith.constant 0 : i32
      %dma_wait3A_456 = arith.constant 0 : i32
      %dma_wait3A_457 = tpu.memref_slice %arg7[%dma_wait3A_444, %dma_wait3A_455, %dma_wait3A_456] : memref<6x64x128xf32, #tpu.memory_space<vmem>> -> memref<1x64x128xf32, #tpu.memory_space<vmem>>
      %dma_wait3A_458 = tpu.memref_squeeze %dma_wait3A_457 : memref<1x64x128xf32, #tpu.memory_space<vmem>> -> memref<64x128xf32, #tpu.memory_space<vmem>>
      %dma_wait3A_459 = arith.constant 0 : i32
      %dma_wait3A_460 = arith.constant 0 : i32
      %dma_wait3A_461 = tpu.memref_slice %arg3[%dma_wait3A_459, %dma_wait3A_460] : memref<64x2600000xf32, #tpu.memory_space<hbm>> -> memref<64x128xf32, #tpu.memory_space<hbm>>
      tpu.wait_dma2 semaphore(%dma_wait3A_454 : memref<!tpu.dma_semaphore, #tpu.memory_space<semaphore_mem>>) src(%dma_wait3A_461 : memref<64x128xf32, #tpu.memory_space<hbm>>) dst(%dma_wait3A_458 : memref<64x128xf32, #tpu.memory_space<vmem>>)
      %add3A_462 = arith.constant 0 : i32
      %add3A_463 = vector.broadcast %add3A_462 : i32 to vector<16xi32>
      %add3A_464 = arith.addi %iota3A, %add3A_463 : vector<16xi32>
      %gather3A_465 = arith.constant 4 : i32
      %gather3A_466 = arith.constant 0 : i32
      %gather3A_467 = arith.constant 0 : i32
      %gather3A_468 = tpu.memref_slice %arg7[%gather3A_465, %gather3A_466, %gather3A_467] : memref<6x64x128xf32, #tpu.memory_space<vmem>> -> memref<1x64x128xf32, #tpu.memory_space<vmem>>
      %gather3A_469 = tpu.memref_squeeze %gather3A_468 : memref<1x64x128xf32, #tpu.memory_space<vmem>> -> memref<64x128xf32, #tpu.memory_space<vmem>>
      %gather3A_470 = tpu.vector_load_idx %gather3A_469[%add3A_464, %add3A_392] : memref<64x128xf32, #tpu.memory_space<vmem>>[vector<16xi32>, vector<16xi32>], vector<16xf32>,
      %gather3A_471 = arith.constant 5 : i32
      %gather3A_472 = arith.constant 0 : i32
      %gather3A_473 = arith.constant 0 : i32
      %gather3A_474 = tpu.memref_slice %arg7[%gather3A_471, %gather3A_472, %gather3A_473] : memref<6x64x128xf32, #tpu.memory_space<vmem>> -> memref<1x64x128xf32, #tpu.memory_space<vmem>>
      %gather3A_475 = tpu.memref_squeeze %gather3A_474 : memref<1x64x128xf32, #tpu.memory_space<vmem>> -> memref<64x128xf32, #tpu.memory_space<vmem>>
      %gather3A_476 = tpu.vector_load_idx %gather3A_475[%add3A_464, %add3A_426] : memref<64x128xf32, #tpu.memory_space<vmem>>[vector<16xi32>, vector<16xi32>], vector<16xf32>,
      %mul3A_477 = arith.mulf %gather3A_470, %gather3A_476 : vector<16xf32>
      %swap3A_478 = arith.constant 5 : i32
      %swap3A_479 = arith.index_cast %swap3A_478 : i32 to index
      %swap3A_480 = arith.constant 0 : index
      %swap3A_481 = tpu.vector_load %arg8[%swap3A_479, %swap3A_480] {strides = array<i32>} : memref<16x64xf32, #tpu.memory_space<vmem>>, vector<16xf32>,
      tpu.vector_store %arg8[%swap3A_479, %swap3A_480], %mul3A_477 {strides = array<i32>} : memref<16x64xf32, #tpu.memory_space<vmem>>, vector<16xf32>,
      %add3A_482 = arith.constant 16 : i32
      %add3A_483 = vector.broadcast %add3A_482 : i32 to vector<16xi32>
      %add3A_484 = arith.addi %iota3A, %add3A_483 : vector<16xi32>
      %gather3A_485 = arith.constant 4 : i32
      %gather3A_486 = arith.constant 0 : i32
      %gather3A_487 = arith.constant 0 : i32
      %gather3A_488 = tpu.memref_slice %arg7[%gather3A_485, %gather3A_486, %gather3A_487] : memref<6x64x128xf32, #tpu.memory_space<vmem>> -> memref<1x64x128xf32, #tpu.memory_space<vmem>>
      %gather3A_489 = tpu.memref_squeeze %gather3A_488 : memref<1x64x128xf32, #tpu.memory_space<vmem>> -> memref<64x128xf32, #tpu.memory_space<vmem>>
      %gather3A_490 = tpu.vector_load_idx %gather3A_489[%add3A_484, %add3A_392] : memref<64x128xf32, #tpu.memory_space<vmem>>[vector<16xi32>, vector<16xi32>], vector<16xf32>,
      %gather3A_491 = arith.constant 5 : i32
      %gather3A_492 = arith.constant 0 : i32
      %gather3A_493 = arith.constant 0 : i32
      %gather3A_494 = tpu.memref_slice %arg7[%gather3A_491, %gather3A_492, %gather3A_493] : memref<6x64x128xf32, #tpu.memory_space<vmem>> -> memref<1x64x128xf32, #tpu.memory_space<vmem>>
      %gather3A_495 = tpu.memref_squeeze %gather3A_494 : memref<1x64x128xf32, #tpu.memory_space<vmem>> -> memref<64x128xf32, #tpu.memory_space<vmem>>
      %gather3A_496 = tpu.vector_load_idx %gather3A_495[%add3A_484, %add3A_426] : memref<64x128xf32, #tpu.memory_space<vmem>>[vector<16xi32>, vector<16xi32>], vector<16xf32>,
      %mul3A_497 = arith.mulf %gather3A_490, %gather3A_496 : vector<16xf32>
      %swap3A_498 = arith.constant 5 : i32
      %swap3A_499 = arith.index_cast %swap3A_498 : i32 to index
      %swap3A_500 = arith.constant 16 : index
      %swap3A_501 = tpu.vector_load %arg8[%swap3A_499, %swap3A_500] {strides = array<i32>} : memref<16x64xf32, #tpu.memory_space<vmem>>, vector<16xf32>,
      tpu.vector_store %arg8[%swap3A_499, %swap3A_500], %mul3A_497 {strides = array<i32>} : memref<16x64xf32, #tpu.memory_space<vmem>>, vector<16xf32>,
      %add3A_502 = arith.constant 32 : i32
      %add3A_503 = vector.broadcast %add3A_502 : i32 to vector<16xi32>
      %add3A_504 = arith.addi %iota3A, %add3A_503 : vector<16xi32>
      %gather3A_505 = arith.constant 4 : i32
      %gather3A_506 = arith.constant 0 : i32
      %gather3A_507 = arith.constant 0 : i32
      %gather3A_508 = tpu.memref_slice %arg7[%gather3A_505, %gather3A_506, %gather3A_507] : memref<6x64x128xf32, #tpu.memory_space<vmem>> -> memref<1x64x128xf32, #tpu.memory_space<vmem>>
      %gather3A_509 = tpu.memref_squeeze %gather3A_508 : memref<1x64x128xf32, #tpu.memory_space<vmem>> -> memref<64x128xf32, #tpu.memory_space<vmem>>
      %gather3A_510 = tpu.vector_load_idx %gather3A_509[%add3A_504, %add3A_392] : memref<64x128xf32, #tpu.memory_space<vmem>>[vector<16xi32>, vector<16xi32>], vector<16xf32>,
      %gather3A_511 = arith.constant 5 : i32
      %gather3A_512 = arith.constant 0 : i32
      %gather3A_513 = arith.constant 0 : i32
      %gather3A_514 = tpu.memref_slice %arg7[%gather3A_511, %gather3A_512, %gather3A_513] : memref<6x64x128xf32, #tpu.memory_space<vmem>> -> memref<1x64x128xf32, #tpu.memory_space<vmem>>
      %gather3A_515 = tpu.memref_squeeze %gather3A_514 : memref<1x64x128xf32, #tpu.memory_space<vmem>> -> memref<64x128xf32, #tpu.memory_space<vmem>>
      %gather3A_516 = tpu.vector_load_idx %gather3A_515[%add3A_504, %add3A_426] : memref<64x128xf32, #tpu.memory_space<vmem>>[vector<16xi32>, vector<16xi32>], vector<16xf32>,
      %mul3A_517 = arith.mulf %gather3A_510, %gather3A_516 : vector<16xf32>
      %swap3A_518 = arith.constant 5 : i32
      %swap3A_519 = arith.index_cast %swap3A_518 : i32 to index
      %swap3A_520 = arith.constant 32 : index
      %swap3A_521 = tpu.vector_load %arg8[%swap3A_519, %swap3A_520] {strides = array<i32>} : memref<16x64xf32, #tpu.memory_space<vmem>>, vector<16xf32>,
      tpu.vector_store %arg8[%swap3A_519, %swap3A_520], %mul3A_517 {strides = array<i32>} : memref<16x64xf32, #tpu.memory_space<vmem>>, vector<16xf32>,
      %add3A_522 = arith.constant 48 : i32
      %add3A_523 = vector.broadcast %add3A_522 : i32 to vector<16xi32>
      %add3A_524 = arith.addi %iota3A, %add3A_523 : vector<16xi32>
      %gather3A_525 = arith.constant 4 : i32
      %gather3A_526 = arith.constant 0 : i32
      %gather3A_527 = arith.constant 0 : i32
      %gather3A_528 = tpu.memref_slice %arg7[%gather3A_525, %gather3A_526, %gather3A_527] : memref<6x64x128xf32, #tpu.memory_space<vmem>> -> memref<1x64x128xf32, #tpu.memory_space<vmem>>
      %gather3A_529 = tpu.memref_squeeze %gather3A_528 : memref<1x64x128xf32, #tpu.memory_space<vmem>> -> memref<64x128xf32, #tpu.memory_space<vmem>>
      %gather3A_530 = tpu.vector_load_idx %gather3A_529[%add3A_524, %add3A_392] : memref<64x128xf32, #tpu.memory_space<vmem>>[vector<16xi32>, vector<16xi32>], vector<16xf32>,
      %gather3A_531 = arith.constant 5 : i32
      %gather3A_532 = arith.constant 0 : i32
      %gather3A_533 = arith.constant 0 : i32
      %gather3A_534 = tpu.memref_slice %arg7[%gather3A_531, %gather3A_532, %gather3A_533] : memref<6x64x128xf32, #tpu.memory_space<vmem>> -> memref<1x64x128xf32, #tpu.memory_space<vmem>>
      %gather3A_535 = tpu.memref_squeeze %gather3A_534 : memref<1x64x128xf32, #tpu.memory_space<vmem>> -> memref<64x128xf32, #tpu.memory_space<vmem>>
      %gather3A_536 = tpu.vector_load_idx %gather3A_535[%add3A_524, %add3A_426] : memref<64x128xf32, #tpu.memory_space<vmem>>[vector<16xi32>, vector<16xi32>], vector<16xf32>,
      %mul3A_537 = arith.mulf %gather3A_530, %gather3A_536 : vector<16xf32>
      %swap3A_538 = arith.constant 5 : i32
      %swap3A_539 = arith.index_cast %swap3A_538 : i32 to index
      %swap3A_540 = arith.constant 48 : index
      %swap3A_541 = tpu.vector_load %arg8[%swap3A_539, %swap3A_540] {strides = array<i32>} : memref<16x64xf32, #tpu.memory_space<vmem>>, vector<16xf32>,
      tpu.vector_store %arg8[%swap3A_539, %swap3A_540], %mul3A_537 {strides = array<i32>} : memref<16x64xf32, #tpu.memory_space<vmem>>, vector<16xf32>,
      %gt3A_542 = arith.constant 8 : i32
      %gt3A_543 = arith.cmpi sgt, %select_n3A, %gt3A_542 : i32
      %convert_element_type3A_544 = arith.extui %gt3A_543 : i1 to i32
      %cond3A_545 = arith.constant 0 : i32
      %cond3A_546 = arith.cmpi ne, %convert_element_type3A_544, %cond3A_545 : i32
      scf.if %cond3A_546 {
        %get3A_552 = arith.constant 0 : i32
        %get3A_553 = arith.index_cast %get3A_552 : i32 to index
        %get3A_554 = arith.constant 0 : index
        %get3A_555 = tpu.vector_load %arg6[%get3A_553, %get3A_554] {strides = array<i32>} : memref<2x16xi32, #tpu.memory_space<vmem>>, vector<16xi32>,
        %eq3A_556 = arith.constant 8 : i32
        %eq3A_557 = vector.broadcast %eq3A_556 : i32 to vector<16xi32>
        %eq3A_558 = arith.cmpi eq, %iota3A, %eq3A_557 : vector<16xi32>
        %jit3A_559 = arith.constant 0 : i32
        %broadcast_in_dim3A_560 = vector.broadcast %jit3A_559 : i32 to vector<16xi32>
        %select_n3A_561 = arith.select %eq3A_558, %get3A_555, %broadcast_in_dim3A_560 : vector<16xi1>, vector<16xi32>
        %reduce_sum3A_562 = arith.constant true
        %reduce_sum3A_563 = vector.broadcast %reduce_sum3A_562 : i1 to vector<16xi1>
        %reduce_sum3A_564 = tpu.scan <sum>, %select_n3A_561 masked %reduce_sum3A_563 : vector<16xi32>, vector<16xi1> -> vector<16xi32>
        %reduce_sum3A_565 = vector.extract %reduce_sum3A_564[15] : i32 from vector<16xi32>
        %jit3A_566 = arith.constant 128 : i32
        %div3A_567 = arith.divsi %reduce_sum3A_565, %jit3A_566 : i32
        %sign3A_568 = arith.constant 0 : i32
        %sign3A_569 = arith.cmpi sgt, %reduce_sum3A_565, %sign3A_568 : i32
        %sign3A_570 = arith.extui %sign3A_569 : i1 to i32
        %sign3A_571 = arith.constant 0 : i32
        %sign3A_572 = arith.cmpi slt, %reduce_sum3A_565, %sign3A_571 : i32
        %sign3A_573 = arith.extui %sign3A_572 : i1 to i32
        %sign3A_574 = arith.subi %sign3A_570, %sign3A_573 : i32
        %sign3A_575 = arith.constant 0 : i32
        %sign3A_576 = arith.cmpi sgt, %jit3A_566, %sign3A_575 : i32
        %sign3A_577 = arith.extui %sign3A_576 : i1 to i32
        %sign3A_578 = arith.constant 0 : i32
        %sign3A_579 = arith.cmpi slt, %jit3A_566, %sign3A_578 : i32
        %sign3A_580 = arith.extui %sign3A_579 : i1 to i32
        %sign3A_581 = arith.subi %sign3A_577, %sign3A_580 : i32
        %ne3A_582 = arith.cmpi ne, %sign3A_574, %sign3A_581 : i32
        %rem3A_583 = arith.remsi %reduce_sum3A_565, %jit3A_566 : i32
        %ne3A_584 = arith.constant 0 : i32
        %ne3A_585 = arith.cmpi ne, %rem3A_583, %ne3A_584 : i32
        %and3A_586 = arith.andi %ne3A_582, %ne3A_585 : i1
        %sub3A_587 = arith.constant 1 : i32
        %sub3A_588 = arith.subi %div3A_567, %sub3A_587 : i32
        %select_n3A_589 = arith.select %and3A_586, %sub3A_588, %div3A_567 : i32
        %mul3A_590 = arith.constant 128 : i32
        %mul3A_591 = arith.muli %select_n3A_589, %mul3A_590 : i32
        %multiple_of3A_592 = tpu.assume_multiple %mul3A_591, 128 : i32
        %dma_start3A = arith.constant 4 : i32
        %dma_start3A_593 = arith.constant 4 : i32
        %dma_start3A_594 = arith.constant 0 : i32
        %dma_start3A_595 = arith.constant 0 : i32
        %dma_start3A_596 = tpu.memref_slice %arg7[%dma_start3A, %dma_start3A_594, %dma_start3A_595] : memref<6x64x128xf32, #tpu.memory_space<vmem>> -> memref<1x64x128xf32, #tpu.memory_space<vmem>>
        %dma_start3A_597 = tpu.memref_squeeze %dma_start3A_596 : memref<1x64x128xf32, #tpu.memory_space<vmem>> -> memref<64x128xf32, #tpu.memory_space<vmem>>
        %dma_start3A_598 = arith.constant 0 : i32
        %dma_start3A_599 = tpu.memref_slice %arg3[%dma_start3A_598, %multiple_of3A_592] : memref<64x2600000xf32, #tpu.memory_space<hbm>> -> memref<64x128xf32, #tpu.memory_space<hbm>>
        %dma_start3A_600 = tpu.memref_slice %arg9[%dma_start3A_593] : memref<6x!tpu.dma_semaphore, #tpu.memory_space<semaphore_mem>> -> memref<1x!tpu.dma_semaphore, #tpu.memory_space<semaphore_mem>>
        %dma_start3A_601 = tpu.memref_squeeze %dma_start3A_600 : memref<1x!tpu.dma_semaphore, #tpu.memory_space<semaphore_mem>> -> memref<!tpu.dma_semaphore, #tpu.memory_space<semaphore_mem>>
        %dma_start3A_602 = arith.constant 0 : i32
        %dma_start3A_603 = arith.constant 0 : i32
        %dma_start3A_604 = tpu.memref_slice %arg7[%dma_start3A, %dma_start3A_602, %dma_start3A_603] : memref<6x64x128xf32, #tpu.memory_space<vmem>> -> memref<1x64x128xf32, #tpu.memory_space<vmem>>
        %dma_start3A_605 = tpu.memref_squeeze %dma_start3A_604 : memref<1x64x128xf32, #tpu.memory_space<vmem>> -> memref<64x128xf32, #tpu.memory_space<vmem>>
        %dma_start3A_606 = arith.constant 0 : i32
        %dma_start3A_607 = tpu.memref_slice %arg3[%dma_start3A_606, %multiple_of3A_592] : memref<64x2600000xf32, #tpu.memory_space<hbm>> -> memref<64x128xf32, #tpu.memory_space<hbm>>
        tpu.enqueue_dma source(%dma_start3A_607 : memref<64x128xf32, #tpu.memory_space<hbm>>) target(%dma_start3A_605 : memref<64x128xf32, #tpu.memory_space<vmem>>) target_semaphore(%dma_start3A_601 : memref<!tpu.dma_semaphore, #tpu.memory_space<semaphore_mem>>)
      } else {
      }
      %gt3A_547 = arith.constant 8 : i32
      %gt3A_548 = arith.cmpi sgt, %select_n3A, %gt3A_547 : i32
      %convert_element_type3A_549 = arith.extui %gt3A_548 : i1 to i32
      %cond3A_550 = arith.constant 0 : i32
      %cond3A_551 = arith.cmpi ne, %convert_element_type3A_549, %cond3A_550 : i32
      scf.if %cond3A_551 {
        %get3A_552 = arith.constant 1 : i32
        %get3A_553 = arith.index_cast %get3A_552 : i32 to index
        %get3A_554 = arith.constant 0 : index
        %get3A_555 = tpu.vector_load %arg6[%get3A_553, %get3A_554] {strides = array<i32>} : memref<2x16xi32, #tpu.memory_space<vmem>>, vector<16xi32>,
        %eq3A_556 = arith.constant 8 : i32
        %eq3A_557 = vector.broadcast %eq3A_556 : i32 to vector<16xi32>
        %eq3A_558 = arith.cmpi eq, %iota3A, %eq3A_557 : vector<16xi32>
        %jit3A_559 = arith.constant 0 : i32
        %broadcast_in_dim3A_560 = vector.broadcast %jit3A_559 : i32 to vector<16xi32>
        %select_n3A_561 = arith.select %eq3A_558, %get3A_555, %broadcast_in_dim3A_560 : vector<16xi1>, vector<16xi32>
        %reduce_sum3A_562 = arith.constant true
        %reduce_sum3A_563 = vector.broadcast %reduce_sum3A_562 : i1 to vector<16xi1>
        %reduce_sum3A_564 = tpu.scan <sum>, %select_n3A_561 masked %reduce_sum3A_563 : vector<16xi32>, vector<16xi1> -> vector<16xi32>
        %reduce_sum3A_565 = vector.extract %reduce_sum3A_564[15] : i32 from vector<16xi32>
        %jit3A_566 = arith.constant 128 : i32
        %div3A_567 = arith.divsi %reduce_sum3A_565, %jit3A_566 : i32
        %sign3A_568 = arith.constant 0 : i32
        %sign3A_569 = arith.cmpi sgt, %reduce_sum3A_565, %sign3A_568 : i32
        %sign3A_570 = arith.extui %sign3A_569 : i1 to i32
        %sign3A_571 = arith.constant 0 : i32
        %sign3A_572 = arith.cmpi slt, %reduce_sum3A_565, %sign3A_571 : i32
        %sign3A_573 = arith.extui %sign3A_572 : i1 to i32
        %sign3A_574 = arith.subi %sign3A_570, %sign3A_573 : i32
        %sign3A_575 = arith.constant 0 : i32
        %sign3A_576 = arith.cmpi sgt, %jit3A_566, %sign3A_575 : i32
        %sign3A_577 = arith.extui %sign3A_576 : i1 to i32
        %sign3A_578 = arith.constant 0 : i32
        %sign3A_579 = arith.cmpi slt, %jit3A_566, %sign3A_578 : i32
        %sign3A_580 = arith.extui %sign3A_579 : i1 to i32
        %sign3A_581 = arith.subi %sign3A_577, %sign3A_580 : i32
        %ne3A_582 = arith.cmpi ne, %sign3A_574, %sign3A_581 : i32
        %rem3A_583 = arith.remsi %reduce_sum3A_565, %jit3A_566 : i32
        %ne3A_584 = arith.constant 0 : i32
        %ne3A_585 = arith.cmpi ne, %rem3A_583, %ne3A_584 : i32
        %and3A_586 = arith.andi %ne3A_582, %ne3A_585 : i1
        %sub3A_587 = arith.constant 1 : i32
        %sub3A_588 = arith.subi %div3A_567, %sub3A_587 : i32
        %select_n3A_589 = arith.select %and3A_586, %sub3A_588, %div3A_567 : i32
        %mul3A_590 = arith.constant 128 : i32
        %mul3A_591 = arith.muli %select_n3A_589, %mul3A_590 : i32
        %multiple_of3A_592 = tpu.assume_multiple %mul3A_591, 128 : i32
        %dma_start3A = arith.constant 5 : i32
        %dma_start3A_593 = arith.constant 5 : i32
        %dma_start3A_594 = arith.constant 0 : i32
        %dma_start3A_595 = arith.constant 0 : i32
        %dma_start3A_596 = tpu.memref_slice %arg7[%dma_start3A, %dma_start3A_594, %dma_start3A_595] : memref<6x64x128xf32, #tpu.memory_space<vmem>> -> memref<1x64x128xf32, #tpu.memory_space<vmem>>
        %dma_start3A_597 = tpu.memref_squeeze %dma_start3A_596 : memref<1x64x128xf32, #tpu.memory_space<vmem>> -> memref<64x128xf32, #tpu.memory_space<vmem>>
        %dma_start3A_598 = arith.constant 0 : i32
        %dma_start3A_599 = tpu.memref_slice %arg3[%dma_start3A_598, %multiple_of3A_592] : memref<64x2600000xf32, #tpu.memory_space<hbm>> -> memref<64x128xf32, #tpu.memory_space<hbm>>
        %dma_start3A_600 = tpu.memref_slice %arg9[%dma_start3A_593] : memref<6x!tpu.dma_semaphore, #tpu.memory_space<semaphore_mem>> -> memref<1x!tpu.dma_semaphore, #tpu.memory_space<semaphore_mem>>
        %dma_start3A_601 = tpu.memref_squeeze %dma_start3A_600 : memref<1x!tpu.dma_semaphore, #tpu.memory_space<semaphore_mem>> -> memref<!tpu.dma_semaphore, #tpu.memory_space<semaphore_mem>>
        %dma_start3A_602 = arith.constant 0 : i32
        %dma_start3A_603 = arith.constant 0 : i32
        %dma_start3A_604 = tpu.memref_slice %arg7[%dma_start3A, %dma_start3A_602, %dma_start3A_603] : memref<6x64x128xf32, #tpu.memory_space<vmem>> -> memref<1x64x128xf32, #tpu.memory_space<vmem>>
        %dma_start3A_605 = tpu.memref_squeeze %dma_start3A_604 : memref<1x64x128xf32, #tpu.memory_space<vmem>> -> memref<64x128xf32, #tpu.memory_space<vmem>>
        %dma_start3A_606 = arith.constant 0 : i32
        %dma_start3A_607 = tpu.memref_slice %arg3[%dma_start3A_606, %multiple_of3A_592] : memref<64x2600000xf32, #tpu.memory_space<hbm>> -> memref<64x128xf32, #tpu.memory_space<hbm>>
        tpu.enqueue_dma source(%dma_start3A_607 : memref<64x128xf32, #tpu.memory_space<hbm>>) target(%dma_start3A_605 : memref<64x128xf32, #tpu.memory_space<vmem>>) target_semaphore(%dma_start3A_601 : memref<!tpu.dma_semaphore, #tpu.memory_space<semaphore_mem>>)
      } else {
      }
    } else {
    }
    %gt3A_335 = arith.constant 6 : i32
    %gt3A_336 = arith.cmpi sgt, %select_n3A, %gt3A_335 : i32
    %convert_element_type3A_337 = arith.extui %gt3A_336 : i1 to i32
    %cond3A_338 = arith.constant 0 : i32
    %cond3A_339 = arith.cmpi ne, %convert_element_type3A_337, %cond3A_338 : i32
    scf.if %cond3A_339 {
      %broadcast_in_dim3A_362 = arith.constant 0 : i32
      %broadcast_in_dim3A_363 = vector.broadcast %broadcast_in_dim3A_362 : i32 to vector<16xi32>
      %get3A = arith.constant 0 : i32
      %get3A_364 = arith.index_cast %get3A : i32 to index
      %get3A_365 = arith.constant 0 : index
      %get3A_366 = tpu.vector_load %arg6[%get3A_364, %get3A_365] {strides = array<i32>} : memref<2x16xi32, #tpu.memory_space<vmem>>, vector<16xi32>,
      %eq3A = arith.constant 6 : i32
      %eq3A_367 = vector.broadcast %eq3A : i32 to vector<16xi32>
      %eq3A_368 = arith.cmpi eq, %iota3A, %eq3A_367 : vector<16xi32>
      %jit3A_369 = arith.constant 0 : i32
      %broadcast_in_dim3A_370 = vector.broadcast %jit3A_369 : i32 to vector<16xi32>
      %select_n3A_371 = arith.select %eq3A_368, %get3A_366, %broadcast_in_dim3A_370 : vector<16xi1>, vector<16xi32>
      %reduce_sum3A = arith.constant true
      %reduce_sum3A_372 = vector.broadcast %reduce_sum3A : i1 to vector<16xi1>
      %reduce_sum3A_373 = tpu.scan <sum>, %select_n3A_371 masked %reduce_sum3A_372 : vector<16xi32>, vector<16xi1> -> vector<16xi32>
      %reduce_sum3A_374 = vector.extract %reduce_sum3A_373[15] : i32 from vector<16xi32>
      %jit3A_375 = arith.constant 128 : i32
      %eq3A_376 = arith.constant 0 : i32
      %eq3A_377 = arith.cmpi eq, %jit3A_375, %eq3A_376 : i32
      %jit3A_378 = arith.constant 1 : i32
      %select_n3A_379 = arith.select %eq3A_377, %jit3A_378, %jit3A_375 : i32
      %rem3A_380 = arith.remsi %reduce_sum3A_374, %select_n3A_379 : i32
      %ne3A_381 = arith.constant 0 : i32
      %ne3A_382 = arith.cmpi ne, %rem3A_380, %ne3A_381 : i32
      %lt3A_383 = arith.constant 0 : i32
      %lt3A_384 = arith.cmpi slt, %rem3A_380, %lt3A_383 : i32
      %lt3A_385 = arith.constant 0 : i32
      %lt3A_386 = arith.cmpi slt, %select_n3A_379, %lt3A_385 : i32
      %ne3A_387 = arith.xori %lt3A_384, %lt3A_386 : i1
      %and3A_388 = arith.andi %ne3A_387, %ne3A_382 : i1
      %add3A_389 = arith.addi %rem3A_380, %select_n3A_379 : i32
      %select_n3A_390 = arith.select %and3A_388, %add3A_389, %rem3A_380 : i32
      %add3A_391 = vector.broadcast %select_n3A_390 : i32 to vector<16xi32>
      %add3A_392 = arith.addi %broadcast_in_dim3A_363, %add3A_391 : vector<16xi32>
      %broadcast_in_dim3A_393 = arith.constant 0 : i32
      %broadcast_in_dim3A_394 = vector.broadcast %broadcast_in_dim3A_393 : i32 to vector<16xi32>
      %get3A_395 = arith.constant 1 : i32
      %get3A_396 = arith.index_cast %get3A_395 : i32 to index
      %get3A_397 = arith.constant 0 : index
      %get3A_398 = tpu.vector_load %arg6[%get3A_396, %get3A_397] {strides = array<i32>} : memref<2x16xi32, #tpu.memory_space<vmem>>, vector<16xi32>,
      %eq3A_399 = arith.constant 6 : i32
      %eq3A_400 = vector.broadcast %eq3A_399 : i32 to vector<16xi32>
      %eq3A_401 = arith.cmpi eq, %iota3A, %eq3A_400 : vector<16xi32>
      %jit3A_402 = arith.constant 0 : i32
      %broadcast_in_dim3A_403 = vector.broadcast %jit3A_402 : i32 to vector<16xi32>
      %select_n3A_404 = arith.select %eq3A_401, %get3A_398, %broadcast_in_dim3A_403 : vector<16xi1>, vector<16xi32>
      %reduce_sum3A_405 = arith.constant true
      %reduce_sum3A_406 = vector.broadcast %reduce_sum3A_405 : i1 to vector<16xi1>
      %reduce_sum3A_407 = tpu.scan <sum>, %select_n3A_404 masked %reduce_sum3A_406 : vector<16xi32>, vector<16xi1> -> vector<16xi32>
      %reduce_sum3A_408 = vector.extract %reduce_sum3A_407[15] : i32 from vector<16xi32>
      %jit3A_409 = arith.constant 128 : i32
      %eq3A_410 = arith.constant 0 : i32
      %eq3A_411 = arith.cmpi eq, %jit3A_409, %eq3A_410 : i32
      %jit3A_412 = arith.constant 1 : i32
      %select_n3A_413 = arith.select %eq3A_411, %jit3A_412, %jit3A_409 : i32
      %rem3A_414 = arith.remsi %reduce_sum3A_408, %select_n3A_413 : i32
      %ne3A_415 = arith.constant 0 : i32
      %ne3A_416 = arith.cmpi ne, %rem3A_414, %ne3A_415 : i32
      %lt3A_417 = arith.constant 0 : i32
      %lt3A_418 = arith.cmpi slt, %rem3A_414, %lt3A_417 : i32
      %lt3A_419 = arith.constant 0 : i32
      %lt3A_420 = arith.cmpi slt, %select_n3A_413, %lt3A_419 : i32
      %ne3A_421 = arith.xori %lt3A_418, %lt3A_420 : i1
      %and3A_422 = arith.andi %ne3A_421, %ne3A_416 : i1
      %add3A_423 = arith.addi %rem3A_414, %select_n3A_413 : i32
      %select_n3A_424 = arith.select %and3A_422, %add3A_423, %rem3A_414 : i32
      %add3A_425 = vector.broadcast %select_n3A_424 : i32 to vector<16xi32>
      %add3A_426 = arith.addi %broadcast_in_dim3A_394, %add3A_425 : vector<16xi32>
      %dma_wait3A = arith.constant 0 : i32
      %dma_wait3A_427 = arith.constant 0 : i32
      %dma_wait3A_428 = arith.constant 0 : i32
      %dma_wait3A_429 = arith.constant 0 : i32
      %dma_wait3A_430 = tpu.memref_slice %arg7[%dma_wait3A, %dma_wait3A_428, %dma_wait3A_429] : memref<6x64x128xf32, #tpu.memory_space<vmem>> -> memref<1x64x128xf32, #tpu.memory_space<vmem>>
      %dma_wait3A_431 = tpu.memref_squeeze %dma_wait3A_430 : memref<1x64x128xf32, #tpu.memory_space<vmem>> -> memref<64x128xf32, #tpu.memory_space<vmem>>
      %dma_wait3A_432 = arith.constant 0 : i32
      %dma_wait3A_433 = arith.constant 0 : i32
      %dma_wait3A_434 = tpu.memref_slice %arg3[%dma_wait3A_432, %dma_wait3A_433] : memref<64x2600000xf32, #tpu.memory_space<hbm>> -> memref<64x128xf32, #tpu.memory_space<hbm>>
      %dma_wait3A_435 = tpu.memref_slice %arg9[%dma_wait3A_427] : memref<6x!tpu.dma_semaphore, #tpu.memory_space<semaphore_mem>> -> memref<1x!tpu.dma_semaphore, #tpu.memory_space<semaphore_mem>>
      %dma_wait3A_436 = tpu.memref_squeeze %dma_wait3A_435 : memref<1x!tpu.dma_semaphore, #tpu.memory_space<semaphore_mem>> -> memref<!tpu.dma_semaphore, #tpu.memory_space<semaphore_mem>>
      %dma_wait3A_437 = arith.constant 0 : i32
      %dma_wait3A_438 = arith.constant 0 : i32
      %dma_wait3A_439 = tpu.memref_slice %arg7[%dma_wait3A, %dma_wait3A_437, %dma_wait3A_438] : memref<6x64x128xf32, #tpu.memory_space<vmem>> -> memref<1x64x128xf32, #tpu.memory_space<vmem>>
      %dma_wait3A_440 = tpu.memref_squeeze %dma_wait3A_439 : memref<1x64x128xf32, #tpu.memory_space<vmem>> -> memref<64x128xf32, #tpu.memory_space<vmem>>
      %dma_wait3A_441 = arith.constant 0 : i32
      %dma_wait3A_442 = arith.constant 0 : i32
      %dma_wait3A_443 = tpu.memref_slice %arg3[%dma_wait3A_441, %dma_wait3A_442] : memref<64x2600000xf32, #tpu.memory_space<hbm>> -> memref<64x128xf32, #tpu.memory_space<hbm>>
      tpu.wait_dma2 semaphore(%dma_wait3A_436 : memref<!tpu.dma_semaphore, #tpu.memory_space<semaphore_mem>>) src(%dma_wait3A_443 : memref<64x128xf32, #tpu.memory_space<hbm>>) dst(%dma_wait3A_440 : memref<64x128xf32, #tpu.memory_space<vmem>>)
      %dma_wait3A_444 = arith.constant 1 : i32
      %dma_wait3A_445 = arith.constant 1 : i32
      %dma_wait3A_446 = arith.constant 0 : i32
      %dma_wait3A_447 = arith.constant 0 : i32
      %dma_wait3A_448 = tpu.memref_slice %arg7[%dma_wait3A_444, %dma_wait3A_446, %dma_wait3A_447] : memref<6x64x128xf32, #tpu.memory_space<vmem>> -> memref<1x64x128xf32, #tpu.memory_space<vmem>>
      %dma_wait3A_449 = tpu.memref_squeeze %dma_wait3A_448 : memref<1x64x128xf32, #tpu.memory_space<vmem>> -> memref<64x128xf32, #tpu.memory_space<vmem>>
      %dma_wait3A_450 = arith.constant 0 : i32
      %dma_wait3A_451 = arith.constant 0 : i32
      %dma_wait3A_452 = tpu.memref_slice %arg3[%dma_wait3A_450, %dma_wait3A_451] : memref<64x2600000xf32, #tpu.memory_space<hbm>> -> memref<64x128xf32, #tpu.memory_space<hbm>>
      %dma_wait3A_453 = tpu.memref_slice %arg9[%dma_wait3A_445] : memref<6x!tpu.dma_semaphore, #tpu.memory_space<semaphore_mem>> -> memref<1x!tpu.dma_semaphore, #tpu.memory_space<semaphore_mem>>
      %dma_wait3A_454 = tpu.memref_squeeze %dma_wait3A_453 : memref<1x!tpu.dma_semaphore, #tpu.memory_space<semaphore_mem>> -> memref<!tpu.dma_semaphore, #tpu.memory_space<semaphore_mem>>
      %dma_wait3A_455 = arith.constant 0 : i32
      %dma_wait3A_456 = arith.constant 0 : i32
      %dma_wait3A_457 = tpu.memref_slice %arg7[%dma_wait3A_444, %dma_wait3A_455, %dma_wait3A_456] : memref<6x64x128xf32, #tpu.memory_space<vmem>> -> memref<1x64x128xf32, #tpu.memory_space<vmem>>
      %dma_wait3A_458 = tpu.memref_squeeze %dma_wait3A_457 : memref<1x64x128xf32, #tpu.memory_space<vmem>> -> memref<64x128xf32, #tpu.memory_space<vmem>>
      %dma_wait3A_459 = arith.constant 0 : i32
      %dma_wait3A_460 = arith.constant 0 : i32
      %dma_wait3A_461 = tpu.memref_slice %arg3[%dma_wait3A_459, %dma_wait3A_460] : memref<64x2600000xf32, #tpu.memory_space<hbm>> -> memref<64x128xf32, #tpu.memory_space<hbm>>
      tpu.wait_dma2 semaphore(%dma_wait3A_454 : memref<!tpu.dma_semaphore, #tpu.memory_space<semaphore_mem>>) src(%dma_wait3A_461 : memref<64x128xf32, #tpu.memory_space<hbm>>) dst(%dma_wait3A_458 : memref<64x128xf32, #tpu.memory_space<vmem>>)
      %add3A_462 = arith.constant 0 : i32
      %add3A_463 = vector.broadcast %add3A_462 : i32 to vector<16xi32>
      %add3A_464 = arith.addi %iota3A, %add3A_463 : vector<16xi32>
      %gather3A_465 = arith.constant 0 : i32
      %gather3A_466 = arith.constant 0 : i32
      %gather3A_467 = arith.constant 0 : i32
      %gather3A_468 = tpu.memref_slice %arg7[%gather3A_465, %gather3A_466, %gather3A_467] : memref<6x64x128xf32, #tpu.memory_space<vmem>> -> memref<1x64x128xf32, #tpu.memory_space<vmem>>
      %gather3A_469 = tpu.memref_squeeze %gather3A_468 : memref<1x64x128xf32, #tpu.memory_space<vmem>> -> memref<64x128xf32, #tpu.memory_space<vmem>>
      %gather3A_470 = tpu.vector_load_idx %gather3A_469[%add3A_464, %add3A_392] : memref<64x128xf32, #tpu.memory_space<vmem>>[vector<16xi32>, vector<16xi32>], vector<16xf32>,
      %gather3A_471 = arith.constant 1 : i32
      %gather3A_472 = arith.constant 0 : i32
      %gather3A_473 = arith.constant 0 : i32
      %gather3A_474 = tpu.memref_slice %arg7[%gather3A_471, %gather3A_472, %gather3A_473] : memref<6x64x128xf32, #tpu.memory_space<vmem>> -> memref<1x64x128xf32, #tpu.memory_space<vmem>>
      %gather3A_475 = tpu.memref_squeeze %gather3A_474 : memref<1x64x128xf32, #tpu.memory_space<vmem>> -> memref<64x128xf32, #tpu.memory_space<vmem>>
      %gather3A_476 = tpu.vector_load_idx %gather3A_475[%add3A_464, %add3A_426] : memref<64x128xf32, #tpu.memory_space<vmem>>[vector<16xi32>, vector<16xi32>], vector<16xf32>,
      %mul3A_477 = arith.mulf %gather3A_470, %gather3A_476 : vector<16xf32>
      %swap3A_478 = arith.constant 6 : i32
      %swap3A_479 = arith.index_cast %swap3A_478 : i32 to index
      %swap3A_480 = arith.constant 0 : index
      %swap3A_481 = tpu.vector_load %arg8[%swap3A_479, %swap3A_480] {strides = array<i32>} : memref<16x64xf32, #tpu.memory_space<vmem>>, vector<16xf32>,
      tpu.vector_store %arg8[%swap3A_479, %swap3A_480], %mul3A_477 {strides = array<i32>} : memref<16x64xf32, #tpu.memory_space<vmem>>, vector<16xf32>,
      %add3A_482 = arith.constant 16 : i32
      %add3A_483 = vector.broadcast %add3A_482 : i32 to vector<16xi32>
      %add3A_484 = arith.addi %iota3A, %add3A_483 : vector<16xi32>
      %gather3A_485 = arith.constant 0 : i32
      %gather3A_486 = arith.constant 0 : i32
      %gather3A_487 = arith.constant 0 : i32
      %gather3A_488 = tpu.memref_slice %arg7[%gather3A_485, %gather3A_486, %gather3A_487] : memref<6x64x128xf32, #tpu.memory_space<vmem>> -> memref<1x64x128xf32, #tpu.memory_space<vmem>>
      %gather3A_489 = tpu.memref_squeeze %gather3A_488 : memref<1x64x128xf32, #tpu.memory_space<vmem>> -> memref<64x128xf32, #tpu.memory_space<vmem>>
      %gather3A_490 = tpu.vector_load_idx %gather3A_489[%add3A_484, %add3A_392] : memref<64x128xf32, #tpu.memory_space<vmem>>[vector<16xi32>, vector<16xi32>], vector<16xf32>,
      %gather3A_491 = arith.constant 1 : i32
      %gather3A_492 = arith.constant 0 : i32
      %gather3A_493 = arith.constant 0 : i32
      %gather3A_494 = tpu.memref_slice %arg7[%gather3A_491, %gather3A_492, %gather3A_493] : memref<6x64x128xf32, #tpu.memory_space<vmem>> -> memref<1x64x128xf32, #tpu.memory_space<vmem>>
      %gather3A_495 = tpu.memref_squeeze %gather3A_494 : memref<1x64x128xf32, #tpu.memory_space<vmem>> -> memref<64x128xf32, #tpu.memory_space<vmem>>
      %gather3A_496 = tpu.vector_load_idx %gather3A_495[%add3A_484, %add3A_426] : memref<64x128xf32, #tpu.memory_space<vmem>>[vector<16xi32>, vector<16xi32>], vector<16xf32>,
      %mul3A_497 = arith.mulf %gather3A_490, %gather3A_496 : vector<16xf32>
      %swap3A_498 = arith.constant 6 : i32
      %swap3A_499 = arith.index_cast %swap3A_498 : i32 to index
      %swap3A_500 = arith.constant 16 : index
      %swap3A_501 = tpu.vector_load %arg8[%swap3A_499, %swap3A_500] {strides = array<i32>} : memref<16x64xf32, #tpu.memory_space<vmem>>, vector<16xf32>,
      tpu.vector_store %arg8[%swap3A_499, %swap3A_500], %mul3A_497 {strides = array<i32>} : memref<16x64xf32, #tpu.memory_space<vmem>>, vector<16xf32>,
      %add3A_502 = arith.constant 32 : i32
      %add3A_503 = vector.broadcast %add3A_502 : i32 to vector<16xi32>
      %add3A_504 = arith.addi %iota3A, %add3A_503 : vector<16xi32>
      %gather3A_505 = arith.constant 0 : i32
      %gather3A_506 = arith.constant 0 : i32
      %gather3A_507 = arith.constant 0 : i32
      %gather3A_508 = tpu.memref_slice %arg7[%gather3A_505, %gather3A_506, %gather3A_507] : memref<6x64x128xf32, #tpu.memory_space<vmem>> -> memref<1x64x128xf32, #tpu.memory_space<vmem>>
      %gather3A_509 = tpu.memref_squeeze %gather3A_508 : memref<1x64x128xf32, #tpu.memory_space<vmem>> -> memref<64x128xf32, #tpu.memory_space<vmem>>
      %gather3A_510 = tpu.vector_load_idx %gather3A_509[%add3A_504, %add3A_392] : memref<64x128xf32, #tpu.memory_space<vmem>>[vector<16xi32>, vector<16xi32>], vector<16xf32>,
      %gather3A_511 = arith.constant 1 : i32
      %gather3A_512 = arith.constant 0 : i32
      %gather3A_513 = arith.constant 0 : i32
      %gather3A_514 = tpu.memref_slice %arg7[%gather3A_511, %gather3A_512, %gather3A_513] : memref<6x64x128xf32, #tpu.memory_space<vmem>> -> memref<1x64x128xf32, #tpu.memory_space<vmem>>
      %gather3A_515 = tpu.memref_squeeze %gather3A_514 : memref<1x64x128xf32, #tpu.memory_space<vmem>> -> memref<64x128xf32, #tpu.memory_space<vmem>>
      %gather3A_516 = tpu.vector_load_idx %gather3A_515[%add3A_504, %add3A_426] : memref<64x128xf32, #tpu.memory_space<vmem>>[vector<16xi32>, vector<16xi32>], vector<16xf32>,
      %mul3A_517 = arith.mulf %gather3A_510, %gather3A_516 : vector<16xf32>
      %swap3A_518 = arith.constant 6 : i32
      %swap3A_519 = arith.index_cast %swap3A_518 : i32 to index
      %swap3A_520 = arith.constant 32 : index
      %swap3A_521 = tpu.vector_load %arg8[%swap3A_519, %swap3A_520] {strides = array<i32>} : memref<16x64xf32, #tpu.memory_space<vmem>>, vector<16xf32>,
      tpu.vector_store %arg8[%swap3A_519, %swap3A_520], %mul3A_517 {strides = array<i32>} : memref<16x64xf32, #tpu.memory_space<vmem>>, vector<16xf32>,
      %add3A_522 = arith.constant 48 : i32
      %add3A_523 = vector.broadcast %add3A_522 : i32 to vector<16xi32>
      %add3A_524 = arith.addi %iota3A, %add3A_523 : vector<16xi32>
      %gather3A_525 = arith.constant 0 : i32
      %gather3A_526 = arith.constant 0 : i32
      %gather3A_527 = arith.constant 0 : i32
      %gather3A_528 = tpu.memref_slice %arg7[%gather3A_525, %gather3A_526, %gather3A_527] : memref<6x64x128xf32, #tpu.memory_space<vmem>> -> memref<1x64x128xf32, #tpu.memory_space<vmem>>
      %gather3A_529 = tpu.memref_squeeze %gather3A_528 : memref<1x64x128xf32, #tpu.memory_space<vmem>> -> memref<64x128xf32, #tpu.memory_space<vmem>>
      %gather3A_530 = tpu.vector_load_idx %gather3A_529[%add3A_524, %add3A_392] : memref<64x128xf32, #tpu.memory_space<vmem>>[vector<16xi32>, vector<16xi32>], vector<16xf32>,
      %gather3A_531 = arith.constant 1 : i32
      %gather3A_532 = arith.constant 0 : i32
      %gather3A_533 = arith.constant 0 : i32
      %gather3A_534 = tpu.memref_slice %arg7[%gather3A_531, %gather3A_532, %gather3A_533] : memref<6x64x128xf32, #tpu.memory_space<vmem>> -> memref<1x64x128xf32, #tpu.memory_space<vmem>>
      %gather3A_535 = tpu.memref_squeeze %gather3A_534 : memref<1x64x128xf32, #tpu.memory_space<vmem>> -> memref<64x128xf32, #tpu.memory_space<vmem>>
      %gather3A_536 = tpu.vector_load_idx %gather3A_535[%add3A_524, %add3A_426] : memref<64x128xf32, #tpu.memory_space<vmem>>[vector<16xi32>, vector<16xi32>], vector<16xf32>,
      %mul3A_537 = arith.mulf %gather3A_530, %gather3A_536 : vector<16xf32>
      %swap3A_538 = arith.constant 6 : i32
      %swap3A_539 = arith.index_cast %swap3A_538 : i32 to index
      %swap3A_540 = arith.constant 48 : index
      %swap3A_541 = tpu.vector_load %arg8[%swap3A_539, %swap3A_540] {strides = array<i32>} : memref<16x64xf32, #tpu.memory_space<vmem>>, vector<16xf32>,
      tpu.vector_store %arg8[%swap3A_539, %swap3A_540], %mul3A_537 {strides = array<i32>} : memref<16x64xf32, #tpu.memory_space<vmem>>, vector<16xf32>,
      %gt3A_542 = arith.constant 9 : i32
      %gt3A_543 = arith.cmpi sgt, %select_n3A, %gt3A_542 : i32
      %convert_element_type3A_544 = arith.extui %gt3A_543 : i1 to i32
      %cond3A_545 = arith.constant 0 : i32
      %cond3A_546 = arith.cmpi ne, %convert_element_type3A_544, %cond3A_545 : i32
      scf.if %cond3A_546 {
        %get3A_552 = arith.constant 0 : i32
        %get3A_553 = arith.index_cast %get3A_552 : i32 to index
        %get3A_554 = arith.constant 0 : index
        %get3A_555 = tpu.vector_load %arg6[%get3A_553, %get3A_554] {strides = array<i32>} : memref<2x16xi32, #tpu.memory_space<vmem>>, vector<16xi32>,
        %eq3A_556 = arith.constant 9 : i32
        %eq3A_557 = vector.broadcast %eq3A_556 : i32 to vector<16xi32>
        %eq3A_558 = arith.cmpi eq, %iota3A, %eq3A_557 : vector<16xi32>
        %jit3A_559 = arith.constant 0 : i32
        %broadcast_in_dim3A_560 = vector.broadcast %jit3A_559 : i32 to vector<16xi32>
        %select_n3A_561 = arith.select %eq3A_558, %get3A_555, %broadcast_in_dim3A_560 : vector<16xi1>, vector<16xi32>
        %reduce_sum3A_562 = arith.constant true
        %reduce_sum3A_563 = vector.broadcast %reduce_sum3A_562 : i1 to vector<16xi1>
        %reduce_sum3A_564 = tpu.scan <sum>, %select_n3A_561 masked %reduce_sum3A_563 : vector<16xi32>, vector<16xi1> -> vector<16xi32>
        %reduce_sum3A_565 = vector.extract %reduce_sum3A_564[15] : i32 from vector<16xi32>
        %jit3A_566 = arith.constant 128 : i32
        %div3A_567 = arith.divsi %reduce_sum3A_565, %jit3A_566 : i32
        %sign3A_568 = arith.constant 0 : i32
        %sign3A_569 = arith.cmpi sgt, %reduce_sum3A_565, %sign3A_568 : i32
        %sign3A_570 = arith.extui %sign3A_569 : i1 to i32
        %sign3A_571 = arith.constant 0 : i32
        %sign3A_572 = arith.cmpi slt, %reduce_sum3A_565, %sign3A_571 : i32
        %sign3A_573 = arith.extui %sign3A_572 : i1 to i32
        %sign3A_574 = arith.subi %sign3A_570, %sign3A_573 : i32
        %sign3A_575 = arith.constant 0 : i32
        %sign3A_576 = arith.cmpi sgt, %jit3A_566, %sign3A_575 : i32
        %sign3A_577 = arith.extui %sign3A_576 : i1 to i32
        %sign3A_578 = arith.constant 0 : i32
        %sign3A_579 = arith.cmpi slt, %jit3A_566, %sign3A_578 : i32
        %sign3A_580 = arith.extui %sign3A_579 : i1 to i32
        %sign3A_581 = arith.subi %sign3A_577, %sign3A_580 : i32
        %ne3A_582 = arith.cmpi ne, %sign3A_574, %sign3A_581 : i32
        %rem3A_583 = arith.remsi %reduce_sum3A_565, %jit3A_566 : i32
        %ne3A_584 = arith.constant 0 : i32
        %ne3A_585 = arith.cmpi ne, %rem3A_583, %ne3A_584 : i32
        %and3A_586 = arith.andi %ne3A_582, %ne3A_585 : i1
        %sub3A_587 = arith.constant 1 : i32
        %sub3A_588 = arith.subi %div3A_567, %sub3A_587 : i32
        %select_n3A_589 = arith.select %and3A_586, %sub3A_588, %div3A_567 : i32
        %mul3A_590 = arith.constant 128 : i32
        %mul3A_591 = arith.muli %select_n3A_589, %mul3A_590 : i32
        %multiple_of3A_592 = tpu.assume_multiple %mul3A_591, 128 : i32
        %dma_start3A = arith.constant 0 : i32
        %dma_start3A_593 = arith.constant 0 : i32
        %dma_start3A_594 = arith.constant 0 : i32
        %dma_start3A_595 = arith.constant 0 : i32
        %dma_start3A_596 = tpu.memref_slice %arg7[%dma_start3A, %dma_start3A_594, %dma_start3A_595] : memref<6x64x128xf32, #tpu.memory_space<vmem>> -> memref<1x64x128xf32, #tpu.memory_space<vmem>>
        %dma_start3A_597 = tpu.memref_squeeze %dma_start3A_596 : memref<1x64x128xf32, #tpu.memory_space<vmem>> -> memref<64x128xf32, #tpu.memory_space<vmem>>
        %dma_start3A_598 = arith.constant 0 : i32
        %dma_start3A_599 = tpu.memref_slice %arg3[%dma_start3A_598, %multiple_of3A_592] : memref<64x2600000xf32, #tpu.memory_space<hbm>> -> memref<64x128xf32, #tpu.memory_space<hbm>>
        %dma_start3A_600 = tpu.memref_slice %arg9[%dma_start3A_593] : memref<6x!tpu.dma_semaphore, #tpu.memory_space<semaphore_mem>> -> memref<1x!tpu.dma_semaphore, #tpu.memory_space<semaphore_mem>>
        %dma_start3A_601 = tpu.memref_squeeze %dma_start3A_600 : memref<1x!tpu.dma_semaphore, #tpu.memory_space<semaphore_mem>> -> memref<!tpu.dma_semaphore, #tpu.memory_space<semaphore_mem>>
        %dma_start3A_602 = arith.constant 0 : i32
        %dma_start3A_603 = arith.constant 0 : i32
        %dma_start3A_604 = tpu.memref_slice %arg7[%dma_start3A, %dma_start3A_602, %dma_start3A_603] : memref<6x64x128xf32, #tpu.memory_space<vmem>> -> memref<1x64x128xf32, #tpu.memory_space<vmem>>
        %dma_start3A_605 = tpu.memref_squeeze %dma_start3A_604 : memref<1x64x128xf32, #tpu.memory_space<vmem>> -> memref<64x128xf32, #tpu.memory_space<vmem>>
        %dma_start3A_606 = arith.constant 0 : i32
        %dma_start3A_607 = tpu.memref_slice %arg3[%dma_start3A_606, %multiple_of3A_592] : memref<64x2600000xf32, #tpu.memory_space<hbm>> -> memref<64x128xf32, #tpu.memory_space<hbm>>
        tpu.enqueue_dma source(%dma_start3A_607 : memref<64x128xf32, #tpu.memory_space<hbm>>) target(%dma_start3A_605 : memref<64x128xf32, #tpu.memory_space<vmem>>) target_semaphore(%dma_start3A_601 : memref<!tpu.dma_semaphore, #tpu.memory_space<semaphore_mem>>)
      } else {
      }
      %gt3A_547 = arith.constant 9 : i32
      %gt3A_548 = arith.cmpi sgt, %select_n3A, %gt3A_547 : i32
      %convert_element_type3A_549 = arith.extui %gt3A_548 : i1 to i32
      %cond3A_550 = arith.constant 0 : i32
      %cond3A_551 = arith.cmpi ne, %convert_element_type3A_549, %cond3A_550 : i32
      scf.if %cond3A_551 {
        %get3A_552 = arith.constant 1 : i32
        %get3A_553 = arith.index_cast %get3A_552 : i32 to index
        %get3A_554 = arith.constant 0 : index
        %get3A_555 = tpu.vector_load %arg6[%get3A_553, %get3A_554] {strides = array<i32>} : memref<2x16xi32, #tpu.memory_space<vmem>>, vector<16xi32>,
        %eq3A_556 = arith.constant 9 : i32
        %eq3A_557 = vector.broadcast %eq3A_556 : i32 to vector<16xi32>
        %eq3A_558 = arith.cmpi eq, %iota3A, %eq3A_557 : vector<16xi32>
        %jit3A_559 = arith.constant 0 : i32
        %broadcast_in_dim3A_560 = vector.broadcast %jit3A_559 : i32 to vector<16xi32>
        %select_n3A_561 = arith.select %eq3A_558, %get3A_555, %broadcast_in_dim3A_560 : vector<16xi1>, vector<16xi32>
        %reduce_sum3A_562 = arith.constant true
        %reduce_sum3A_563 = vector.broadcast %reduce_sum3A_562 : i1 to vector<16xi1>
        %reduce_sum3A_564 = tpu.scan <sum>, %select_n3A_561 masked %reduce_sum3A_563 : vector<16xi32>, vector<16xi1> -> vector<16xi32>
        %reduce_sum3A_565 = vector.extract %reduce_sum3A_564[15] : i32 from vector<16xi32>
        %jit3A_566 = arith.constant 128 : i32
        %div3A_567 = arith.divsi %reduce_sum3A_565, %jit3A_566 : i32
        %sign3A_568 = arith.constant 0 : i32
        %sign3A_569 = arith.cmpi sgt, %reduce_sum3A_565, %sign3A_568 : i32
        %sign3A_570 = arith.extui %sign3A_569 : i1 to i32
        %sign3A_571 = arith.constant 0 : i32
        %sign3A_572 = arith.cmpi slt, %reduce_sum3A_565, %sign3A_571 : i32
        %sign3A_573 = arith.extui %sign3A_572 : i1 to i32
        %sign3A_574 = arith.subi %sign3A_570, %sign3A_573 : i32
        %sign3A_575 = arith.constant 0 : i32
        %sign3A_576 = arith.cmpi sgt, %jit3A_566, %sign3A_575 : i32
        %sign3A_577 = arith.extui %sign3A_576 : i1 to i32
        %sign3A_578 = arith.constant 0 : i32
        %sign3A_579 = arith.cmpi slt, %jit3A_566, %sign3A_578 : i32
        %sign3A_580 = arith.extui %sign3A_579 : i1 to i32
        %sign3A_581 = arith.subi %sign3A_577, %sign3A_580 : i32
        %ne3A_582 = arith.cmpi ne, %sign3A_574, %sign3A_581 : i32
        %rem3A_583 = arith.remsi %reduce_sum3A_565, %jit3A_566 : i32
        %ne3A_584 = arith.constant 0 : i32
        %ne3A_585 = arith.cmpi ne, %rem3A_583, %ne3A_584 : i32
        %and3A_586 = arith.andi %ne3A_582, %ne3A_585 : i1
        %sub3A_587 = arith.constant 1 : i32
        %sub3A_588 = arith.subi %div3A_567, %sub3A_587 : i32
        %select_n3A_589 = arith.select %and3A_586, %sub3A_588, %div3A_567 : i32
        %mul3A_590 = arith.constant 128 : i32
        %mul3A_591 = arith.muli %select_n3A_589, %mul3A_590 : i32
        %multiple_of3A_592 = tpu.assume_multiple %mul3A_591, 128 : i32
        %dma_start3A = arith.constant 1 : i32
        %dma_start3A_593 = arith.constant 1 : i32
        %dma_start3A_594 = arith.constant 0 : i32
        %dma_start3A_595 = arith.constant 0 : i32
        %dma_start3A_596 = tpu.memref_slice %arg7[%dma_start3A, %dma_start3A_594, %dma_start3A_595] : memref<6x64x128xf32, #tpu.memory_space<vmem>> -> memref<1x64x128xf32, #tpu.memory_space<vmem>>
        %dma_start3A_597 = tpu.memref_squeeze %dma_start3A_596 : memref<1x64x128xf32, #tpu.memory_space<vmem>> -> memref<64x128xf32, #tpu.memory_space<vmem>>
        %dma_start3A_598 = arith.constant 0 : i32
        %dma_start3A_599 = tpu.memref_slice %arg3[%dma_start3A_598, %multiple_of3A_592] : memref<64x2600000xf32, #tpu.memory_space<hbm>> -> memref<64x128xf32, #tpu.memory_space<hbm>>
        %dma_start3A_600 = tpu.memref_slice %arg9[%dma_start3A_593] : memref<6x!tpu.dma_semaphore, #tpu.memory_space<semaphore_mem>> -> memref<1x!tpu.dma_semaphore, #tpu.memory_space<semaphore_mem>>
        %dma_start3A_601 = tpu.memref_squeeze %dma_start3A_600 : memref<1x!tpu.dma_semaphore, #tpu.memory_space<semaphore_mem>> -> memref<!tpu.dma_semaphore, #tpu.memory_space<semaphore_mem>>
        %dma_start3A_602 = arith.constant 0 : i32
        %dma_start3A_603 = arith.constant 0 : i32
        %dma_start3A_604 = tpu.memref_slice %arg7[%dma_start3A, %dma_start3A_602, %dma_start3A_603] : memref<6x64x128xf32, #tpu.memory_space<vmem>> -> memref<1x64x128xf32, #tpu.memory_space<vmem>>
        %dma_start3A_605 = tpu.memref_squeeze %dma_start3A_604 : memref<1x64x128xf32, #tpu.memory_space<vmem>> -> memref<64x128xf32, #tpu.memory_space<vmem>>
        %dma_start3A_606 = arith.constant 0 : i32
        %dma_start3A_607 = tpu.memref_slice %arg3[%dma_start3A_606, %multiple_of3A_592] : memref<64x2600000xf32, #tpu.memory_space<hbm>> -> memref<64x128xf32, #tpu.memory_space<hbm>>
        tpu.enqueue_dma source(%dma_start3A_607 : memref<64x128xf32, #tpu.memory_space<hbm>>) target(%dma_start3A_605 : memref<64x128xf32, #tpu.memory_space<vmem>>) target_semaphore(%dma_start3A_601 : memref<!tpu.dma_semaphore, #tpu.memory_space<semaphore_mem>>)
      } else {
      }
    } else {
    }
    %gt3A_340 = arith.constant 7 : i32
    %gt3A_341 = arith.cmpi sgt, %select_n3A, %gt3A_340 : i32
    %convert_element_type3A_342 = arith.extui %gt3A_341 : i1 to i32
    %cond3A_343 = arith.constant 0 : i32
    %cond3A_344 = arith.cmpi ne, %convert_element_type3A_342, %cond3A_343 : i32
    scf.if %cond3A_344 {
      %broadcast_in_dim3A_362 = arith.constant 0 : i32
      %broadcast_in_dim3A_363 = vector.broadcast %broadcast_in_dim3A_362 : i32 to vector<16xi32>
      %get3A = arith.constant 0 : i32
      %get3A_364 = arith.index_cast %get3A : i32 to index
      %get3A_365 = arith.constant 0 : index
      %get3A_366 = tpu.vector_load %arg6[%get3A_364, %get3A_365] {strides = array<i32>} : memref<2x16xi32, #tpu.memory_space<vmem>>, vector<16xi32>,
      %eq3A = arith.constant 7 : i32
      %eq3A_367 = vector.broadcast %eq3A : i32 to vector<16xi32>
      %eq3A_368 = arith.cmpi eq, %iota3A, %eq3A_367 : vector<16xi32>
      %jit3A_369 = arith.constant 0 : i32
      %broadcast_in_dim3A_370 = vector.broadcast %jit3A_369 : i32 to vector<16xi32>
      %select_n3A_371 = arith.select %eq3A_368, %get3A_366, %broadcast_in_dim3A_370 : vector<16xi1>, vector<16xi32>
      %reduce_sum3A = arith.constant true
      %reduce_sum3A_372 = vector.broadcast %reduce_sum3A : i1 to vector<16xi1>
      %reduce_sum3A_373 = tpu.scan <sum>, %select_n3A_371 masked %reduce_sum3A_372 : vector<16xi32>, vector<16xi1> -> vector<16xi32>
      %reduce_sum3A_374 = vector.extract %reduce_sum3A_373[15] : i32 from vector<16xi32>
      %jit3A_375 = arith.constant 128 : i32
      %eq3A_376 = arith.constant 0 : i32
      %eq3A_377 = arith.cmpi eq, %jit3A_375, %eq3A_376 : i32
      %jit3A_378 = arith.constant 1 : i32
      %select_n3A_379 = arith.select %eq3A_377, %jit3A_378, %jit3A_375 : i32
      %rem3A_380 = arith.remsi %reduce_sum3A_374, %select_n3A_379 : i32
      %ne3A_381 = arith.constant 0 : i32
      %ne3A_382 = arith.cmpi ne, %rem3A_380, %ne3A_381 : i32
      %lt3A_383 = arith.constant 0 : i32
      %lt3A_384 = arith.cmpi slt, %rem3A_380, %lt3A_383 : i32
      %lt3A_385 = arith.constant 0 : i32
      %lt3A_386 = arith.cmpi slt, %select_n3A_379, %lt3A_385 : i32
      %ne3A_387 = arith.xori %lt3A_384, %lt3A_386 : i1
      %and3A_388 = arith.andi %ne3A_387, %ne3A_382 : i1
      %add3A_389 = arith.addi %rem3A_380, %select_n3A_379 : i32
      %select_n3A_390 = arith.select %and3A_388, %add3A_389, %rem3A_380 : i32
      %add3A_391 = vector.broadcast %select_n3A_390 : i32 to vector<16xi32>
      %add3A_392 = arith.addi %broadcast_in_dim3A_363, %add3A_391 : vector<16xi32>
      %broadcast_in_dim3A_393 = arith.constant 0 : i32
      %broadcast_in_dim3A_394 = vector.broadcast %broadcast_in_dim3A_393 : i32 to vector<16xi32>
      %get3A_395 = arith.constant 1 : i32
      %get3A_396 = arith.index_cast %get3A_395 : i32 to index
      %get3A_397 = arith.constant 0 : index
      %get3A_398 = tpu.vector_load %arg6[%get3A_396, %get3A_397] {strides = array<i32>} : memref<2x16xi32, #tpu.memory_space<vmem>>, vector<16xi32>,
      %eq3A_399 = arith.constant 7 : i32
      %eq3A_400 = vector.broadcast %eq3A_399 : i32 to vector<16xi32>
      %eq3A_401 = arith.cmpi eq, %iota3A, %eq3A_400 : vector<16xi32>
      %jit3A_402 = arith.constant 0 : i32
      %broadcast_in_dim3A_403 = vector.broadcast %jit3A_402 : i32 to vector<16xi32>
      %select_n3A_404 = arith.select %eq3A_401, %get3A_398, %broadcast_in_dim3A_403 : vector<16xi1>, vector<16xi32>
      %reduce_sum3A_405 = arith.constant true
      %reduce_sum3A_406 = vector.broadcast %reduce_sum3A_405 : i1 to vector<16xi1>
      %reduce_sum3A_407 = tpu.scan <sum>, %select_n3A_404 masked %reduce_sum3A_406 : vector<16xi32>, vector<16xi1> -> vector<16xi32>
      %reduce_sum3A_408 = vector.extract %reduce_sum3A_407[15] : i32 from vector<16xi32>
      %jit3A_409 = arith.constant 128 : i32
      %eq3A_410 = arith.constant 0 : i32
      %eq3A_411 = arith.cmpi eq, %jit3A_409, %eq3A_410 : i32
      %jit3A_412 = arith.constant 1 : i32
      %select_n3A_413 = arith.select %eq3A_411, %jit3A_412, %jit3A_409 : i32
      %rem3A_414 = arith.remsi %reduce_sum3A_408, %select_n3A_413 : i32
      %ne3A_415 = arith.constant 0 : i32
      %ne3A_416 = arith.cmpi ne, %rem3A_414, %ne3A_415 : i32
      %lt3A_417 = arith.constant 0 : i32
      %lt3A_418 = arith.cmpi slt, %rem3A_414, %lt3A_417 : i32
      %lt3A_419 = arith.constant 0 : i32
      %lt3A_420 = arith.cmpi slt, %select_n3A_413, %lt3A_419 : i32
      %ne3A_421 = arith.xori %lt3A_418, %lt3A_420 : i1
      %and3A_422 = arith.andi %ne3A_421, %ne3A_416 : i1
      %add3A_423 = arith.addi %rem3A_414, %select_n3A_413 : i32
      %select_n3A_424 = arith.select %and3A_422, %add3A_423, %rem3A_414 : i32
      %add3A_425 = vector.broadcast %select_n3A_424 : i32 to vector<16xi32>
      %add3A_426 = arith.addi %broadcast_in_dim3A_394, %add3A_425 : vector<16xi32>
      %dma_wait3A = arith.constant 2 : i32
      %dma_wait3A_427 = arith.constant 2 : i32
      %dma_wait3A_428 = arith.constant 0 : i32
      %dma_wait3A_429 = arith.constant 0 : i32
      %dma_wait3A_430 = tpu.memref_slice %arg7[%dma_wait3A, %dma_wait3A_428, %dma_wait3A_429] : memref<6x64x128xf32, #tpu.memory_space<vmem>> -> memref<1x64x128xf32, #tpu.memory_space<vmem>>
      %dma_wait3A_431 = tpu.memref_squeeze %dma_wait3A_430 : memref<1x64x128xf32, #tpu.memory_space<vmem>> -> memref<64x128xf32, #tpu.memory_space<vmem>>
      %dma_wait3A_432 = arith.constant 0 : i32
      %dma_wait3A_433 = arith.constant 0 : i32
      %dma_wait3A_434 = tpu.memref_slice %arg3[%dma_wait3A_432, %dma_wait3A_433] : memref<64x2600000xf32, #tpu.memory_space<hbm>> -> memref<64x128xf32, #tpu.memory_space<hbm>>
      %dma_wait3A_435 = tpu.memref_slice %arg9[%dma_wait3A_427] : memref<6x!tpu.dma_semaphore, #tpu.memory_space<semaphore_mem>> -> memref<1x!tpu.dma_semaphore, #tpu.memory_space<semaphore_mem>>
      %dma_wait3A_436 = tpu.memref_squeeze %dma_wait3A_435 : memref<1x!tpu.dma_semaphore, #tpu.memory_space<semaphore_mem>> -> memref<!tpu.dma_semaphore, #tpu.memory_space<semaphore_mem>>
      %dma_wait3A_437 = arith.constant 0 : i32
      %dma_wait3A_438 = arith.constant 0 : i32
      %dma_wait3A_439 = tpu.memref_slice %arg7[%dma_wait3A, %dma_wait3A_437, %dma_wait3A_438] : memref<6x64x128xf32, #tpu.memory_space<vmem>> -> memref<1x64x128xf32, #tpu.memory_space<vmem>>
      %dma_wait3A_440 = tpu.memref_squeeze %dma_wait3A_439 : memref<1x64x128xf32, #tpu.memory_space<vmem>> -> memref<64x128xf32, #tpu.memory_space<vmem>>
      %dma_wait3A_441 = arith.constant 0 : i32
      %dma_wait3A_442 = arith.constant 0 : i32
      %dma_wait3A_443 = tpu.memref_slice %arg3[%dma_wait3A_441, %dma_wait3A_442] : memref<64x2600000xf32, #tpu.memory_space<hbm>> -> memref<64x128xf32, #tpu.memory_space<hbm>>
      tpu.wait_dma2 semaphore(%dma_wait3A_436 : memref<!tpu.dma_semaphore, #tpu.memory_space<semaphore_mem>>) src(%dma_wait3A_443 : memref<64x128xf32, #tpu.memory_space<hbm>>) dst(%dma_wait3A_440 : memref<64x128xf32, #tpu.memory_space<vmem>>)
      %dma_wait3A_444 = arith.constant 3 : i32
      %dma_wait3A_445 = arith.constant 3 : i32
      %dma_wait3A_446 = arith.constant 0 : i32
      %dma_wait3A_447 = arith.constant 0 : i32
      %dma_wait3A_448 = tpu.memref_slice %arg7[%dma_wait3A_444, %dma_wait3A_446, %dma_wait3A_447] : memref<6x64x128xf32, #tpu.memory_space<vmem>> -> memref<1x64x128xf32, #tpu.memory_space<vmem>>
      %dma_wait3A_449 = tpu.memref_squeeze %dma_wait3A_448 : memref<1x64x128xf32, #tpu.memory_space<vmem>> -> memref<64x128xf32, #tpu.memory_space<vmem>>
      %dma_wait3A_450 = arith.constant 0 : i32
      %dma_wait3A_451 = arith.constant 0 : i32
      %dma_wait3A_452 = tpu.memref_slice %arg3[%dma_wait3A_450, %dma_wait3A_451] : memref<64x2600000xf32, #tpu.memory_space<hbm>> -> memref<64x128xf32, #tpu.memory_space<hbm>>
      %dma_wait3A_453 = tpu.memref_slice %arg9[%dma_wait3A_445] : memref<6x!tpu.dma_semaphore, #tpu.memory_space<semaphore_mem>> -> memref<1x!tpu.dma_semaphore, #tpu.memory_space<semaphore_mem>>
      %dma_wait3A_454 = tpu.memref_squeeze %dma_wait3A_453 : memref<1x!tpu.dma_semaphore, #tpu.memory_space<semaphore_mem>> -> memref<!tpu.dma_semaphore, #tpu.memory_space<semaphore_mem>>
      %dma_wait3A_455 = arith.constant 0 : i32
      %dma_wait3A_456 = arith.constant 0 : i32
      %dma_wait3A_457 = tpu.memref_slice %arg7[%dma_wait3A_444, %dma_wait3A_455, %dma_wait3A_456] : memref<6x64x128xf32, #tpu.memory_space<vmem>> -> memref<1x64x128xf32, #tpu.memory_space<vmem>>
      %dma_wait3A_458 = tpu.memref_squeeze %dma_wait3A_457 : memref<1x64x128xf32, #tpu.memory_space<vmem>> -> memref<64x128xf32, #tpu.memory_space<vmem>>
      %dma_wait3A_459 = arith.constant 0 : i32
      %dma_wait3A_460 = arith.constant 0 : i32
      %dma_wait3A_461 = tpu.memref_slice %arg3[%dma_wait3A_459, %dma_wait3A_460] : memref<64x2600000xf32, #tpu.memory_space<hbm>> -> memref<64x128xf32, #tpu.memory_space<hbm>>
      tpu.wait_dma2 semaphore(%dma_wait3A_454 : memref<!tpu.dma_semaphore, #tpu.memory_space<semaphore_mem>>) src(%dma_wait3A_461 : memref<64x128xf32, #tpu.memory_space<hbm>>) dst(%dma_wait3A_458 : memref<64x128xf32, #tpu.memory_space<vmem>>)
      %add3A_462 = arith.constant 0 : i32
      %add3A_463 = vector.broadcast %add3A_462 : i32 to vector<16xi32>
      %add3A_464 = arith.addi %iota3A, %add3A_463 : vector<16xi32>
      %gather3A_465 = arith.constant 2 : i32
      %gather3A_466 = arith.constant 0 : i32
      %gather3A_467 = arith.constant 0 : i32
      %gather3A_468 = tpu.memref_slice %arg7[%gather3A_465, %gather3A_466, %gather3A_467] : memref<6x64x128xf32, #tpu.memory_space<vmem>> -> memref<1x64x128xf32, #tpu.memory_space<vmem>>
      %gather3A_469 = tpu.memref_squeeze %gather3A_468 : memref<1x64x128xf32, #tpu.memory_space<vmem>> -> memref<64x128xf32, #tpu.memory_space<vmem>>
      %gather3A_470 = tpu.vector_load_idx %gather3A_469[%add3A_464, %add3A_392] : memref<64x128xf32, #tpu.memory_space<vmem>>[vector<16xi32>, vector<16xi32>], vector<16xf32>,
      %gather3A_471 = arith.constant 3 : i32
      %gather3A_472 = arith.constant 0 : i32
      %gather3A_473 = arith.constant 0 : i32
      %gather3A_474 = tpu.memref_slice %arg7[%gather3A_471, %gather3A_472, %gather3A_473] : memref<6x64x128xf32, #tpu.memory_space<vmem>> -> memref<1x64x128xf32, #tpu.memory_space<vmem>>
      %gather3A_475 = tpu.memref_squeeze %gather3A_474 : memref<1x64x128xf32, #tpu.memory_space<vmem>> -> memref<64x128xf32, #tpu.memory_space<vmem>>
      %gather3A_476 = tpu.vector_load_idx %gather3A_475[%add3A_464, %add3A_426] : memref<64x128xf32, #tpu.memory_space<vmem>>[vector<16xi32>, vector<16xi32>], vector<16xf32>,
      %mul3A_477 = arith.mulf %gather3A_470, %gather3A_476 : vector<16xf32>
      %swap3A_478 = arith.constant 7 : i32
      %swap3A_479 = arith.index_cast %swap3A_478 : i32 to index
      %swap3A_480 = arith.constant 0 : index
      %swap3A_481 = tpu.vector_load %arg8[%swap3A_479, %swap3A_480] {strides = array<i32>} : memref<16x64xf32, #tpu.memory_space<vmem>>, vector<16xf32>,
      tpu.vector_store %arg8[%swap3A_479, %swap3A_480], %mul3A_477 {strides = array<i32>} : memref<16x64xf32, #tpu.memory_space<vmem>>, vector<16xf32>,
      %add3A_482 = arith.constant 16 : i32
      %add3A_483 = vector.broadcast %add3A_482 : i32 to vector<16xi32>
      %add3A_484 = arith.addi %iota3A, %add3A_483 : vector<16xi32>
      %gather3A_485 = arith.constant 2 : i32
      %gather3A_486 = arith.constant 0 : i32
      %gather3A_487 = arith.constant 0 : i32
      %gather3A_488 = tpu.memref_slice %arg7[%gather3A_485, %gather3A_486, %gather3A_487] : memref<6x64x128xf32, #tpu.memory_space<vmem>> -> memref<1x64x128xf32, #tpu.memory_space<vmem>>
      %gather3A_489 = tpu.memref_squeeze %gather3A_488 : memref<1x64x128xf32, #tpu.memory_space<vmem>> -> memref<64x128xf32, #tpu.memory_space<vmem>>
      %gather3A_490 = tpu.vector_load_idx %gather3A_489[%add3A_484, %add3A_392] : memref<64x128xf32, #tpu.memory_space<vmem>>[vector<16xi32>, vector<16xi32>], vector<16xf32>,
      %gather3A_491 = arith.constant 3 : i32
      %gather3A_492 = arith.constant 0 : i32
      %gather3A_493 = arith.constant 0 : i32
      %gather3A_494 = tpu.memref_slice %arg7[%gather3A_491, %gather3A_492, %gather3A_493] : memref<6x64x128xf32, #tpu.memory_space<vmem>> -> memref<1x64x128xf32, #tpu.memory_space<vmem>>
      %gather3A_495 = tpu.memref_squeeze %gather3A_494 : memref<1x64x128xf32, #tpu.memory_space<vmem>> -> memref<64x128xf32, #tpu.memory_space<vmem>>
      %gather3A_496 = tpu.vector_load_idx %gather3A_495[%add3A_484, %add3A_426] : memref<64x128xf32, #tpu.memory_space<vmem>>[vector<16xi32>, vector<16xi32>], vector<16xf32>,
      %mul3A_497 = arith.mulf %gather3A_490, %gather3A_496 : vector<16xf32>
      %swap3A_498 = arith.constant 7 : i32
      %swap3A_499 = arith.index_cast %swap3A_498 : i32 to index
      %swap3A_500 = arith.constant 16 : index
      %swap3A_501 = tpu.vector_load %arg8[%swap3A_499, %swap3A_500] {strides = array<i32>} : memref<16x64xf32, #tpu.memory_space<vmem>>, vector<16xf32>,
      tpu.vector_store %arg8[%swap3A_499, %swap3A_500], %mul3A_497 {strides = array<i32>} : memref<16x64xf32, #tpu.memory_space<vmem>>, vector<16xf32>,
      %add3A_502 = arith.constant 32 : i32
      %add3A_503 = vector.broadcast %add3A_502 : i32 to vector<16xi32>
      %add3A_504 = arith.addi %iota3A, %add3A_503 : vector<16xi32>
      %gather3A_505 = arith.constant 2 : i32
      %gather3A_506 = arith.constant 0 : i32
      %gather3A_507 = arith.constant 0 : i32
      %gather3A_508 = tpu.memref_slice %arg7[%gather3A_505, %gather3A_506, %gather3A_507] : memref<6x64x128xf32, #tpu.memory_space<vmem>> -> memref<1x64x128xf32, #tpu.memory_space<vmem>>
      %gather3A_509 = tpu.memref_squeeze %gather3A_508 : memref<1x64x128xf32, #tpu.memory_space<vmem>> -> memref<64x128xf32, #tpu.memory_space<vmem>>
      %gather3A_510 = tpu.vector_load_idx %gather3A_509[%add3A_504, %add3A_392] : memref<64x128xf32, #tpu.memory_space<vmem>>[vector<16xi32>, vector<16xi32>], vector<16xf32>,
      %gather3A_511 = arith.constant 3 : i32
      %gather3A_512 = arith.constant 0 : i32
      %gather3A_513 = arith.constant 0 : i32
      %gather3A_514 = tpu.memref_slice %arg7[%gather3A_511, %gather3A_512, %gather3A_513] : memref<6x64x128xf32, #tpu.memory_space<vmem>> -> memref<1x64x128xf32, #tpu.memory_space<vmem>>
      %gather3A_515 = tpu.memref_squeeze %gather3A_514 : memref<1x64x128xf32, #tpu.memory_space<vmem>> -> memref<64x128xf32, #tpu.memory_space<vmem>>
      %gather3A_516 = tpu.vector_load_idx %gather3A_515[%add3A_504, %add3A_426] : memref<64x128xf32, #tpu.memory_space<vmem>>[vector<16xi32>, vector<16xi32>], vector<16xf32>,
      %mul3A_517 = arith.mulf %gather3A_510, %gather3A_516 : vector<16xf32>
      %swap3A_518 = arith.constant 7 : i32
      %swap3A_519 = arith.index_cast %swap3A_518 : i32 to index
      %swap3A_520 = arith.constant 32 : index
      %swap3A_521 = tpu.vector_load %arg8[%swap3A_519, %swap3A_520] {strides = array<i32>} : memref<16x64xf32, #tpu.memory_space<vmem>>, vector<16xf32>,
      tpu.vector_store %arg8[%swap3A_519, %swap3A_520], %mul3A_517 {strides = array<i32>} : memref<16x64xf32, #tpu.memory_space<vmem>>, vector<16xf32>,
      %add3A_522 = arith.constant 48 : i32
      %add3A_523 = vector.broadcast %add3A_522 : i32 to vector<16xi32>
      %add3A_524 = arith.addi %iota3A, %add3A_523 : vector<16xi32>
      %gather3A_525 = arith.constant 2 : i32
      %gather3A_526 = arith.constant 0 : i32
      %gather3A_527 = arith.constant 0 : i32
      %gather3A_528 = tpu.memref_slice %arg7[%gather3A_525, %gather3A_526, %gather3A_527] : memref<6x64x128xf32, #tpu.memory_space<vmem>> -> memref<1x64x128xf32, #tpu.memory_space<vmem>>
      %gather3A_529 = tpu.memref_squeeze %gather3A_528 : memref<1x64x128xf32, #tpu.memory_space<vmem>> -> memref<64x128xf32, #tpu.memory_space<vmem>>
      %gather3A_530 = tpu.vector_load_idx %gather3A_529[%add3A_524, %add3A_392] : memref<64x128xf32, #tpu.memory_space<vmem>>[vector<16xi32>, vector<16xi32>], vector<16xf32>,
      %gather3A_531 = arith.constant 3 : i32
      %gather3A_532 = arith.constant 0 : i32
      %gather3A_533 = arith.constant 0 : i32
      %gather3A_534 = tpu.memref_slice %arg7[%gather3A_531, %gather3A_532, %gather3A_533] : memref<6x64x128xf32, #tpu.memory_space<vmem>> -> memref<1x64x128xf32, #tpu.memory_space<vmem>>
      %gather3A_535 = tpu.memref_squeeze %gather3A_534 : memref<1x64x128xf32, #tpu.memory_space<vmem>> -> memref<64x128xf32, #tpu.memory_space<vmem>>
      %gather3A_536 = tpu.vector_load_idx %gather3A_535[%add3A_524, %add3A_426] : memref<64x128xf32, #tpu.memory_space<vmem>>[vector<16xi32>, vector<16xi32>], vector<16xf32>,
      %mul3A_537 = arith.mulf %gather3A_530, %gather3A_536 : vector<16xf32>
      %swap3A_538 = arith.constant 7 : i32
      %swap3A_539 = arith.index_cast %swap3A_538 : i32 to index
      %swap3A_540 = arith.constant 48 : index
      %swap3A_541 = tpu.vector_load %arg8[%swap3A_539, %swap3A_540] {strides = array<i32>} : memref<16x64xf32, #tpu.memory_space<vmem>>, vector<16xf32>,
      tpu.vector_store %arg8[%swap3A_539, %swap3A_540], %mul3A_537 {strides = array<i32>} : memref<16x64xf32, #tpu.memory_space<vmem>>, vector<16xf32>,
      %gt3A_542 = arith.constant 10 : i32
      %gt3A_543 = arith.cmpi sgt, %select_n3A, %gt3A_542 : i32
      %convert_element_type3A_544 = arith.extui %gt3A_543 : i1 to i32
      %cond3A_545 = arith.constant 0 : i32
      %cond3A_546 = arith.cmpi ne, %convert_element_type3A_544, %cond3A_545 : i32
      scf.if %cond3A_546 {
        %get3A_552 = arith.constant 0 : i32
        %get3A_553 = arith.index_cast %get3A_552 : i32 to index
        %get3A_554 = arith.constant 0 : index
        %get3A_555 = tpu.vector_load %arg6[%get3A_553, %get3A_554] {strides = array<i32>} : memref<2x16xi32, #tpu.memory_space<vmem>>, vector<16xi32>,
        %eq3A_556 = arith.constant 10 : i32
        %eq3A_557 = vector.broadcast %eq3A_556 : i32 to vector<16xi32>
        %eq3A_558 = arith.cmpi eq, %iota3A, %eq3A_557 : vector<16xi32>
        %jit3A_559 = arith.constant 0 : i32
        %broadcast_in_dim3A_560 = vector.broadcast %jit3A_559 : i32 to vector<16xi32>
        %select_n3A_561 = arith.select %eq3A_558, %get3A_555, %broadcast_in_dim3A_560 : vector<16xi1>, vector<16xi32>
        %reduce_sum3A_562 = arith.constant true
        %reduce_sum3A_563 = vector.broadcast %reduce_sum3A_562 : i1 to vector<16xi1>
        %reduce_sum3A_564 = tpu.scan <sum>, %select_n3A_561 masked %reduce_sum3A_563 : vector<16xi32>, vector<16xi1> -> vector<16xi32>
        %reduce_sum3A_565 = vector.extract %reduce_sum3A_564[15] : i32 from vector<16xi32>
        %jit3A_566 = arith.constant 128 : i32
        %div3A_567 = arith.divsi %reduce_sum3A_565, %jit3A_566 : i32
        %sign3A_568 = arith.constant 0 : i32
        %sign3A_569 = arith.cmpi sgt, %reduce_sum3A_565, %sign3A_568 : i32
        %sign3A_570 = arith.extui %sign3A_569 : i1 to i32
        %sign3A_571 = arith.constant 0 : i32
        %sign3A_572 = arith.cmpi slt, %reduce_sum3A_565, %sign3A_571 : i32
        %sign3A_573 = arith.extui %sign3A_572 : i1 to i32
        %sign3A_574 = arith.subi %sign3A_570, %sign3A_573 : i32
        %sign3A_575 = arith.constant 0 : i32
        %sign3A_576 = arith.cmpi sgt, %jit3A_566, %sign3A_575 : i32
        %sign3A_577 = arith.extui %sign3A_576 : i1 to i32
        %sign3A_578 = arith.constant 0 : i32
        %sign3A_579 = arith.cmpi slt, %jit3A_566, %sign3A_578 : i32
        %sign3A_580 = arith.extui %sign3A_579 : i1 to i32
        %sign3A_581 = arith.subi %sign3A_577, %sign3A_580 : i32
        %ne3A_582 = arith.cmpi ne, %sign3A_574, %sign3A_581 : i32
        %rem3A_583 = arith.remsi %reduce_sum3A_565, %jit3A_566 : i32
        %ne3A_584 = arith.constant 0 : i32
        %ne3A_585 = arith.cmpi ne, %rem3A_583, %ne3A_584 : i32
        %and3A_586 = arith.andi %ne3A_582, %ne3A_585 : i1
        %sub3A_587 = arith.constant 1 : i32
        %sub3A_588 = arith.subi %div3A_567, %sub3A_587 : i32
        %select_n3A_589 = arith.select %and3A_586, %sub3A_588, %div3A_567 : i32
        %mul3A_590 = arith.constant 128 : i32
        %mul3A_591 = arith.muli %select_n3A_589, %mul3A_590 : i32
        %multiple_of3A_592 = tpu.assume_multiple %mul3A_591, 128 : i32
        %dma_start3A = arith.constant 2 : i32
        %dma_start3A_593 = arith.constant 2 : i32
        %dma_start3A_594 = arith.constant 0 : i32
        %dma_start3A_595 = arith.constant 0 : i32
        %dma_start3A_596 = tpu.memref_slice %arg7[%dma_start3A, %dma_start3A_594, %dma_start3A_595] : memref<6x64x128xf32, #tpu.memory_space<vmem>> -> memref<1x64x128xf32, #tpu.memory_space<vmem>>
        %dma_start3A_597 = tpu.memref_squeeze %dma_start3A_596 : memref<1x64x128xf32, #tpu.memory_space<vmem>> -> memref<64x128xf32, #tpu.memory_space<vmem>>
        %dma_start3A_598 = arith.constant 0 : i32
        %dma_start3A_599 = tpu.memref_slice %arg3[%dma_start3A_598, %multiple_of3A_592] : memref<64x2600000xf32, #tpu.memory_space<hbm>> -> memref<64x128xf32, #tpu.memory_space<hbm>>
        %dma_start3A_600 = tpu.memref_slice %arg9[%dma_start3A_593] : memref<6x!tpu.dma_semaphore, #tpu.memory_space<semaphore_mem>> -> memref<1x!tpu.dma_semaphore, #tpu.memory_space<semaphore_mem>>
        %dma_start3A_601 = tpu.memref_squeeze %dma_start3A_600 : memref<1x!tpu.dma_semaphore, #tpu.memory_space<semaphore_mem>> -> memref<!tpu.dma_semaphore, #tpu.memory_space<semaphore_mem>>
        %dma_start3A_602 = arith.constant 0 : i32
        %dma_start3A_603 = arith.constant 0 : i32
        %dma_start3A_604 = tpu.memref_slice %arg7[%dma_start3A, %dma_start3A_602, %dma_start3A_603] : memref<6x64x128xf32, #tpu.memory_space<vmem>> -> memref<1x64x128xf32, #tpu.memory_space<vmem>>
        %dma_start3A_605 = tpu.memref_squeeze %dma_start3A_604 : memref<1x64x128xf32, #tpu.memory_space<vmem>> -> memref<64x128xf32, #tpu.memory_space<vmem>>
        %dma_start3A_606 = arith.constant 0 : i32
        %dma_start3A_607 = tpu.memref_slice %arg3[%dma_start3A_606, %multiple_of3A_592] : memref<64x2600000xf32, #tpu.memory_space<hbm>> -> memref<64x128xf32, #tpu.memory_space<hbm>>
        tpu.enqueue_dma source(%dma_start3A_607 : memref<64x128xf32, #tpu.memory_space<hbm>>) target(%dma_start3A_605 : memref<64x128xf32, #tpu.memory_space<vmem>>) target_semaphore(%dma_start3A_601 : memref<!tpu.dma_semaphore, #tpu.memory_space<semaphore_mem>>)
      } else {
      }
      %gt3A_547 = arith.constant 10 : i32
      %gt3A_548 = arith.cmpi sgt, %select_n3A, %gt3A_547 : i32
      %convert_element_type3A_549 = arith.extui %gt3A_548 : i1 to i32
      %cond3A_550 = arith.constant 0 : i32
      %cond3A_551 = arith.cmpi ne, %convert_element_type3A_549, %cond3A_550 : i32
      scf.if %cond3A_551 {
        %get3A_552 = arith.constant 1 : i32
        %get3A_553 = arith.index_cast %get3A_552 : i32 to index
        %get3A_554 = arith.constant 0 : index
        %get3A_555 = tpu.vector_load %arg6[%get3A_553, %get3A_554] {strides = array<i32>} : memref<2x16xi32, #tpu.memory_space<vmem>>, vector<16xi32>,
        %eq3A_556 = arith.constant 10 : i32
        %eq3A_557 = vector.broadcast %eq3A_556 : i32 to vector<16xi32>
        %eq3A_558 = arith.cmpi eq, %iota3A, %eq3A_557 : vector<16xi32>
        %jit3A_559 = arith.constant 0 : i32
        %broadcast_in_dim3A_560 = vector.broadcast %jit3A_559 : i32 to vector<16xi32>
        %select_n3A_561 = arith.select %eq3A_558, %get3A_555, %broadcast_in_dim3A_560 : vector<16xi1>, vector<16xi32>
        %reduce_sum3A_562 = arith.constant true
        %reduce_sum3A_563 = vector.broadcast %reduce_sum3A_562 : i1 to vector<16xi1>
        %reduce_sum3A_564 = tpu.scan <sum>, %select_n3A_561 masked %reduce_sum3A_563 : vector<16xi32>, vector<16xi1> -> vector<16xi32>
        %reduce_sum3A_565 = vector.extract %reduce_sum3A_564[15] : i32 from vector<16xi32>
        %jit3A_566 = arith.constant 128 : i32
        %div3A_567 = arith.divsi %reduce_sum3A_565, %jit3A_566 : i32
        %sign3A_568 = arith.constant 0 : i32
        %sign3A_569 = arith.cmpi sgt, %reduce_sum3A_565, %sign3A_568 : i32
        %sign3A_570 = arith.extui %sign3A_569 : i1 to i32
        %sign3A_571 = arith.constant 0 : i32
        %sign3A_572 = arith.cmpi slt, %reduce_sum3A_565, %sign3A_571 : i32
        %sign3A_573 = arith.extui %sign3A_572 : i1 to i32
        %sign3A_574 = arith.subi %sign3A_570, %sign3A_573 : i32
        %sign3A_575 = arith.constant 0 : i32
        %sign3A_576 = arith.cmpi sgt, %jit3A_566, %sign3A_575 : i32
        %sign3A_577 = arith.extui %sign3A_576 : i1 to i32
        %sign3A_578 = arith.constant 0 : i32
        %sign3A_579 = arith.cmpi slt, %jit3A_566, %sign3A_578 : i32
        %sign3A_580 = arith.extui %sign3A_579 : i1 to i32
        %sign3A_581 = arith.subi %sign3A_577, %sign3A_580 : i32
        %ne3A_582 = arith.cmpi ne, %sign3A_574, %sign3A_581 : i32
        %rem3A_583 = arith.remsi %reduce_sum3A_565, %jit3A_566 : i32
        %ne3A_584 = arith.constant 0 : i32
        %ne3A_585 = arith.cmpi ne, %rem3A_583, %ne3A_584 : i32
        %and3A_586 = arith.andi %ne3A_582, %ne3A_585 : i1
        %sub3A_587 = arith.constant 1 : i32
        %sub3A_588 = arith.subi %div3A_567, %sub3A_587 : i32
        %select_n3A_589 = arith.select %and3A_586, %sub3A_588, %div3A_567 : i32
        %mul3A_590 = arith.constant 128 : i32
        %mul3A_591 = arith.muli %select_n3A_589, %mul3A_590 : i32
        %multiple_of3A_592 = tpu.assume_multiple %mul3A_591, 128 : i32
        %dma_start3A = arith.constant 3 : i32
        %dma_start3A_593 = arith.constant 3 : i32
        %dma_start3A_594 = arith.constant 0 : i32
        %dma_start3A_595 = arith.constant 0 : i32
        %dma_start3A_596 = tpu.memref_slice %arg7[%dma_start3A, %dma_start3A_594, %dma_start3A_595] : memref<6x64x128xf32, #tpu.memory_space<vmem>> -> memref<1x64x128xf32, #tpu.memory_space<vmem>>
        %dma_start3A_597 = tpu.memref_squeeze %dma_start3A_596 : memref<1x64x128xf32, #tpu.memory_space<vmem>> -> memref<64x128xf32, #tpu.memory_space<vmem>>
        %dma_start3A_598 = arith.constant 0 : i32
        %dma_start3A_599 = tpu.memref_slice %arg3[%dma_start3A_598, %multiple_of3A_592] : memref<64x2600000xf32, #tpu.memory_space<hbm>> -> memref<64x128xf32, #tpu.memory_space<hbm>>
        %dma_start3A_600 = tpu.memref_slice %arg9[%dma_start3A_593] : memref<6x!tpu.dma_semaphore, #tpu.memory_space<semaphore_mem>> -> memref<1x!tpu.dma_semaphore, #tpu.memory_space<semaphore_mem>>
        %dma_start3A_601 = tpu.memref_squeeze %dma_start3A_600 : memref<1x!tpu.dma_semaphore, #tpu.memory_space<semaphore_mem>> -> memref<!tpu.dma_semaphore, #tpu.memory_space<semaphore_mem>>
        %dma_start3A_602 = arith.constant 0 : i32
        %dma_start3A_603 = arith.constant 0 : i32
        %dma_start3A_604 = tpu.memref_slice %arg7[%dma_start3A, %dma_start3A_602, %dma_start3A_603] : memref<6x64x128xf32, #tpu.memory_space<vmem>> -> memref<1x64x128xf32, #tpu.memory_space<vmem>>
        %dma_start3A_605 = tpu.memref_squeeze %dma_start3A_604 : memref<1x64x128xf32, #tpu.memory_space<vmem>> -> memref<64x128xf32, #tpu.memory_space<vmem>>
        %dma_start3A_606 = arith.constant 0 : i32
        %dma_start3A_607 = tpu.memref_slice %arg3[%dma_start3A_606, %multiple_of3A_592] : memref<64x2600000xf32, #tpu.memory_space<hbm>> -> memref<64x128xf32, #tpu.memory_space<hbm>>
        tpu.enqueue_dma source(%dma_start3A_607 : memref<64x128xf32, #tpu.memory_space<hbm>>) target(%dma_start3A_605 : memref<64x128xf32, #tpu.memory_space<vmem>>) target_semaphore(%dma_start3A_601 : memref<!tpu.dma_semaphore, #tpu.memory_space<semaphore_mem>>)
      } else {
      }
    } else {
    }
    %gt3A_345 = arith.constant 8 : i32
    %gt3A_346 = arith.cmpi sgt, %select_n3A, %gt3A_345 : i32
    %convert_element_type3A_347 = arith.extui %gt3A_346 : i1 to i32
    %cond3A_348 = arith.constant 0 : i32
    %cond3A_349 = arith.cmpi ne, %convert_element_type3A_347, %cond3A_348 : i32
    scf.if %cond3A_349 {
      %broadcast_in_dim3A_362 = arith.constant 0 : i32
      %broadcast_in_dim3A_363 = vector.broadcast %broadcast_in_dim3A_362 : i32 to vector<16xi32>
      %get3A = arith.constant 0 : i32
      %get3A_364 = arith.index_cast %get3A : i32 to index
      %get3A_365 = arith.constant 0 : index
      %get3A_366 = tpu.vector_load %arg6[%get3A_364, %get3A_365] {strides = array<i32>} : memref<2x16xi32, #tpu.memory_space<vmem>>, vector<16xi32>,
      %eq3A = arith.constant 8 : i32
      %eq3A_367 = vector.broadcast %eq3A : i32 to vector<16xi32>
      %eq3A_368 = arith.cmpi eq, %iota3A, %eq3A_367 : vector<16xi32>
      %jit3A_369 = arith.constant 0 : i32
      %broadcast_in_dim3A_370 = vector.broadcast %jit3A_369 : i32 to vector<16xi32>
      %select_n3A_371 = arith.select %eq3A_368, %get3A_366, %broadcast_in_dim3A_370 : vector<16xi1>, vector<16xi32>
      %reduce_sum3A = arith.constant true
      %reduce_sum3A_372 = vector.broadcast %reduce_sum3A : i1 to vector<16xi1>
      %reduce_sum3A_373 = tpu.scan <sum>, %select_n3A_371 masked %reduce_sum3A_372 : vector<16xi32>, vector<16xi1> -> vector<16xi32>
      %reduce_sum3A_374 = vector.extract %reduce_sum3A_373[15] : i32 from vector<16xi32>
      %jit3A_375 = arith.constant 128 : i32
      %eq3A_376 = arith.constant 0 : i32
      %eq3A_377 = arith.cmpi eq, %jit3A_375, %eq3A_376 : i32
      %jit3A_378 = arith.constant 1 : i32
      %select_n3A_379 = arith.select %eq3A_377, %jit3A_378, %jit3A_375 : i32
      %rem3A_380 = arith.remsi %reduce_sum3A_374, %select_n3A_379 : i32
      %ne3A_381 = arith.constant 0 : i32
      %ne3A_382 = arith.cmpi ne, %rem3A_380, %ne3A_381 : i32
      %lt3A_383 = arith.constant 0 : i32
      %lt3A_384 = arith.cmpi slt, %rem3A_380, %lt3A_383 : i32
      %lt3A_385 = arith.constant 0 : i32
      %lt3A_386 = arith.cmpi slt, %select_n3A_379, %lt3A_385 : i32
      %ne3A_387 = arith.xori %lt3A_384, %lt3A_386 : i1
      %and3A_388 = arith.andi %ne3A_387, %ne3A_382 : i1
      %add3A_389 = arith.addi %rem3A_380, %select_n3A_379 : i32
      %select_n3A_390 = arith.select %and3A_388, %add3A_389, %rem3A_380 : i32
      %add3A_391 = vector.broadcast %select_n3A_390 : i32 to vector<16xi32>
      %add3A_392 = arith.addi %broadcast_in_dim3A_363, %add3A_391 : vector<16xi32>
      %broadcast_in_dim3A_393 = arith.constant 0 : i32
      %broadcast_in_dim3A_394 = vector.broadcast %broadcast_in_dim3A_393 : i32 to vector<16xi32>
      %get3A_395 = arith.constant 1 : i32
      %get3A_396 = arith.index_cast %get3A_395 : i32 to index
      %get3A_397 = arith.constant 0 : index
      %get3A_398 = tpu.vector_load %arg6[%get3A_396, %get3A_397] {strides = array<i32>} : memref<2x16xi32, #tpu.memory_space<vmem>>, vector<16xi32>,
      %eq3A_399 = arith.constant 8 : i32
      %eq3A_400 = vector.broadcast %eq3A_399 : i32 to vector<16xi32>
      %eq3A_401 = arith.cmpi eq, %iota3A, %eq3A_400 : vector<16xi32>
      %jit3A_402 = arith.constant 0 : i32
      %broadcast_in_dim3A_403 = vector.broadcast %jit3A_402 : i32 to vector<16xi32>
      %select_n3A_404 = arith.select %eq3A_401, %get3A_398, %broadcast_in_dim3A_403 : vector<16xi1>, vector<16xi32>
      %reduce_sum3A_405 = arith.constant true
      %reduce_sum3A_406 = vector.broadcast %reduce_sum3A_405 : i1 to vector<16xi1>
      %reduce_sum3A_407 = tpu.scan <sum>, %select_n3A_404 masked %reduce_sum3A_406 : vector<16xi32>, vector<16xi1> -> vector<16xi32>
      %reduce_sum3A_408 = vector.extract %reduce_sum3A_407[15] : i32 from vector<16xi32>
      %jit3A_409 = arith.constant 128 : i32
      %eq3A_410 = arith.constant 0 : i32
      %eq3A_411 = arith.cmpi eq, %jit3A_409, %eq3A_410 : i32
      %jit3A_412 = arith.constant 1 : i32
      %select_n3A_413 = arith.select %eq3A_411, %jit3A_412, %jit3A_409 : i32
      %rem3A_414 = arith.remsi %reduce_sum3A_408, %select_n3A_413 : i32
      %ne3A_415 = arith.constant 0 : i32
      %ne3A_416 = arith.cmpi ne, %rem3A_414, %ne3A_415 : i32
      %lt3A_417 = arith.constant 0 : i32
      %lt3A_418 = arith.cmpi slt, %rem3A_414, %lt3A_417 : i32
      %lt3A_419 = arith.constant 0 : i32
      %lt3A_420 = arith.cmpi slt, %select_n3A_413, %lt3A_419 : i32
      %ne3A_421 = arith.xori %lt3A_418, %lt3A_420 : i1
      %and3A_422 = arith.andi %ne3A_421, %ne3A_416 : i1
      %add3A_423 = arith.addi %rem3A_414, %select_n3A_413 : i32
      %select_n3A_424 = arith.select %and3A_422, %add3A_423, %rem3A_414 : i32
      %add3A_425 = vector.broadcast %select_n3A_424 : i32 to vector<16xi32>
      %add3A_426 = arith.addi %broadcast_in_dim3A_394, %add3A_425 : vector<16xi32>
      %dma_wait3A = arith.constant 4 : i32
      %dma_wait3A_427 = arith.constant 4 : i32
      %dma_wait3A_428 = arith.constant 0 : i32
      %dma_wait3A_429 = arith.constant 0 : i32
      %dma_wait3A_430 = tpu.memref_slice %arg7[%dma_wait3A, %dma_wait3A_428, %dma_wait3A_429] : memref<6x64x128xf32, #tpu.memory_space<vmem>> -> memref<1x64x128xf32, #tpu.memory_space<vmem>>
      %dma_wait3A_431 = tpu.memref_squeeze %dma_wait3A_430 : memref<1x64x128xf32, #tpu.memory_space<vmem>> -> memref<64x128xf32, #tpu.memory_space<vmem>>
      %dma_wait3A_432 = arith.constant 0 : i32
      %dma_wait3A_433 = arith.constant 0 : i32
      %dma_wait3A_434 = tpu.memref_slice %arg3[%dma_wait3A_432, %dma_wait3A_433] : memref<64x2600000xf32, #tpu.memory_space<hbm>> -> memref<64x128xf32, #tpu.memory_space<hbm>>
      %dma_wait3A_435 = tpu.memref_slice %arg9[%dma_wait3A_427] : memref<6x!tpu.dma_semaphore, #tpu.memory_space<semaphore_mem>> -> memref<1x!tpu.dma_semaphore, #tpu.memory_space<semaphore_mem>>
      %dma_wait3A_436 = tpu.memref_squeeze %dma_wait3A_435 : memref<1x!tpu.dma_semaphore, #tpu.memory_space<semaphore_mem>> -> memref<!tpu.dma_semaphore, #tpu.memory_space<semaphore_mem>>
      %dma_wait3A_437 = arith.constant 0 : i32
      %dma_wait3A_438 = arith.constant 0 : i32
      %dma_wait3A_439 = tpu.memref_slice %arg7[%dma_wait3A, %dma_wait3A_437, %dma_wait3A_438] : memref<6x64x128xf32, #tpu.memory_space<vmem>> -> memref<1x64x128xf32, #tpu.memory_space<vmem>>
      %dma_wait3A_440 = tpu.memref_squeeze %dma_wait3A_439 : memref<1x64x128xf32, #tpu.memory_space<vmem>> -> memref<64x128xf32, #tpu.memory_space<vmem>>
      %dma_wait3A_441 = arith.constant 0 : i32
      %dma_wait3A_442 = arith.constant 0 : i32
      %dma_wait3A_443 = tpu.memref_slice %arg3[%dma_wait3A_441, %dma_wait3A_442] : memref<64x2600000xf32, #tpu.memory_space<hbm>> -> memref<64x128xf32, #tpu.memory_space<hbm>>
      tpu.wait_dma2 semaphore(%dma_wait3A_436 : memref<!tpu.dma_semaphore, #tpu.memory_space<semaphore_mem>>) src(%dma_wait3A_443 : memref<64x128xf32, #tpu.memory_space<hbm>>) dst(%dma_wait3A_440 : memref<64x128xf32, #tpu.memory_space<vmem>>)
      %dma_wait3A_444 = arith.constant 5 : i32
      %dma_wait3A_445 = arith.constant 5 : i32
      %dma_wait3A_446 = arith.constant 0 : i32
      %dma_wait3A_447 = arith.constant 0 : i32
      %dma_wait3A_448 = tpu.memref_slice %arg7[%dma_wait3A_444, %dma_wait3A_446, %dma_wait3A_447] : memref<6x64x128xf32, #tpu.memory_space<vmem>> -> memref<1x64x128xf32, #tpu.memory_space<vmem>>
      %dma_wait3A_449 = tpu.memref_squeeze %dma_wait3A_448 : memref<1x64x128xf32, #tpu.memory_space<vmem>> -> memref<64x128xf32, #tpu.memory_space<vmem>>
      %dma_wait3A_450 = arith.constant 0 : i32
      %dma_wait3A_451 = arith.constant 0 : i32
      %dma_wait3A_452 = tpu.memref_slice %arg3[%dma_wait3A_450, %dma_wait3A_451] : memref<64x2600000xf32, #tpu.memory_space<hbm>> -> memref<64x128xf32, #tpu.memory_space<hbm>>
      %dma_wait3A_453 = tpu.memref_slice %arg9[%dma_wait3A_445] : memref<6x!tpu.dma_semaphore, #tpu.memory_space<semaphore_mem>> -> memref<1x!tpu.dma_semaphore, #tpu.memory_space<semaphore_mem>>
      %dma_wait3A_454 = tpu.memref_squeeze %dma_wait3A_453 : memref<1x!tpu.dma_semaphore, #tpu.memory_space<semaphore_mem>> -> memref<!tpu.dma_semaphore, #tpu.memory_space<semaphore_mem>>
      %dma_wait3A_455 = arith.constant 0 : i32
      %dma_wait3A_456 = arith.constant 0 : i32
      %dma_wait3A_457 = tpu.memref_slice %arg7[%dma_wait3A_444, %dma_wait3A_455, %dma_wait3A_456] : memref<6x64x128xf32, #tpu.memory_space<vmem>> -> memref<1x64x128xf32, #tpu.memory_space<vmem>>
      %dma_wait3A_458 = tpu.memref_squeeze %dma_wait3A_457 : memref<1x64x128xf32, #tpu.memory_space<vmem>> -> memref<64x128xf32, #tpu.memory_space<vmem>>
      %dma_wait3A_459 = arith.constant 0 : i32
      %dma_wait3A_460 = arith.constant 0 : i32
      %dma_wait3A_461 = tpu.memref_slice %arg3[%dma_wait3A_459, %dma_wait3A_460] : memref<64x2600000xf32, #tpu.memory_space<hbm>> -> memref<64x128xf32, #tpu.memory_space<hbm>>
      tpu.wait_dma2 semaphore(%dma_wait3A_454 : memref<!tpu.dma_semaphore, #tpu.memory_space<semaphore_mem>>) src(%dma_wait3A_461 : memref<64x128xf32, #tpu.memory_space<hbm>>) dst(%dma_wait3A_458 : memref<64x128xf32, #tpu.memory_space<vmem>>)
      %add3A_462 = arith.constant 0 : i32
      %add3A_463 = vector.broadcast %add3A_462 : i32 to vector<16xi32>
      %add3A_464 = arith.addi %iota3A, %add3A_463 : vector<16xi32>
      %gather3A_465 = arith.constant 4 : i32
      %gather3A_466 = arith.constant 0 : i32
      %gather3A_467 = arith.constant 0 : i32
      %gather3A_468 = tpu.memref_slice %arg7[%gather3A_465, %gather3A_466, %gather3A_467] : memref<6x64x128xf32, #tpu.memory_space<vmem>> -> memref<1x64x128xf32, #tpu.memory_space<vmem>>
      %gather3A_469 = tpu.memref_squeeze %gather3A_468 : memref<1x64x128xf32, #tpu.memory_space<vmem>> -> memref<64x128xf32, #tpu.memory_space<vmem>>
      %gather3A_470 = tpu.vector_load_idx %gather3A_469[%add3A_464, %add3A_392] : memref<64x128xf32, #tpu.memory_space<vmem>>[vector<16xi32>, vector<16xi32>], vector<16xf32>,
      %gather3A_471 = arith.constant 5 : i32
      %gather3A_472 = arith.constant 0 : i32
      %gather3A_473 = arith.constant 0 : i32
      %gather3A_474 = tpu.memref_slice %arg7[%gather3A_471, %gather3A_472, %gather3A_473] : memref<6x64x128xf32, #tpu.memory_space<vmem>> -> memref<1x64x128xf32, #tpu.memory_space<vmem>>
      %gather3A_475 = tpu.memref_squeeze %gather3A_474 : memref<1x64x128xf32, #tpu.memory_space<vmem>> -> memref<64x128xf32, #tpu.memory_space<vmem>>
      %gather3A_476 = tpu.vector_load_idx %gather3A_475[%add3A_464, %add3A_426] : memref<64x128xf32, #tpu.memory_space<vmem>>[vector<16xi32>, vector<16xi32>], vector<16xf32>,
      %mul3A_477 = arith.mulf %gather3A_470, %gather3A_476 : vector<16xf32>
      %swap3A_478 = arith.constant 8 : i32
      %swap3A_479 = arith.index_cast %swap3A_478 : i32 to index
      %swap3A_480 = arith.constant 0 : index
      %swap3A_481 = tpu.vector_load %arg8[%swap3A_479, %swap3A_480] {strides = array<i32>} : memref<16x64xf32, #tpu.memory_space<vmem>>, vector<16xf32>,
      tpu.vector_store %arg8[%swap3A_479, %swap3A_480], %mul3A_477 {strides = array<i32>} : memref<16x64xf32, #tpu.memory_space<vmem>>, vector<16xf32>,
      %add3A_482 = arith.constant 16 : i32
      %add3A_483 = vector.broadcast %add3A_482 : i32 to vector<16xi32>
      %add3A_484 = arith.addi %iota3A, %add3A_483 : vector<16xi32>
      %gather3A_485 = arith.constant 4 : i32
      %gather3A_486 = arith.constant 0 : i32
      %gather3A_487 = arith.constant 0 : i32
      %gather3A_488 = tpu.memref_slice %arg7[%gather3A_485, %gather3A_486, %gather3A_487] : memref<6x64x128xf32, #tpu.memory_space<vmem>> -> memref<1x64x128xf32, #tpu.memory_space<vmem>>
      %gather3A_489 = tpu.memref_squeeze %gather3A_488 : memref<1x64x128xf32, #tpu.memory_space<vmem>> -> memref<64x128xf32, #tpu.memory_space<vmem>>
      %gather3A_490 = tpu.vector_load_idx %gather3A_489[%add3A_484, %add3A_392] : memref<64x128xf32, #tpu.memory_space<vmem>>[vector<16xi32>, vector<16xi32>], vector<16xf32>,
      %gather3A_491 = arith.constant 5 : i32
      %gather3A_492 = arith.constant 0 : i32
      %gather3A_493 = arith.constant 0 : i32
      %gather3A_494 = tpu.memref_slice %arg7[%gather3A_491, %gather3A_492, %gather3A_493] : memref<6x64x128xf32, #tpu.memory_space<vmem>> -> memref<1x64x128xf32, #tpu.memory_space<vmem>>
      %gather3A_495 = tpu.memref_squeeze %gather3A_494 : memref<1x64x128xf32, #tpu.memory_space<vmem>> -> memref<64x128xf32, #tpu.memory_space<vmem>>
      %gather3A_496 = tpu.vector_load_idx %gather3A_495[%add3A_484, %add3A_426] : memref<64x128xf32, #tpu.memory_space<vmem>>[vector<16xi32>, vector<16xi32>], vector<16xf32>,
      %mul3A_497 = arith.mulf %gather3A_490, %gather3A_496 : vector<16xf32>
      %swap3A_498 = arith.constant 8 : i32
      %swap3A_499 = arith.index_cast %swap3A_498 : i32 to index
      %swap3A_500 = arith.constant 16 : index
      %swap3A_501 = tpu.vector_load %arg8[%swap3A_499, %swap3A_500] {strides = array<i32>} : memref<16x64xf32, #tpu.memory_space<vmem>>, vector<16xf32>,
      tpu.vector_store %arg8[%swap3A_499, %swap3A_500], %mul3A_497 {strides = array<i32>} : memref<16x64xf32, #tpu.memory_space<vmem>>, vector<16xf32>,
      %add3A_502 = arith.constant 32 : i32
      %add3A_503 = vector.broadcast %add3A_502 : i32 to vector<16xi32>
      %add3A_504 = arith.addi %iota3A, %add3A_503 : vector<16xi32>
      %gather3A_505 = arith.constant 4 : i32
      %gather3A_506 = arith.constant 0 : i32
      %gather3A_507 = arith.constant 0 : i32
      %gather3A_508 = tpu.memref_slice %arg7[%gather3A_505, %gather3A_506, %gather3A_507] : memref<6x64x128xf32, #tpu.memory_space<vmem>> -> memref<1x64x128xf32, #tpu.memory_space<vmem>>
      %gather3A_509 = tpu.memref_squeeze %gather3A_508 : memref<1x64x128xf32, #tpu.memory_space<vmem>> -> memref<64x128xf32, #tpu.memory_space<vmem>>
      %gather3A_510 = tpu.vector_load_idx %gather3A_509[%add3A_504, %add3A_392] : memref<64x128xf32, #tpu.memory_space<vmem>>[vector<16xi32>, vector<16xi32>], vector<16xf32>,
      %gather3A_511 = arith.constant 5 : i32
      %gather3A_512 = arith.constant 0 : i32
      %gather3A_513 = arith.constant 0 : i32
      %gather3A_514 = tpu.memref_slice %arg7[%gather3A_511, %gather3A_512, %gather3A_513] : memref<6x64x128xf32, #tpu.memory_space<vmem>> -> memref<1x64x128xf32, #tpu.memory_space<vmem>>
      %gather3A_515 = tpu.memref_squeeze %gather3A_514 : memref<1x64x128xf32, #tpu.memory_space<vmem>> -> memref<64x128xf32, #tpu.memory_space<vmem>>
      %gather3A_516 = tpu.vector_load_idx %gather3A_515[%add3A_504, %add3A_426] : memref<64x128xf32, #tpu.memory_space<vmem>>[vector<16xi32>, vector<16xi32>], vector<16xf32>,
      %mul3A_517 = arith.mulf %gather3A_510, %gather3A_516 : vector<16xf32>
      %swap3A_518 = arith.constant 8 : i32
      %swap3A_519 = arith.index_cast %swap3A_518 : i32 to index
      %swap3A_520 = arith.constant 32 : index
      %swap3A_521 = tpu.vector_load %arg8[%swap3A_519, %swap3A_520] {strides = array<i32>} : memref<16x64xf32, #tpu.memory_space<vmem>>, vector<16xf32>,
      tpu.vector_store %arg8[%swap3A_519, %swap3A_520], %mul3A_517 {strides = array<i32>} : memref<16x64xf32, #tpu.memory_space<vmem>>, vector<16xf32>,
      %add3A_522 = arith.constant 48 : i32
      %add3A_523 = vector.broadcast %add3A_522 : i32 to vector<16xi32>
      %add3A_524 = arith.addi %iota3A, %add3A_523 : vector<16xi32>
      %gather3A_525 = arith.constant 4 : i32
      %gather3A_526 = arith.constant 0 : i32
      %gather3A_527 = arith.constant 0 : i32
      %gather3A_528 = tpu.memref_slice %arg7[%gather3A_525, %gather3A_526, %gather3A_527] : memref<6x64x128xf32, #tpu.memory_space<vmem>> -> memref<1x64x128xf32, #tpu.memory_space<vmem>>
      %gather3A_529 = tpu.memref_squeeze %gather3A_528 : memref<1x64x128xf32, #tpu.memory_space<vmem>> -> memref<64x128xf32, #tpu.memory_space<vmem>>
      %gather3A_530 = tpu.vector_load_idx %gather3A_529[%add3A_524, %add3A_392] : memref<64x128xf32, #tpu.memory_space<vmem>>[vector<16xi32>, vector<16xi32>], vector<16xf32>,
      %gather3A_531 = arith.constant 5 : i32
      %gather3A_532 = arith.constant 0 : i32
      %gather3A_533 = arith.constant 0 : i32
      %gather3A_534 = tpu.memref_slice %arg7[%gather3A_531, %gather3A_532, %gather3A_533] : memref<6x64x128xf32, #tpu.memory_space<vmem>> -> memref<1x64x128xf32, #tpu.memory_space<vmem>>
      %gather3A_535 = tpu.memref_squeeze %gather3A_534 : memref<1x64x128xf32, #tpu.memory_space<vmem>> -> memref<64x128xf32, #tpu.memory_space<vmem>>
      %gather3A_536 = tpu.vector_load_idx %gather3A_535[%add3A_524, %add3A_426] : memref<64x128xf32, #tpu.memory_space<vmem>>[vector<16xi32>, vector<16xi32>], vector<16xf32>,
      %mul3A_537 = arith.mulf %gather3A_530, %gather3A_536 : vector<16xf32>
      %swap3A_538 = arith.constant 8 : i32
      %swap3A_539 = arith.index_cast %swap3A_538 : i32 to index
      %swap3A_540 = arith.constant 48 : index
      %swap3A_541 = tpu.vector_load %arg8[%swap3A_539, %swap3A_540] {strides = array<i32>} : memref<16x64xf32, #tpu.memory_space<vmem>>, vector<16xf32>,
      tpu.vector_store %arg8[%swap3A_539, %swap3A_540], %mul3A_537 {strides = array<i32>} : memref<16x64xf32, #tpu.memory_space<vmem>>, vector<16xf32>,
      %gt3A_542 = arith.constant 11 : i32
      %gt3A_543 = arith.cmpi sgt, %select_n3A, %gt3A_542 : i32
      %convert_element_type3A_544 = arith.extui %gt3A_543 : i1 to i32
      %cond3A_545 = arith.constant 0 : i32
      %cond3A_546 = arith.cmpi ne, %convert_element_type3A_544, %cond3A_545 : i32
      scf.if %cond3A_546 {
        %get3A_552 = arith.constant 0 : i32
        %get3A_553 = arith.index_cast %get3A_552 : i32 to index
        %get3A_554 = arith.constant 0 : index
        %get3A_555 = tpu.vector_load %arg6[%get3A_553, %get3A_554] {strides = array<i32>} : memref<2x16xi32, #tpu.memory_space<vmem>>, vector<16xi32>,
        %eq3A_556 = arith.constant 11 : i32
        %eq3A_557 = vector.broadcast %eq3A_556 : i32 to vector<16xi32>
        %eq3A_558 = arith.cmpi eq, %iota3A, %eq3A_557 : vector<16xi32>
        %jit3A_559 = arith.constant 0 : i32
        %broadcast_in_dim3A_560 = vector.broadcast %jit3A_559 : i32 to vector<16xi32>
        %select_n3A_561 = arith.select %eq3A_558, %get3A_555, %broadcast_in_dim3A_560 : vector<16xi1>, vector<16xi32>
        %reduce_sum3A_562 = arith.constant true
        %reduce_sum3A_563 = vector.broadcast %reduce_sum3A_562 : i1 to vector<16xi1>
        %reduce_sum3A_564 = tpu.scan <sum>, %select_n3A_561 masked %reduce_sum3A_563 : vector<16xi32>, vector<16xi1> -> vector<16xi32>
        %reduce_sum3A_565 = vector.extract %reduce_sum3A_564[15] : i32 from vector<16xi32>
        %jit3A_566 = arith.constant 128 : i32
        %div3A_567 = arith.divsi %reduce_sum3A_565, %jit3A_566 : i32
        %sign3A_568 = arith.constant 0 : i32
        %sign3A_569 = arith.cmpi sgt, %reduce_sum3A_565, %sign3A_568 : i32
        %sign3A_570 = arith.extui %sign3A_569 : i1 to i32
        %sign3A_571 = arith.constant 0 : i32
        %sign3A_572 = arith.cmpi slt, %reduce_sum3A_565, %sign3A_571 : i32
        %sign3A_573 = arith.extui %sign3A_572 : i1 to i32
        %sign3A_574 = arith.subi %sign3A_570, %sign3A_573 : i32
        %sign3A_575 = arith.constant 0 : i32
        %sign3A_576 = arith.cmpi sgt, %jit3A_566, %sign3A_575 : i32
        %sign3A_577 = arith.extui %sign3A_576 : i1 to i32
        %sign3A_578 = arith.constant 0 : i32
        %sign3A_579 = arith.cmpi slt, %jit3A_566, %sign3A_578 : i32
        %sign3A_580 = arith.extui %sign3A_579 : i1 to i32
        %sign3A_581 = arith.subi %sign3A_577, %sign3A_580 : i32
        %ne3A_582 = arith.cmpi ne, %sign3A_574, %sign3A_581 : i32
        %rem3A_583 = arith.remsi %reduce_sum3A_565, %jit3A_566 : i32
        %ne3A_584 = arith.constant 0 : i32
        %ne3A_585 = arith.cmpi ne, %rem3A_583, %ne3A_584 : i32
        %and3A_586 = arith.andi %ne3A_582, %ne3A_585 : i1
        %sub3A_587 = arith.constant 1 : i32
        %sub3A_588 = arith.subi %div3A_567, %sub3A_587 : i32
        %select_n3A_589 = arith.select %and3A_586, %sub3A_588, %div3A_567 : i32
        %mul3A_590 = arith.constant 128 : i32
        %mul3A_591 = arith.muli %select_n3A_589, %mul3A_590 : i32
        %multiple_of3A_592 = tpu.assume_multiple %mul3A_591, 128 : i32
        %dma_start3A = arith.constant 4 : i32
        %dma_start3A_593 = arith.constant 4 : i32
        %dma_start3A_594 = arith.constant 0 : i32
        %dma_start3A_595 = arith.constant 0 : i32
        %dma_start3A_596 = tpu.memref_slice %arg7[%dma_start3A, %dma_start3A_594, %dma_start3A_595] : memref<6x64x128xf32, #tpu.memory_space<vmem>> -> memref<1x64x128xf32, #tpu.memory_space<vmem>>
        %dma_start3A_597 = tpu.memref_squeeze %dma_start3A_596 : memref<1x64x128xf32, #tpu.memory_space<vmem>> -> memref<64x128xf32, #tpu.memory_space<vmem>>
        %dma_start3A_598 = arith.constant 0 : i32
        %dma_start3A_599 = tpu.memref_slice %arg3[%dma_start3A_598, %multiple_of3A_592] : memref<64x2600000xf32, #tpu.memory_space<hbm>> -> memref<64x128xf32, #tpu.memory_space<hbm>>
        %dma_start3A_600 = tpu.memref_slice %arg9[%dma_start3A_593] : memref<6x!tpu.dma_semaphore, #tpu.memory_space<semaphore_mem>> -> memref<1x!tpu.dma_semaphore, #tpu.memory_space<semaphore_mem>>
        %dma_start3A_601 = tpu.memref_squeeze %dma_start3A_600 : memref<1x!tpu.dma_semaphore, #tpu.memory_space<semaphore_mem>> -> memref<!tpu.dma_semaphore, #tpu.memory_space<semaphore_mem>>
        %dma_start3A_602 = arith.constant 0 : i32
        %dma_start3A_603 = arith.constant 0 : i32
        %dma_start3A_604 = tpu.memref_slice %arg7[%dma_start3A, %dma_start3A_602, %dma_start3A_603] : memref<6x64x128xf32, #tpu.memory_space<vmem>> -> memref<1x64x128xf32, #tpu.memory_space<vmem>>
        %dma_start3A_605 = tpu.memref_squeeze %dma_start3A_604 : memref<1x64x128xf32, #tpu.memory_space<vmem>> -> memref<64x128xf32, #tpu.memory_space<vmem>>
        %dma_start3A_606 = arith.constant 0 : i32
        %dma_start3A_607 = tpu.memref_slice %arg3[%dma_start3A_606, %multiple_of3A_592] : memref<64x2600000xf32, #tpu.memory_space<hbm>> -> memref<64x128xf32, #tpu.memory_space<hbm>>
        tpu.enqueue_dma source(%dma_start3A_607 : memref<64x128xf32, #tpu.memory_space<hbm>>) target(%dma_start3A_605 : memref<64x128xf32, #tpu.memory_space<vmem>>) target_semaphore(%dma_start3A_601 : memref<!tpu.dma_semaphore, #tpu.memory_space<semaphore_mem>>)
      } else {
      }
      %gt3A_547 = arith.constant 11 : i32
      %gt3A_548 = arith.cmpi sgt, %select_n3A, %gt3A_547 : i32
      %convert_element_type3A_549 = arith.extui %gt3A_548 : i1 to i32
      %cond3A_550 = arith.constant 0 : i32
      %cond3A_551 = arith.cmpi ne, %convert_element_type3A_549, %cond3A_550 : i32
      scf.if %cond3A_551 {
        %get3A_552 = arith.constant 1 : i32
        %get3A_553 = arith.index_cast %get3A_552 : i32 to index
        %get3A_554 = arith.constant 0 : index
        %get3A_555 = tpu.vector_load %arg6[%get3A_553, %get3A_554] {strides = array<i32>} : memref<2x16xi32, #tpu.memory_space<vmem>>, vector<16xi32>,
        %eq3A_556 = arith.constant 11 : i32
        %eq3A_557 = vector.broadcast %eq3A_556 : i32 to vector<16xi32>
        %eq3A_558 = arith.cmpi eq, %iota3A, %eq3A_557 : vector<16xi32>
        %jit3A_559 = arith.constant 0 : i32
        %broadcast_in_dim3A_560 = vector.broadcast %jit3A_559 : i32 to vector<16xi32>
        %select_n3A_561 = arith.select %eq3A_558, %get3A_555, %broadcast_in_dim3A_560 : vector<16xi1>, vector<16xi32>
        %reduce_sum3A_562 = arith.constant true
        %reduce_sum3A_563 = vector.broadcast %reduce_sum3A_562 : i1 to vector<16xi1>
        %reduce_sum3A_564 = tpu.scan <sum>, %select_n3A_561 masked %reduce_sum3A_563 : vector<16xi32>, vector<16xi1> -> vector<16xi32>
        %reduce_sum3A_565 = vector.extract %reduce_sum3A_564[15] : i32 from vector<16xi32>
        %jit3A_566 = arith.constant 128 : i32
        %div3A_567 = arith.divsi %reduce_sum3A_565, %jit3A_566 : i32
        %sign3A_568 = arith.constant 0 : i32
        %sign3A_569 = arith.cmpi sgt, %reduce_sum3A_565, %sign3A_568 : i32
        %sign3A_570 = arith.extui %sign3A_569 : i1 to i32
        %sign3A_571 = arith.constant 0 : i32
        %sign3A_572 = arith.cmpi slt, %reduce_sum3A_565, %sign3A_571 : i32
        %sign3A_573 = arith.extui %sign3A_572 : i1 to i32
        %sign3A_574 = arith.subi %sign3A_570, %sign3A_573 : i32
        %sign3A_575 = arith.constant 0 : i32
        %sign3A_576 = arith.cmpi sgt, %jit3A_566, %sign3A_575 : i32
        %sign3A_577 = arith.extui %sign3A_576 : i1 to i32
        %sign3A_578 = arith.constant 0 : i32
        %sign3A_579 = arith.cmpi slt, %jit3A_566, %sign3A_578 : i32
        %sign3A_580 = arith.extui %sign3A_579 : i1 to i32
        %sign3A_581 = arith.subi %sign3A_577, %sign3A_580 : i32
        %ne3A_582 = arith.cmpi ne, %sign3A_574, %sign3A_581 : i32
        %rem3A_583 = arith.remsi %reduce_sum3A_565, %jit3A_566 : i32
        %ne3A_584 = arith.constant 0 : i32
        %ne3A_585 = arith.cmpi ne, %rem3A_583, %ne3A_584 : i32
        %and3A_586 = arith.andi %ne3A_582, %ne3A_585 : i1
        %sub3A_587 = arith.constant 1 : i32
        %sub3A_588 = arith.subi %div3A_567, %sub3A_587 : i32
        %select_n3A_589 = arith.select %and3A_586, %sub3A_588, %div3A_567 : i32
        %mul3A_590 = arith.constant 128 : i32
        %mul3A_591 = arith.muli %select_n3A_589, %mul3A_590 : i32
        %multiple_of3A_592 = tpu.assume_multiple %mul3A_591, 128 : i32
        %dma_start3A = arith.constant 5 : i32
        %dma_start3A_593 = arith.constant 5 : i32
        %dma_start3A_594 = arith.constant 0 : i32
        %dma_start3A_595 = arith.constant 0 : i32
        %dma_start3A_596 = tpu.memref_slice %arg7[%dma_start3A, %dma_start3A_594, %dma_start3A_595] : memref<6x64x128xf32, #tpu.memory_space<vmem>> -> memref<1x64x128xf32, #tpu.memory_space<vmem>>
        %dma_start3A_597 = tpu.memref_squeeze %dma_start3A_596 : memref<1x64x128xf32, #tpu.memory_space<vmem>> -> memref<64x128xf32, #tpu.memory_space<vmem>>
        %dma_start3A_598 = arith.constant 0 : i32
        %dma_start3A_599 = tpu.memref_slice %arg3[%dma_start3A_598, %multiple_of3A_592] : memref<64x2600000xf32, #tpu.memory_space<hbm>> -> memref<64x128xf32, #tpu.memory_space<hbm>>
        %dma_start3A_600 = tpu.memref_slice %arg9[%dma_start3A_593] : memref<6x!tpu.dma_semaphore, #tpu.memory_space<semaphore_mem>> -> memref<1x!tpu.dma_semaphore, #tpu.memory_space<semaphore_mem>>
        %dma_start3A_601 = tpu.memref_squeeze %dma_start3A_600 : memref<1x!tpu.dma_semaphore, #tpu.memory_space<semaphore_mem>> -> memref<!tpu.dma_semaphore, #tpu.memory_space<semaphore_mem>>
        %dma_start3A_602 = arith.constant 0 : i32
        %dma_start3A_603 = arith.constant 0 : i32
        %dma_start3A_604 = tpu.memref_slice %arg7[%dma_start3A, %dma_start3A_602, %dma_start3A_603] : memref<6x64x128xf32, #tpu.memory_space<vmem>> -> memref<1x64x128xf32, #tpu.memory_space<vmem>>
        %dma_start3A_605 = tpu.memref_squeeze %dma_start3A_604 : memref<1x64x128xf32, #tpu.memory_space<vmem>> -> memref<64x128xf32, #tpu.memory_space<vmem>>
        %dma_start3A_606 = arith.constant 0 : i32
        %dma_start3A_607 = tpu.memref_slice %arg3[%dma_start3A_606, %multiple_of3A_592] : memref<64x2600000xf32, #tpu.memory_space<hbm>> -> memref<64x128xf32, #tpu.memory_space<hbm>>
        tpu.enqueue_dma source(%dma_start3A_607 : memref<64x128xf32, #tpu.memory_space<hbm>>) target(%dma_start3A_605 : memref<64x128xf32, #tpu.memory_space<vmem>>) target_semaphore(%dma_start3A_601 : memref<!tpu.dma_semaphore, #tpu.memory_space<semaphore_mem>>)
      } else {
      }
    } else {
    }
    %gt3A_350 = arith.constant 9 : i32
    %gt3A_351 = arith.cmpi sgt, %select_n3A, %gt3A_350 : i32
    %convert_element_type3A_352 = arith.extui %gt3A_351 : i1 to i32
    %cond3A_353 = arith.constant 0 : i32
    %cond3A_354 = arith.cmpi ne, %convert_element_type3A_352, %cond3A_353 : i32
    scf.if %cond3A_354 {
      %broadcast_in_dim3A_362 = arith.constant 0 : i32
      %broadcast_in_dim3A_363 = vector.broadcast %broadcast_in_dim3A_362 : i32 to vector<16xi32>
      %get3A = arith.constant 0 : i32
      %get3A_364 = arith.index_cast %get3A : i32 to index
      %get3A_365 = arith.constant 0 : index
      %get3A_366 = tpu.vector_load %arg6[%get3A_364, %get3A_365] {strides = array<i32>} : memref<2x16xi32, #tpu.memory_space<vmem>>, vector<16xi32>,
      %eq3A = arith.constant 9 : i32
      %eq3A_367 = vector.broadcast %eq3A : i32 to vector<16xi32>
      %eq3A_368 = arith.cmpi eq, %iota3A, %eq3A_367 : vector<16xi32>
      %jit3A_369 = arith.constant 0 : i32
      %broadcast_in_dim3A_370 = vector.broadcast %jit3A_369 : i32 to vector<16xi32>
      %select_n3A_371 = arith.select %eq3A_368, %get3A_366, %broadcast_in_dim3A_370 : vector<16xi1>, vector<16xi32>
      %reduce_sum3A = arith.constant true
      %reduce_sum3A_372 = vector.broadcast %reduce_sum3A : i1 to vector<16xi1>
      %reduce_sum3A_373 = tpu.scan <sum>, %select_n3A_371 masked %reduce_sum3A_372 : vector<16xi32>, vector<16xi1> -> vector<16xi32>
      %reduce_sum3A_374 = vector.extract %reduce_sum3A_373[15] : i32 from vector<16xi32>
      %jit3A_375 = arith.constant 128 : i32
      %eq3A_376 = arith.constant 0 : i32
      %eq3A_377 = arith.cmpi eq, %jit3A_375, %eq3A_376 : i32
      %jit3A_378 = arith.constant 1 : i32
      %select_n3A_379 = arith.select %eq3A_377, %jit3A_378, %jit3A_375 : i32
      %rem3A_380 = arith.remsi %reduce_sum3A_374, %select_n3A_379 : i32
      %ne3A_381 = arith.constant 0 : i32
      %ne3A_382 = arith.cmpi ne, %rem3A_380, %ne3A_381 : i32
      %lt3A_383 = arith.constant 0 : i32
      %lt3A_384 = arith.cmpi slt, %rem3A_380, %lt3A_383 : i32
      %lt3A_385 = arith.constant 0 : i32
      %lt3A_386 = arith.cmpi slt, %select_n3A_379, %lt3A_385 : i32
      %ne3A_387 = arith.xori %lt3A_384, %lt3A_386 : i1
      %and3A_388 = arith.andi %ne3A_387, %ne3A_382 : i1
      %add3A_389 = arith.addi %rem3A_380, %select_n3A_379 : i32
      %select_n3A_390 = arith.select %and3A_388, %add3A_389, %rem3A_380 : i32
      %add3A_391 = vector.broadcast %select_n3A_390 : i32 to vector<16xi32>
      %add3A_392 = arith.addi %broadcast_in_dim3A_363, %add3A_391 : vector<16xi32>
      %broadcast_in_dim3A_393 = arith.constant 0 : i32
      %broadcast_in_dim3A_394 = vector.broadcast %broadcast_in_dim3A_393 : i32 to vector<16xi32>
      %get3A_395 = arith.constant 1 : i32
      %get3A_396 = arith.index_cast %get3A_395 : i32 to index
      %get3A_397 = arith.constant 0 : index
      %get3A_398 = tpu.vector_load %arg6[%get3A_396, %get3A_397] {strides = array<i32>} : memref<2x16xi32, #tpu.memory_space<vmem>>, vector<16xi32>,
      %eq3A_399 = arith.constant 9 : i32
      %eq3A_400 = vector.broadcast %eq3A_399 : i32 to vector<16xi32>
      %eq3A_401 = arith.cmpi eq, %iota3A, %eq3A_400 : vector<16xi32>
      %jit3A_402 = arith.constant 0 : i32
      %broadcast_in_dim3A_403 = vector.broadcast %jit3A_402 : i32 to vector<16xi32>
      %select_n3A_404 = arith.select %eq3A_401, %get3A_398, %broadcast_in_dim3A_403 : vector<16xi1>, vector<16xi32>
      %reduce_sum3A_405 = arith.constant true
      %reduce_sum3A_406 = vector.broadcast %reduce_sum3A_405 : i1 to vector<16xi1>
      %reduce_sum3A_407 = tpu.scan <sum>, %select_n3A_404 masked %reduce_sum3A_406 : vector<16xi32>, vector<16xi1> -> vector<16xi32>
      %reduce_sum3A_408 = vector.extract %reduce_sum3A_407[15] : i32 from vector<16xi32>
      %jit3A_409 = arith.constant 128 : i32
      %eq3A_410 = arith.constant 0 : i32
      %eq3A_411 = arith.cmpi eq, %jit3A_409, %eq3A_410 : i32
      %jit3A_412 = arith.constant 1 : i32
      %select_n3A_413 = arith.select %eq3A_411, %jit3A_412, %jit3A_409 : i32
      %rem3A_414 = arith.remsi %reduce_sum3A_408, %select_n3A_413 : i32
      %ne3A_415 = arith.constant 0 : i32
      %ne3A_416 = arith.cmpi ne, %rem3A_414, %ne3A_415 : i32
      %lt3A_417 = arith.constant 0 : i32
      %lt3A_418 = arith.cmpi slt, %rem3A_414, %lt3A_417 : i32
      %lt3A_419 = arith.constant 0 : i32
      %lt3A_420 = arith.cmpi slt, %select_n3A_413, %lt3A_419 : i32
      %ne3A_421 = arith.xori %lt3A_418, %lt3A_420 : i1
      %and3A_422 = arith.andi %ne3A_421, %ne3A_416 : i1
      %add3A_423 = arith.addi %rem3A_414, %select_n3A_413 : i32
      %select_n3A_424 = arith.select %and3A_422, %add3A_423, %rem3A_414 : i32
      %add3A_425 = vector.broadcast %select_n3A_424 : i32 to vector<16xi32>
      %add3A_426 = arith.addi %broadcast_in_dim3A_394, %add3A_425 : vector<16xi32>
      %dma_wait3A = arith.constant 0 : i32
      %dma_wait3A_427 = arith.constant 0 : i32
      %dma_wait3A_428 = arith.constant 0 : i32
      %dma_wait3A_429 = arith.constant 0 : i32
      %dma_wait3A_430 = tpu.memref_slice %arg7[%dma_wait3A, %dma_wait3A_428, %dma_wait3A_429] : memref<6x64x128xf32, #tpu.memory_space<vmem>> -> memref<1x64x128xf32, #tpu.memory_space<vmem>>
      %dma_wait3A_431 = tpu.memref_squeeze %dma_wait3A_430 : memref<1x64x128xf32, #tpu.memory_space<vmem>> -> memref<64x128xf32, #tpu.memory_space<vmem>>
      %dma_wait3A_432 = arith.constant 0 : i32
      %dma_wait3A_433 = arith.constant 0 : i32
      %dma_wait3A_434 = tpu.memref_slice %arg3[%dma_wait3A_432, %dma_wait3A_433] : memref<64x2600000xf32, #tpu.memory_space<hbm>> -> memref<64x128xf32, #tpu.memory_space<hbm>>
      %dma_wait3A_435 = tpu.memref_slice %arg9[%dma_wait3A_427] : memref<6x!tpu.dma_semaphore, #tpu.memory_space<semaphore_mem>> -> memref<1x!tpu.dma_semaphore, #tpu.memory_space<semaphore_mem>>
      %dma_wait3A_436 = tpu.memref_squeeze %dma_wait3A_435 : memref<1x!tpu.dma_semaphore, #tpu.memory_space<semaphore_mem>> -> memref<!tpu.dma_semaphore, #tpu.memory_space<semaphore_mem>>
      %dma_wait3A_437 = arith.constant 0 : i32
      %dma_wait3A_438 = arith.constant 0 : i32
      %dma_wait3A_439 = tpu.memref_slice %arg7[%dma_wait3A, %dma_wait3A_437, %dma_wait3A_438] : memref<6x64x128xf32, #tpu.memory_space<vmem>> -> memref<1x64x128xf32, #tpu.memory_space<vmem>>
      %dma_wait3A_440 = tpu.memref_squeeze %dma_wait3A_439 : memref<1x64x128xf32, #tpu.memory_space<vmem>> -> memref<64x128xf32, #tpu.memory_space<vmem>>
      %dma_wait3A_441 = arith.constant 0 : i32
      %dma_wait3A_442 = arith.constant 0 : i32
      %dma_wait3A_443 = tpu.memref_slice %arg3[%dma_wait3A_441, %dma_wait3A_442] : memref<64x2600000xf32, #tpu.memory_space<hbm>> -> memref<64x128xf32, #tpu.memory_space<hbm>>
      tpu.wait_dma2 semaphore(%dma_wait3A_436 : memref<!tpu.dma_semaphore, #tpu.memory_space<semaphore_mem>>) src(%dma_wait3A_443 : memref<64x128xf32, #tpu.memory_space<hbm>>) dst(%dma_wait3A_440 : memref<64x128xf32, #tpu.memory_space<vmem>>)
      %dma_wait3A_444 = arith.constant 1 : i32
      %dma_wait3A_445 = arith.constant 1 : i32
      %dma_wait3A_446 = arith.constant 0 : i32
      %dma_wait3A_447 = arith.constant 0 : i32
      %dma_wait3A_448 = tpu.memref_slice %arg7[%dma_wait3A_444, %dma_wait3A_446, %dma_wait3A_447] : memref<6x64x128xf32, #tpu.memory_space<vmem>> -> memref<1x64x128xf32, #tpu.memory_space<vmem>>
      %dma_wait3A_449 = tpu.memref_squeeze %dma_wait3A_448 : memref<1x64x128xf32, #tpu.memory_space<vmem>> -> memref<64x128xf32, #tpu.memory_space<vmem>>
      %dma_wait3A_450 = arith.constant 0 : i32
      %dma_wait3A_451 = arith.constant 0 : i32
      %dma_wait3A_452 = tpu.memref_slice %arg3[%dma_wait3A_450, %dma_wait3A_451] : memref<64x2600000xf32, #tpu.memory_space<hbm>> -> memref<64x128xf32, #tpu.memory_space<hbm>>
      %dma_wait3A_453 = tpu.memref_slice %arg9[%dma_wait3A_445] : memref<6x!tpu.dma_semaphore, #tpu.memory_space<semaphore_mem>> -> memref<1x!tpu.dma_semaphore, #tpu.memory_space<semaphore_mem>>
      %dma_wait3A_454 = tpu.memref_squeeze %dma_wait3A_453 : memref<1x!tpu.dma_semaphore, #tpu.memory_space<semaphore_mem>> -> memref<!tpu.dma_semaphore, #tpu.memory_space<semaphore_mem>>
      %dma_wait3A_455 = arith.constant 0 : i32
      %dma_wait3A_456 = arith.constant 0 : i32
      %dma_wait3A_457 = tpu.memref_slice %arg7[%dma_wait3A_444, %dma_wait3A_455, %dma_wait3A_456] : memref<6x64x128xf32, #tpu.memory_space<vmem>> -> memref<1x64x128xf32, #tpu.memory_space<vmem>>
      %dma_wait3A_458 = tpu.memref_squeeze %dma_wait3A_457 : memref<1x64x128xf32, #tpu.memory_space<vmem>> -> memref<64x128xf32, #tpu.memory_space<vmem>>
      %dma_wait3A_459 = arith.constant 0 : i32
      %dma_wait3A_460 = arith.constant 0 : i32
      %dma_wait3A_461 = tpu.memref_slice %arg3[%dma_wait3A_459, %dma_wait3A_460] : memref<64x2600000xf32, #tpu.memory_space<hbm>> -> memref<64x128xf32, #tpu.memory_space<hbm>>
      tpu.wait_dma2 semaphore(%dma_wait3A_454 : memref<!tpu.dma_semaphore, #tpu.memory_space<semaphore_mem>>) src(%dma_wait3A_461 : memref<64x128xf32, #tpu.memory_space<hbm>>) dst(%dma_wait3A_458 : memref<64x128xf32, #tpu.memory_space<vmem>>)
      %add3A_462 = arith.constant 0 : i32
      %add3A_463 = vector.broadcast %add3A_462 : i32 to vector<16xi32>
      %add3A_464 = arith.addi %iota3A, %add3A_463 : vector<16xi32>
      %gather3A_465 = arith.constant 0 : i32
      %gather3A_466 = arith.constant 0 : i32
      %gather3A_467 = arith.constant 0 : i32
      %gather3A_468 = tpu.memref_slice %arg7[%gather3A_465, %gather3A_466, %gather3A_467] : memref<6x64x128xf32, #tpu.memory_space<vmem>> -> memref<1x64x128xf32, #tpu.memory_space<vmem>>
      %gather3A_469 = tpu.memref_squeeze %gather3A_468 : memref<1x64x128xf32, #tpu.memory_space<vmem>> -> memref<64x128xf32, #tpu.memory_space<vmem>>
      %gather3A_470 = tpu.vector_load_idx %gather3A_469[%add3A_464, %add3A_392] : memref<64x128xf32, #tpu.memory_space<vmem>>[vector<16xi32>, vector<16xi32>], vector<16xf32>,
      %gather3A_471 = arith.constant 1 : i32
      %gather3A_472 = arith.constant 0 : i32
      %gather3A_473 = arith.constant 0 : i32
      %gather3A_474 = tpu.memref_slice %arg7[%gather3A_471, %gather3A_472, %gather3A_473] : memref<6x64x128xf32, #tpu.memory_space<vmem>> -> memref<1x64x128xf32, #tpu.memory_space<vmem>>
      %gather3A_475 = tpu.memref_squeeze %gather3A_474 : memref<1x64x128xf32, #tpu.memory_space<vmem>> -> memref<64x128xf32, #tpu.memory_space<vmem>>
      %gather3A_476 = tpu.vector_load_idx %gather3A_475[%add3A_464, %add3A_426] : memref<64x128xf32, #tpu.memory_space<vmem>>[vector<16xi32>, vector<16xi32>], vector<16xf32>,
      %mul3A_477 = arith.mulf %gather3A_470, %gather3A_476 : vector<16xf32>
      %swap3A_478 = arith.constant 9 : i32
      %swap3A_479 = arith.index_cast %swap3A_478 : i32 to index
      %swap3A_480 = arith.constant 0 : index
      %swap3A_481 = tpu.vector_load %arg8[%swap3A_479, %swap3A_480] {strides = array<i32>} : memref<16x64xf32, #tpu.memory_space<vmem>>, vector<16xf32>,
      tpu.vector_store %arg8[%swap3A_479, %swap3A_480], %mul3A_477 {strides = array<i32>} : memref<16x64xf32, #tpu.memory_space<vmem>>, vector<16xf32>,
      %add3A_482 = arith.constant 16 : i32
      %add3A_483 = vector.broadcast %add3A_482 : i32 to vector<16xi32>
      %add3A_484 = arith.addi %iota3A, %add3A_483 : vector<16xi32>
      %gather3A_485 = arith.constant 0 : i32
      %gather3A_486 = arith.constant 0 : i32
      %gather3A_487 = arith.constant 0 : i32
      %gather3A_488 = tpu.memref_slice %arg7[%gather3A_485, %gather3A_486, %gather3A_487] : memref<6x64x128xf32, #tpu.memory_space<vmem>> -> memref<1x64x128xf32, #tpu.memory_space<vmem>>
      %gather3A_489 = tpu.memref_squeeze %gather3A_488 : memref<1x64x128xf32, #tpu.memory_space<vmem>> -> memref<64x128xf32, #tpu.memory_space<vmem>>
      %gather3A_490 = tpu.vector_load_idx %gather3A_489[%add3A_484, %add3A_392] : memref<64x128xf32, #tpu.memory_space<vmem>>[vector<16xi32>, vector<16xi32>], vector<16xf32>,
      %gather3A_491 = arith.constant 1 : i32
      %gather3A_492 = arith.constant 0 : i32
      %gather3A_493 = arith.constant 0 : i32
      %gather3A_494 = tpu.memref_slice %arg7[%gather3A_491, %gather3A_492, %gather3A_493] : memref<6x64x128xf32, #tpu.memory_space<vmem>> -> memref<1x64x128xf32, #tpu.memory_space<vmem>>
      %gather3A_495 = tpu.memref_squeeze %gather3A_494 : memref<1x64x128xf32, #tpu.memory_space<vmem>> -> memref<64x128xf32, #tpu.memory_space<vmem>>
      %gather3A_496 = tpu.vector_load_idx %gather3A_495[%add3A_484, %add3A_426] : memref<64x128xf32, #tpu.memory_space<vmem>>[vector<16xi32>, vector<16xi32>], vector<16xf32>,
      %mul3A_497 = arith.mulf %gather3A_490, %gather3A_496 : vector<16xf32>
      %swap3A_498 = arith.constant 9 : i32
      %swap3A_499 = arith.index_cast %swap3A_498 : i32 to index
      %swap3A_500 = arith.constant 16 : index
      %swap3A_501 = tpu.vector_load %arg8[%swap3A_499, %swap3A_500] {strides = array<i32>} : memref<16x64xf32, #tpu.memory_space<vmem>>, vector<16xf32>,
      tpu.vector_store %arg8[%swap3A_499, %swap3A_500], %mul3A_497 {strides = array<i32>} : memref<16x64xf32, #tpu.memory_space<vmem>>, vector<16xf32>,
      %add3A_502 = arith.constant 32 : i32
      %add3A_503 = vector.broadcast %add3A_502 : i32 to vector<16xi32>
      %add3A_504 = arith.addi %iota3A, %add3A_503 : vector<16xi32>
      %gather3A_505 = arith.constant 0 : i32
      %gather3A_506 = arith.constant 0 : i32
      %gather3A_507 = arith.constant 0 : i32
      %gather3A_508 = tpu.memref_slice %arg7[%gather3A_505, %gather3A_506, %gather3A_507] : memref<6x64x128xf32, #tpu.memory_space<vmem>> -> memref<1x64x128xf32, #tpu.memory_space<vmem>>
      %gather3A_509 = tpu.memref_squeeze %gather3A_508 : memref<1x64x128xf32, #tpu.memory_space<vmem>> -> memref<64x128xf32, #tpu.memory_space<vmem>>
      %gather3A_510 = tpu.vector_load_idx %gather3A_509[%add3A_504, %add3A_392] : memref<64x128xf32, #tpu.memory_space<vmem>>[vector<16xi32>, vector<16xi32>], vector<16xf32>,
      %gather3A_511 = arith.constant 1 : i32
      %gather3A_512 = arith.constant 0 : i32
      %gather3A_513 = arith.constant 0 : i32
      %gather3A_514 = tpu.memref_slice %arg7[%gather3A_511, %gather3A_512, %gather3A_513] : memref<6x64x128xf32, #tpu.memory_space<vmem>> -> memref<1x64x128xf32, #tpu.memory_space<vmem>>
      %gather3A_515 = tpu.memref_squeeze %gather3A_514 : memref<1x64x128xf32, #tpu.memory_space<vmem>> -> memref<64x128xf32, #tpu.memory_space<vmem>>
      %gather3A_516 = tpu.vector_load_idx %gather3A_515[%add3A_504, %add3A_426] : memref<64x128xf32, #tpu.memory_space<vmem>>[vector<16xi32>, vector<16xi32>], vector<16xf32>,
      %mul3A_517 = arith.mulf %gather3A_510, %gather3A_516 : vector<16xf32>
      %swap3A_518 = arith.constant 9 : i32
      %swap3A_519 = arith.index_cast %swap3A_518 : i32 to index
      %swap3A_520 = arith.constant 32 : index
      %swap3A_521 = tpu.vector_load %arg8[%swap3A_519, %swap3A_520] {strides = array<i32>} : memref<16x64xf32, #tpu.memory_space<vmem>>, vector<16xf32>,
      tpu.vector_store %arg8[%swap3A_519, %swap3A_520], %mul3A_517 {strides = array<i32>} : memref<16x64xf32, #tpu.memory_space<vmem>>, vector<16xf32>,
      %add3A_522 = arith.constant 48 : i32
      %add3A_523 = vector.broadcast %add3A_522 : i32 to vector<16xi32>
      %add3A_524 = arith.addi %iota3A, %add3A_523 : vector<16xi32>
      %gather3A_525 = arith.constant 0 : i32
      %gather3A_526 = arith.constant 0 : i32
      %gather3A_527 = arith.constant 0 : i32
      %gather3A_528 = tpu.memref_slice %arg7[%gather3A_525, %gather3A_526, %gather3A_527] : memref<6x64x128xf32, #tpu.memory_space<vmem>> -> memref<1x64x128xf32, #tpu.memory_space<vmem>>
      %gather3A_529 = tpu.memref_squeeze %gather3A_528 : memref<1x64x128xf32, #tpu.memory_space<vmem>> -> memref<64x128xf32, #tpu.memory_space<vmem>>
      %gather3A_530 = tpu.vector_load_idx %gather3A_529[%add3A_524, %add3A_392] : memref<64x128xf32, #tpu.memory_space<vmem>>[vector<16xi32>, vector<16xi32>], vector<16xf32>,
      %gather3A_531 = arith.constant 1 : i32
      %gather3A_532 = arith.constant 0 : i32
      %gather3A_533 = arith.constant 0 : i32
      %gather3A_534 = tpu.memref_slice %arg7[%gather3A_531, %gather3A_532, %gather3A_533] : memref<6x64x128xf32, #tpu.memory_space<vmem>> -> memref<1x64x128xf32, #tpu.memory_space<vmem>>
      %gather3A_535 = tpu.memref_squeeze %gather3A_534 : memref<1x64x128xf32, #tpu.memory_space<vmem>> -> memref<64x128xf32, #tpu.memory_space<vmem>>
      %gather3A_536 = tpu.vector_load_idx %gather3A_535[%add3A_524, %add3A_426] : memref<64x128xf32, #tpu.memory_space<vmem>>[vector<16xi32>, vector<16xi32>], vector<16xf32>,
      %mul3A_537 = arith.mulf %gather3A_530, %gather3A_536 : vector<16xf32>
      %swap3A_538 = arith.constant 9 : i32
      %swap3A_539 = arith.index_cast %swap3A_538 : i32 to index
      %swap3A_540 = arith.constant 48 : index
      %swap3A_541 = tpu.vector_load %arg8[%swap3A_539, %swap3A_540] {strides = array<i32>} : memref<16x64xf32, #tpu.memory_space<vmem>>, vector<16xf32>,
      tpu.vector_store %arg8[%swap3A_539, %swap3A_540], %mul3A_537 {strides = array<i32>} : memref<16x64xf32, #tpu.memory_space<vmem>>, vector<16xf32>,
      %gt3A_542 = arith.constant 12 : i32
      %gt3A_543 = arith.cmpi sgt, %select_n3A, %gt3A_542 : i32
      %convert_element_type3A_544 = arith.extui %gt3A_543 : i1 to i32
      %cond3A_545 = arith.constant 0 : i32
      %cond3A_546 = arith.cmpi ne, %convert_element_type3A_544, %cond3A_545 : i32
      scf.if %cond3A_546 {
        %get3A_552 = arith.constant 0 : i32
        %get3A_553 = arith.index_cast %get3A_552 : i32 to index
        %get3A_554 = arith.constant 0 : index
        %get3A_555 = tpu.vector_load %arg6[%get3A_553, %get3A_554] {strides = array<i32>} : memref<2x16xi32, #tpu.memory_space<vmem>>, vector<16xi32>,
        %eq3A_556 = arith.constant 12 : i32
        %eq3A_557 = vector.broadcast %eq3A_556 : i32 to vector<16xi32>
        %eq3A_558 = arith.cmpi eq, %iota3A, %eq3A_557 : vector<16xi32>
        %jit3A_559 = arith.constant 0 : i32
        %broadcast_in_dim3A_560 = vector.broadcast %jit3A_559 : i32 to vector<16xi32>
        %select_n3A_561 = arith.select %eq3A_558, %get3A_555, %broadcast_in_dim3A_560 : vector<16xi1>, vector<16xi32>
        %reduce_sum3A_562 = arith.constant true
        %reduce_sum3A_563 = vector.broadcast %reduce_sum3A_562 : i1 to vector<16xi1>
        %reduce_sum3A_564 = tpu.scan <sum>, %select_n3A_561 masked %reduce_sum3A_563 : vector<16xi32>, vector<16xi1> -> vector<16xi32>
        %reduce_sum3A_565 = vector.extract %reduce_sum3A_564[15] : i32 from vector<16xi32>
        %jit3A_566 = arith.constant 128 : i32
        %div3A_567 = arith.divsi %reduce_sum3A_565, %jit3A_566 : i32
        %sign3A_568 = arith.constant 0 : i32
        %sign3A_569 = arith.cmpi sgt, %reduce_sum3A_565, %sign3A_568 : i32
        %sign3A_570 = arith.extui %sign3A_569 : i1 to i32
        %sign3A_571 = arith.constant 0 : i32
        %sign3A_572 = arith.cmpi slt, %reduce_sum3A_565, %sign3A_571 : i32
        %sign3A_573 = arith.extui %sign3A_572 : i1 to i32
        %sign3A_574 = arith.subi %sign3A_570, %sign3A_573 : i32
        %sign3A_575 = arith.constant 0 : i32
        %sign3A_576 = arith.cmpi sgt, %jit3A_566, %sign3A_575 : i32
        %sign3A_577 = arith.extui %sign3A_576 : i1 to i32
        %sign3A_578 = arith.constant 0 : i32
        %sign3A_579 = arith.cmpi slt, %jit3A_566, %sign3A_578 : i32
        %sign3A_580 = arith.extui %sign3A_579 : i1 to i32
        %sign3A_581 = arith.subi %sign3A_577, %sign3A_580 : i32
        %ne3A_582 = arith.cmpi ne, %sign3A_574, %sign3A_581 : i32
        %rem3A_583 = arith.remsi %reduce_sum3A_565, %jit3A_566 : i32
        %ne3A_584 = arith.constant 0 : i32
        %ne3A_585 = arith.cmpi ne, %rem3A_583, %ne3A_584 : i32
        %and3A_586 = arith.andi %ne3A_582, %ne3A_585 : i1
        %sub3A_587 = arith.constant 1 : i32
        %sub3A_588 = arith.subi %div3A_567, %sub3A_587 : i32
        %select_n3A_589 = arith.select %and3A_586, %sub3A_588, %div3A_567 : i32
        %mul3A_590 = arith.constant 128 : i32
        %mul3A_591 = arith.muli %select_n3A_589, %mul3A_590 : i32
        %multiple_of3A_592 = tpu.assume_multiple %mul3A_591, 128 : i32
        %dma_start3A = arith.constant 0 : i32
        %dma_start3A_593 = arith.constant 0 : i32
        %dma_start3A_594 = arith.constant 0 : i32
        %dma_start3A_595 = arith.constant 0 : i32
        %dma_start3A_596 = tpu.memref_slice %arg7[%dma_start3A, %dma_start3A_594, %dma_start3A_595] : memref<6x64x128xf32, #tpu.memory_space<vmem>> -> memref<1x64x128xf32, #tpu.memory_space<vmem>>
        %dma_start3A_597 = tpu.memref_squeeze %dma_start3A_596 : memref<1x64x128xf32, #tpu.memory_space<vmem>> -> memref<64x128xf32, #tpu.memory_space<vmem>>
        %dma_start3A_598 = arith.constant 0 : i32
        %dma_start3A_599 = tpu.memref_slice %arg3[%dma_start3A_598, %multiple_of3A_592] : memref<64x2600000xf32, #tpu.memory_space<hbm>> -> memref<64x128xf32, #tpu.memory_space<hbm>>
        %dma_start3A_600 = tpu.memref_slice %arg9[%dma_start3A_593] : memref<6x!tpu.dma_semaphore, #tpu.memory_space<semaphore_mem>> -> memref<1x!tpu.dma_semaphore, #tpu.memory_space<semaphore_mem>>
        %dma_start3A_601 = tpu.memref_squeeze %dma_start3A_600 : memref<1x!tpu.dma_semaphore, #tpu.memory_space<semaphore_mem>> -> memref<!tpu.dma_semaphore, #tpu.memory_space<semaphore_mem>>
        %dma_start3A_602 = arith.constant 0 : i32
        %dma_start3A_603 = arith.constant 0 : i32
        %dma_start3A_604 = tpu.memref_slice %arg7[%dma_start3A, %dma_start3A_602, %dma_start3A_603] : memref<6x64x128xf32, #tpu.memory_space<vmem>> -> memref<1x64x128xf32, #tpu.memory_space<vmem>>
        %dma_start3A_605 = tpu.memref_squeeze %dma_start3A_604 : memref<1x64x128xf32, #tpu.memory_space<vmem>> -> memref<64x128xf32, #tpu.memory_space<vmem>>
        %dma_start3A_606 = arith.constant 0 : i32
        %dma_start3A_607 = tpu.memref_slice %arg3[%dma_start3A_606, %multiple_of3A_592] : memref<64x2600000xf32, #tpu.memory_space<hbm>> -> memref<64x128xf32, #tpu.memory_space<hbm>>
        tpu.enqueue_dma source(%dma_start3A_607 : memref<64x128xf32, #tpu.memory_space<hbm>>) target(%dma_start3A_605 : memref<64x128xf32, #tpu.memory_space<vmem>>) target_semaphore(%dma_start3A_601 : memref<!tpu.dma_semaphore, #tpu.memory_space<semaphore_mem>>)
      } else {
      }
      %gt3A_547 = arith.constant 12 : i32
      %gt3A_548 = arith.cmpi sgt, %select_n3A, %gt3A_547 : i32
      %convert_element_type3A_549 = arith.extui %gt3A_548 : i1 to i32
      %cond3A_550 = arith.constant 0 : i32
      %cond3A_551 = arith.cmpi ne, %convert_element_type3A_549, %cond3A_550 : i32
      scf.if %cond3A_551 {
        %get3A_552 = arith.constant 1 : i32
        %get3A_553 = arith.index_cast %get3A_552 : i32 to index
        %get3A_554 = arith.constant 0 : index
        %get3A_555 = tpu.vector_load %arg6[%get3A_553, %get3A_554] {strides = array<i32>} : memref<2x16xi32, #tpu.memory_space<vmem>>, vector<16xi32>,
        %eq3A_556 = arith.constant 12 : i32
        %eq3A_557 = vector.broadcast %eq3A_556 : i32 to vector<16xi32>
        %eq3A_558 = arith.cmpi eq, %iota3A, %eq3A_557 : vector<16xi32>
        %jit3A_559 = arith.constant 0 : i32
        %broadcast_in_dim3A_560 = vector.broadcast %jit3A_559 : i32 to vector<16xi32>
        %select_n3A_561 = arith.select %eq3A_558, %get3A_555, %broadcast_in_dim3A_560 : vector<16xi1>, vector<16xi32>
        %reduce_sum3A_562 = arith.constant true
        %reduce_sum3A_563 = vector.broadcast %reduce_sum3A_562 : i1 to vector<16xi1>
        %reduce_sum3A_564 = tpu.scan <sum>, %select_n3A_561 masked %reduce_sum3A_563 : vector<16xi32>, vector<16xi1> -> vector<16xi32>
        %reduce_sum3A_565 = vector.extract %reduce_sum3A_564[15] : i32 from vector<16xi32>
        %jit3A_566 = arith.constant 128 : i32
        %div3A_567 = arith.divsi %reduce_sum3A_565, %jit3A_566 : i32
        %sign3A_568 = arith.constant 0 : i32
        %sign3A_569 = arith.cmpi sgt, %reduce_sum3A_565, %sign3A_568 : i32
        %sign3A_570 = arith.extui %sign3A_569 : i1 to i32
        %sign3A_571 = arith.constant 0 : i32
        %sign3A_572 = arith.cmpi slt, %reduce_sum3A_565, %sign3A_571 : i32
        %sign3A_573 = arith.extui %sign3A_572 : i1 to i32
        %sign3A_574 = arith.subi %sign3A_570, %sign3A_573 : i32
        %sign3A_575 = arith.constant 0 : i32
        %sign3A_576 = arith.cmpi sgt, %jit3A_566, %sign3A_575 : i32
        %sign3A_577 = arith.extui %sign3A_576 : i1 to i32
        %sign3A_578 = arith.constant 0 : i32
        %sign3A_579 = arith.cmpi slt, %jit3A_566, %sign3A_578 : i32
        %sign3A_580 = arith.extui %sign3A_579 : i1 to i32
        %sign3A_581 = arith.subi %sign3A_577, %sign3A_580 : i32
        %ne3A_582 = arith.cmpi ne, %sign3A_574, %sign3A_581 : i32
        %rem3A_583 = arith.remsi %reduce_sum3A_565, %jit3A_566 : i32
        %ne3A_584 = arith.constant 0 : i32
        %ne3A_585 = arith.cmpi ne, %rem3A_583, %ne3A_584 : i32
        %and3A_586 = arith.andi %ne3A_582, %ne3A_585 : i1
        %sub3A_587 = arith.constant 1 : i32
        %sub3A_588 = arith.subi %div3A_567, %sub3A_587 : i32
        %select_n3A_589 = arith.select %and3A_586, %sub3A_588, %div3A_567 : i32
        %mul3A_590 = arith.constant 128 : i32
        %mul3A_591 = arith.muli %select_n3A_589, %mul3A_590 : i32
        %multiple_of3A_592 = tpu.assume_multiple %mul3A_591, 128 : i32
        %dma_start3A = arith.constant 1 : i32
        %dma_start3A_593 = arith.constant 1 : i32
        %dma_start3A_594 = arith.constant 0 : i32
        %dma_start3A_595 = arith.constant 0 : i32
        %dma_start3A_596 = tpu.memref_slice %arg7[%dma_start3A, %dma_start3A_594, %dma_start3A_595] : memref<6x64x128xf32, #tpu.memory_space<vmem>> -> memref<1x64x128xf32, #tpu.memory_space<vmem>>
        %dma_start3A_597 = tpu.memref_squeeze %dma_start3A_596 : memref<1x64x128xf32, #tpu.memory_space<vmem>> -> memref<64x128xf32, #tpu.memory_space<vmem>>
        %dma_start3A_598 = arith.constant 0 : i32
        %dma_start3A_599 = tpu.memref_slice %arg3[%dma_start3A_598, %multiple_of3A_592] : memref<64x2600000xf32, #tpu.memory_space<hbm>> -> memref<64x128xf32, #tpu.memory_space<hbm>>
        %dma_start3A_600 = tpu.memref_slice %arg9[%dma_start3A_593] : memref<6x!tpu.dma_semaphore, #tpu.memory_space<semaphore_mem>> -> memref<1x!tpu.dma_semaphore, #tpu.memory_space<semaphore_mem>>
        %dma_start3A_601 = tpu.memref_squeeze %dma_start3A_600 : memref<1x!tpu.dma_semaphore, #tpu.memory_space<semaphore_mem>> -> memref<!tpu.dma_semaphore, #tpu.memory_space<semaphore_mem>>
        %dma_start3A_602 = arith.constant 0 : i32
        %dma_start3A_603 = arith.constant 0 : i32
        %dma_start3A_604 = tpu.memref_slice %arg7[%dma_start3A, %dma_start3A_602, %dma_start3A_603] : memref<6x64x128xf32, #tpu.memory_space<vmem>> -> memref<1x64x128xf32, #tpu.memory_space<vmem>>
        %dma_start3A_605 = tpu.memref_squeeze %dma_start3A_604 : memref<1x64x128xf32, #tpu.memory_space<vmem>> -> memref<64x128xf32, #tpu.memory_space<vmem>>
        %dma_start3A_606 = arith.constant 0 : i32
        %dma_start3A_607 = tpu.memref_slice %arg3[%dma_start3A_606, %multiple_of3A_592] : memref<64x2600000xf32, #tpu.memory_space<hbm>> -> memref<64x128xf32, #tpu.memory_space<hbm>>
        tpu.enqueue_dma source(%dma_start3A_607 : memref<64x128xf32, #tpu.memory_space<hbm>>) target(%dma_start3A_605 : memref<64x128xf32, #tpu.memory_space<vmem>>) target_semaphore(%dma_start3A_601 : memref<!tpu.dma_semaphore, #tpu.memory_space<semaphore_mem>>)
      } else {
      }
    } else {
    }
    %gt3A_355 = arith.constant 10 : i32
    %gt3A_356 = arith.cmpi sgt, %select_n3A, %gt3A_355 : i32
    %convert_element_type3A_357 = arith.extui %gt3A_356 : i1 to i32
    %cond3A_358 = arith.constant 0 : i32
    %cond3A_359 = arith.cmpi ne, %convert_element_type3A_357, %cond3A_358 : i32
    scf.if %cond3A_359 {
      %broadcast_in_dim3A_362 = arith.constant 0 : i32
      %broadcast_in_dim3A_363 = vector.broadcast %broadcast_in_dim3A_362 : i32 to vector<16xi32>
      %get3A = arith.constant 0 : i32
      %get3A_364 = arith.index_cast %get3A : i32 to index
      %get3A_365 = arith.constant 0 : index
      %get3A_366 = tpu.vector_load %arg6[%get3A_364, %get3A_365] {strides = array<i32>} : memref<2x16xi32, #tpu.memory_space<vmem>>, vector<16xi32>,
      %eq3A = arith.constant 10 : i32
      %eq3A_367 = vector.broadcast %eq3A : i32 to vector<16xi32>
      %eq3A_368 = arith.cmpi eq, %iota3A, %eq3A_367 : vector<16xi32>
      %jit3A_369 = arith.constant 0 : i32
      %broadcast_in_dim3A_370 = vector.broadcast %jit3A_369 : i32 to vector<16xi32>
      %select_n3A_371 = arith.select %eq3A_368, %get3A_366, %broadcast_in_dim3A_370 : vector<16xi1>, vector<16xi32>
      %reduce_sum3A = arith.constant true
      %reduce_sum3A_372 = vector.broadcast %reduce_sum3A : i1 to vector<16xi1>
      %reduce_sum3A_373 = tpu.scan <sum>, %select_n3A_371 masked %reduce_sum3A_372 : vector<16xi32>, vector<16xi1> -> vector<16xi32>
      %reduce_sum3A_374 = vector.extract %reduce_sum3A_373[15] : i32 from vector<16xi32>
      %jit3A_375 = arith.constant 128 : i32
      %eq3A_376 = arith.constant 0 : i32
      %eq3A_377 = arith.cmpi eq, %jit3A_375, %eq3A_376 : i32
      %jit3A_378 = arith.constant 1 : i32
      %select_n3A_379 = arith.select %eq3A_377, %jit3A_378, %jit3A_375 : i32
      %rem3A_380 = arith.remsi %reduce_sum3A_374, %select_n3A_379 : i32
      %ne3A_381 = arith.constant 0 : i32
      %ne3A_382 = arith.cmpi ne, %rem3A_380, %ne3A_381 : i32
      %lt3A_383 = arith.constant 0 : i32
      %lt3A_384 = arith.cmpi slt, %rem3A_380, %lt3A_383 : i32
      %lt3A_385 = arith.constant 0 : i32
      %lt3A_386 = arith.cmpi slt, %select_n3A_379, %lt3A_385 : i32
      %ne3A_387 = arith.xori %lt3A_384, %lt3A_386 : i1
      %and3A_388 = arith.andi %ne3A_387, %ne3A_382 : i1
      %add3A_389 = arith.addi %rem3A_380, %select_n3A_379 : i32
      %select_n3A_390 = arith.select %and3A_388, %add3A_389, %rem3A_380 : i32
      %add3A_391 = vector.broadcast %select_n3A_390 : i32 to vector<16xi32>
      %add3A_392 = arith.addi %broadcast_in_dim3A_363, %add3A_391 : vector<16xi32>
      %broadcast_in_dim3A_393 = arith.constant 0 : i32
      %broadcast_in_dim3A_394 = vector.broadcast %broadcast_in_dim3A_393 : i32 to vector<16xi32>
      %get3A_395 = arith.constant 1 : i32
      %get3A_396 = arith.index_cast %get3A_395 : i32 to index
      %get3A_397 = arith.constant 0 : index
      %get3A_398 = tpu.vector_load %arg6[%get3A_396, %get3A_397] {strides = array<i32>} : memref<2x16xi32, #tpu.memory_space<vmem>>, vector<16xi32>,
      %eq3A_399 = arith.constant 10 : i32
      %eq3A_400 = vector.broadcast %eq3A_399 : i32 to vector<16xi32>
      %eq3A_401 = arith.cmpi eq, %iota3A, %eq3A_400 : vector<16xi32>
      %jit3A_402 = arith.constant 0 : i32
      %broadcast_in_dim3A_403 = vector.broadcast %jit3A_402 : i32 to vector<16xi32>
      %select_n3A_404 = arith.select %eq3A_401, %get3A_398, %broadcast_in_dim3A_403 : vector<16xi1>, vector<16xi32>
      %reduce_sum3A_405 = arith.constant true
      %reduce_sum3A_406 = vector.broadcast %reduce_sum3A_405 : i1 to vector<16xi1>
      %reduce_sum3A_407 = tpu.scan <sum>, %select_n3A_404 masked %reduce_sum3A_406 : vector<16xi32>, vector<16xi1> -> vector<16xi32>
      %reduce_sum3A_408 = vector.extract %reduce_sum3A_407[15] : i32 from vector<16xi32>
      %jit3A_409 = arith.constant 128 : i32
      %eq3A_410 = arith.constant 0 : i32
      %eq3A_411 = arith.cmpi eq, %jit3A_409, %eq3A_410 : i32
      %jit3A_412 = arith.constant 1 : i32
      %select_n3A_413 = arith.select %eq3A_411, %jit3A_412, %jit3A_409 : i32
      %rem3A_414 = arith.remsi %reduce_sum3A_408, %select_n3A_413 : i32
      %ne3A_415 = arith.constant 0 : i32
      %ne3A_416 = arith.cmpi ne, %rem3A_414, %ne3A_415 : i32
      %lt3A_417 = arith.constant 0 : i32
      %lt3A_418 = arith.cmpi slt, %rem3A_414, %lt3A_417 : i32
      %lt3A_419 = arith.constant 0 : i32
      %lt3A_420 = arith.cmpi slt, %select_n3A_413, %lt3A_419 : i32
      %ne3A_421 = arith.xori %lt3A_418, %lt3A_420 : i1
      %and3A_422 = arith.andi %ne3A_421, %ne3A_416 : i1
      %add3A_423 = arith.addi %rem3A_414, %select_n3A_413 : i32
      %select_n3A_424 = arith.select %and3A_422, %add3A_423, %rem3A_414 : i32
      %add3A_425 = vector.broadcast %select_n3A_424 : i32 to vector<16xi32>
      %add3A_426 = arith.addi %broadcast_in_dim3A_394, %add3A_425 : vector<16xi32>
      %dma_wait3A = arith.constant 2 : i32
      %dma_wait3A_427 = arith.constant 2 : i32
      %dma_wait3A_428 = arith.constant 0 : i32
      %dma_wait3A_429 = arith.constant 0 : i32
      %dma_wait3A_430 = tpu.memref_slice %arg7[%dma_wait3A, %dma_wait3A_428, %dma_wait3A_429] : memref<6x64x128xf32, #tpu.memory_space<vmem>> -> memref<1x64x128xf32, #tpu.memory_space<vmem>>
      %dma_wait3A_431 = tpu.memref_squeeze %dma_wait3A_430 : memref<1x64x128xf32, #tpu.memory_space<vmem>> -> memref<64x128xf32, #tpu.memory_space<vmem>>
      %dma_wait3A_432 = arith.constant 0 : i32
      %dma_wait3A_433 = arith.constant 0 : i32
      %dma_wait3A_434 = tpu.memref_slice %arg3[%dma_wait3A_432, %dma_wait3A_433] : memref<64x2600000xf32, #tpu.memory_space<hbm>> -> memref<64x128xf32, #tpu.memory_space<hbm>>
      %dma_wait3A_435 = tpu.memref_slice %arg9[%dma_wait3A_427] : memref<6x!tpu.dma_semaphore, #tpu.memory_space<semaphore_mem>> -> memref<1x!tpu.dma_semaphore, #tpu.memory_space<semaphore_mem>>
      %dma_wait3A_436 = tpu.memref_squeeze %dma_wait3A_435 : memref<1x!tpu.dma_semaphore, #tpu.memory_space<semaphore_mem>> -> memref<!tpu.dma_semaphore, #tpu.memory_space<semaphore_mem>>
      %dma_wait3A_437 = arith.constant 0 : i32
      %dma_wait3A_438 = arith.constant 0 : i32
      %dma_wait3A_439 = tpu.memref_slice %arg7[%dma_wait3A, %dma_wait3A_437, %dma_wait3A_438] : memref<6x64x128xf32, #tpu.memory_space<vmem>> -> memref<1x64x128xf32, #tpu.memory_space<vmem>>
      %dma_wait3A_440 = tpu.memref_squeeze %dma_wait3A_439 : memref<1x64x128xf32, #tpu.memory_space<vmem>> -> memref<64x128xf32, #tpu.memory_space<vmem>>
      %dma_wait3A_441 = arith.constant 0 : i32
      %dma_wait3A_442 = arith.constant 0 : i32
      %dma_wait3A_443 = tpu.memref_slice %arg3[%dma_wait3A_441, %dma_wait3A_442] : memref<64x2600000xf32, #tpu.memory_space<hbm>> -> memref<64x128xf32, #tpu.memory_space<hbm>>
      tpu.wait_dma2 semaphore(%dma_wait3A_436 : memref<!tpu.dma_semaphore, #tpu.memory_space<semaphore_mem>>) src(%dma_wait3A_443 : memref<64x128xf32, #tpu.memory_space<hbm>>) dst(%dma_wait3A_440 : memref<64x128xf32, #tpu.memory_space<vmem>>)
      %dma_wait3A_444 = arith.constant 3 : i32
      %dma_wait3A_445 = arith.constant 3 : i32
      %dma_wait3A_446 = arith.constant 0 : i32
      %dma_wait3A_447 = arith.constant 0 : i32
      %dma_wait3A_448 = tpu.memref_slice %arg7[%dma_wait3A_444, %dma_wait3A_446, %dma_wait3A_447] : memref<6x64x128xf32, #tpu.memory_space<vmem>> -> memref<1x64x128xf32, #tpu.memory_space<vmem>>
      %dma_wait3A_449 = tpu.memref_squeeze %dma_wait3A_448 : memref<1x64x128xf32, #tpu.memory_space<vmem>> -> memref<64x128xf32, #tpu.memory_space<vmem>>
      %dma_wait3A_450 = arith.constant 0 : i32
      %dma_wait3A_451 = arith.constant 0 : i32
      %dma_wait3A_452 = tpu.memref_slice %arg3[%dma_wait3A_450, %dma_wait3A_451] : memref<64x2600000xf32, #tpu.memory_space<hbm>> -> memref<64x128xf32, #tpu.memory_space<hbm>>
      %dma_wait3A_453 = tpu.memref_slice %arg9[%dma_wait3A_445] : memref<6x!tpu.dma_semaphore, #tpu.memory_space<semaphore_mem>> -> memref<1x!tpu.dma_semaphore, #tpu.memory_space<semaphore_mem>>
      %dma_wait3A_454 = tpu.memref_squeeze %dma_wait3A_453 : memref<1x!tpu.dma_semaphore, #tpu.memory_space<semaphore_mem>> -> memref<!tpu.dma_semaphore, #tpu.memory_space<semaphore_mem>>
      %dma_wait3A_455 = arith.constant 0 : i32
      %dma_wait3A_456 = arith.constant 0 : i32
      %dma_wait3A_457 = tpu.memref_slice %arg7[%dma_wait3A_444, %dma_wait3A_455, %dma_wait3A_456] : memref<6x64x128xf32, #tpu.memory_space<vmem>> -> memref<1x64x128xf32, #tpu.memory_space<vmem>>
      %dma_wait3A_458 = tpu.memref_squeeze %dma_wait3A_457 : memref<1x64x128xf32, #tpu.memory_space<vmem>> -> memref<64x128xf32, #tpu.memory_space<vmem>>
      %dma_wait3A_459 = arith.constant 0 : i32
      %dma_wait3A_460 = arith.constant 0 : i32
      %dma_wait3A_461 = tpu.memref_slice %arg3[%dma_wait3A_459, %dma_wait3A_460] : memref<64x2600000xf32, #tpu.memory_space<hbm>> -> memref<64x128xf32, #tpu.memory_space<hbm>>
      tpu.wait_dma2 semaphore(%dma_wait3A_454 : memref<!tpu.dma_semaphore, #tpu.memory_space<semaphore_mem>>) src(%dma_wait3A_461 : memref<64x128xf32, #tpu.memory_space<hbm>>) dst(%dma_wait3A_458 : memref<64x128xf32, #tpu.memory_space<vmem>>)
      %add3A_462 = arith.constant 0 : i32
      %add3A_463 = vector.broadcast %add3A_462 : i32 to vector<16xi32>
      %add3A_464 = arith.addi %iota3A, %add3A_463 : vector<16xi32>
      %gather3A_465 = arith.constant 2 : i32
      %gather3A_466 = arith.constant 0 : i32
      %gather3A_467 = arith.constant 0 : i32
      %gather3A_468 = tpu.memref_slice %arg7[%gather3A_465, %gather3A_466, %gather3A_467] : memref<6x64x128xf32, #tpu.memory_space<vmem>> -> memref<1x64x128xf32, #tpu.memory_space<vmem>>
      %gather3A_469 = tpu.memref_squeeze %gather3A_468 : memref<1x64x128xf32, #tpu.memory_space<vmem>> -> memref<64x128xf32, #tpu.memory_space<vmem>>
      %gather3A_470 = tpu.vector_load_idx %gather3A_469[%add3A_464, %add3A_392] : memref<64x128xf32, #tpu.memory_space<vmem>>[vector<16xi32>, vector<16xi32>], vector<16xf32>,
      %gather3A_471 = arith.constant 3 : i32
      %gather3A_472 = arith.constant 0 : i32
      %gather3A_473 = arith.constant 0 : i32
      %gather3A_474 = tpu.memref_slice %arg7[%gather3A_471, %gather3A_472, %gather3A_473] : memref<6x64x128xf32, #tpu.memory_space<vmem>> -> memref<1x64x128xf32, #tpu.memory_space<vmem>>
      %gather3A_475 = tpu.memref_squeeze %gather3A_474 : memref<1x64x128xf32, #tpu.memory_space<vmem>> -> memref<64x128xf32, #tpu.memory_space<vmem>>
      %gather3A_476 = tpu.vector_load_idx %gather3A_475[%add3A_464, %add3A_426] : memref<64x128xf32, #tpu.memory_space<vmem>>[vector<16xi32>, vector<16xi32>], vector<16xf32>,
      %mul3A_477 = arith.mulf %gather3A_470, %gather3A_476 : vector<16xf32>
      %swap3A_478 = arith.constant 10 : i32
      %swap3A_479 = arith.index_cast %swap3A_478 : i32 to index
      %swap3A_480 = arith.constant 0 : index
      %swap3A_481 = tpu.vector_load %arg8[%swap3A_479, %swap3A_480] {strides = array<i32>} : memref<16x64xf32, #tpu.memory_space<vmem>>, vector<16xf32>,
      tpu.vector_store %arg8[%swap3A_479, %swap3A_480], %mul3A_477 {strides = array<i32>} : memref<16x64xf32, #tpu.memory_space<vmem>>, vector<16xf32>,
      %add3A_482 = arith.constant 16 : i32
      %add3A_483 = vector.broadcast %add3A_482 : i32 to vector<16xi32>
      %add3A_484 = arith.addi %iota3A, %add3A_483 : vector<16xi32>
      %gather3A_485 = arith.constant 2 : i32
      %gather3A_486 = arith.constant 0 : i32
      %gather3A_487 = arith.constant 0 : i32
      %gather3A_488 = tpu.memref_slice %arg7[%gather3A_485, %gather3A_486, %gather3A_487] : memref<6x64x128xf32, #tpu.memory_space<vmem>> -> memref<1x64x128xf32, #tpu.memory_space<vmem>>
      %gather3A_489 = tpu.memref_squeeze %gather3A_488 : memref<1x64x128xf32, #tpu.memory_space<vmem>> -> memref<64x128xf32, #tpu.memory_space<vmem>>
      %gather3A_490 = tpu.vector_load_idx %gather3A_489[%add3A_484, %add3A_392] : memref<64x128xf32, #tpu.memory_space<vmem>>[vector<16xi32>, vector<16xi32>], vector<16xf32>,
      %gather3A_491 = arith.constant 3 : i32
      %gather3A_492 = arith.constant 0 : i32
      %gather3A_493 = arith.constant 0 : i32
      %gather3A_494 = tpu.memref_slice %arg7[%gather3A_491, %gather3A_492, %gather3A_493] : memref<6x64x128xf32, #tpu.memory_space<vmem>> -> memref<1x64x128xf32, #tpu.memory_space<vmem>>
      %gather3A_495 = tpu.memref_squeeze %gather3A_494 : memref<1x64x128xf32, #tpu.memory_space<vmem>> -> memref<64x128xf32, #tpu.memory_space<vmem>>
      %gather3A_496 = tpu.vector_load_idx %gather3A_495[%add3A_484, %add3A_426] : memref<64x128xf32, #tpu.memory_space<vmem>>[vector<16xi32>, vector<16xi32>], vector<16xf32>,
      %mul3A_497 = arith.mulf %gather3A_490, %gather3A_496 : vector<16xf32>
      %swap3A_498 = arith.constant 10 : i32
      %swap3A_499 = arith.index_cast %swap3A_498 : i32 to index
      %swap3A_500 = arith.constant 16 : index
      %swap3A_501 = tpu.vector_load %arg8[%swap3A_499, %swap3A_500] {strides = array<i32>} : memref<16x64xf32, #tpu.memory_space<vmem>>, vector<16xf32>,
      tpu.vector_store %arg8[%swap3A_499, %swap3A_500], %mul3A_497 {strides = array<i32>} : memref<16x64xf32, #tpu.memory_space<vmem>>, vector<16xf32>,
      %add3A_502 = arith.constant 32 : i32
      %add3A_503 = vector.broadcast %add3A_502 : i32 to vector<16xi32>
      %add3A_504 = arith.addi %iota3A, %add3A_503 : vector<16xi32>
      %gather3A_505 = arith.constant 2 : i32
      %gather3A_506 = arith.constant 0 : i32
      %gather3A_507 = arith.constant 0 : i32
      %gather3A_508 = tpu.memref_slice %arg7[%gather3A_505, %gather3A_506, %gather3A_507] : memref<6x64x128xf32, #tpu.memory_space<vmem>> -> memref<1x64x128xf32, #tpu.memory_space<vmem>>
      %gather3A_509 = tpu.memref_squeeze %gather3A_508 : memref<1x64x128xf32, #tpu.memory_space<vmem>> -> memref<64x128xf32, #tpu.memory_space<vmem>>
      %gather3A_510 = tpu.vector_load_idx %gather3A_509[%add3A_504, %add3A_392] : memref<64x128xf32, #tpu.memory_space<vmem>>[vector<16xi32>, vector<16xi32>], vector<16xf32>,
      %gather3A_511 = arith.constant 3 : i32
      %gather3A_512 = arith.constant 0 : i32
      %gather3A_513 = arith.constant 0 : i32
      %gather3A_514 = tpu.memref_slice %arg7[%gather3A_511, %gather3A_512, %gather3A_513] : memref<6x64x128xf32, #tpu.memory_space<vmem>> -> memref<1x64x128xf32, #tpu.memory_space<vmem>>
      %gather3A_515 = tpu.memref_squeeze %gather3A_514 : memref<1x64x128xf32, #tpu.memory_space<vmem>> -> memref<64x128xf32, #tpu.memory_space<vmem>>
      %gather3A_516 = tpu.vector_load_idx %gather3A_515[%add3A_504, %add3A_426] : memref<64x128xf32, #tpu.memory_space<vmem>>[vector<16xi32>, vector<16xi32>], vector<16xf32>,
      %mul3A_517 = arith.mulf %gather3A_510, %gather3A_516 : vector<16xf32>
      %swap3A_518 = arith.constant 10 : i32
      %swap3A_519 = arith.index_cast %swap3A_518 : i32 to index
      %swap3A_520 = arith.constant 32 : index
      %swap3A_521 = tpu.vector_load %arg8[%swap3A_519, %swap3A_520] {strides = array<i32>} : memref<16x64xf32, #tpu.memory_space<vmem>>, vector<16xf32>,
      tpu.vector_store %arg8[%swap3A_519, %swap3A_520], %mul3A_517 {strides = array<i32>} : memref<16x64xf32, #tpu.memory_space<vmem>>, vector<16xf32>,
      %add3A_522 = arith.constant 48 : i32
      %add3A_523 = vector.broadcast %add3A_522 : i32 to vector<16xi32>
      %add3A_524 = arith.addi %iota3A, %add3A_523 : vector<16xi32>
      %gather3A_525 = arith.constant 2 : i32
      %gather3A_526 = arith.constant 0 : i32
      %gather3A_527 = arith.constant 0 : i32
      %gather3A_528 = tpu.memref_slice %arg7[%gather3A_525, %gather3A_526, %gather3A_527] : memref<6x64x128xf32, #tpu.memory_space<vmem>> -> memref<1x64x128xf32, #tpu.memory_space<vmem>>
      %gather3A_529 = tpu.memref_squeeze %gather3A_528 : memref<1x64x128xf32, #tpu.memory_space<vmem>> -> memref<64x128xf32, #tpu.memory_space<vmem>>
      %gather3A_530 = tpu.vector_load_idx %gather3A_529[%add3A_524, %add3A_392] : memref<64x128xf32, #tpu.memory_space<vmem>>[vector<16xi32>, vector<16xi32>], vector<16xf32>,
      %gather3A_531 = arith.constant 3 : i32
      %gather3A_532 = arith.constant 0 : i32
      %gather3A_533 = arith.constant 0 : i32
      %gather3A_534 = tpu.memref_slice %arg7[%gather3A_531, %gather3A_532, %gather3A_533] : memref<6x64x128xf32, #tpu.memory_space<vmem>> -> memref<1x64x128xf32, #tpu.memory_space<vmem>>
      %gather3A_535 = tpu.memref_squeeze %gather3A_534 : memref<1x64x128xf32, #tpu.memory_space<vmem>> -> memref<64x128xf32, #tpu.memory_space<vmem>>
      %gather3A_536 = tpu.vector_load_idx %gather3A_535[%add3A_524, %add3A_426] : memref<64x128xf32, #tpu.memory_space<vmem>>[vector<16xi32>, vector<16xi32>], vector<16xf32>,
      %mul3A_537 = arith.mulf %gather3A_530, %gather3A_536 : vector<16xf32>
      %swap3A_538 = arith.constant 10 : i32
      %swap3A_539 = arith.index_cast %swap3A_538 : i32 to index
      %swap3A_540 = arith.constant 48 : index
      %swap3A_541 = tpu.vector_load %arg8[%swap3A_539, %swap3A_540] {strides = array<i32>} : memref<16x64xf32, #tpu.memory_space<vmem>>, vector<16xf32>,
      tpu.vector_store %arg8[%swap3A_539, %swap3A_540], %mul3A_537 {strides = array<i32>} : memref<16x64xf32, #tpu.memory_space<vmem>>, vector<16xf32>,
      %gt3A_542 = arith.constant 13 : i32
      %gt3A_543 = arith.cmpi sgt, %select_n3A, %gt3A_542 : i32
      %convert_element_type3A_544 = arith.extui %gt3A_543 : i1 to i32
      %cond3A_545 = arith.constant 0 : i32
      %cond3A_546 = arith.cmpi ne, %convert_element_type3A_544, %cond3A_545 : i32
      scf.if %cond3A_546 {
        %get3A_552 = arith.constant 0 : i32
        %get3A_553 = arith.index_cast %get3A_552 : i32 to index
        %get3A_554 = arith.constant 0 : index
        %get3A_555 = tpu.vector_load %arg6[%get3A_553, %get3A_554] {strides = array<i32>} : memref<2x16xi32, #tpu.memory_space<vmem>>, vector<16xi32>,
        %eq3A_556 = arith.constant 13 : i32
        %eq3A_557 = vector.broadcast %eq3A_556 : i32 to vector<16xi32>
        %eq3A_558 = arith.cmpi eq, %iota3A, %eq3A_557 : vector<16xi32>
        %jit3A_559 = arith.constant 0 : i32
        %broadcast_in_dim3A_560 = vector.broadcast %jit3A_559 : i32 to vector<16xi32>
        %select_n3A_561 = arith.select %eq3A_558, %get3A_555, %broadcast_in_dim3A_560 : vector<16xi1>, vector<16xi32>
        %reduce_sum3A_562 = arith.constant true
        %reduce_sum3A_563 = vector.broadcast %reduce_sum3A_562 : i1 to vector<16xi1>
        %reduce_sum3A_564 = tpu.scan <sum>, %select_n3A_561 masked %reduce_sum3A_563 : vector<16xi32>, vector<16xi1> -> vector<16xi32>
        %reduce_sum3A_565 = vector.extract %reduce_sum3A_564[15] : i32 from vector<16xi32>
        %jit3A_566 = arith.constant 128 : i32
        %div3A_567 = arith.divsi %reduce_sum3A_565, %jit3A_566 : i32
        %sign3A_568 = arith.constant 0 : i32
        %sign3A_569 = arith.cmpi sgt, %reduce_sum3A_565, %sign3A_568 : i32
        %sign3A_570 = arith.extui %sign3A_569 : i1 to i32
        %sign3A_571 = arith.constant 0 : i32
        %sign3A_572 = arith.cmpi slt, %reduce_sum3A_565, %sign3A_571 : i32
        %sign3A_573 = arith.extui %sign3A_572 : i1 to i32
        %sign3A_574 = arith.subi %sign3A_570, %sign3A_573 : i32
        %sign3A_575 = arith.constant 0 : i32
        %sign3A_576 = arith.cmpi sgt, %jit3A_566, %sign3A_575 : i32
        %sign3A_577 = arith.extui %sign3A_576 : i1 to i32
        %sign3A_578 = arith.constant 0 : i32
        %sign3A_579 = arith.cmpi slt, %jit3A_566, %sign3A_578 : i32
        %sign3A_580 = arith.extui %sign3A_579 : i1 to i32
        %sign3A_581 = arith.subi %sign3A_577, %sign3A_580 : i32
        %ne3A_582 = arith.cmpi ne, %sign3A_574, %sign3A_581 : i32
        %rem3A_583 = arith.remsi %reduce_sum3A_565, %jit3A_566 : i32
        %ne3A_584 = arith.constant 0 : i32
        %ne3A_585 = arith.cmpi ne, %rem3A_583, %ne3A_584 : i32
        %and3A_586 = arith.andi %ne3A_582, %ne3A_585 : i1
        %sub3A_587 = arith.constant 1 : i32
        %sub3A_588 = arith.subi %div3A_567, %sub3A_587 : i32
        %select_n3A_589 = arith.select %and3A_586, %sub3A_588, %div3A_567 : i32
        %mul3A_590 = arith.constant 128 : i32
        %mul3A_591 = arith.muli %select_n3A_589, %mul3A_590 : i32
        %multiple_of3A_592 = tpu.assume_multiple %mul3A_591, 128 : i32
        %dma_start3A = arith.constant 2 : i32
        %dma_start3A_593 = arith.constant 2 : i32
        %dma_start3A_594 = arith.constant 0 : i32
        %dma_start3A_595 = arith.constant 0 : i32
        %dma_start3A_596 = tpu.memref_slice %arg7[%dma_start3A, %dma_start3A_594, %dma_start3A_595] : memref<6x64x128xf32, #tpu.memory_space<vmem>> -> memref<1x64x128xf32, #tpu.memory_space<vmem>>
        %dma_start3A_597 = tpu.memref_squeeze %dma_start3A_596 : memref<1x64x128xf32, #tpu.memory_space<vmem>> -> memref<64x128xf32, #tpu.memory_space<vmem>>
        %dma_start3A_598 = arith.constant 0 : i32
        %dma_start3A_599 = tpu.memref_slice %arg3[%dma_start3A_598, %multiple_of3A_592] : memref<64x2600000xf32, #tpu.memory_space<hbm>> -> memref<64x128xf32, #tpu.memory_space<hbm>>
        %dma_start3A_600 = tpu.memref_slice %arg9[%dma_start3A_593] : memref<6x!tpu.dma_semaphore, #tpu.memory_space<semaphore_mem>> -> memref<1x!tpu.dma_semaphore, #tpu.memory_space<semaphore_mem>>
        %dma_start3A_601 = tpu.memref_squeeze %dma_start3A_600 : memref<1x!tpu.dma_semaphore, #tpu.memory_space<semaphore_mem>> -> memref<!tpu.dma_semaphore, #tpu.memory_space<semaphore_mem>>
        %dma_start3A_602 = arith.constant 0 : i32
        %dma_start3A_603 = arith.constant 0 : i32
        %dma_start3A_604 = tpu.memref_slice %arg7[%dma_start3A, %dma_start3A_602, %dma_start3A_603] : memref<6x64x128xf32, #tpu.memory_space<vmem>> -> memref<1x64x128xf32, #tpu.memory_space<vmem>>
        %dma_start3A_605 = tpu.memref_squeeze %dma_start3A_604 : memref<1x64x128xf32, #tpu.memory_space<vmem>> -> memref<64x128xf32, #tpu.memory_space<vmem>>
        %dma_start3A_606 = arith.constant 0 : i32
        %dma_start3A_607 = tpu.memref_slice %arg3[%dma_start3A_606, %multiple_of3A_592] : memref<64x2600000xf32, #tpu.memory_space<hbm>> -> memref<64x128xf32, #tpu.memory_space<hbm>>
        tpu.enqueue_dma source(%dma_start3A_607 : memref<64x128xf32, #tpu.memory_space<hbm>>) target(%dma_start3A_605 : memref<64x128xf32, #tpu.memory_space<vmem>>) target_semaphore(%dma_start3A_601 : memref<!tpu.dma_semaphore, #tpu.memory_space<semaphore_mem>>)
      } else {
      }
      %gt3A_547 = arith.constant 13 : i32
      %gt3A_548 = arith.cmpi sgt, %select_n3A, %gt3A_547 : i32
      %convert_element_type3A_549 = arith.extui %gt3A_548 : i1 to i32
      %cond3A_550 = arith.constant 0 : i32
      %cond3A_551 = arith.cmpi ne, %convert_element_type3A_549, %cond3A_550 : i32
      scf.if %cond3A_551 {
        %get3A_552 = arith.constant 1 : i32
        %get3A_553 = arith.index_cast %get3A_552 : i32 to index
        %get3A_554 = arith.constant 0 : index
        %get3A_555 = tpu.vector_load %arg6[%get3A_553, %get3A_554] {strides = array<i32>} : memref<2x16xi32, #tpu.memory_space<vmem>>, vector<16xi32>,
        %eq3A_556 = arith.constant 13 : i32
        %eq3A_557 = vector.broadcast %eq3A_556 : i32 to vector<16xi32>
        %eq3A_558 = arith.cmpi eq, %iota3A, %eq3A_557 : vector<16xi32>
        %jit3A_559 = arith.constant 0 : i32
        %broadcast_in_dim3A_560 = vector.broadcast %jit3A_559 : i32 to vector<16xi32>
        %select_n3A_561 = arith.select %eq3A_558, %get3A_555, %broadcast_in_dim3A_560 : vector<16xi1>, vector<16xi32>
        %reduce_sum3A_562 = arith.constant true
        %reduce_sum3A_563 = vector.broadcast %reduce_sum3A_562 : i1 to vector<16xi1>
        %reduce_sum3A_564 = tpu.scan <sum>, %select_n3A_561 masked %reduce_sum3A_563 : vector<16xi32>, vector<16xi1> -> vector<16xi32>
        %reduce_sum3A_565 = vector.extract %reduce_sum3A_564[15] : i32 from vector<16xi32>
        %jit3A_566 = arith.constant 128 : i32
        %div3A_567 = arith.divsi %reduce_sum3A_565, %jit3A_566 : i32
        %sign3A_568 = arith.constant 0 : i32
        %sign3A_569 = arith.cmpi sgt, %reduce_sum3A_565, %sign3A_568 : i32
        %sign3A_570 = arith.extui %sign3A_569 : i1 to i32
        %sign3A_571 = arith.constant 0 : i32
        %sign3A_572 = arith.cmpi slt, %reduce_sum3A_565, %sign3A_571 : i32
        %sign3A_573 = arith.extui %sign3A_572 : i1 to i32
        %sign3A_574 = arith.subi %sign3A_570, %sign3A_573 : i32
        %sign3A_575 = arith.constant 0 : i32
        %sign3A_576 = arith.cmpi sgt, %jit3A_566, %sign3A_575 : i32
        %sign3A_577 = arith.extui %sign3A_576 : i1 to i32
        %sign3A_578 = arith.constant 0 : i32
        %sign3A_579 = arith.cmpi slt, %jit3A_566, %sign3A_578 : i32
        %sign3A_580 = arith.extui %sign3A_579 : i1 to i32
        %sign3A_581 = arith.subi %sign3A_577, %sign3A_580 : i32
        %ne3A_582 = arith.cmpi ne, %sign3A_574, %sign3A_581 : i32
        %rem3A_583 = arith.remsi %reduce_sum3A_565, %jit3A_566 : i32
        %ne3A_584 = arith.constant 0 : i32
        %ne3A_585 = arith.cmpi ne, %rem3A_583, %ne3A_584 : i32
        %and3A_586 = arith.andi %ne3A_582, %ne3A_585 : i1
        %sub3A_587 = arith.constant 1 : i32
        %sub3A_588 = arith.subi %div3A_567, %sub3A_587 : i32
        %select_n3A_589 = arith.select %and3A_586, %sub3A_588, %div3A_567 : i32
        %mul3A_590 = arith.constant 128 : i32
        %mul3A_591 = arith.muli %select_n3A_589, %mul3A_590 : i32
        %multiple_of3A_592 = tpu.assume_multiple %mul3A_591, 128 : i32
        %dma_start3A = arith.constant 3 : i32
        %dma_start3A_593 = arith.constant 3 : i32
        %dma_start3A_594 = arith.constant 0 : i32
        %dma_start3A_595 = arith.constant 0 : i32
        %dma_start3A_596 = tpu.memref_slice %arg7[%dma_start3A, %dma_start3A_594, %dma_start3A_595] : memref<6x64x128xf32, #tpu.memory_space<vmem>> -> memref<1x64x128xf32, #tpu.memory_space<vmem>>
        %dma_start3A_597 = tpu.memref_squeeze %dma_start3A_596 : memref<1x64x128xf32, #tpu.memory_space<vmem>> -> memref<64x128xf32, #tpu.memory_space<vmem>>
        %dma_start3A_598 = arith.constant 0 : i32
        %dma_start3A_599 = tpu.memref_slice %arg3[%dma_start3A_598, %multiple_of3A_592] : memref<64x2600000xf32, #tpu.memory_space<hbm>> -> memref<64x128xf32, #tpu.memory_space<hbm>>
        %dma_start3A_600 = tpu.memref_slice %arg9[%dma_start3A_593] : memref<6x!tpu.dma_semaphore, #tpu.memory_space<semaphore_mem>> -> memref<1x!tpu.dma_semaphore, #tpu.memory_space<semaphore_mem>>
        %dma_start3A_601 = tpu.memref_squeeze %dma_start3A_600 : memref<1x!tpu.dma_semaphore, #tpu.memory_space<semaphore_mem>> -> memref<!tpu.dma_semaphore, #tpu.memory_space<semaphore_mem>>
        %dma_start3A_602 = arith.constant 0 : i32
        %dma_start3A_603 = arith.constant 0 : i32
        %dma_start3A_604 = tpu.memref_slice %arg7[%dma_start3A, %dma_start3A_602, %dma_start3A_603] : memref<6x64x128xf32, #tpu.memory_space<vmem>> -> memref<1x64x128xf32, #tpu.memory_space<vmem>>
        %dma_start3A_605 = tpu.memref_squeeze %dma_start3A_604 : memref<1x64x128xf32, #tpu.memory_space<vmem>> -> memref<64x128xf32, #tpu.memory_space<vmem>>
        %dma_start3A_606 = arith.constant 0 : i32
        %dma_start3A_607 = tpu.memref_slice %arg3[%dma_start3A_606, %multiple_of3A_592] : memref<64x2600000xf32, #tpu.memory_space<hbm>> -> memref<64x128xf32, #tpu.memory_space<hbm>>
        tpu.enqueue_dma source(%dma_start3A_607 : memref<64x128xf32, #tpu.memory_space<hbm>>) target(%dma_start3A_605 : memref<64x128xf32, #tpu.memory_space<vmem>>) target_semaphore(%dma_start3A_601 : memref<!tpu.dma_semaphore, #tpu.memory_space<semaphore_mem>>)
      } else {
      }
    } else {
    }
    %mul3A_360 = arith.constant 16 : i32
    %mul3A_361 = arith.muli %add3A, %mul3A_360 : i32
    %multiple_of3A = tpu.assume_multiple %mul3A_361, 16 : i32
    "tpu.region"() ({
      %run_scoped3A = tpu.sem_alloc : memref<!tpu.dma_semaphore, #tpu.memory_space<semaphore_mem>>
      %dma_start3A = arith.constant 0 : i32
      %dma_start3A_362 = tpu.memref_slice %arg4[%multiple_of3A, %dma_start3A] : memref<512x64xf32, #tpu.memory_space<hbm>> -> memref<16x64xf32, #tpu.memory_space<hbm>>
      %dma_start3A_363 = arith.constant 0 : i32
      %dma_start3A_364 = tpu.memref_slice %arg4[%multiple_of3A, %dma_start3A_363] : memref<512x64xf32, #tpu.memory_space<hbm>> -> memref<16x64xf32, #tpu.memory_space<hbm>>
      tpu.enqueue_dma source(%arg8 : memref<16x64xf32, #tpu.memory_space<vmem>>) target(%dma_start3A_364 : memref<16x64xf32, #tpu.memory_space<hbm>>) target_semaphore(%run_scoped3A : memref<!tpu.dma_semaphore, #tpu.memory_space<semaphore_mem>>)
      %dma_wait3A = arith.constant 0 : i32
      %dma_wait3A_365 = tpu.memref_slice %arg4[%multiple_of3A, %dma_wait3A] : memref<512x64xf32, #tpu.memory_space<hbm>> -> memref<16x64xf32, #tpu.memory_space<hbm>>
      %dma_wait3A_366 = arith.constant 0 : i32
      %dma_wait3A_367 = tpu.memref_slice %arg4[%multiple_of3A, %dma_wait3A_366] : memref<512x64xf32, #tpu.memory_space<hbm>> -> memref<16x64xf32, #tpu.memory_space<hbm>>
      tpu.wait_dma2 semaphore(%run_scoped3A : memref<!tpu.dma_semaphore, #tpu.memory_space<semaphore_mem>>) src(%arg8 : memref<16x64xf32, #tpu.memory_space<vmem>>) dst(%dma_wait3A_367 : memref<16x64xf32, #tpu.memory_space<hbm>>)
      tpu.yield
    }) : () -> ()
    return
  }
}

</mosaic_0001>

<sc_bundles>
// kernel: kernel.3.cloned.1.call-start
scs
__scs_entry_jumppad:
0x0: {  	(pc) =	sbr.rel $0x88, $3  }
0x1: {  	(tag) =	ssettag $0x0;
	lr =	simm.s32 $0x1  }
0x2: {  	[smem:$0x3F9F] =	sst lr;
	_ =	strace $0xD0000000  }
0x3: {  	_ = 	snop  }
0x4: {  	_ = 	snop  }
0x5: {  	_ = 	snop  }
0x6: {  	_ = 	snop  }
0x7: {  	_ = 	snop  }
__scs_overlays_trampoline_lowered:
0x8: {  	[smem:$0x3FAE] =	sst s0  }
0x9: {  	[smem:$0x3FAF] =	sst s1  }
0xa: {  	[smem:$0x3FB0] =	sst s2  }
0xb: {  	[smem:$0x3FB1] =	sst s3  }
0xc: {  	[smem:$0x3FB2] =	sst s4  }
0xd: {  	[smem:$0x3FB3] =	sst s5  }
0xe: {  	[smem:$0x3FB4] =	sst s6  }
0xf: {  	[smem:$0x3FB5] =	sst s7  }
0x10: {  	[smem:$0x3FB6] =	sst s8  }
0x11: {  	[smem:$0x3FB7] =	sst s9;
	s0 =	simm.s32 @!p0 $0x0  }
0x12: {  	s1 =	sld [smem:$0x3F9D];
	s0 =	simm.s32 @p0 $0x1  }
0x13: {  	[smem:$0x3FB8] =	sst s0;
	s0 =	simm.s32 @!p1 $0x0  }
0x14: {  	s2 =	sld [smem:$0x3F9C];
	s0 =	simm.s32 @p1 $0x1  }
0x15: {  	[smem:$0x3FB9] =	sst s0;
	s0 =	simm.s32 @!p2 $0x0  }
0x16: {  	s3 =	sld [smem:$0x3FDB];
	s0 =	simm.s32 @p2 $0x1  }
0x17: {  	s4 =	simm.s32 $0x1BF5;
	[smem:$0x3FBB] =	sst s0  }
0x18: {  	s0 =	sld [smem:$0x3F9E];
	_ =	swait.ge [sflag:s4], $0x0  }
0x19: {  	s7 =	sld [smem:$0x3F9F]  }
0x1a: {  	s8 =	sadd.s32 $0xFFFFE003, lr  }
0x1b: {  	s9 =	sadd.s32 $0xFFFFFEF7, lr;
	s5 =	simm.s32 $0xFFFFFFFF;
	p2 =	slt.u32 s8, $0xFFFFF086  }
0x1c: {  	p1 =	slt.u32 s9, $0xF7A;
	s5 =	simm.s32 @!p2 $0x0  }
0x1d: {  	s5 =	simm.s32 @p1 $0x1;
	p0 =	seq.s32 s7, s2  }
0x1e: {  	s7 =	smul.u32 @!p0 $0xF7A, s2;
	p2 =	seq.s32 @!p0 s5, $0x0  }
0x1f: {  	s9 =	smul.u32 $0xF7A, s1;
	s8 =	simm.s32 @!p0 $0x1BF5;
	p2 =	por !p2, p0  }
0x20: {  	[sflag:s8] =	ssyncset.s32 @!p0 $0xFFFFF086;
	s6 =	sadd.s32 @!p0 s3, s7;
	s7 =	simm.s32 @!p0 $0x108  }
0x21: {  	s3 =	sadd.s32 s3, s9;
	s6 =	sadd.s32 @!p0 $0x88, s6;
	s7 =	simm.s32 @p2 $0x1082  }
0x22: {  	[simem:s7], [sflag:s8] =	dma.local @!p0 [hbm:s6], $0xF7A  }
0x23: {  	s9 =	sor.u32 $0xD0000000, s2;
	s6 =	simm.s32 $0x108;
	_ =	swait.ge @!p0 [sflag:s8], $0x0  }
0x24: {  	s3 =	sadd.s32 $0x88, s3;
	s6 =	simm.s32 @!p1 $0x1082;
	[sflag:s4] =	ssyncset.s32 $0xFFFFF086  }
0x25: {  	[simem:s6], [sflag:s4] =	dma.local [hbm:s3], $0xF7A  }
0x26: {  	[smem:$0x3F9F] =	sst s1;
	(tag) =	ssettag s2;
	_ =	strace s9  }
0x27: {  	s1 =	sld [smem:$0x3FAF]  }
0x28: {  	s2 =	sld [smem:$0x3FB0]  }
0x29: {  	s4 =	sld [smem:$0x3FB2]  }
0x2a: {  	p0 =	seq.s32 s5, $0x0;
	s5 =	sld [smem:$0x3FB3]  }
0x2b: {  	s6 =	sld [smem:$0x3FB4]  }
0x2c: {  	s7 =	sld [smem:$0x3FB5]  }
0x2d: {  	s3 =	simm.s32 $0x108;
	s8 =	sld [smem:$0x3FB6]  }
0x2e: {  	s3 =	simm.s32 @!p0 $0x1082;
	s9 =	sld [smem:$0x3FB7]  }
0x2f: {  	lr =	sadd.s32 s0, s3;
	s0 =	sld [smem:$0x3FAE]  }
0x30: {  	s3 =	sld [smem:$0x3FB1]  }
0x31: {  	[smem:$0x3FBA] =	sst s10  }
0x32: {  	s10 =	sld [smem:$0x3FB8];
	_ =	sdelay $0x3  }
0x33: {  	p0 =	seq.s32 s10, $0x1;
	s10 =	sld [smem:$0x3FBA];
	_ =	sdelay $0x3  }
0x34: {  	[smem:$0x3FBA] =	sst s10  }
0x35: {  	s10 =	sld [smem:$0x3FB9];
	_ =	sdelay $0x3  }
0x36: {  	p1 =	seq.s32 s10, $0x1;
	s10 =	sld [smem:$0x3FBA];
	_ =	sdelay $0x3  }
0x37: {  	[smem:$0x3FBA] =	sst s10  }
0x38: {  	s10 =	sld [smem:$0x3FBB]  }
0x39: {  	_ = 	snop;
	(pc) =	sbr.ind lr, $3  }
0x3a: {  	_ = 	snop  }
0x3b: {  	_ = 	snop  }
0x3c: {  	p2 =	seq.s32 s10, $0x1;
	s10 =	sld [smem:$0x3FBA]  }
0x3d: {  	_ =	shalt  }
0x3e: {  	_ =	shalt  }
0x3f: {  	_ =	shalt  }
0x40: {  	_ =	shalt  }
0x41: {  	_ =	shalt  }
0x42: {  	_ =	shalt  }
0x43: {  	_ =	shalt  }
0x44: {  	_ =	shalt  }
0x45: {  	_ =	shalt  }
0x46: {  	_ =	shalt  }
0x47: {  	_ =	shalt  }
0x48: {  	_ =	shalt  }
0x49: {  	_ =	shalt  }
0x4a: {  	_ =	shalt  }
0x4b: {  	_ =	shalt  }
0x4c: {  	_ =	shalt  }
0x4d: {  	_ =	shalt  }
0x4e: {  	_ =	shalt  }
0x4f: {  	_ =	shalt  }
0x50: {  	_ =	shalt  }
0x51: {  	_ =	shalt  }
0x52: {  	_ =	shalt  }
0x53: {  	_ =	shalt  }
0x54: {  	_ =	shalt  }
0x55: {  	_ =	shalt  }
0x56: {  	_ =	shalt  }
0x57: {  	_ =	shalt  }
0x58: {  	_ =	shalt  }
0x59: {  	_ =	shalt  }
0x5a: {  	_ =	shalt  }
0x5b: {  	_ =	shalt  }
0x5c: {  	_ =	shalt  }
0x5d: {  	_ =	shalt  }
0x5e: {  	_ =	shalt  }
0x5f: {  	_ =	shalt  }
0x60: {  	_ =	shalt  }
0x61: {  	_ =	shalt  }
0x62: {  	_ =	shalt  }
0x63: {  	_ =	shalt  }
0x64: {  	_ =	shalt  }
0x65: {  	_ =	shalt  }
0x66: {  	_ =	shalt  }
0x67: {  	_ =	shalt  }
0x68: {  	_ =	shalt  }
0x69: {  	_ =	shalt  }
0x6a: {  	_ =	shalt  }
0x6b: {  	_ =	shalt  }
0x6c: {  	_ =	shalt  }
0x6d: {  	_ =	shalt  }
0x6e: {  	_ =	shalt  }
0x6f: {  	_ =	shalt  }
0x70: {  	_ =	shalt  }
0x71: {  	_ =	shalt  }
0x72: {  	_ =	shalt  }
0x73: {  	_ =	shalt  }
0x74: {  	_ =	shalt  }
0x75: {  	_ =	shalt  }
0x76: {  	_ =	shalt  }
0x77: {  	_ =	shalt  }
0x78: {  	_ =	shalt  }
0x79: {  	_ =	shalt  }
0x7a: {  	_ =	shalt  }
0x7b: {  	_ =	shalt  }
0x7c: {  	_ =	shalt  }
0x7d: {  	_ =	shalt  }
0x7e: {  	_ =	shalt  }
0x7f: {  	_ =	shalt  }
0x80: {  	_ =	shalt  }
0x81: {  	_ =	shalt  }
0x82: {  	_ =	shalt  }
0x83: {  	_ =	shalt  }
0x84: {  	_ =	shalt  }
0x85: {  	_ =	shalt  }
0x86: {  	_ =	shalt  }
0x87: {  	_ =	shalt  }
.Lfunc_end0:
.L_simem_size_0:
called_computation_lowered:
.L_overlay_start_0:
0x88: {  	s2 =	sld [smem:$0x3FD9]  }
0x89: {  	s3 =	sld [smem:$0x3FFE];
	_ =	sdelay $0x1  }
0x8a: {  	s1 =	srdreg.scid  }
0x8b: {  	s0 =	sand.u32 $0x1, s1  }
0x8c: {  	s17 =	sshll.u32 s0, $0xA;
	s2 =	sadd.s32 s3, s2  }
0x8d: {  	s2 =	sadd.s32 s2, s17  }
0x8e: {  	[smem:$0x3FC6] =	sst s2  }
0x8f: {  	_ = 	snop  }
0x90: {  	s2 =	sld [smem:$0x3FC9]  }
0x91: {  	s18 =	sld [smem:$0x3FC8];
	(tm) =	ssettm $0x1  }
0x92: {  	s4 =	sld [smem:$0x3FFB];
	_ =	sdelay $0x3  }
0x93: {  	_ =	strace s4  }
0x94: {  	s4 =	sld [smem:$0x3FFC];
	_ =	sdelay $0x3  }
0x95: {  	_ =	strace s4  }
0x96: {  	s4 =	sld [smem:$0x3FFD];
	_ =	sdelay $0x3  }
0x97: {  	_ =	strace s4  }
0x98: {  	_ =	strace $0x8FFFFFFF  }
0x99: {  	s19 =	sld [smem:$0x3FDB];
	_ =	sdelay $0x1  }
0x9a: {  	s5 =	simm.s32 $_scs_section_size  }
0x9b: {  	s6 =	simm.s32 $_size__tile_overlayer_lowered;
	s7 =	simm.s32 $_tile_overlayer_lowered  }
0x9c: {  	s22 =	simm.s32 $0x1BFF;
	s21 =	sshll.u32 s7, $0x1;
	s4 =	sadd.s32 s5, s19  }
0x9d: {  	s8 =	simm.s32 $0x0;
	s20 =	sshll.u32 s6, $0x1;
	s6 =	sadd.s32 s21, s4  }
0x9e: {  	[timem:s8], [sflag:s22] =	dma.local [hbm:s6], s20  }
0x9f: {  	_ =	swait.ge [sflag:s22], s20  }
0xa0: {  	s5 =	ssub.s32 $0x0, s20;
	[sflag:s22] =	ssyncset.done $0x0  }
0xa1: {  	[sflag:s22] =	ssyncadd.s32 s5;
	_ =	sdelay $0x1  }
0xa2: {  	s23 =	simm.s32 $0x1B8B  }
0xa3: {  	_ =	swait.ge [sflag:s23], $0x1  }
0xa4: {  	[sflag:s23] =	ssyncset.done $0x0  }
0xa5: {  	s25 =	simm.s32 $0x1B8E;
	s24 =	sld [smem:$0x3FFE];
	[sflag:s23] =	ssyncadd.s32 $0xFFFFFFFF  }
0xa6: {  	s26 =	simm.s32 $execute0_lowered;
	[smem:$0x3FD2] =	sst s25  }
0xa7: {  	s6 =	sshll.u32 s26, $0x1;
	_ =	strace $0x80000046;
	[dreg:$0x1] =	wrdreg $0xFFFFFFFF  }
0xa8: {  	s28 =	simm.s32 $_size_execute0_lowered;
	s4 =	sadd.s32 s4, s6;
	[dreg:$0x0] =	wrdreg $0x0  }
0xa9: {  	s6 =	sshll.u32 s28, $0x1;
	[dreg:$0x2] =	wrdreg s4  }
0xaa: {  	[dreg:$0x3] =	wrdreg s6  }
0xab: {  	[dreg:$0x4] =	wrdreg $0xC0  }
0xac: {  	_ =	task [dreg:s8], $0x5FFFF  }
0xad: {  	[dreg:$0x1] =	wrdreg $0xFFFFFFFF  }
0xae: {  	[dreg:$0x0] =	wrdreg $0x60  }
0xaf: {  	[dreg:$0x2] =	wrdreg s2  }
0xb0: {  	[dreg:$0x3] =	wrdreg s18  }
0xb1: {  	[dreg:$0x4] =	wrdreg s24  }
0xb2: {  	[dreg:$0x5] =	wrdreg $0x9  }
0xb3: {  	_ =	task.clear_ibuf [dreg:s8], $0x6FFFF;
	_ =	strace $0x90000046  }
0xb4: {  	s29 =	simm.s32 $0x9;
	_ =	strace $0x80000048  }
0xb5: {  	_ =	swait.ge [sflag:s29], $0x1  }
0xb6: {  	[sflag:s29] =	ssyncadd.s32 $0xFFFFFFFF  }
0xb7: {  	_ =	strace $0x90000048  }
0xb8: {  	_ =	sfence  }
0xb9: {  	s30 =	sld [smem:$0x0];
	_ =	sdelay $0x2  }
0xba: {  	s31 =	sshll.u32 s1, $0xD;
	s1 =	sshrl.u32 s1, $0x2  }
0xbb: {  	s3 =	sand.u32 $0x4000, s31;
	s1 =	sadd.s32 s1, s30  }
0xbc: {  	s0 =	sor.u32 s3, s0;
	s1 =	sshll.u32 s1, $0x11  }
0xbd: {  	s0 =	sor.u32 s1, s0  }
0xbe: {  	s0 =	sadd.s32 $0x8F2B, s0  }
0xbf: {  	[sflag:s0] =	ssyncadd.remote.s32 $0x1  }
0xc0: {  	_ =	sfence.sel $0xFFFF  }
0xc1: {  	[dreg:$0x0] =	wrdreg $0xFFFFFFFF;
	(pc) =	sbr.abs _section_cstart, $3  }
0xc2: {  	[dreg:$0x1] =	wrdreg $0xFFFFFFFF  }
0xc3: {  	_ =	task.clear_ibuf [dreg:s8], $0x2FFFF;
	_ =	strace $0x9FFFFFFF  }
0xc4: {  	(tm) =	ssettm $0x7FFFFFFF  }
0xc5: {  	_ =	shalt  }
tec
execute0_lowered:
.L_overlay_start_1:
0x0: {  	(tag) =	ssettag $0x1  }
0x1: {  	s1 =	srdreg.scid;
	s0 =	stileid.u32  }
0x2: {  	s5 =	sand.u32 $0x1, s1;
	s28 =	sshll.u32 s0, $0x1  }
0x3: {  	s6 =	sor.u32 s5, s28  }
0x4: {  	s1 =	smul.u32 $0xA, s6  }
0x5: {  	s2 =	smin.u32 s6, $0x5  }
0x6: {  	v3 =	vlaneseq.u32;
	s1 =	sadd.s32 s2, s1  }
0x7: {  	v0 =	vadd.s32 s1, v3  }
0x8: {  	v1 =	vimm.s32 $0x0;
	vm0 =	vgt.u32 v0, $0x18;
	vm1 =	vgt.u32 v0, $0x30  }
0x9: {  	v2 =	vsel vm0, $0x1, v1;
	v4 =	vsel vm1, $0x1, v1;
	vm0 =	vgt.u32 v0, $0x47  }
0xa: {  	v2 =	vadd.s32 v4, v2;
	v4 =	vsel vm0, $0x1, v1;
	vm0 =	vgt.u32 v0, $0x5D  }
0xb: {  	v2 =	vadd.s32 v4, v2;
	v4 =	vsel vm0, $0x1, v1;
	vm0 =	vgt.u32 v0, $0x72  }
0xc: {  	v2 =	vadd.s32 v4, v2;
	v4 =	vsel vm0, $0x1, v1;
	vm0 =	vgt.u32 v0, $0x86  }
0xd: {  	v2 =	vadd.s32 v4, v2;
	v4 =	vsel vm0, $0x1, v1;
	vm0 =	vgt.u32 v0, $0x99  }
0xe: {  	v2 =	vadd.s32 v4, v2;
	v4 =	vsel vm0, $0x1, v1;
	vm0 =	vgt.u32 v0, $0xAB  }
0xf: {  	v2 =	vadd.s32 v4, v2;
	v4 =	vsel vm0, $0x1, v1;
	vm0 =	vgt.u32 v0, $0xBC  }
0x10: {  	v2 =	vadd.s32 v4, v2;
	v4 =	vsel vm0, $0x1, v1;
	vm0 =	vgt.u32 v0, $0xCC  }
0x11: {  	v2 =	vadd.s32 v4, v2;
	v4 =	vsel vm0, $0x1, v1;
	vm0 =	vgt.u32 v0, $0xDB  }
0x12: {  	v2 =	vadd.s32 v4, v2;
	v4 =	vsel vm0, $0x1, v1;
	vm0 =	vgt.u32 v0, $0xE9  }
0x13: {  	v2 =	vadd.s32 v4, v2;
	v4 =	vsel vm0, $0x1, v1;
	vm0 =	vgt.u32 v0, $0xF6  }
0x14: {  	v2 =	vadd.s32 v4, v2;
	v4 =	vsel vm0, $0x1, v1;
	vm0 =	vgt.u32 v0, $0x102  }
0x15: {  	v2 =	vadd.s32 v4, v2;
	v4 =	vsel vm0, $0x1, v1;
	vm0 =	vgt.u32 v0, $0x10D  }
0x16: {  	v2 =	vadd.s32 v4, v2;
	v4 =	vsel vm0, $0x1, v1;
	vm0 =	vgt.u32 v0, $0x117  }
0x17: {  	v2 =	vadd.s32 v4, v2;
	v4 =	vsel vm0, $0x1, v1;
	vm0 =	vgt.u32 v0, $0x120  }
0x18: {  	v2 =	vadd.s32 v4, v2;
	v4 =	vsel vm0, $0x1, v1;
	vm0 =	vgt.u32 v0, $0x128  }
0x19: {  	v2 =	vadd.s32 v4, v2;
	v4 =	vsel vm0, $0x1, v1;
	vm0 =	vgt.u32 v0, $0x12F  }
0x1a: {  	v2 =	vadd.s32 v4, v2;
	v4 =	vsel vm0, $0x1, v1;
	vm0 =	vgt.u32 v0, $0x135  }
0x1b: {  	v2 =	vadd.s32 v4, v2;
	v4 =	vsel vm0, $0x1, v1;
	vm0 =	vgt.u32 v0, $0x13A  }
0x1c: {  	v2 =	vadd.s32 v4, v2;
	v4 =	vsel vm0, $0x1, v1;
	vm0 =	vgt.u32 v0, $0x13E  }
0x1d: {  	v2 =	vadd.s32 v4, v2;
	v4 =	vsel vm0, $0x1, v1;
	vm0 =	vgt.u32 v0, $0x141  }
0x1e: {  	s3 =	rddreg [dreg:$0x1];
	v2 =	vadd.s32 v4, v2;
	v4 =	vsel vm0, $0x1, v1;
	vm0 =	vgt.u32 v0, $0x143  }
0x1f: {  	s7 =	rddreg [dreg:$0x2];
	s4 =	simm.s32 $0x0;
	v2 =	vadd.s32 v4, v2;
	v1 =	vsel vm0, $0x1, v1  }
0x20: {  	s30 =	simm.s32 $0x8000;
	s31 =	simm.s32 $0xC00;
	s10 =	simm.s32 $0x1100;
	v2 =	vadd.s32 v1, v2  }
0x21: {  	s11 =	simm.s32 $0x3100;
	s12 =	simm.s32 $0x5100;
	s13 =	simm.s32 $0x7100;
	vm2 =	vcmask $0x70C;
	vm3 =	vcmask $0xB10;
	v1 =	vsub.s32 $0x33, v2  }
0x22: {  	s14 =	simm.s32 $0x9100;
	s15 =	simm.s32 $0xB100;
	s16 =	simm.s32 $0x2;
	vm4 =	vcmask $0xF14;
	vm5 =	vcmask $0x1318;
	v1 =	vmul.u32 v2, v1  }
0x23: {  	s17 =	simm.s32 $0x3;
	s18 =	simm.s32 $0x4;
	vm6 =	vcmask $0x171C;
	vm7 =	vcmask $0x1B20;
	s21 =	simm.s32 $0xD100;
	vm0 =	vlt.s32 v0, $0x144  }
0x24: {  	s19 =	simm.s32 $0x5;
	vm8 =	vcmask $0x1F24;
	[smem:$0x7FF] =	sst s4;
	s8 =	sshll.u32 s6, $0x8;
	v0 =	vnsel vm0, $0x144, v0;
	v1 =	vand.u32 $0xFFFF, v1  }
0x25: {  	p0 =	sgt.u32 s6, $0x4;
	s7 =	sadd.s32 s8, s7;
	s2 =	rddreg [dreg:$0x0];
	v3 =	vmul.u32 $0x80, v3;
	v0 =	vadd.s32 v2, v0;
	v1 =	vshrl.u32 v1, $0x1  }
0x26: {  	s20 =	simm.s32 $0x6;
	vm9 =	vcmask $0x2328;
	vm10 =	vcmask @!p0 $0x272C;
	s7 =	sadd.s32 $0x600, s7;
	s1 =	rddreg [dreg:$0x3];
	v0 =	vsub.s32 v0, v1  }
0x27: {  	s5 =	ssub.s32 $0x2, s5;
	_ =	strace $0x80000047;
	[dreg:$0x5] =	wrdreg s7;
	vm1 =	vcmask $0x308;
	v6 =	vor.u32 $0x1000, v3;
	v4 =	vadd.s32 $0x1, v0  }
0x28: {  	s29 =	sshrl.u32 s5, $0x1;
	s6 =	simm.s32 $0x400;
	[dreg:$0x6] =	wrdreg s30;
	v7 =	vor.u32 $0x1800, v3;
	v1 =	vshll.u32 v2, $0x7;
	v0 =	vand.u32 $0xFFFFFF80, v4  }
0x29: {  	s5 =	ssub.s32 s5, s29;
	s8 =	simm.s32 $0x1;
	[dreg:$0x7] =	wrdreg s31;
	vm0 =	vmmov $0x1;
	v5 =	vand.u32 $0x7F, v4;
	v0 =	vadd.s32 v1, v0  }
0x2a: {  	s5 =	smax.u32 s5, $0x1;
	s9 =	sadd.s32 $0x3000, s2;
	[dreg:$0x8] =	wrdreg s21;
	v1 =	vmul.u32 $0x186A0, v2;
	v0 =	vor.u32 v5, v0;
	v5 =	vshll.u32 v4, $0x7  }
0x2b: {  	s7 =	simm.s32 $0x7;
	[dreg:$0x4] =	wrdreg s9;
	s9 =	simm.s32 $0x13D6400;
	v4 =	vmul.u32 $0x186A0, v4;
	v2 =	vadd.s32 v2, v5;
	v5 =	vor.u32 $0x800, v3  }
.LBB2_1:
0x2c: {  	s21 =	rddreg [dreg:$0x6]  }
0x2d: {  	s22 =	rddreg [dreg:$0x4]  }
0x2e: {  	[tilespmem:s4], [sflag:$0x7] =	stream.strided.gather [hbm4b:s2+s6], $0xC00, s21, s6, $0x38;
	[tilespmem:$0xD900] =	vst v63  }
0x2f: {  	s23 =	rddreg [dreg:$0x7]  }
0x30: {  	[tilespmem:s23], [sflag:$0x7] =	stream.linear.gather [hbm4b:s22+s4], $0x100, $0x38;
	[tilespmem:$0xD900] =	vst v63  }
0x31: {  	_ =	swait.ge [sflag:s7], $0xD00  }
0x32: {  	[sflag:s7] =	ssyncset.done $0x0  }
0x33: {  	[sflag:s7] =	ssyncadd.s32 $0xFFFFF300  }
0x34: {  	v8 =	vld.idx.msk [tilespmem:v0+s4+$0x0], $0xffff;
	_ =	sdelay $0x4  }
0x35: {  	v8 =	vadd.s32 v1, v8  }
0x36: {  	v9 =	vnsel vm0, $0x0, v8  }
0x37: {  	(xrf0) =	vadd.scan.msk.s32 $0xffff, v9;
	_ =	sdelay $0x5  }
0x38: {  	v9, _, _ =	vpop (xrf0)  }
0x39: {  	(v2sf) =	vpush v9, $0xF;
	_ =	sdelay $0xe  }
0x3a: {  	s24 =	spop (v2sf)  }
0x3b: {  	s25 =	sand.u32 $0x7F, s24  }
0x3c: {  	[tilespmem:$0x1000] =	vst v8;
	s26 =	sshra.s32 s24, $0x1F;
	p1 =	slt.s32 s24, $0x1;
	p2 =	sne.s32 s25, $0x0  }
0x3d: {  	v8 =	vld.idx.msk [tilespmem:v2+s4+$0x0], $0xffff;
	s28 =	sshrl.u32 s26, $0x19;
	p1 =	por !p1, !p2  }
0x3e: {  	s22 =	simm.s32 $0x1;
	s21 =	sadd.s32 s28, s24;
	p1 =	por !p1, !p1  }
0x3f: {  	s21 =	sshrl.u32 s21, $0x7;
	s22 =	simm.s32 @!p1 $0x0  }
0x40: {  	s21 =	ssub.s32 s21, s22  }
0x41: {  	s21 =	sshll.u32 s21, $0x7  }
0x42: {  	v8 =	vadd.s32 v4, v8;
	s21 =	sand.u32 $0x1FFFFF80, s21  }
0x43: {  	[tilespmem:$0x1080] =	vst v8;
	s21 =	sadd.s32 s3, s21  }
0x44: {  	[tilespmem:s10], [sflag:$0x1] =	stream.strided.gather [hbm4b:s21+s6], $0x2000, s9, s6, $0x38;
	[tilespmem:$0xD900] =	vst v63  }
0x45: {  	v8 =	vld [tilespmem:$0x1080];
	_ =	sdelay $0x4  }
0x46: {  	v8 =	vnsel vm0, $0x0, v8  }
0x47: {  	(xrf0) =	vadd.scan.msk.s32 $0xffff, v8;
	_ =	sdelay $0x5  }
0x48: {  	v8, _, _ =	vpop (xrf0)  }
0x49: {  	(v2sf) =	vpush v8, $0xF;
	_ =	sdelay $0xe  }
0x4a: {  	s29 =	spop (v2sf)  }
0x4b: {  	s30 =	sand.u32 $0x7F, s29  }
0x4c: {  	s31 =	sshra.s32 s29, $0x1F;
	p5 =	slt.s32 s29, $0x1;
	p6 =	sne.s32 s30, $0x0  }
0x4d: {  	s23 =	sshrl.u32 s31, $0x19;
	p1 =	por !p5, !p6  }
0x4e: {  	s22 =	simm.s32 $0x1;
	s21 =	sadd.s32 s23, s29;
	p1 =	por !p1, !p1  }
0x4f: {  	s21 =	sshrl.u32 s21, $0x7;
	s22 =	simm.s32 @!p1 $0x0  }
0x50: {  	s21 =	ssub.s32 s21, s22  }
0x51: {  	s21 =	sshll.u32 s21, $0x7  }
0x52: {  	s21 =	sand.u32 $0x1FFFFF80, s21  }
0x53: {  	s21 =	sadd.s32 s3, s21  }
0x54: {  	[tilespmem:s11], [sflag:$0x2] =	stream.strided.gather [hbm4b:s21+s6], $0x2000, s9, s6, $0x38;
	[tilespmem:$0xD900] =	vst v63  }
0x55: {  	v8 =	vld [tilespmem:$0x1000];
	_ =	sdelay $0x4  }
0x56: {  	v8 =	vsel vm1, $0x0, v8  }
0x57: {  	(xrf0) =	vadd.scan.msk.s32 $0xffff, v8;
	_ =	sdelay $0x5  }
0x58: {  	v8, _, _ =	vpop (xrf0)  }
0x59: {  	(v2sf) =	vpush v8, $0xF;
	_ =	sdelay $0xe  }
0x5a: {  	s24 =	spop (v2sf)  }
0x5b: {  	s25 =	sand.u32 $0x7F, s24  }
0x5c: {  	s26 =	sshra.s32 s24, $0x1F;
	p3 =	slt.s32 s24, $0x1;
	p4 =	sne.s32 s25, $0x0  }
0x5d: {  	s28 =	sshrl.u32 s26, $0x19;
	p1 =	por !p3, !p4  }
0x5e: {  	s22 =	simm.s32 $0x1;
	s21 =	sadd.s32 s28, s24;
	p1 =	por !p1, !p1  }
0x5f: {  	s21 =	sshrl.u32 s21, $0x7;
	s22 =	simm.s32 @!p1 $0x0  }
0x60: {  	s21 =	ssub.s32 s21, s22  }
0x61: {  	s21 =	sshll.u32 s21, $0x7  }
0x62: {  	s21 =	sand.u32 $0x1FFFFF80, s21  }
0x63: {  	s21 =	sadd.s32 s3, s21  }
0x64: {  	[tilespmem:s12], [sflag:$0x3] =	stream.strided.gather [hbm4b:s21+s6], $0x2000, s9, s6, $0x38;
	[tilespmem:$0xD900] =	vst v63  }
0x65: {  	v8 =	vld [tilespmem:$0x1080];
	_ =	sdelay $0x4  }
0x66: {  	v8 =	vsel vm1, $0x0, v8  }
0x67: {  	(xrf0) =	vadd.scan.msk.s32 $0xffff, v8;
	_ =	sdelay $0x5  }
0x68: {  	v8, _, _ =	vpop (xrf0)  }
0x69: {  	(v2sf) =	vpush v8, $0xF;
	_ =	sdelay $0xe  }
0x6a: {  	s29 =	spop (v2sf)  }
0x6b: {  	s30 =	sand.u32 $0x7F, s29  }
0x6c: {  	s31 =	sshra.s32 s29, $0x1F;
	p5 =	slt.s32 s29, $0x1;
	p6 =	sne.s32 s30, $0x0  }
0x6d: {  	s23 =	sshrl.u32 s31, $0x19;
	p1 =	por !p5, !p6  }
0x6e: {  	s22 =	simm.s32 $0x1;
	s21 =	sadd.s32 s23, s29;
	p1 =	por !p1, !p1  }
0x6f: {  	s21 =	sshrl.u32 s21, $0x7;
	s22 =	simm.s32 @!p1 $0x0  }
0x70: {  	s21 =	ssub.s32 s21, s22  }
0x71: {  	s21 =	sshll.u32 s21, $0x7  }
0x72: {  	s21 =	sand.u32 $0x1FFFFF80, s21  }
0x73: {  	s21 =	sadd.s32 s3, s21  }
0x74: {  	[tilespmem:s13], [sflag:$0x4] =	stream.strided.gather [hbm4b:s21+s6], $0x2000, s9, s6, $0x38;
	[tilespmem:$0xD900] =	vst v63  }
0x75: {  	v8 =	vld [tilespmem:$0x1000];
	_ =	sdelay $0x4  }
0x76: {  	v8 =	vsel vm2, $0x0, v8  }
0x77: {  	(xrf0) =	vadd.scan.msk.s32 $0xffff, v8;
	_ =	sdelay $0x5  }
0x78: {  	v8, _, _ =	vpop (xrf0)  }
0x79: {  	(v2sf) =	vpush v8, $0xF;
	_ =	sdelay $0xe  }
0x7a: {  	s24 =	spop (v2sf)  }
0x7b: {  	s25 =	sand.u32 $0x7F, s24  }
0x7c: {  	s26 =	sshra.s32 s24, $0x1F;
	p3 =	slt.s32 s24, $0x1;
	p4 =	sne.s32 s25, $0x0  }
0x7d: {  	s28 =	sshrl.u32 s26, $0x19;
	p1 =	por !p3, !p4  }
0x7e: {  	s22 =	simm.s32 $0x1;
	s21 =	sadd.s32 s28, s24;
	p1 =	por !p1, !p1  }
0x7f: {  	s21 =	sshrl.u32 s21, $0x7;
	s22 =	simm.s32 @!p1 $0x0  }
0x80: {  	s21 =	ssub.s32 s21, s22  }
0x81: {  	s21 =	sshll.u32 s21, $0x7  }
0x82: {  	s21 =	sand.u32 $0x1FFFFF80, s21  }
0x83: {  	s21 =	sadd.s32 s3, s21  }
0x84: {  	[tilespmem:s14], [sflag:$0x5] =	stream.strided.gather [hbm4b:s21+s6], $0x2000, s9, s6, $0x38;
	[tilespmem:$0xD900] =	vst v63  }
0x85: {  	v8 =	vld [tilespmem:$0x1080];
	_ =	sdelay $0x4  }
0x86: {  	v8 =	vsel vm2, $0x0, v8  }
0x87: {  	(xrf0) =	vadd.scan.msk.s32 $0xffff, v8;
	_ =	sdelay $0x5  }
0x88: {  	v8, _, _ =	vpop (xrf0)  }
0x89: {  	(v2sf) =	vpush v8, $0xF;
	_ =	sdelay $0xe  }
0x8a: {  	s29 =	spop (v2sf)  }
0x8b: {  	s30 =	sand.u32 $0x7F, s29  }
0x8c: {  	s31 =	sshra.s32 s29, $0x1F;
	p5 =	slt.s32 s29, $0x1;
	p6 =	sne.s32 s30, $0x0  }
0x8d: {  	s23 =	sshrl.u32 s31, $0x19;
	p1 =	por !p5, !p6  }
0x8e: {  	s22 =	simm.s32 $0x1;
	s21 =	sadd.s32 s23, s29;
	p1 =	por !p1, !p1  }
0x8f: {  	s21 =	sshrl.u32 s21, $0x7;
	s22 =	simm.s32 @!p1 $0x0  }
0x90: {  	s21 =	ssub.s32 s21, s22  }
0x91: {  	s21 =	sshll.u32 s21, $0x7  }
0x92: {  	s21 =	sand.u32 $0x1FFFFF80, s21  }
0x93: {  	s21 =	sadd.s32 s3, s21  }
0x94: {  	[tilespmem:s15], [sflag:$0x6] =	stream.strided.gather [hbm4b:s21+s6], $0x2000, s9, s6, $0x38;
	[tilespmem:$0xD900] =	vst v63  }
0x95: {  	v8 =	vld [tilespmem:$0x1000]  }
0x96: {  	v46 =	vld [tilespmem:$0x1080];
	_ =	sdelay $0x3  }
0x97: {  	v8 =	vnsel vm0, $0x0, v8  }
0x98: {  	(xrf0) =	vadd.scan.msk.s32 $0xffff, v8;
	v8 =	vnsel vm0, $0x0, v46  }
0x99: {  	(xrf0) =	vadd.scan.msk.s32 $0xffff, v8;
	_ =	sdelay $0x4  }
0x9a: {  	v8, _, _ =	vpop (xrf0)  }
0x9b: {  	(v2sf) =	vpush v8, $0xF;
	v8, _, _ =	vpop (xrf0)  }
0x9c: {  	(v2sf) =	vpush v8, $0xF;
	_ =	sdelay $0xd  }
0x9d: {  	s24 =	spop (v2sf)  }
0x9e: {  	s25 =	spop (v2sf)  }
0x9f: {  	_ =	swait.ge [sflag:s8], $0x2000  }
0xa0: {  	[sflag:s8] =	ssyncset.done $0x0  }
0xa1: {  	s21 =	sand.u32 $0x7F, s24;
	[sflag:s8] =	ssyncadd.s32 $0xFFFFE000  }
0xa2: {  	s22 =	sand.u32 $0x7F, s25;
	v8 =	vor.u32 s21, v3;
	_ =	swait.ge [sflag:s16], $0x2000  }
0xa3: {  	v47 =	vor.u32 s22, v3;
	[sflag:s16] =	ssyncset.done $0x0  }
0xa4: {  	[sflag:s16] =	ssyncadd.s32 $0xFFFFE000  }
0xa5: {  	v10 =	vld [tilespmem:$0x1000];
	_ =	sdelay $0x1  }
0xa6: {  	v8 =	vld.idx.msk [tilespmem:v8+s10+$0x0], $0xffff  }
0xa7: {  	v9 =	vld.idx.msk [tilespmem:v47+s11+$0x0], $0xffff;
	_ =	sdelay $0x1  }
0xa8: {  	v10 =	vsel vm3, $0x0, v10  }
0xa9: {  	v11 =	vor.u32 s21, v5;
	(xrf0) =	vadd.scan.msk.s32 $0xffff, v10  }
0xaa: {  	v48 =	vor.u32 s22, v5  }
0xab: {  	v8 =	vmul.f32 v9, v8;
	_ =	sdelay $0x1  }
0xac: {  	[tilespmem:$0xD100] =	vst v8  }
0xad: {  	v8 =	vld.idx.msk [tilespmem:v11+s10+$0x0], $0xffff  }
0xae: {  	v49 =	vld.idx.msk [tilespmem:v48+s11+$0x0], $0xffff;
	v50, _, _ =	vpop (xrf0)  }
0xaf: {  	(v2sf) =	vpush v50, $0xF;
	_ =	sdelay $0x1  }
0xb0: {  	v51 =	vor.u32 s21, v6  }
0xb1: {  	v52 =	vor.u32 s22, v6  }
0xb2: {  	v8 =	vmul.f32 v49, v8;
	_ =	sdelay $0x1  }
0xb3: {  	[tilespmem:$0xD110] =	vst v8  }
0xb4: {  	v8 =	vld.idx.msk [tilespmem:v51+s10+$0x0], $0xffff  }
0xb5: {  	v53 =	vld.idx.msk [tilespmem:v52+s11+$0x0], $0xffff;
	_ =	sdelay $0x2  }
0xb6: {  	v54 =	vor.u32 s21, v7  }
0xb7: {  	v55 =	vor.u32 s22, v7  }
0xb8: {  	v8 =	vmul.f32 v53, v8;
	_ =	sdelay $0x1  }
0xb9: {  	[tilespmem:$0xD120] =	vst v8;
	s26 =	spop (v2sf)  }
0xba: {  	v8 =	vld.idx.msk [tilespmem:v54+s10+$0x0], $0xffff;
	s28 =	sand.u32 $0x7F, s26  }
0xbb: {  	v56 =	vld.idx.msk [tilespmem:v55+s11+$0x0], $0xffff;
	s29 =	sshra.s32 s26, $0x1F;
	p3 =	slt.s32 s26, $0x1;
	p4 =	sne.s32 s28, $0x0  }
0xbc: {  	s30 =	sshrl.u32 s29, $0x19;
	p1 =	por !p3, !p4  }
0xbd: {  	s22 =	simm.s32 $0x1;
	s21 =	sadd.s32 s30, s26;
	p1 =	por !p1, !p1  }
0xbe: {  	s21 =	sshrl.u32 s21, $0x7;
	s22 =	simm.s32 @!p1 $0x0  }
0xbf: {  	s21 =	ssub.s32 s21, s22  }
0xc0: {  	v8 =	vmul.f32 v56, v8;
	s21 =	sshll.u32 s21, $0x7  }
0xc1: {  	s21 =	sand.u32 $0x1FFFFF80, s21  }
0xc2: {  	[tilespmem:$0xD130] =	vst v8;
	s21 =	sadd.s32 s3, s21  }
0xc3: {  	[tilespmem:s10], [sflag:$0x1] =	stream.strided.gather [hbm4b:s21+s6], $0x2000, s9, s6, $0x38;
	[tilespmem:$0xD900] =	vst v63  }
0xc4: {  	v8 =	vld [tilespmem:$0x1080];
	_ =	sdelay $0x4  }
0xc5: {  	v8 =	vsel vm3, $0x0, v8  }
0xc6: {  	(xrf0) =	vadd.scan.msk.s32 $0xffff, v8;
	_ =	sdelay $0x5  }
0xc7: {  	v8, _, _ =	vpop (xrf0)  }
0xc8: {  	(v2sf) =	vpush v8, $0xF;
	_ =	sdelay $0xe  }
0xc9: {  	s31 =	spop (v2sf)  }
0xca: {  	s23 =	sand.u32 $0x7F, s31  }
0xcb: {  	s24 =	sshra.s32 s31, $0x1F;
	p5 =	slt.s32 s31, $0x1;
	p6 =	sne.s32 s23, $0x0  }
0xcc: {  	s25 =	sshrl.u32 s24, $0x19;
	p1 =	por !p5, !p6  }
0xcd: {  	s22 =	simm.s32 $0x1;
	s21 =	sadd.s32 s25, s31;
	p1 =	por !p1, !p1  }
0xce: {  	s21 =	sshrl.u32 s21, $0x7;
	s22 =	simm.s32 @!p1 $0x0  }
0xcf: {  	s21 =	ssub.s32 s21, s22  }
0xd0: {  	s21 =	sshll.u32 s21, $0x7  }
0xd1: {  	s21 =	sand.u32 $0x1FFFFF80, s21  }
0xd2: {  	s21 =	sadd.s32 s3, s21  }
0xd3: {  	[tilespmem:s11], [sflag:$0x2] =	stream.strided.gather [hbm4b:s21+s6], $0x2000, s9, s6, $0x38;
	[tilespmem:$0xD900] =	vst v63  }
0xd4: {  	v8 =	vld [tilespmem:$0x1000]  }
0xd5: {  	v57 =	vld [tilespmem:$0x1080];
	_ =	sdelay $0x3  }
0xd6: {  	v8 =	vsel vm1, $0x0, v8  }
0xd7: {  	(xrf0) =	vadd.scan.msk.s32 $0xffff, v8;
	v8 =	vsel vm1, $0x0, v57  }
0xd8: {  	(xrf0) =	vadd.scan.msk.s32 $0xffff, v8;
	_ =	sdelay $0x4  }
0xd9: {  	v8, _, _ =	vpop (xrf0)  }
0xda: {  	(v2sf) =	vpush v8, $0xF;
	v8, _, _ =	vpop (xrf0)  }
0xdb: {  	(v2sf) =	vpush v8, $0xF;
	_ =	sdelay $0xd  }
0xdc: {  	s26 =	spop (v2sf)  }
0xdd: {  	s28 =	spop (v2sf)  }
0xde: {  	_ =	swait.ge [sflag:s17], $0x2000  }
0xdf: {  	[sflag:s17] =	ssyncset.done $0x0  }
0xe0: {  	s21 =	sand.u32 $0x7F, s26;
	[sflag:s17] =	ssyncadd.s32 $0xFFFFE000  }
0xe1: {  	s22 =	sand.u32 $0x7F, s28;
	v8 =	vor.u32 s21, v3;
	_ =	swait.ge [sflag:s18], $0x2000  }
0xe2: {  	v58 =	vor.u32 s22, v3;
	[sflag:s18] =	ssyncset.done $0x0  }
0xe3: {  	[sflag:s18] =	ssyncadd.s32 $0xFFFFE000  }
0xe4: {  	v59 =	vld [tilespmem:$0x1000];
	_ =	sdelay $0x1  }
0xe5: {  	v8 =	vld.idx.msk [tilespmem:v8+s12+$0x0], $0xffff  }
0xe6: {  	v9 =	vld.idx.msk [tilespmem:v58+s13+$0x0], $0xffff;
	_ =	sdelay $0x1  }
0xe7: {  	v10 =	vsel vm4, $0x0, v59  }
0xe8: {  	v60 =	vor.u32 s21, v5;
	(xrf0) =	vadd.scan.msk.s32 $0xffff, v10  }
0xe9: {  	v61 =	vor.u32 s22, v5  }
0xea: {  	v8 =	vmul.f32 v9, v8;
	_ =	sdelay $0x1  }
0xeb: {  	[tilespmem:$0xD180] =	vst v8  }
0xec: {  	v8 =	vld.idx.msk [tilespmem:v60+s12+$0x0], $0xffff  }
0xed: {  	v62 =	vld.idx.msk [tilespmem:v61+s13+$0x0], $0xffff;
	v63, _, _ =	vpop (xrf0)  }
0xee: {  	(v2sf) =	vpush v63, $0xF;
	_ =	sdelay $0x1  }
0xef: {  	v12 =	vor.u32 s21, v6  }
0xf0: {  	v13 =	vor.u32 s22, v6  }
0xf1: {  	v8 =	vmul.f32 v62, v8;
	_ =	sdelay $0x1  }
0xf2: {  	[tilespmem:$0xD190] =	vst v8  }
0xf3: {  	v8 =	vld.idx.msk [tilespmem:v12+s12+$0x0], $0xffff  }
0xf4: {  	v14 =	vld.idx.msk [tilespmem:v13+s13+$0x0], $0xffff;
	_ =	sdelay $0x2  }
0xf5: {  	v15 =	vor.u32 s21, v7  }
0xf6: {  	v16 =	vor.u32 s22, v7  }
0xf7: {  	v8 =	vmul.f32 v14, v8;
	_ =	sdelay $0x1  }
0xf8: {  	[tilespmem:$0xD1A0] =	vst v8;
	s29 =	spop (v2sf)  }
0xf9: {  	v8 =	vld.idx.msk [tilespmem:v15+s12+$0x0], $0xffff;
	s30 =	sand.u32 $0x7F, s29  }
0xfa: {  	v17 =	vld.idx.msk [tilespmem:v16+s13+$0x0], $0xffff;
	s31 =	sshra.s32 s29, $0x1F;
	p3 =	slt.s32 s29, $0x1;
	p4 =	sne.s32 s30, $0x0  }
0xfb: {  	s23 =	sshrl.u32 s31, $0x19;
	p1 =	por !p3, !p4  }
0xfc: {  	s22 =	simm.s32 $0x1;
	s21 =	sadd.s32 s23, s29;
	p1 =	por !p1, !p1  }
0xfd: {  	s21 =	sshrl.u32 s21, $0x7;
	s22 =	simm.s32 @!p1 $0x0  }
0xfe: {  	s21 =	ssub.s32 s21, s22  }
0xff: {  	v8 =	vmul.f32 v17, v8;
	s21 =	sshll.u32 s21, $0x7  }
0x100: {  	s21 =	sand.u32 $0x1FFFFF80, s21  }
0x101: {  	[tilespmem:$0xD1B0] =	vst v8;
	s21 =	sadd.s32 s3, s21  }
0x102: {  	[tilespmem:s12], [sflag:$0x3] =	stream.strided.gather [hbm4b:s21+s6], $0x2000, s9, s6, $0x38;
	[tilespmem:$0xD900] =	vst v63  }
0x103: {  	v8 =	vld [tilespmem:$0x1080];
	_ =	sdelay $0x4  }
0x104: {  	v8 =	vsel vm4, $0x0, v8  }
0x105: {  	(xrf0) =	vadd.scan.msk.s32 $0xffff, v8;
	_ =	sdelay $0x5  }
0x106: {  	v8, _, _ =	vpop (xrf0)  }
0x107: {  	(v2sf) =	vpush v8, $0xF;
	_ =	sdelay $0xe  }
0x108: {  	s24 =	spop (v2sf)  }
0x109: {  	s25 =	sand.u32 $0x7F, s24  }
0x10a: {  	s26 =	sshra.s32 s24, $0x1F;
	p5 =	slt.s32 s24, $0x1;
	p6 =	sne.s32 s25, $0x0  }
0x10b: {  	s28 =	sshrl.u32 s26, $0x19;
	p1 =	por !p5, !p6  }
0x10c: {  	s22 =	simm.s32 $0x1;
	s21 =	sadd.s32 s28, s24;
	p1 =	por !p1, !p1  }
0x10d: {  	s21 =	sshrl.u32 s21, $0x7;
	s22 =	simm.s32 @!p1 $0x0  }
0x10e: {  	s21 =	ssub.s32 s21, s22  }
0x10f: {  	s21 =	sshll.u32 s21, $0x7  }
0x110: {  	s21 =	sand.u32 $0x1FFFFF80, s21  }
0x111: {  	s21 =	sadd.s32 s3, s21  }
0x112: {  	[tilespmem:s13], [sflag:$0x4] =	stream.strided.gather [hbm4b:s21+s6], $0x2000, s9, s6, $0x38;
	[tilespmem:$0xD900] =	vst v63  }
0x113: {  	v8 =	vld [tilespmem:$0x1000]  }
0x114: {  	v18 =	vld [tilespmem:$0x1080];
	_ =	sdelay $0x3  }
0x115: {  	v8 =	vsel vm2, $0x0, v8  }
0x116: {  	(xrf0) =	vadd.scan.msk.s32 $0xffff, v8;
	v8 =	vsel vm2, $0x0, v18  }
0x117: {  	(xrf0) =	vadd.scan.msk.s32 $0xffff, v8;
	_ =	sdelay $0x4  }
0x118: {  	v8, _, _ =	vpop (xrf0)  }
0x119: {  	(v2sf) =	vpush v8, $0xF;
	v8, _, _ =	vpop (xrf0)  }
0x11a: {  	(v2sf) =	vpush v8, $0xF;
	_ =	sdelay $0xd  }
0x11b: {  	s29 =	spop (v2sf)  }
0x11c: {  	s30 =	spop (v2sf)  }
0x11d: {  	_ =	swait.ge [sflag:s19], $0x2000  }
0x11e: {  	[sflag:s19] =	ssyncset.done $0x0  }
0x11f: {  	s21 =	sand.u32 $0x7F, s29;
	[sflag:s19] =	ssyncadd.s32 $0xFFFFE000  }
0x120: {  	s22 =	sand.u32 $0x7F, s30;
	v8 =	vor.u32 s21, v3;
	_ =	swait.ge [sflag:s20], $0x2000  }
0x121: {  	v19 =	vor.u32 s22, v3;
	[sflag:s20] =	ssyncset.done $0x0  }
0x122: {  	[sflag:s20] =	ssyncadd.s32 $0xFFFFE000  }
0x123: {  	v20 =	vld [tilespmem:$0x1000];
	_ =	sdelay $0x1  }
0x124: {  	v8 =	vld.idx.msk [tilespmem:v8+s14+$0x0], $0xffff  }
0x125: {  	v9 =	vld.idx.msk [tilespmem:v19+s15+$0x0], $0xffff;
	_ =	sdelay $0x1  }
0x126: {  	v10 =	vsel vm5, $0x0, v20  }
0x127: {  	v21 =	vor.u32 s21, v5;
	(xrf0) =	vadd.scan.msk.s32 $0xffff, v10  }
0x128: {  	v22 =	vor.u32 s22, v5  }
0x129: {  	v8 =	vmul.f32 v9, v8;
	_ =	sdelay $0x1  }
0x12a: {  	[tilespmem:$0xD200] =	vst v8  }
0x12b: {  	v8 =	vld.idx.msk [tilespmem:v21+s14+$0x0], $0xffff  }
0x12c: {  	v23 =	vld.idx.msk [tilespmem:v22+s15+$0x0], $0xffff;
	v24, _, _ =	vpop (xrf0)  }
0x12d: {  	(v2sf) =	vpush v24, $0xF;
	_ =	sdelay $0x1  }
0x12e: {  	v25 =	vor.u32 s21, v6  }
0x12f: {  	v26 =	vor.u32 s22, v6  }
0x130: {  	v8 =	vmul.f32 v23, v8;
	_ =	sdelay $0x1  }
0x131: {  	[tilespmem:$0xD210] =	vst v8  }
0x132: {  	v8 =	vld.idx.msk [tilespmem:v25+s14+$0x0], $0xffff  }
0x133: {  	v27 =	vld.idx.msk [tilespmem:v26+s15+$0x0], $0xffff;
	_ =	sdelay $0x2  }
0x134: {  	v28 =	vor.u32 s21, v7  }
0x135: {  	v29 =	vor.u32 s22, v7  }
0x136: {  	v8 =	vmul.f32 v27, v8;
	_ =	sdelay $0x1  }
0x137: {  	[tilespmem:$0xD220] =	vst v8;
	s31 =	spop (v2sf)  }
0x138: {  	v8 =	vld.idx.msk [tilespmem:v28+s14+$0x0], $0xffff;
	s24 =	sand.u32 $0x7F, s31  }
0x139: {  	v30 =	vld.idx.msk [tilespmem:v29+s15+$0x0], $0xffff;
	s25 =	sshra.s32 s31, $0x1F;
	p3 =	slt.s32 s31, $0x1;
	p4 =	sne.s32 s24, $0x0  }
0x13a: {  	s26 =	sshrl.u32 s25, $0x19;
	p1 =	por !p3, !p4  }
0x13b: {  	s22 =	simm.s32 $0x1;
	s21 =	sadd.s32 s26, s31;
	p1 =	por !p1, !p1  }
0x13c: {  	s21 =	sshrl.u32 s21, $0x7;
	s22 =	simm.s32 @!p1 $0x0  }
0x13d: {  	s21 =	ssub.s32 s21, s22  }
0x13e: {  	v8 =	vmul.f32 v30, v8;
	s21 =	sshll.u32 s21, $0x7  }
0x13f: {  	s21 =	sand.u32 $0x1FFFFF80, s21  }
0x140: {  	[tilespmem:$0xD230] =	vst v8;
	s21 =	sadd.s32 s3, s21  }
0x141: {  	[tilespmem:s14], [sflag:$0x5] =	stream.strided.gather [hbm4b:s21+s6], $0x2000, s9, s6, $0x38;
	[tilespmem:$0xD900] =	vst v63  }
0x142: {  	v8 =	vld [tilespmem:$0x1080];
	_ =	sdelay $0x4  }
0x143: {  	v8 =	vsel vm5, $0x0, v8  }
0x144: {  	(xrf0) =	vadd.scan.msk.s32 $0xffff, v8;
	_ =	sdelay $0x5  }
0x145: {  	v8, _, _ =	vpop (xrf0)  }
0x146: {  	(v2sf) =	vpush v8, $0xF;
	_ =	sdelay $0xe  }
0x147: {  	s28 =	spop (v2sf)  }
0x148: {  	s29 =	sand.u32 $0x7F, s28  }
0x149: {  	s30 =	sshra.s32 s28, $0x1F;
	p5 =	slt.s32 s28, $0x1;
	p6 =	sne.s32 s29, $0x0  }
0x14a: {  	s31 =	sshrl.u32 s30, $0x19;
	p1 =	por !p5, !p6  }
0x14b: {  	s22 =	simm.s32 $0x1;
	s21 =	sadd.s32 s31, s28;
	p1 =	por !p1, !p1  }
0x14c: {  	s21 =	sshrl.u32 s21, $0x7;
	s22 =	simm.s32 @!p1 $0x0  }
0x14d: {  	s21 =	ssub.s32 s21, s22  }
0x14e: {  	s21 =	sshll.u32 s21, $0x7  }
0x14f: {  	s21 =	sand.u32 $0x1FFFFF80, s21  }
0x150: {  	s21 =	sadd.s32 s3, s21  }
0x151: {  	[tilespmem:s15], [sflag:$0x6] =	stream.strided.gather [hbm4b:s21+s6], $0x2000, s9, s6, $0x38;
	[tilespmem:$0xD900] =	vst v63  }
0x152: {  	v8 =	vld [tilespmem:$0x1000]  }
0x153: {  	v31 =	vld [tilespmem:$0x1080];
	_ =	sdelay $0x3  }
0x154: {  	v8 =	vsel vm3, $0x0, v8  }
0x155: {  	(xrf0) =	vadd.scan.msk.s32 $0xffff, v8;
	v8 =	vsel vm3, $0x0, v31  }
0x156: {  	(xrf0) =	vadd.scan.msk.s32 $0xffff, v8;
	_ =	sdelay $0x4  }
0x157: {  	v8, _, _ =	vpop (xrf0)  }
0x158: {  	(v2sf) =	vpush v8, $0xF;
	v8, _, _ =	vpop (xrf0)  }
0x159: {  	(v2sf) =	vpush v8, $0xF;
	_ =	sdelay $0xd  }
0x15a: {  	s22 =	spop (v2sf)  }
0x15b: {  	s23 =	spop (v2sf)  }
0x15c: {  	_ =	swait.ge [sflag:s8], $0x2000  }
0x15d: {  	[sflag:s8] =	ssyncset.done $0x0  }
0x15e: {  	s21 =	sand.u32 $0x7F, s22;
	[sflag:s8] =	ssyncadd.s32 $0xFFFFE000  }
0x15f: {  	s22 =	sand.u32 $0x7F, s23;
	v8 =	vor.u32 s21, v3;
	_ =	swait.ge [sflag:s16], $0x2000  }
0x160: {  	v32 =	vor.u32 s22, v3;
	[sflag:s16] =	ssyncset.done $0x0  }
0x161: {  	[sflag:s16] =	ssyncadd.s32 $0xFFFFE000  }
0x162: {  	v33 =	vld [tilespmem:$0x1000];
	_ =	sdelay $0x1  }
0x163: {  	v8 =	vld.idx.msk [tilespmem:v8+s10+$0x0], $0xffff  }
0x164: {  	v9 =	vld.idx.msk [tilespmem:v32+s11+$0x0], $0xffff;
	_ =	sdelay $0x1  }
0x165: {  	v10 =	vsel vm6, $0x0, v33  }
0x166: {  	v34 =	vor.u32 s21, v5;
	(xrf0) =	vadd.scan.msk.s32 $0xffff, v10  }
0x167: {  	v35 =	vor.u32 s22, v5  }
0x168: {  	v8 =	vmul.f32 v9, v8;
	_ =	sdelay $0x1  }
0x169: {  	[tilespmem:$0xD280] =	vst v8  }
0x16a: {  	v8 =	vld.idx.msk [tilespmem:v34+s10+$0x0], $0xffff  }
0x16b: {  	v36 =	vld.idx.msk [tilespmem:v35+s11+$0x0], $0xffff;
	v37, _, _ =	vpop (xrf0)  }
0x16c: {  	(v2sf) =	vpush v37, $0xF;
	_ =	sdelay $0x1  }
0x16d: {  	v38 =	vor.u32 s21, v6  }
0x16e: {  	v39 =	vor.u32 s22, v6  }
0x16f: {  	v8 =	vmul.f32 v36, v8;
	_ =	sdelay $0x1  }
0x170: {  	[tilespmem:$0xD290] =	vst v8  }
0x171: {  	v8 =	vld.idx.msk [tilespmem:v38+s10+$0x0], $0xffff  }
0x172: {  	v40 =	vld.idx.msk [tilespmem:v39+s11+$0x0], $0xffff;
	_ =	sdelay $0x2  }
0x173: {  	v41 =	vor.u32 s21, v7  }
0x174: {  	v42 =	vor.u32 s22, v7  }
0x175: {  	v8 =	vmul.f32 v40, v8;
	_ =	sdelay $0x1  }
0x176: {  	[tilespmem:$0xD2A0] =	vst v8;
	s24 =	spop (v2sf)  }
0x177: {  	v8 =	vld.idx.msk [tilespmem:v41+s10+$0x0], $0xffff;
	s25 =	sand.u32 $0x7F, s24  }
0x178: {  	v43 =	vld.idx.msk [tilespmem:v42+s11+$0x0], $0xffff;
	s26 =	sshra.s32 s24, $0x1F;
	p3 =	slt.s32 s24, $0x1;
	p4 =	sne.s32 s25, $0x0  }
0x179: {  	s28 =	sshrl.u32 s26, $0x19;
	p1 =	por !p3, !p4  }
0x17a: {  	s22 =	simm.s32 $0x1;
	s21 =	sadd.s32 s28, s24;
	p1 =	por !p1, !p1  }
0x17b: {  	s21 =	sshrl.u32 s21, $0x7;
	s22 =	simm.s32 @!p1 $0x0  }
0x17c: {  	s21 =	ssub.s32 s21, s22  }
0x17d: {  	v8 =	vmul.f32 v43, v8;
	s21 =	sshll.u32 s21, $0x7  }
0x17e: {  	s21 =	sand.u32 $0x1FFFFF80, s21  }
0x17f: {  	[tilespmem:$0xD2B0] =	vst v8;
	s21 =	sadd.s32 s3, s21  }
0x180: {  	[tilespmem:s10], [sflag:$0x1] =	stream.strided.gather [hbm4b:s21+s6], $0x2000, s9, s6, $0x38;
	[tilespmem:$0xD900] =	vst v63  }
0x181: {  	v8 =	vld [tilespmem:$0x1080];
	_ =	sdelay $0x4  }
0x182: {  	v8 =	vsel vm6, $0x0, v8  }
0x183: {  	(xrf0) =	vadd.scan.msk.s32 $0xffff, v8;
	_ =	sdelay $0x5  }
0x184: {  	v8, _, _ =	vpop (xrf0)  }
0x185: {  	(v2sf) =	vpush v8, $0xF;
	_ =	sdelay $0xe  }
0x186: {  	s29 =	spop (v2sf)  }
0x187: {  	s30 =	sand.u32 $0x7F, s29  }
0x188: {  	s31 =	sshra.s32 s29, $0x1F;
	p5 =	slt.s32 s29, $0x1;
	p6 =	sne.s32 s30, $0x0  }
0x189: {  	s23 =	sshrl.u32 s31, $0x19;
	p1 =	por !p5, !p6  }
0x18a: {  	s22 =	simm.s32 $0x1;
	s21 =	sadd.s32 s23, s29;
	p1 =	por !p1, !p1  }
0x18b: {  	s21 =	sshrl.u32 s21, $0x7;
	s22 =	simm.s32 @!p1 $0x0  }
0x18c: {  	s21 =	ssub.s32 s21, s22  }
0x18d: {  	s21 =	sshll.u32 s21, $0x7  }
0x18e: {  	s21 =	sand.u32 $0x1FFFFF80, s21  }
0x18f: {  	s21 =	sadd.s32 s3, s21  }
0x190: {  	[tilespmem:s11], [sflag:$0x2] =	stream.strided.gather [hbm4b:s21+s6], $0x2000, s9, s6, $0x38;
	[tilespmem:$0xD900] =	vst v63  }
0x191: {  	v8 =	vld [tilespmem:$0x1000]  }
0x192: {  	v44 =	vld [tilespmem:$0x1080];
	_ =	sdelay $0x3  }
0x193: {  	v8 =	vsel vm4, $0x0, v8  }
0x194: {  	(xrf0) =	vadd.scan.msk.s32 $0xffff, v8;
	v8 =	vsel vm4, $0x0, v44  }
0x195: {  	(xrf0) =	vadd.scan.msk.s32 $0xffff, v8;
	_ =	sdelay $0x4  }
0x196: {  	v8, _, _ =	vpop (xrf0)  }
0x197: {  	(v2sf) =	vpush v8, $0xF;
	v8, _, _ =	vpop (xrf0)  }
0x198: {  	(v2sf) =	vpush v8, $0xF;
	_ =	sdelay $0xd  }
0x199: {  	s24 =	spop (v2sf)  }
0x19a: {  	s25 =	spop (v2sf)  }
0x19b: {  	_ =	swait.ge [sflag:s17], $0x2000  }
0x19c: {  	[sflag:s17] =	ssyncset.done $0x0  }
0x19d: {  	s21 =	sand.u32 $0x7F, s24;
	[sflag:s17] =	ssyncadd.s32 $0xFFFFE000  }
0x19e: {  	s22 =	sand.u32 $0x7F, s25;
	v8 =	vor.u32 s21, v3;
	_ =	swait.ge [sflag:s18], $0x2000  }
0x19f: {  	v45 =	vor.u32 s22, v3;
	[sflag:s18] =	ssyncset.done $0x0  }
0x1a0: {  	[sflag:s18] =	ssyncadd.s32 $0xFFFFE000  }
0x1a1: {  	v46 =	vld [tilespmem:$0x1000];
	_ =	sdelay $0x1  }
0x1a2: {  	v8 =	vld.idx.msk [tilespmem:v8+s12+$0x0], $0xffff  }
0x1a3: {  	v9 =	vld.idx.msk [tilespmem:v45+s13+$0x0], $0xffff;
	_ =	sdelay $0x1  }
0x1a4: {  	v10 =	vsel vm7, $0x0, v46  }
0x1a5: {  	v47 =	vor.u32 s21, v5;
	(xrf0) =	vadd.scan.msk.s32 $0xffff, v10  }
0x1a6: {  	v48 =	vor.u32 s22, v5  }
0x1a7: {  	v8 =	vmul.f32 v9, v8;
	_ =	sdelay $0x1  }
0x1a8: {  	[tilespmem:$0xD300] =	vst v8  }
0x1a9: {  	v8 =	vld.idx.msk [tilespmem:v47+s12+$0x0], $0xffff  }
0x1aa: {  	v49 =	vld.idx.msk [tilespmem:v48+s13+$0x0], $0xffff;
	v50, _, _ =	vpop (xrf0)  }
0x1ab: {  	(v2sf) =	vpush v50, $0xF;
	_ =	sdelay $0x1  }
0x1ac: {  	v51 =	vor.u32 s21, v6  }
0x1ad: {  	v52 =	vor.u32 s22, v6  }
0x1ae: {  	v8 =	vmul.f32 v49, v8;
	_ =	sdelay $0x1  }
0x1af: {  	[tilespmem:$0xD310] =	vst v8  }
0x1b0: {  	v8 =	vld.idx.msk [tilespmem:v51+s12+$0x0], $0xffff  }
0x1b1: {  	v53 =	vld.idx.msk [tilespmem:v52+s13+$0x0], $0xffff;
	_ =	sdelay $0x2  }
0x1b2: {  	v54 =	vor.u32 s21, v7  }
0x1b3: {  	v55 =	vor.u32 s22, v7  }
0x1b4: {  	v8 =	vmul.f32 v53, v8;
	_ =	sdelay $0x1  }
0x1b5: {  	[tilespmem:$0xD320] =	vst v8;
	s26 =	spop (v2sf)  }
0x1b6: {  	v8 =	vld.idx.msk [tilespmem:v54+s12+$0x0], $0xffff;
	s28 =	sand.u32 $0x7F, s26  }
0x1b7: {  	v56 =	vld.idx.msk [tilespmem:v55+s13+$0x0], $0xffff;
	s29 =	sshra.s32 s26, $0x1F;
	p3 =	slt.s32 s26, $0x1;
	p4 =	sne.s32 s28, $0x0  }
0x1b8: {  	s30 =	sshrl.u32 s29, $0x19;
	p1 =	por !p3, !p4  }
0x1b9: {  	s22 =	simm.s32 $0x1;
	s21 =	sadd.s32 s30, s26;
	p1 =	por !p1, !p1  }
0x1ba: {  	s21 =	sshrl.u32 s21, $0x7;
	s22 =	simm.s32 @!p1 $0x0  }
0x1bb: {  	s21 =	ssub.s32 s21, s22  }
0x1bc: {  	v8 =	vmul.f32 v56, v8;
	s21 =	sshll.u32 s21, $0x7  }
0x1bd: {  	s21 =	sand.u32 $0x1FFFFF80, s21  }
0x1be: {  	[tilespmem:$0xD330] =	vst v8;
	s21 =	sadd.s32 s3, s21  }
0x1bf: {  	[tilespmem:s12], [sflag:$0x3] =	stream.strided.gather [hbm4b:s21+s6], $0x2000, s9, s6, $0x38;
	[tilespmem:$0xD900] =	vst v63  }
0x1c0: {  	v8 =	vld [tilespmem:$0x1080];
	_ =	sdelay $0x4  }
0x1c1: {  	v8 =	vsel vm7, $0x0, v8  }
0x1c2: {  	(xrf0) =	vadd.scan.msk.s32 $0xffff, v8;
	_ =	sdelay $0x5  }
0x1c3: {  	v8, _, _ =	vpop (xrf0)  }
0x1c4: {  	(v2sf) =	vpush v8, $0xF;
	_ =	sdelay $0xe  }
0x1c5: {  	s31 =	spop (v2sf)  }
0x1c6: {  	s23 =	sand.u32 $0x7F, s31  }
0x1c7: {  	s24 =	sshra.s32 s31, $0x1F;
	p5 =	slt.s32 s31, $0x1;
	p6 =	sne.s32 s23, $0x0  }
0x1c8: {  	s25 =	sshrl.u32 s24, $0x19;
	p1 =	por !p5, !p6  }
0x1c9: {  	s22 =	simm.s32 $0x1;
	s21 =	sadd.s32 s25, s31;
	p1 =	por !p1, !p1  }
0x1ca: {  	s21 =	sshrl.u32 s21, $0x7;
	s22 =	simm.s32 @!p1 $0x0  }
0x1cb: {  	s21 =	ssub.s32 s21, s22  }
0x1cc: {  	s21 =	sshll.u32 s21, $0x7  }
0x1cd: {  	s21 =	sand.u32 $0x1FFFFF80, s21  }
0x1ce: {  	s21 =	sadd.s32 s3, s21  }
0x1cf: {  	[tilespmem:s13], [sflag:$0x4] =	stream.strided.gather [hbm4b:s21+s6], $0x2000, s9, s6, $0x38;
	[tilespmem:$0xD900] =	vst v63  }
0x1d0: {  	v8 =	vld [tilespmem:$0x1000]  }
0x1d1: {  	v57 =	vld [tilespmem:$0x1080];
	_ =	sdelay $0x3  }
0x1d2: {  	v8 =	vsel vm5, $0x0, v8  }
0x1d3: {  	(xrf0) =	vadd.scan.msk.s32 $0xffff, v8;
	v8 =	vsel vm5, $0x0, v57  }
0x1d4: {  	(xrf0) =	vadd.scan.msk.s32 $0xffff, v8;
	_ =	sdelay $0x4  }
0x1d5: {  	v8, _, _ =	vpop (xrf0)  }
0x1d6: {  	(v2sf) =	vpush v8, $0xF;
	v8, _, _ =	vpop (xrf0)  }
0x1d7: {  	(v2sf) =	vpush v8, $0xF;
	_ =	sdelay $0xd  }
0x1d8: {  	s26 =	spop (v2sf)  }
0x1d9: {  	s28 =	spop (v2sf)  }
0x1da: {  	_ =	swait.ge [sflag:s19], $0x2000  }
0x1db: {  	[sflag:s19] =	ssyncset.done $0x0  }
0x1dc: {  	s21 =	sand.u32 $0x7F, s26;
	[sflag:s19] =	ssyncadd.s32 $0xFFFFE000  }
0x1dd: {  	s22 =	sand.u32 $0x7F, s28;
	v8 =	vor.u32 s21, v3;
	_ =	swait.ge [sflag:s20], $0x2000  }
0x1de: {  	v58 =	vor.u32 s22, v3;
	[sflag:s20] =	ssyncset.done $0x0  }
0x1df: {  	[sflag:s20] =	ssyncadd.s32 $0xFFFFE000  }
0x1e0: {  	v59 =	vld [tilespmem:$0x1000];
	_ =	sdelay $0x1  }
0x1e1: {  	v8 =	vld.idx.msk [tilespmem:v8+s14+$0x0], $0xffff  }
0x1e2: {  	v9 =	vld.idx.msk [tilespmem:v58+s15+$0x0], $0xffff;
	_ =	sdelay $0x1  }
0x1e3: {  	v10 =	vsel vm8, $0x0, v59  }
0x1e4: {  	v60 =	vor.u32 s21, v5;
	(xrf0) =	vadd.scan.msk.s32 $0xffff, v10  }
0x1e5: {  	v61 =	vor.u32 s22, v5  }
0x1e6: {  	v8 =	vmul.f32 v9, v8;
	_ =	sdelay $0x1  }
0x1e7: {  	[tilespmem:$0xD380] =	vst v8  }
0x1e8: {  	v8 =	vld.idx.msk [tilespmem:v60+s14+$0x0], $0xffff  }
0x1e9: {  	v62 =	vld.idx.msk [tilespmem:v61+s15+$0x0], $0xffff;
	v63, _, _ =	vpop (xrf0)  }
0x1ea: {  	(v2sf) =	vpush v63, $0xF;
	_ =	sdelay $0x1  }
0x1eb: {  	v12 =	vor.u32 s21, v6  }
0x1ec: {  	v13 =	vor.u32 s22, v6  }
0x1ed: {  	v8 =	vmul.f32 v62, v8;
	_ =	sdelay $0x1  }
0x1ee: {  	[tilespmem:$0xD390] =	vst v8  }
0x1ef: {  	v8 =	vld.idx.msk [tilespmem:v12+s14+$0x0], $0xffff  }
0x1f0: {  	v14 =	vld.idx.msk [tilespmem:v13+s15+$0x0], $0xffff;
	_ =	sdelay $0x2  }
0x1f1: {  	v15 =	vor.u32 s21, v7  }
0x1f2: {  	v16 =	vor.u32 s22, v7  }
0x1f3: {  	v8 =	vmul.f32 v14, v8;
	_ =	sdelay $0x1  }
0x1f4: {  	[tilespmem:$0xD3A0] =	vst v8;
	s29 =	spop (v2sf)  }
0x1f5: {  	v8 =	vld.idx.msk [tilespmem:v15+s14+$0x0], $0xffff;
	s30 =	sand.u32 $0x7F, s29  }
0x1f6: {  	v17 =	vld.idx.msk [tilespmem:v16+s15+$0x0], $0xffff;
	s31 =	sshra.s32 s29, $0x1F;
	p3 =	slt.s32 s29, $0x1;
	p4 =	sne.s32 s30, $0x0  }
0x1f7: {  	s23 =	sshrl.u32 s31, $0x19;
	p1 =	por !p3, !p4  }
0x1f8: {  	s22 =	simm.s32 $0x1;
	s21 =	sadd.s32 s23, s29;
	p1 =	por !p1, !p1  }
0x1f9: {  	s21 =	sshrl.u32 s21, $0x7;
	s22 =	simm.s32 @!p1 $0x0  }
0x1fa: {  	s21 =	ssub.s32 s21, s22  }
0x1fb: {  	v8 =	vmul.f32 v17, v8;
	s21 =	sshll.u32 s21, $0x7  }
0x1fc: {  	s21 =	sand.u32 $0x1FFFFF80, s21  }
0x1fd: {  	[tilespmem:$0xD3B0] =	vst v8;
	s21 =	sadd.s32 s3, s21  }
0x1fe: {  	[tilespmem:s14], [sflag:$0x5] =	stream.strided.gather [hbm4b:s21+s6], $0x2000, s9, s6, $0x38;
	[tilespmem:$0xD900] =	vst v63  }
0x1ff: {  	v8 =	vld [tilespmem:$0x1080];
	_ =	sdelay $0x4  }
0x200: {  	v8 =	vsel vm8, $0x0, v8  }
0x201: {  	(xrf0) =	vadd.scan.msk.s32 $0xffff, v8;
	_ =	sdelay $0x5  }
0x202: {  	v8, _, _ =	vpop (xrf0)  }
0x203: {  	(v2sf) =	vpush v8, $0xF;
	_ =	sdelay $0xe  }
0x204: {  	s24 =	spop (v2sf)  }
0x205: {  	s25 =	sand.u32 $0x7F, s24  }
0x206: {  	s26 =	sshra.s32 s24, $0x1F;
	p5 =	slt.s32 s24, $0x1;
	p6 =	sne.s32 s25, $0x0  }
0x207: {  	s28 =	sshrl.u32 s26, $0x19;
	p1 =	por !p5, !p6  }
0x208: {  	s22 =	simm.s32 $0x1;
	s21 =	sadd.s32 s28, s24;
	p1 =	por !p1, !p1  }
0x209: {  	s21 =	sshrl.u32 s21, $0x7;
	s22 =	simm.s32 @!p1 $0x0  }
0x20a: {  	s21 =	ssub.s32 s21, s22  }
0x20b: {  	s21 =	sshll.u32 s21, $0x7  }
0x20c: {  	s21 =	sand.u32 $0x1FFFFF80, s21  }
0x20d: {  	s21 =	sadd.s32 s3, s21  }
0x20e: {  	[tilespmem:s15], [sflag:$0x6] =	stream.strided.gather [hbm4b:s21+s6], $0x2000, s9, s6, $0x38;
	[tilespmem:$0xD900] =	vst v63  }
0x20f: {  	v8 =	vld [tilespmem:$0x1000]  }
0x210: {  	v18 =	vld [tilespmem:$0x1080];
	_ =	sdelay $0x3  }
0x211: {  	v8 =	vsel vm6, $0x0, v8  }
0x212: {  	(xrf0) =	vadd.scan.msk.s32 $0xffff, v8;
	v8 =	vsel vm6, $0x0, v18  }
0x213: {  	(xrf0) =	vadd.scan.msk.s32 $0xffff, v8;
	_ =	sdelay $0x4  }
0x214: {  	v8, _, _ =	vpop (xrf0)  }
0x215: {  	(v2sf) =	vpush v8, $0xF;
	v8, _, _ =	vpop (xrf0)  }
0x216: {  	(v2sf) =	vpush v8, $0xF;
	_ =	sdelay $0xd  }
0x217: {  	s29 =	spop (v2sf)  }
0x218: {  	s30 =	spop (v2sf)  }
0x219: {  	_ =	swait.ge [sflag:s8], $0x2000  }
0x21a: {  	[sflag:s8] =	ssyncset.done $0x0  }
0x21b: {  	s21 =	sand.u32 $0x7F, s29;
	[sflag:s8] =	ssyncadd.s32 $0xFFFFE000  }
0x21c: {  	s22 =	sand.u32 $0x7F, s30;
	v8 =	vor.u32 s21, v3;
	_ =	swait.ge [sflag:s16], $0x2000  }
0x21d: {  	v19 =	vor.u32 s22, v3;
	[sflag:s16] =	ssyncset.done $0x0  }
0x21e: {  	[sflag:s16] =	ssyncadd.s32 $0xFFFFE000  }
0x21f: {  	v20 =	vld [tilespmem:$0x1000];
	_ =	sdelay $0x1  }
0x220: {  	v8 =	vld.idx.msk [tilespmem:v8+s10+$0x0], $0xffff  }
0x221: {  	v9 =	vld.idx.msk [tilespmem:v19+s11+$0x0], $0xffff;
	_ =	sdelay $0x1  }
0x222: {  	v10 =	vsel vm9, $0x0, v20  }
0x223: {  	v21 =	vor.u32 s21, v5;
	(xrf0) =	vadd.scan.msk.s32 $0xffff, v10  }
0x224: {  	v22 =	vor.u32 s22, v5  }
0x225: {  	v8 =	vmul.f32 v9, v8;
	_ =	sdelay $0x1  }
0x226: {  	[tilespmem:$0xD400] =	vst v8  }
0x227: {  	v8 =	vld.idx.msk [tilespmem:v21+s10+$0x0], $0xffff  }
0x228: {  	v23 =	vld.idx.msk [tilespmem:v22+s11+$0x0], $0xffff;
	v24, _, _ =	vpop (xrf0)  }
0x229: {  	(v2sf) =	vpush v24, $0xF;
	_ =	sdelay $0x1  }
0x22a: {  	v25 =	vor.u32 s21, v6  }
0x22b: {  	v26 =	vor.u32 s22, v6  }
0x22c: {  	v8 =	vmul.f32 v23, v8;
	_ =	sdelay $0x1  }
0x22d: {  	[tilespmem:$0xD410] =	vst v8  }
0x22e: {  	v8 =	vld.idx.msk [tilespmem:v25+s10+$0x0], $0xffff  }
0x22f: {  	v27 =	vld.idx.msk [tilespmem:v26+s11+$0x0], $0xffff;
	_ =	sdelay $0x2  }
0x230: {  	v28 =	vor.u32 s21, v7  }
0x231: {  	v29 =	vor.u32 s22, v7  }
0x232: {  	v8 =	vmul.f32 v27, v8;
	_ =	sdelay $0x1  }
0x233: {  	[tilespmem:$0xD420] =	vst v8;
	s31 =	spop (v2sf)  }
0x234: {  	v8 =	vld.idx.msk [tilespmem:v28+s10+$0x0], $0xffff;
	s24 =	sand.u32 $0x7F, s31  }
0x235: {  	v30 =	vld.idx.msk [tilespmem:v29+s11+$0x0], $0xffff;
	s25 =	sshra.s32 s31, $0x1F;
	p3 =	slt.s32 s31, $0x1;
	p4 =	sne.s32 s24, $0x0  }
0x236: {  	s26 =	sshrl.u32 s25, $0x19;
	p1 =	por !p3, !p4  }
0x237: {  	s22 =	simm.s32 $0x1;
	s21 =	sadd.s32 s26, s31;
	p1 =	por !p1, !p1  }
0x238: {  	s21 =	sshrl.u32 s21, $0x7;
	s22 =	simm.s32 @!p1 $0x0  }
0x239: {  	s21 =	ssub.s32 s21, s22  }
0x23a: {  	v8 =	vmul.f32 v30, v8;
	s21 =	sshll.u32 s21, $0x7  }
0x23b: {  	s21 =	sand.u32 $0x1FFFFF80, s21  }
0x23c: {  	[tilespmem:$0xD430] =	vst v8;
	s21 =	sadd.s32 s3, s21  }
0x23d: {  	[tilespmem:s10], [sflag:$0x1] =	stream.strided.gather [hbm4b:s21+s6], $0x2000, s9, s6, $0x38;
	[tilespmem:$0xD900] =	vst v63  }
0x23e: {  	v8 =	vld [tilespmem:$0x1080];
	_ =	sdelay $0x4  }
0x23f: {  	v8 =	vsel vm9, $0x0, v8  }
0x240: {  	(xrf0) =	vadd.scan.msk.s32 $0xffff, v8;
	_ =	sdelay $0x5  }
0x241: {  	v8, _, _ =	vpop (xrf0)  }
0x242: {  	(v2sf) =	vpush v8, $0xF;
	_ =	sdelay $0xe  }
0x243: {  	s28 =	spop (v2sf)  }
0x244: {  	s29 =	sand.u32 $0x7F, s28  }
0x245: {  	s30 =	sshra.s32 s28, $0x1F;
	p5 =	slt.s32 s28, $0x1;
	p6 =	sne.s32 s29, $0x0  }
0x246: {  	s31 =	sshrl.u32 s30, $0x19;
	p1 =	por !p5, !p6  }
0x247: {  	s22 =	simm.s32 $0x1;
	s21 =	sadd.s32 s31, s28;
	p1 =	por !p1, !p1  }
0x248: {  	s21 =	sshrl.u32 s21, $0x7;
	s22 =	simm.s32 @!p1 $0x0  }
0x249: {  	s21 =	ssub.s32 s21, s22  }
0x24a: {  	s21 =	sshll.u32 s21, $0x7  }
0x24b: {  	s21 =	sand.u32 $0x1FFFFF80, s21  }
0x24c: {  	s21 =	sadd.s32 s3, s21  }
0x24d: {  	[tilespmem:s11], [sflag:$0x2] =	stream.strided.gather [hbm4b:s21+s6], $0x2000, s9, s6, $0x38;
	[tilespmem:$0xD900] =	vst v63  }
0x24e: {  	v8 =	vld [tilespmem:$0x1000]  }
0x24f: {  	v31 =	vld [tilespmem:$0x1080];
	_ =	sdelay $0x3  }
0x250: {  	v8 =	vsel vm7, $0x0, v8  }
0x251: {  	(xrf0) =	vadd.scan.msk.s32 $0xffff, v8;
	v8 =	vsel vm7, $0x0, v31  }
0x252: {  	(xrf0) =	vadd.scan.msk.s32 $0xffff, v8;
	_ =	sdelay $0x4  }
0x253: {  	v8, _, _ =	vpop (xrf0)  }
0x254: {  	(v2sf) =	vpush v8, $0xF;
	v8, _, _ =	vpop (xrf0)  }
0x255: {  	(v2sf) =	vpush v8, $0xF;
	_ =	sdelay $0xd  }
0x256: {  	s23 =	spop (v2sf)  }
0x257: {  	s24 =	spop (v2sf)  }
0x258: {  	_ =	swait.ge [sflag:s17], $0x2000  }
0x259: {  	[sflag:s17] =	ssyncset.done $0x0  }
0x25a: {  	s21 =	sand.u32 $0x7F, s23;
	[sflag:s17] =	ssyncadd.s32 $0xFFFFE000  }
0x25b: {  	s22 =	sand.u32 $0x7F, s24;
	v8 =	vor.u32 s21, v3;
	_ =	swait.ge [sflag:s18], $0x2000  }
0x25c: {  	v32 =	vor.u32 s22, v3;
	[sflag:s18] =	ssyncset.done $0x0  }
0x25d: {  	[sflag:s18] =	ssyncadd.s32 $0xFFFFE000  }
0x25e: {  	v10 =	vld @!p0 [tilespmem:$0x1000];
	_ =	sdelay $0x1  }
0x25f: {  	v8 =	vld.idx.msk [tilespmem:v8+s12+$0x0], $0xffff  }
0x260: {  	v9 =	vld.idx.msk [tilespmem:v32+s13+$0x0], $0xffff;
	_ =	sdelay $0x1  }
0x261: {  	v10 =	vsel @!p0 vm10, $0x0, v10  }
0x262: {  	(xrf0) =	vadd.scan.msk.s32 @!p0 $0xffff, v10  }
0x263: {  	v33 =	vor.u32 s21, v5  }
0x264: {  	v34 =	vor.u32 s22, v5;
	v8 =	vmul.f32 v9, v8;
	_ =	sdelay $0x2  }
0x265: {  	[tilespmem:$0xD480] =	vst v8  }
0x266: {  	v35 =	vld.idx.msk [tilespmem:v33+s12+$0x0], $0xffff;
	v8, _, _ =	vpop @!p0 (xrf0)  }
0x267: {  	(v2sf) =	vpush @!p0 v8, $0xF;
	v8 =	vld.idx.msk [tilespmem:v34+s13+$0x0], $0xffff;
	_ =	sdelay $0x2  }
0x268: {  	v36 =	vor.u32 s21, v6  }
0x269: {  	v37 =	vor.u32 s22, v6  }
0x26a: {  	v8 =	vmul.f32 v8, v35;
	_ =	sdelay $0x1  }
0x26b: {  	[tilespmem:$0xD490] =	vst v8  }
0x26c: {  	v8 =	vld.idx.msk [tilespmem:v36+s12+$0x0], $0xffff  }
0x26d: {  	v38 =	vld.idx.msk [tilespmem:v37+s13+$0x0], $0xffff;
	_ =	sdelay $0x2  }
0x26e: {  	v39 =	vor.u32 s21, v7  }
0x26f: {  	v40 =	vor.u32 s22, v7  }
0x270: {  	v8 =	vmul.f32 v38, v8  }
0x271: {  	s21 =	spop @!p0 (v2sf)  }
0x272: {  	[tilespmem:$0xD4A0] =	vst v8;
	s22 =	sand.u32 @!p0 $0x7F, s21  }
0x273: {  	p1 =	slt.s32 @!p0 s21, $0x1;
	v8 =	vld.idx.msk [tilespmem:v39+s12+$0x0], $0xffff;
	p2 =	sne.s32 @!p0 s22, $0x0  }
0x274: {  	v41 =	vld.idx.msk [tilespmem:v40+s13+$0x0], $0xffff;
	s22 =	sshra.s32 @!p0 s21, $0x1F;
	p1 =	por @!p0 !p1, !p2  }
0x275: {  	s22 =	sshrl.u32 @!p0 s22, $0x19;
	p1 =	por @!p0 !p1, !p1  }
0x276: {  	s21 =	sadd.s32 @!p0 s22, s21;
	s22 =	simm.s32 @!p0 $0x1;
	p1 =	por !p1, p0  }
0x277: {  	s21 =	sshrl.u32 @!p0 s21, $0x7;
	s22 =	simm.s32 @p1 $0x0  }
0x278: {  	s21 =	ssub.s32 @!p0 s21, s22  }
0x279: {  	v8 =	vmul.f32 v41, v8;
	s21 =	sshll.u32 @!p0 s21, $0x7  }
0x27a: {  	s23 =	simm.s32 @!p0 $0x400;
	s21 =	sand.u32 @!p0 $0x1FFFFF80, s21  }
0x27b: {  	s24 =	simm.s32 @!p0 $0x13D6400;
	[tilespmem:$0xD4B0] =	vst v8;
	s22 =	sadd.s32 @!p0 s3, s21;
	s21 =	simm.s32 @!p0 $0x5100  }
0x27c: {  	[tilespmem:s21], [sflag:$0x3] =	stream.strided.gather @!p0 [hbm4b:s22+s23], $0x2000, s24, s23, $0x38;
	[tilespmem:$0xD900] =	vst v63  }
0x27d: {  	v8 =	vld @!p0 [tilespmem:$0x1080];
	_ =	sdelay $0x4  }
0x27e: {  	v8 =	vsel @!p0 vm10, $0x0, v8  }
0x27f: {  	(xrf0) =	vadd.scan.msk.s32 @!p0 $0xffff, v8;
	_ =	sdelay $0x5  }
0x280: {  	v8, _, _ =	vpop @!p0 (xrf0)  }
0x281: {  	(v2sf) =	vpush @!p0 v8, $0xF;
	_ =	sdelay $0xe  }
0x282: {  	s22 =	spop @!p0 (v2sf)  }
0x283: {  	s25 =	sand.u32 @!p0 $0x7F, s22  }
0x284: {  	p1 =	slt.s32 @!p0 s22, $0x1;
	p2 =	sne.s32 @!p0 s25, $0x0  }
0x285: {  	s25 =	sshra.s32 @!p0 s22, $0x1F;
	p1 =	por @!p0 !p1, !p2  }
0x286: {  	s25 =	sshrl.u32 @!p0 s25, $0x19;
	p1 =	por @!p0 !p1, !p1  }
0x287: {  	s26 =	simm.s32 @!p0 $0x1;
	s22 =	sadd.s32 @!p0 s25, s22;
	p1 =	por !p1, p0  }
0x288: {  	s22 =	sshrl.u32 @!p0 s22, $0x7;
	s26 =	simm.s32 @p1 $0x0  }
0x289: {  	s22 =	ssub.s32 @!p0 s22, s26  }
0x28a: {  	s22 =	sshll.u32 @!p0 s22, $0x7  }
0x28b: {  	s22 =	sand.u32 @!p0 $0x1FFFFF80, s22  }
0x28c: {  	s25 =	sadd.s32 @!p0 s3, s22;
	s22 =	simm.s32 @!p0 $0x7100  }
0x28d: {  	[tilespmem:s22], [sflag:$0x4] =	stream.strided.gather @!p0 [hbm4b:s25+s23], $0x2000, s24, s23, $0x38;
	[tilespmem:$0xD900] =	vst v63  }
0x28e: {  	v8 =	vld [tilespmem:$0x1000]  }
0x28f: {  	v42 =	vld [tilespmem:$0x1080];
	_ =	sdelay $0x3  }
0x290: {  	v8 =	vsel vm8, $0x0, v8  }
0x291: {  	(xrf0) =	vadd.scan.msk.s32 $0xffff, v8;
	v8 =	vsel vm8, $0x0, v42  }
0x292: {  	(xrf0) =	vadd.scan.msk.s32 $0xffff, v8;
	_ =	sdelay $0x4  }
0x293: {  	v8, _, _ =	vpop (xrf0)  }
0x294: {  	(v2sf) =	vpush v8, $0xF;
	v8, _, _ =	vpop (xrf0)  }
0x295: {  	(v2sf) =	vpush v8, $0xF;
	_ =	sdelay $0xd  }
0x296: {  	s25 =	spop (v2sf)  }
0x297: {  	s26 =	spop (v2sf)  }
0x298: {  	s23 =	sand.u32 $0x7F, s25;
	_ =	swait.ge [sflag:s19], $0x2000  }
0x299: {  	s24 =	sand.u32 $0x7F, s26;
	v8 =	vor.u32 s23, v3;
	[sflag:s19] =	ssyncset.done $0x0  }
0x29a: {  	v43 =	vor.u32 s24, v3;
	[sflag:s19] =	ssyncadd.s32 $0xFFFFE000  }
0x29b: {  	_ =	swait.ge [sflag:s20], $0x2000  }
0x29c: {  	[sflag:s20] =	ssyncset.done $0x0  }
0x29d: {  	[sflag:s20] =	ssyncadd.s32 $0xFFFFE000  }
0x29e: {  	v8 =	vld.idx.msk [tilespmem:v8+s14+$0x0], $0xffff  }
0x29f: {  	v9 =	vld.idx.msk [tilespmem:v43+s15+$0x0], $0xffff;
	_ =	sdelay $0x2  }
0x2a0: {  	v44 =	vor.u32 s23, v5  }
0x2a1: {  	v45 =	vor.u32 s24, v5  }
0x2a2: {  	v46 =	vld [tilespmem:$0x1000];
	v8 =	vmul.f32 v9, v8  }
0x2a3: {  	v12 =	vld [tilespmem:$0x1080]  }
0x2a4: {  	[tilespmem:$0xD500] =	vst v8  }
0x2a5: {  	v8 =	vld.idx.msk [tilespmem:v44+s14+$0x0], $0xffff  }
0x2a6: {  	v47 =	vld.idx.msk [tilespmem:v45+s15+$0x0], $0xffff  }
0x2a7: {  	v9 =	vsel vm9, $0x0, v46  }
0x2a8: {  	v48 =	vsel vm9, $0x0, v12;
	(xrf0) =	vadd.scan.msk.s32 $0xffff, v9  }
0x2a9: {  	v49 =	vor.u32 s23, v6;
	(xrf0) =	vadd.scan.msk.s32 $0xffff, v48  }
0x2aa: {  	v50 =	vor.u32 s24, v6  }
0x2ab: {  	v8 =	vmul.f32 v47, v8;
	_ =	sdelay $0x1  }
0x2ac: {  	[tilespmem:$0xD510] =	vst v8  }
0x2ad: {  	v51, _, _ =	vpop (xrf0);
	v8 =	vld.idx.msk [tilespmem:v49+s14+$0x0], $0xffff  }
0x2ae: {  	(v2sf) =	vpush v51, $0xF;
	v52, _, _ =	vpop (xrf0);
	v9 =	vld.idx.msk [tilespmem:v50+s15+$0x0], $0xffff  }
0x2af: {  	(v2sf) =	vpush v52, $0xF;
	_ =	sdelay $0x1  }
0x2b0: {  	v53 =	vor.u32 s23, v7  }
0x2b1: {  	v54 =	vor.u32 s24, v7  }
0x2b2: {  	v8 =	vmul.f32 v9, v8;
	_ =	sdelay $0x1  }
0x2b3: {  	[tilespmem:$0xD520] =	vst v8  }
0x2b4: {  	v8 =	vld.idx.msk [tilespmem:v53+s14+$0x0], $0xffff  }
0x2b5: {  	v55 =	vld.idx.msk [tilespmem:v54+s15+$0x0], $0xffff;
	_ =	sdelay $0x4  }
0x2b6: {  	v8 =	vmul.f32 v55, v8  }
0x2b7: {  	s28 =	spop (v2sf)  }
0x2b8: {  	s29 =	spop (v2sf);
	[tilespmem:$0xD530] =	vst v8  }
0x2b9: {  	s23 =	sand.u32 $0x7F, s28;
	_ =	swait.ge [sflag:s8], $0x2000  }
0x2ba: {  	s24 =	sand.u32 $0x7F, s29;
	v8 =	vor.u32 s23, v3;
	[sflag:s8] =	ssyncset.done $0x0  }
0x2bb: {  	v56 =	vor.u32 s24, v3;
	[sflag:s8] =	ssyncadd.s32 $0xFFFFE000  }
0x2bc: {  	_ =	swait.ge [sflag:s16], $0x2000  }
0x2bd: {  	[sflag:s16] =	ssyncset.done $0x0  }
0x2be: {  	[sflag:s16] =	ssyncadd.s32 $0xFFFFE000  }
0x2bf: {  	v8 =	vld.idx.msk [tilespmem:v8+s10+$0x0], $0xffff  }
0x2c0: {  	v9 =	vld.idx.msk [tilespmem:v56+s11+$0x0], $0xffff;
	_ =	sdelay $0x2  }
0x2c1: {  	v57 =	vor.u32 s23, v5  }
0x2c2: {  	v58 =	vor.u32 s24, v5  }
0x2c3: {  	v8 =	vmul.f32 v9, v8  }
0x2c4: {  	v9 =	vld @!p0 [tilespmem:$0x1000]  }
0x2c5: {  	v12 =	vld @!p0 [tilespmem:$0x1080];
	[tilespmem:$0xD580] =	vst v8  }
0x2c6: {  	v8 =	vld.idx.msk [tilespmem:v57+s10+$0x0], $0xffff  }
0x2c7: {  	v59 =	vld.idx.msk [tilespmem:v58+s11+$0x0], $0xffff;
	_ =	sdelay $0x1  }
0x2c8: {  	v9 =	vsel @!p0 vm10, $0x0, v9  }
0x2c9: {  	(xrf0) =	vadd.scan.msk.s32 @!p0 $0xffff, v9;
	v9 =	vsel @!p0 vm10, $0x0, v12  }
0x2ca: {  	v60 =	vor.u32 s23, v6;
	(xrf0) =	vadd.scan.msk.s32 @!p0 $0xffff, v9  }
0x2cb: {  	v61 =	vor.u32 s24, v6;
	v8 =	vmul.f32 v59, v8;
	_ =	sdelay $0x2  }
0x2cc: {  	[tilespmem:$0xD590] =	vst v8  }
0x2cd: {  	v62 =	vld.idx.msk [tilespmem:v60+s10+$0x0], $0xffff;
	v8, _, _ =	vpop @!p0 (xrf0)  }
0x2ce: {  	v9 =	vld.idx.msk [tilespmem:v61+s11+$0x0], $0xffff;
	(v2sf) =	vpush @!p0 v8, $0xF;
	v8, _, _ =	vpop @!p0 (xrf0)  }
0x2cf: {  	(v2sf) =	vpush @!p0 v8, $0xF;
	_ =	sdelay $0x1  }
0x2d0: {  	v8 =	vor.u32 s23, v7  }
0x2d1: {  	v63 =	vor.u32 s24, v7  }
0x2d2: {  	v9 =	vmul.f32 v9, v62;
	_ =	sdelay $0x1  }
0x2d3: {  	[tilespmem:$0xD5A0] =	vst v9  }
0x2d4: {  	v8 =	vld.idx.msk [tilespmem:v8+s10+$0x0], $0xffff  }
0x2d5: {  	v9 =	vld.idx.msk [tilespmem:v63+s11+$0x0], $0xffff;
	_ =	sdelay $0x4  }
0x2d6: {  	v8 =	vmul.f32 v9, v8  }
0x2d7: {  	v9 =	vlaneseq.u32 @!p0;
	s23 =	spop @!p0 (v2sf)  }
0x2d8: {  	s25 =	simm.s32 @!p0 $0x3;
	[tilespmem:$0xD5B0] =	vst v8;
	v8 =	vmul.u32 @!p0 $0x80, v9;
	s24 =	spop @!p0 (v2sf)  }
0x2d9: {  	s23 =	sand.u32 @!p0 $0x7F, s23;
	_ =	swait.ge @!p0 [sflag:s25], $0x2000  }
0x2da: {  	s24 =	sand.u32 @!p0 $0x7F, s24;
	v9 =	vor.u32 @!p0 s23, v8;
	[sflag:s25] =	ssyncset.done @!p0 $0x0  }
0x2db: {  	v10 =	vor.u32 @!p0 s24, v8;
	[sflag:s25] =	ssyncadd.s32 @!p0 $0xFFFFE000;
	s25 =	simm.s32 @!p0 $0x4  }
0x2dc: {  	_ =	swait.ge @!p0 [sflag:s25], $0x2000  }
0x2dd: {  	[sflag:s25] =	ssyncset.done @!p0 $0x0  }
0x2de: {  	[sflag:s25] =	ssyncadd.s32 @!p0 $0xFFFFE000  }
0x2df: {  	v9 =	vld.idx.msk @!p0 [tilespmem:v9+s21+$0x0], $0xffff  }
0x2e0: {  	v10 =	vld.idx.msk @!p0 [tilespmem:v10+s22+$0x0], $0xffff;
	_ =	sdelay $0x1  }
0x2e1: {  	v11 =	vor.u32 @!p0 $0x800, v8  }
0x2e2: {  	v12 =	vor.u32 @!p0 s23, v11  }
0x2e3: {  	v11 =	vor.u32 @!p0 s24, v11  }
0x2e4: {  	v9 =	vmul.f32 @!p0 v10, v9;
	_ =	sdelay $0x1  }
0x2e5: {  	[tilespmem:$0xD600] =	vst @!p0 v9  }
0x2e6: {  	v9 =	vld.idx.msk @!p0 [tilespmem:v12+s21+$0x0], $0xffff  }
0x2e7: {  	v10 =	vld.idx.msk @!p0 [tilespmem:v11+s22+$0x0], $0xffff;
	_ =	sdelay $0x1  }
0x2e8: {  	v11 =	vor.u32 @!p0 $0x1000, v8  }
0x2e9: {  	v12 =	vor.u32 @!p0 s23, v11  }
0x2ea: {  	v11 =	vor.u32 @!p0 s24, v11  }
0x2eb: {  	v9 =	vmul.f32 @!p0 v10, v9;
	_ =	sdelay $0x1  }
0x2ec: {  	[tilespmem:$0xD610] =	vst @!p0 v9  }
0x2ed: {  	v9 =	vld.idx.msk @!p0 [tilespmem:v12+s21+$0x0], $0xffff  }
0x2ee: {  	v10 =	vld.idx.msk @!p0 [tilespmem:v11+s22+$0x0], $0xffff;
	_ =	sdelay $0x1  }
0x2ef: {  	v8 =	vor.u32 @!p0 $0x1800, v8  }
0x2f0: {  	v11 =	vor.u32 @!p0 s23, v8  }
0x2f1: {  	v8 =	vor.u32 @!p0 s24, v8  }
0x2f2: {  	v9 =	vmul.f32 @!p0 v10, v9;
	_ =	sdelay $0x1  }
0x2f3: {  	[tilespmem:$0xD620] =	vst @!p0 v9  }
0x2f4: {  	v9 =	vld.idx.msk @!p0 [tilespmem:v11+s21+$0x0], $0xffff  }
0x2f5: {  	v8 =	vld.idx.msk @!p0 [tilespmem:v8+s22+$0x0], $0xffff;
	_ =	sdelay $0x4  }
0x2f6: {  	s5 =	sadd.s32 $0xFFFFFFFF, s5;
	v8 =	vmul.f32 @!p0 v8, v9  }
0x2f7: {  	p1 =	sne.s32 s5, $0x0;
	s30 =	rddreg [dreg:$0x5]  }
.Ltmp0:
0x2f8: {  	s31 =	rddreg [dreg:$0x8];
	[tilespmem:$0xD630] =	vst @!p0 v8;
	(pc) =	sbr.rel @p1 .LBB2_1-.Ltmp0, $4  }
0x2f9: {  	[hbm4b:s30+s4] =	stream.linear.scatter [tilespmem:s31], [sflag:$0x7], $0x800, $0x38;
	[tilespmem:$0xD900] =	vst v63  }
0x2fa: {  	_ =	swait.ge [sflag:s7], $0x800  }
0x2fb: {  	[sflag:s7] =	ssyncset.done $0x0  }
0x2fc: {  	[sflag:s7] =	ssyncadd.s32 $0xFFFFF800  }
0x2fd: {  	_ =	sfence.sel $0x180000  }
0x2fe: {  	[bflag:$0x0] =	sbarrier.arrive $0xFFFF  }
0x2ff: {  	p0 =	sne.s32 s0, $0x0;
	_ =	strace $0x90000047  }
0x300: {  	s0 =	sadd.s32 @!p0 $0x100000, s1;
	[bflag:$0x2] =	sbarrier.arrive $0xFFFF  }
0x301: {  	[sflag:s0] =	ssyncadd.tile.s32 @!p0 $0x1;
	_ =	shalt  }
.Lfunc_end2:
_tile_overlayer_lowered:
.L_overlay_start_2:
0x302: {  	(tag) =	ssettag $0x2  }
0x303: {  	s0 =	rddreg [dreg:$0x0];
	s2 =	stileid.u32  }
0x304: {  	s1 =	rddreg [dreg:$0x1];
	p0 =	sne.s32 s2, $0x0  }
0x305: {  	s3 =	rddreg [dreg:$0x2];
	[bflag:$0x3] =	sbarrier.arrive $0xFFFF;
	s2 =	simm.s32 @!p0 $0x1C07  }
0x306: {  	[timem:s3], [sflag:s2] =	dma.local @!p0 [hbm:s0], s1  }
0x307: {  	s0 =	simm.s32 @!p0 $0x7  }
0x308: {  	_ =	swait.ge @!p0 [sflag:s0], s1  }
0x309: {  	s1 =	ssub.s32 @!p0 $0x0, s1;
	[sflag:s0] =	ssyncset.done @!p0 $0x0  }
0x30a: {  	[sflag:s0] =	ssyncadd.s32 @!p0 s1  }
0x30b: {  	[bflag:$0x3] =	sbarrier.arrive $0xFFFF  }
0x30c: {  	_ =	shalt  }

</sc_bundles>
